<compile_context>
chip_gen: v7x
topology: tpu7x:2x2x1
jax: 0.10.2.dev20260603
libtpu: 0.0.44.dev20260713+nightly
codegen_flags: <defaults>
</compile_context>

<pallas_src>
import functools

import jax
import jax.numpy as jnp
from jax import lax
from jax.experimental import pallas as pl
from jax.experimental.pallas import tpu as pltpu
from jax.experimental.pallas import tpu_sc as plsc

N = 10000
E = 320000
D_IN = 128
D_HID = 64
D_HALF = D_HID // 2

NC = 2
NS = 16
KA = 160
NB = E // (NS * KA)
N_ACC = 10048
RPS = N_ACC // NS
NCHUNK = 4
CH = RPS // NCHUNK
L = 16


def _sc_mesh():
    return plsc.VectorSubcoreMesh(core_axis_name="c", subcore_axis_name="s",
                                  num_cores=NC, num_subcores=NS)


def _rsqrt16(x):
    i = plsc.bitcast(x, jnp.int32)
    i = jnp.int32(0x5F3759DF) - (i >> 1)
    y = plsc.bitcast(i, jnp.float32)
    y = y * (1.5 - 0.5 * x * y * y)
    y = y * (1.5 - 0.5 * x * y * y)
    return y


@functools.lru_cache(maxsize=None)
def _make_agg(scale_stage, epi):

    NBUF = 4
    PF = 2

    @functools.partial(
        pl.kernel,
        out_type=jax.ShapeDtypeStruct((NC, NS, NCHUNK, CH, D_HALF),
                                      jnp.float32),
        mesh=_sc_mesh(),
        compiler_params=pltpu.CompilerParams(use_tc_tiling_on_sc=False,
                                             needs_layout_passes=False),
        scratch_types=(
            [pltpu.VMEM((NB, KA), jnp.int32)] * 2
            + [pltpu.VMEM((KA, D_HALF), jnp.float32)] * NBUF
            + [pltpu.VMEM((RPS, 16), jnp.float32)]
            + [pltpu.VMEM((CH, D_HALF), jnp.float32)] * 2
            + [pltpu.VMEM((D_HALF,), jnp.float32)]
            + [pltpu.VMEM_SHARED((N_ACC, D_HALF), jnp.float32)] * 2
            + [pltpu.SemaphoreType.DMA] * (2 * NBUF)
        ),
    )
    def agg(p_hbm, ei_hbm, dinv_hbm, b_hbm, out_hbm, src_v, dst_v, *rest):
        rows = rest[0:NBUF]
        dv_v = rest[NBUF]
        cb0, cb1 = rest[NBUF + 1], rest[NBUF + 2]
        b_v = rest[NBUF + 3]
        acc_sh = rest[NBUF + 4]
        tab = rest[NBUF + 5]
        gsem = rest[NBUF + 6:2 * NBUF + 6]
        ssem = rest[2 * NBUF + 6:3 * NBUF + 6]
        cid = lax.axis_index("c")
        sid = lax.axis_index("s")
        base = sid * RPS
        pltpu.sync_copy(ei_hbm.at[0, sid], src_v)
        pltpu.sync_copy(ei_hbm.at[1, sid], dst_v)
        pltpu.sync_copy(dinv_hbm.at[sid], dv_v)
        pltpu.sync_copy(b_hbm.at[cid], b_v)

        zero16 = jnp.zeros((L,), jnp.float32)

        def zbody(r, carry):
            cb1[r, pl.ds(0, L)] = zero16
            cb1[r, pl.ds(L, L)] = zero16
            return carry

        lax.fori_loop(0, CH, zbody, 0)
        for ck in range(NCHUNK):
            pltpu.sync_copy(cb1, acc_sh.at[pl.ds(base + ck * CH, CH)])

        for ck in range(NCHUNK):
            off = base + ck * CH
            if scale_stage:
                pltpu.sync_copy(p_hbm.at[cid, sid, ck], cb0)

                def sbody(r, carry, _ck=ck):
                    dv = dv_v[_ck * CH + r]
                    cb0[r, pl.ds(0, L)] = cb0[r, pl.ds(0, L)] * dv
                    cb0[r, pl.ds(L, L)] = cb0[r, pl.ds(L, L)] * dv
                    return carry

                lax.fori_loop(0, CH, sbody, 0)
                pltpu.sync_copy(cb0, tab.at[pl.ds(off, CH)])
            else:
                pltpu.sync_copy(p_hbm.at[cid, sid, ck], tab.at[pl.ds(off, CH)])
        plsc.subcore_barrier()

        def gather(j, b):
            pltpu.async_copy(tab.at[src_v.at[j]], rows[b], gsem[b])

        def gwait(j, b):
            pltpu.make_async_copy(tab.at[src_v.at[j]], rows[b], gsem[b]).wait()

        def scat(j, b):
            pltpu.async_copy(rows[b], acc_sh.at[dst_v.at[j]], ssem[b], add=True)

        def swait(j, b):
            pltpu.make_async_copy(rows[b], acc_sh.at[dst_v.at[j]],
                                  ssem[b]).wait()

        for j in range(PF):
            gather(j, j % NBUF)
        for j in range(NBUF):
            if j + PF < NB:
                bp = (j + PF) % NBUF
                if j + PF >= NBUF:
                    swait(j + PF - NBUF, bp)
                gather(j + PF, bp)
            gwait(j, j % NBUF)
            scat(j, j % NBUF)

        def body(t, carry):
            for b in range(NBUF):
                j = NBUF * t + b
                bp = (b + PF) % NBUF
                swait(j + PF - NBUF, bp)
                gather(j + PF, bp)
                gwait(j, b)
                scat(j, b)
            return carry

        n_main = (NB - PF) // NBUF
        lax.fori_loop(1, n_main, body, 0)
        for j in range(NBUF * n_main, NB):
            b = j % NBUF
            if j + PF < NB:
                bp = (j + PF) % NBUF
                swait(j + PF - NBUF, bp)
                gather(j + PF, bp)
            gwait(j, b)
            scat(j, b)
        for j in range(NB - NBUF, NB):
            swait(j, j % NBUF)
        plsc.subcore_barrier()

        for ck in range(NCHUNK):
            off = base + ck * CH
            pltpu.sync_copy(acc_sh.at[pl.ds(off, CH)], cb0)
            pltpu.sync_copy(tab.at[pl.ds(off, CH)], cb1)

            def ebody(r, carry, _ck=ck):
                dv = dv_v[_ck * CH + r]
                for half in range(2):
                    sl = pl.ds(half * L, L)
                    u = cb0[r, sl] + cb1[r, sl]
                    if epi == "p2":
                        v = (u * dv + b_v[sl]) * dv
                    else:
                        v = u * dv
                    cb0[r, sl] = v
                return carry

            lax.fori_loop(0, CH, ebody, 0)
            pltpu.sync_copy(cb0, out_hbm.at[cid, sid, ck])

    return agg


@functools.lru_cache(maxsize=None)
def _make_dinv():

    @functools.partial(
        pl.kernel,
        out_type=jax.ShapeDtypeStruct((NS, RPS, 16), jnp.float32),
        mesh=_sc_mesh(),
        compiler_params=pltpu.CompilerParams(use_tc_tiling_on_sc=False,
                                             needs_layout_passes=False),
        scratch_types=[
            pltpu.VMEM((NB, KA), jnp.int32),
            pltpu.VMEM((KA, 16), jnp.float32),
            pltpu.VMEM((RPS, 16), jnp.float32),
            pltpu.VMEM_SHARED((N_ACC, 16), jnp.float32),
        ],
    )
    def dinv(ei_hbm, ones_hbm, out_hbm, dst_v, ones_v, db, acc_sh):
        cid = lax.axis_index("c")
        sid = lax.axis_index("s")
        pltpu.sync_copy(ei_hbm.at[1, sid], dst_v)
        pltpu.sync_copy(ones_hbm, ones_v)

        zero16 = jnp.zeros((16,), jnp.float32)

        def zbody(r, carry):
            db[r] = zero16
            return carry

        lax.fori_loop(0, RPS, zbody, 0)
        pltpu.sync_copy(db, acc_sh.at[pl.ds(sid * RPS, RPS)])
        plsc.subcore_barrier()

        def body(j, carry):
            pltpu.sync_copy(ones_v, acc_sh.at[dst_v.at[j]], add=True)
            return carry

        lax.fori_loop(0, NB, body, 0)
        plsc.subcore_barrier()
        pltpu.sync_copy(acc_sh.at[pl.ds(sid * RPS, RPS)], db)

        def rbody(r, carry):
            db[r] = _rsqrt16(db[r] + 1.0)
            return carry

        lax.fori_loop(0, RPS, rbody, 0)

        @pl.when(cid == 0)
        def _():
            pltpu.sync_copy(db, out_hbm.at[sid])

    return dinv



_R = 2000


def _proj_body(x_ref, w1_ref, h0_ref):
    v = lax.dot_general(x_ref[...], w1_ref[...], (((1,), (1,)), ((), ())),
                        preferred_element_type=jnp.float32)
    h0_ref[0] = v[:, :D_HALF]
    h0_ref[1] = v[:, D_HALF:]


def _out_body(g0_ref, g1_ref, w2_ref, b2_ref, w3_ref, b3_ref, m_ref, s_ref):
    g = jnp.concatenate([g0_ref[0], g1_ref[0]], axis=-1)
    dims = (((1,), (1,)), ((), ()))
    m_ref[...] = lax.dot_general(g, w2_ref[...], dims,
                                 preferred_element_type=jnp.float32) + b2_ref[...]
    s_ref[...] = lax.dot_general(g, w3_ref[...], dims,
                                 preferred_element_type=jnp.float32) + b3_ref[...]


def _row_spec(d):
    return pl.BlockSpec((_R, d), lambda i: (i, 0))


def _part_spec(c, d):
    return pl.BlockSpec((1, _R, d), lambda i, _c=c: (_c, i, 0))


def _full_spec(shape):
    return pl.BlockSpec(shape, lambda i: (0,) * len(shape))


def _proj(x, W1):
    return pl.pallas_call(
        _proj_body,
        grid=(N // _R,),
        in_specs=[_row_spec(D_IN), _full_spec(W1.shape)],
        out_specs=pl.BlockSpec((NC, _R, D_HALF), lambda i: (0, i, 0)),
        out_shape=jax.ShapeDtypeStruct((NC, N_ACC, D_HALF), jnp.float32),
    )(x, W1)


def _out_stage(g, W2, b2, W3, b3):
    return pl.pallas_call(
        _out_body,
        grid=(N // _R,),
        in_specs=[_part_spec(0, D_HALF), _part_spec(1, D_HALF),
                  _full_spec(W2.shape), _full_spec(b2.shape),
                  _full_spec(W3.shape), _full_spec(b3.shape)],
        out_specs=[_row_spec(D_IN), _row_spec(D_IN)],
        out_shape=[jax.ShapeDtypeStruct((N, D_IN), jnp.float32),
                   jax.ShapeDtypeStruct((N, D_IN), jnp.float32)],
    )(g, g, W2, b2, W3, b3)


def kernel(x, edge_index, W1, b1, W2, b2, W3, b3):
    ei = edge_index.astype(jnp.int32).reshape(2, NS, NB, KA)

    ones16 = jnp.ones((KA, 16), jnp.float32)
    b1c = b1.reshape(NC, D_HALF)
    shape5 = (NC, NS, NCHUNK, CH, D_HALF)

    dinv = _make_dinv()(ei, ones16)
    h0 = _proj(x, W1)
    h0r = h0.reshape(shape5)

    p2 = _make_agg(True, "p2")(h0r, ei, dinv, b1c)
    g = _make_agg(False, "g")(p2, ei, dinv, b1c)

    m, s = _out_stage(g.reshape(NC, N_ACC, D_HALF),
                      W2, b2.reshape(1, D_IN), W3, b3.reshape(1, D_IN))
    return (m, s)

# --- scband reference (transcript-rebuilt; emitter-appended) ---
"""Pipeline reference for scband-edge-predictor-11441792877014 (READ-ONLY COPY).

The authoritative reference and input builder live on the scoring server;
editing this copy changes nothing except your own understanding.
"""

import jax, jax.numpy as jnp
import numpy as np

N_NODES = 10000
N_EDGES = 320000
IN_CH = 128
HID_CH = 64


def gcn_conv(x, edge_index, W, b):
    # PyG GCNConv: add self-loops, symmetric normalization, linear, scatter-add aggregate, bias
    src = edge_index[0]
    dst = edge_index[1]
    loop = jnp.arange(N_NODES, dtype=edge_index.dtype)
    src = jnp.concatenate([src, loop])
    dst = jnp.concatenate([dst, loop])
    ew = jnp.ones(src.shape[0], dtype=x.dtype)
    deg = jnp.zeros((N_NODES,), dtype=x.dtype).at[dst].add(ew)
    deg_inv_sqrt = jnp.where(deg > 0, 1.0 / jnp.sqrt(deg), 0.0)
    norm = deg_inv_sqrt[src] * ew * deg_inv_sqrt[dst]
    h = x @ W.T
    msg = h[src] * norm[:, None]
    out = jnp.zeros((N_NODES, W.shape[0]), dtype=x.dtype).at[dst].add(msg)
    return out + b


def setup_inputs(seed: int = 0):
    key = jax.random.key(seed)
    ks = jax.random.split(key, 8)
    x = jax.random.normal(ks[0], (N_NODES, IN_CH), dtype=jnp.float32)
    edge_index = jax.random.randint(ks[1], (2, N_EDGES), 0, N_NODES, dtype=jnp.int32)
    def glorot(k, shape):
        fan_in, fan_out = shape[1], shape[0]
        lim = np.sqrt(6.0 / (fan_in + fan_out))
        return jax.random.uniform(k, shape, dtype=jnp.float32, minval=-lim, maxval=lim)
    W1 = glorot(ks[2], (HID_CH, IN_CH))
    b1 = jnp.zeros((HID_CH,), dtype=jnp.float32)
    W2 = glorot(ks[3], (IN_CH, HID_CH))
    b2 = jnp.zeros((IN_CH,), dtype=jnp.float32)
    W3 = glorot(ks[4], (IN_CH, HID_CH))
    b3 = jnp.zeros((IN_CH,), dtype=jnp.float32)
    return {"x": x, "edge_index": edge_index, "W1": W1, "b1": b1, "W2": W2, "b2": b2, "W3": W3, "b3": b3}


def reference(x, edge_index, W1, b1, W2, b2, W3, b3):
    h = gcn_conv(x, edge_index, W1, b1)
    m = gcn_conv(h, edge_index, W2, b2)
    s = gcn_conv(h, edge_index, W3, b3)
    return (m, s)

if __name__ == "__main__":
    import jax
    _d = setup_inputs()
    print(jax.jit(kernel)(*tuple(_d.values())))

</pallas_src>

<mosaic_0001>
#map = affine_map<(d0, d1) -> (0, 0, 0, 0)>
#map1 = affine_map<(d0, d1) -> (0, 0)>
#map2 = affine_map<(d0, d1) -> (0, 0, 0)>
module attributes {stable_mosaic.version = 14 : i64} {
  func.func @dinv(%arg0: i32, %arg1: i32, %arg2: memref<2x16x125x160xi32, #tpu.memory_space<hbm>>, %arg3: memref<160x16xf32, #tpu.memory_space<hbm>>, %arg4: memref<16x628x16xf32, #tpu.memory_space<hbm>>, %arg5: memref<125x160xi32, #tpu.memory_space<vmem>>, %arg6: memref<160x16xf32, #tpu.memory_space<vmem>>, %arg7: memref<628x16xf32, #tpu.memory_space<vmem>>, %arg8: memref<10048x16xf32, #tpu.memory_space<vmem_shared>>) attributes {dimension_semantics = [#tpu.dimension_semantics<core_parallel>, #tpu.dimension_semantics<subcore_parallel>], iteration_bounds = array<i64: 2, 16>, scalar_prefetch = 0 : i64, scratch_operands = 4 : i64, tpu.core_type = #tpu.core_type<sc_vector_subcore>, window_params = [{transform_indices = #map}, {transform_indices = #map1}, {transform_indices = #map2}]} {
    %run_scoped3A = arith.constant 1 : i32
    "tpu.region"() ({
      %run_scoped3A_24 = tpu.sem_alloc : memref<!tpu.dma_semaphore, #tpu.memory_space<semaphore_mem>>
      %dma_start3A = arith.constant 0 : i32
      %dma_start3A_25 = arith.constant 0 : i32
      %dma_start3A_26 = tpu.memref_slice %arg2[%run_scoped3A, %arg1, %dma_start3A, %dma_start3A_25] : memref<2x16x125x160xi32, #tpu.memory_space<hbm>> -> memref<1x1x125x160xi32, #tpu.memory_space<hbm>>
      %dma_start3A_27 = tpu.memref_squeeze %dma_start3A_26 : memref<1x1x125x160xi32, #tpu.memory_space<hbm>> -> memref<125x160xi32, #tpu.memory_space<hbm>>
      %dma_start3A_28 = arith.constant 0 : i32
      %dma_start3A_29 = arith.constant 0 : i32
      %dma_start3A_30 = tpu.memref_slice %arg2[%run_scoped3A, %arg1, %dma_start3A_28, %dma_start3A_29] : memref<2x16x125x160xi32, #tpu.memory_space<hbm>> -> memref<1x1x125x160xi32, #tpu.memory_space<hbm>>
      %dma_start3A_31 = tpu.memref_squeeze %dma_start3A_30 : memref<1x1x125x160xi32, #tpu.memory_space<hbm>> -> memref<125x160xi32, #tpu.memory_space<hbm>>
      tpu.enqueue_dma source(%dma_start3A_31 : memref<125x160xi32, #tpu.memory_space<hbm>>) target(%arg5 : memref<125x160xi32, #tpu.memory_space<vmem>>) target_semaphore(%run_scoped3A_24 : memref<!tpu.dma_semaphore, #tpu.memory_space<semaphore_mem>>)
      %dma_wait3A = arith.constant 0 : i32
      %dma_wait3A_32 = arith.constant 0 : i32
      %dma_wait3A_33 = tpu.memref_slice %arg2[%run_scoped3A, %arg1, %dma_wait3A, %dma_wait3A_32] : memref<2x16x125x160xi32, #tpu.memory_space<hbm>> -> memref<1x1x125x160xi32, #tpu.memory_space<hbm>>
      %dma_wait3A_34 = tpu.memref_squeeze %dma_wait3A_33 : memref<1x1x125x160xi32, #tpu.memory_space<hbm>> -> memref<125x160xi32, #tpu.memory_space<hbm>>
      %dma_wait3A_35 = arith.constant 0 : i32
      %dma_wait3A_36 = arith.constant 0 : i32
      %dma_wait3A_37 = tpu.memref_slice %arg2[%run_scoped3A, %arg1, %dma_wait3A_35, %dma_wait3A_36] : memref<2x16x125x160xi32, #tpu.memory_space<hbm>> -> memref<1x1x125x160xi32, #tpu.memory_space<hbm>>
      %dma_wait3A_38 = tpu.memref_squeeze %dma_wait3A_37 : memref<1x1x125x160xi32, #tpu.memory_space<hbm>> -> memref<125x160xi32, #tpu.memory_space<hbm>>
      tpu.wait_dma2 semaphore(%run_scoped3A_24 : memref<!tpu.dma_semaphore, #tpu.memory_space<semaphore_mem>>) src(%dma_wait3A_38 : memref<125x160xi32, #tpu.memory_space<hbm>>) dst(%arg5 : memref<125x160xi32, #tpu.memory_space<vmem>>)
      tpu.yield
    }) : () -> ()
    "tpu.region"() ({
      %run_scoped3A_24 = tpu.sem_alloc : memref<!tpu.dma_semaphore, #tpu.memory_space<semaphore_mem>>
      tpu.enqueue_dma source(%arg3 : memref<160x16xf32, #tpu.memory_space<hbm>>) target(%arg6 : memref<160x16xf32, #tpu.memory_space<vmem>>) target_semaphore(%run_scoped3A_24 : memref<!tpu.dma_semaphore, #tpu.memory_space<semaphore_mem>>)
      tpu.wait_dma2 semaphore(%run_scoped3A_24 : memref<!tpu.dma_semaphore, #tpu.memory_space<semaphore_mem>>) src(%arg3 : memref<160x16xf32, #tpu.memory_space<hbm>>) dst(%arg6 : memref<160x16xf32, #tpu.memory_space<vmem>>)
      tpu.yield
    }) : () -> ()
    %broadcast_in_dim3A = arith.constant 0.000000e+00 : f32
    %broadcast_in_dim3A_0 = vector.broadcast %broadcast_in_dim3A : f32 to vector<16xf32>
    %scan3A = arith.constant 0 : i32
    %scan3A_1 = arith.constant 0 : i32
    %scan3A_2 = arith.constant 628 : i32
    %scan3A_3 = arith.addi %scan3A_1, %scan3A_2 : i32
    %scan3A_4 = arith.constant 1 : i32
    scf.for %scan3A_24 = %scan3A_1 to %scan3A_3 step %scan3A_4  : i32 {
      %swap3A = arith.index_cast %scan3A_24 : i32 to index
      %swap3A_25 = arith.constant 0 : index
      %swap3A_26 = tpu.vector_load %arg7[%swap3A, %swap3A_25] {strides = array<i32>} : memref<628x16xf32, #tpu.memory_space<vmem>>, vector<16xf32>,
      tpu.vector_store %arg7[%swap3A, %swap3A_25], %broadcast_in_dim3A_0 {strides = array<i32>} : memref<628x16xf32, #tpu.memory_space<vmem>>, vector<16xf32>,
    }
    %scan3A_5 = arith.constant 628 : i32
    %mul3A = arith.constant 628 : i32
    %mul3A_6 = arith.muli %arg1, %mul3A : i32
    "tpu.region"() ({
      %run_scoped3A_24 = tpu.sem_alloc : memref<!tpu.dma_semaphore, #tpu.memory_space<semaphore_mem>>
      %dma_start3A = arith.constant 0 : i32
      %dma_start3A_25 = tpu.memref_slice %arg8[%mul3A_6, %dma_start3A] : memref<10048x16xf32, #tpu.memory_space<vmem_shared>> -> memref<628x16xf32, #tpu.memory_space<vmem_shared>>
      %dma_start3A_26 = arith.constant 0 : i32
      %dma_start3A_27 = tpu.memref_slice %arg8[%mul3A_6, %dma_start3A_26] : memref<10048x16xf32, #tpu.memory_space<vmem_shared>> -> memref<628x16xf32, #tpu.memory_space<vmem_shared>>
      tpu.enqueue_dma source(%arg7 : memref<628x16xf32, #tpu.memory_space<vmem>>) target(%dma_start3A_27 : memref<628x16xf32, #tpu.memory_space<vmem_shared>>) target_semaphore(%run_scoped3A_24 : memref<!tpu.dma_semaphore, #tpu.memory_space<semaphore_mem>>)
      %dma_wait3A = arith.constant 0 : i32
      %dma_wait3A_28 = tpu.memref_slice %arg8[%mul3A_6, %dma_wait3A] : memref<10048x16xf32, #tpu.memory_space<vmem_shared>> -> memref<628x16xf32, #tpu.memory_space<vmem_shared>>
      %dma_wait3A_29 = arith.constant 0 : i32
      %dma_wait3A_30 = tpu.memref_slice %arg8[%mul3A_6, %dma_wait3A_29] : memref<10048x16xf32, #tpu.memory_space<vmem_shared>> -> memref<628x16xf32, #tpu.memory_space<vmem_shared>>
      tpu.wait_dma2 semaphore(%run_scoped3A_24 : memref<!tpu.dma_semaphore, #tpu.memory_space<semaphore_mem>>) src(%arg7 : memref<628x16xf32, #tpu.memory_space<vmem>>) dst(%dma_wait3A_30 : memref<628x16xf32, #tpu.memory_space<vmem_shared>>)
      tpu.yield
    }) : () -> ()
    %barrier3A = arith.constant 0 : index
    tpu.barrier barrier_id(%barrier3A)
    %scan3A_7 = arith.constant 0 : i32
    %scan3A_8 = arith.constant 0 : i32
    %scan3A_9 = arith.constant 125 : i32
    %scan3A_10 = arith.addi %scan3A_8, %scan3A_9 : i32
    %scan3A_11 = arith.constant 1 : i32
    scf.for %scan3A_24 = %scan3A_8 to %scan3A_10 step %scan3A_11  : i32 {
      "tpu.region"() ({
        %run_scoped3A_25 = tpu.sem_alloc : memref<!tpu.dma_semaphore, #tpu.memory_space<semaphore_mem>>
        %dma_start3A = arith.constant 0 : i32
        %dma_start3A_26 = tpu.memref_slice %arg5[%scan3A_24, %dma_start3A] : memref<125x160xi32, #tpu.memory_space<vmem>> -> memref<1x160xi32, #tpu.memory_space<vmem>>
        %dma_start3A_27 = tpu.memref_squeeze %dma_start3A_26 : memref<1x160xi32, #tpu.memory_space<vmem>> -> memref<160xi32, #tpu.memory_space<vmem>>
        %dma_start3A_28 = arith.constant 0 : i32
        %dma_start3A_29 = arith.constant 0 : i32
        %dma_start3A_30 = tpu.memref_slice %arg8[%dma_start3A_28, %dma_start3A_29] : memref<10048x16xf32, #tpu.memory_space<vmem_shared>> -> memref<10048x16xf32, #tpu.memory_space<vmem_shared>>
        tpu.enqueue_indirect_dma source(%arg6 : memref<160x16xf32, #tpu.memory_space<vmem>>) target(%dma_start3A_30 : memref<10048x16xf32, #tpu.memory_space<vmem_shared>>) offsets(%dma_start3A_27 : memref<160xi32, #tpu.memory_space<vmem>>) semaphore(%run_scoped3A_25 : memref<!tpu.dma_semaphore, #tpu.memory_space<semaphore_mem>>) {add = true}
        %dma_wait3A = arith.constant 0 : i32
        %dma_wait3A_31 = tpu.memref_slice %arg5[%scan3A_24, %dma_wait3A] : memref<125x160xi32, #tpu.memory_space<vmem>> -> memref<1x160xi32, #tpu.memory_space<vmem>>
        %dma_wait3A_32 = tpu.memref_squeeze %dma_wait3A_31 : memref<1x160xi32, #tpu.memory_space<vmem>> -> memref<160xi32, #tpu.memory_space<vmem>>
        %dma_wait3A_33 = arith.constant 0 : i32
        %dma_wait3A_34 = arith.constant 0 : i32
        %dma_wait3A_35 = tpu.memref_slice %arg8[%dma_wait3A_33, %dma_wait3A_34] : memref<10048x16xf32, #tpu.memory_space<vmem_shared>> -> memref<10048x16xf32, #tpu.memory_space<vmem_shared>>
        tpu.wait_indirect_dma semaphore(%run_scoped3A_25 : memref<!tpu.dma_semaphore, #tpu.memory_space<semaphore_mem>>) src(%arg6 : memref<160x16xf32, #tpu.memory_space<vmem>>) dst(%dma_wait3A_35 : memref<10048x16xf32, #tpu.memory_space<vmem_shared>>)
        tpu.yield
      }) : () -> ()
    }
    %scan3A_12 = arith.constant 125 : i32
    %barrier3A_13 = arith.constant 0 : index
    tpu.barrier barrier_id(%barrier3A_13)
    %mul3A_14 = arith.constant 628 : i32
    %mul3A_15 = arith.muli %arg1, %mul3A_14 : i32
    "tpu.region"() ({
      %run_scoped3A_24 = tpu.sem_alloc : memref<!tpu.dma_semaphore, #tpu.memory_space<semaphore_mem>>
      %dma_start3A = arith.constant 0 : i32
      %dma_start3A_25 = tpu.memref_slice %arg8[%mul3A_15, %dma_start3A] : memref<10048x16xf32, #tpu.memory_space<vmem_shared>> -> memref<628x16xf32, #tpu.memory_space<vmem_shared>>
      %dma_start3A_26 = arith.constant 0 : i32
      %dma_start3A_27 = tpu.memref_slice %arg8[%mul3A_15, %dma_start3A_26] : memref<10048x16xf32, #tpu.memory_space<vmem_shared>> -> memref<628x16xf32, #tpu.memory_space<vmem_shared>>
      tpu.enqueue_dma source(%dma_start3A_27 : memref<628x16xf32, #tpu.memory_space<vmem_shared>>) target(%arg7 : memref<628x16xf32, #tpu.memory_space<vmem>>) target_semaphore(%run_scoped3A_24 : memref<!tpu.dma_semaphore, #tpu.memory_space<semaphore_mem>>)
      %dma_wait3A = arith.constant 0 : i32
      %dma_wait3A_28 = tpu.memref_slice %arg8[%mul3A_15, %dma_wait3A] : memref<10048x16xf32, #tpu.memory_space<vmem_shared>> -> memref<628x16xf32, #tpu.memory_space<vmem_shared>>
      %dma_wait3A_29 = arith.constant 0 : i32
      %dma_wait3A_30 = tpu.memref_slice %arg8[%mul3A_15, %dma_wait3A_29] : memref<10048x16xf32, #tpu.memory_space<vmem_shared>> -> memref<628x16xf32, #tpu.memory_space<vmem_shared>>
      tpu.wait_dma2 semaphore(%run_scoped3A_24 : memref<!tpu.dma_semaphore, #tpu.memory_space<semaphore_mem>>) src(%dma_wait3A_30 : memref<628x16xf32, #tpu.memory_space<vmem_shared>>) dst(%arg7 : memref<628x16xf32, #tpu.memory_space<vmem>>)
      tpu.yield
    }) : () -> ()
    %scan3A_16 = arith.constant 0 : i32
    %scan3A_17 = arith.constant 0 : i32
    %scan3A_18 = arith.constant 628 : i32
    %scan3A_19 = arith.addi %scan3A_17, %scan3A_18 : i32
    %scan3A_20 = arith.constant 1 : i32
    scf.for %scan3A_24 = %scan3A_17 to %scan3A_19 step %scan3A_20  : i32 {
      %get3A = arith.index_cast %scan3A_24 : i32 to index
      %get3A_25 = arith.constant 0 : index
      %get3A_26 = tpu.vector_load %arg7[%get3A, %get3A_25] {strides = array<i32>} : memref<628x16xf32, #tpu.memory_space<vmem>>, vector<16xf32>,
      %add3A = arith.constant 1.000000e+00 : f32
      %add3A_27 = vector.broadcast %add3A : f32 to vector<16xf32>
      %add3A_28 = arith.addf %get3A_26, %add3A_27 : vector<16xf32>
      %bitcast3A = vector.bitcast %add3A_28 : vector<16xf32> to vector<16xi32>
      %shift_right_arithmetic3A = arith.constant 1 : i32
      %shift_right_arithmetic3A_29 = vector.broadcast %shift_right_arithmetic3A : i32 to vector<16xi32>
      %shift_right_arithmetic3A_30 = arith.shrsi %bitcast3A, %shift_right_arithmetic3A_29 : vector<16xi32>
      %sub3A = arith.constant 1597463007 : i32
      %sub3A_31 = vector.broadcast %sub3A : i32 to vector<16xi32>
      %sub3A_32 = arith.subi %sub3A_31, %shift_right_arithmetic3A_30 : vector<16xi32>
      %bitcast3A_33 = vector.bitcast %sub3A_32 : vector<16xi32> to vector<16xf32>
      %mul3A_34 = arith.constant 5.000000e-01 : f32
      %mul3A_35 = vector.broadcast %mul3A_34 : f32 to vector<16xf32>
      %mul3A_36 = arith.mulf %mul3A_35, %add3A_28 : vector<16xf32>
      %mul3A_37 = arith.mulf %mul3A_36, %bitcast3A_33 : vector<16xf32>
      %mul3A_38 = arith.mulf %mul3A_37, %bitcast3A_33 : vector<16xf32>
      %sub3A_39 = arith.constant 1.500000e+00 : f32
      %sub3A_40 = vector.broadcast %sub3A_39 : f32 to vector<16xf32>
      %sub3A_41 = arith.subf %sub3A_40, %mul3A_38 : vector<16xf32>
      %mul3A_42 = arith.mulf %bitcast3A_33, %sub3A_41 : vector<16xf32>
      %mul3A_43 = arith.constant 5.000000e-01 : f32
      %mul3A_44 = vector.broadcast %mul3A_43 : f32 to vector<16xf32>
      %mul3A_45 = arith.mulf %mul3A_44, %add3A_28 : vector<16xf32>
      %mul3A_46 = arith.mulf %mul3A_45, %mul3A_42 : vector<16xf32>
      %mul3A_47 = arith.mulf %mul3A_46, %mul3A_42 : vector<16xf32>
      %sub3A_48 = arith.constant 1.500000e+00 : f32
      %sub3A_49 = vector.broadcast %sub3A_48 : f32 to vector<16xf32>
      %sub3A_50 = arith.subf %sub3A_49, %mul3A_47 : vector<16xf32>
      %mul3A_51 = arith.mulf %mul3A_42, %sub3A_50 : vector<16xf32>
      %swap3A = arith.index_cast %scan3A_24 : i32 to index
      %swap3A_52 = arith.constant 0 : index
      %swap3A_53 = tpu.vector_load %arg7[%swap3A, %swap3A_52] {strides = array<i32>} : memref<628x16xf32, #tpu.memory_space<vmem>>, vector<16xf32>,
      tpu.vector_store %arg7[%swap3A, %swap3A_52], %mul3A_51 {strides = array<i32>} : memref<628x16xf32, #tpu.memory_space<vmem>>, vector<16xf32>,
    }
    %scan3A_21 = arith.constant 628 : i32
    %eq3A = arith.constant 0 : i32
    %eq3A_22 = arith.cmpi eq, %arg0, %eq3A : i32
    %convert_element_type3A = arith.extui %eq3A_22 : i1 to i32
    %cond3A = arith.constant 0 : i32
    %cond3A_23 = arith.cmpi ne, %convert_element_type3A, %cond3A : i32
    scf.if %cond3A_23 {
      "tpu.region"() ({
        %run_scoped3A_24 = tpu.sem_alloc : memref<!tpu.dma_semaphore, #tpu.memory_space<semaphore_mem>>
        %dma_start3A = arith.constant 0 : i32
        %dma_start3A_25 = arith.constant 0 : i32
        %dma_start3A_26 = tpu.memref_slice %arg4[%arg1, %dma_start3A, %dma_start3A_25] : memref<16x628x16xf32, #tpu.memory_space<hbm>> -> memref<1x628x16xf32, #tpu.memory_space<hbm>>
        %dma_start3A_27 = tpu.memref_squeeze %dma_start3A_26 : memref<1x628x16xf32, #tpu.memory_space<hbm>> -> memref<628x16xf32, #tpu.memory_space<hbm>>
        %dma_start3A_28 = arith.constant 0 : i32
        %dma_start3A_29 = arith.constant 0 : i32
        %dma_start3A_30 = tpu.memref_slice %arg4[%arg1, %dma_start3A_28, %dma_start3A_29] : memref<16x628x16xf32, #tpu.memory_space<hbm>> -> memref<1x628x16xf32, #tpu.memory_space<hbm>>
        %dma_start3A_31 = tpu.memref_squeeze %dma_start3A_30 : memref<1x628x16xf32, #tpu.memory_space<hbm>> -> memref<628x16xf32, #tpu.memory_space<hbm>>
        tpu.enqueue_dma source(%arg7 : memref<628x16xf32, #tpu.memory_space<vmem>>) target(%dma_start3A_31 : memref<628x16xf32, #tpu.memory_space<hbm>>) target_semaphore(%run_scoped3A_24 : memref<!tpu.dma_semaphore, #tpu.memory_space<semaphore_mem>>)
        %dma_wait3A = arith.constant 0 : i32
        %dma_wait3A_32 = arith.constant 0 : i32
        %dma_wait3A_33 = tpu.memref_slice %arg4[%arg1, %dma_wait3A, %dma_wait3A_32] : memref<16x628x16xf32, #tpu.memory_space<hbm>> -> memref<1x628x16xf32, #tpu.memory_space<hbm>>
        %dma_wait3A_34 = tpu.memref_squeeze %dma_wait3A_33 : memref<1x628x16xf32, #tpu.memory_space<hbm>> -> memref<628x16xf32, #tpu.memory_space<hbm>>
        %dma_wait3A_35 = arith.constant 0 : i32
        %dma_wait3A_36 = arith.constant 0 : i32
        %dma_wait3A_37 = tpu.memref_slice %arg4[%arg1, %dma_wait3A_35, %dma_wait3A_36] : memref<16x628x16xf32, #tpu.memory_space<hbm>> -> memref<1x628x16xf32, #tpu.memory_space<hbm>>
        %dma_wait3A_38 = tpu.memref_squeeze %dma_wait3A_37 : memref<1x628x16xf32, #tpu.memory_space<hbm>> -> memref<628x16xf32, #tpu.memory_space<hbm>>
        tpu.wait_dma2 semaphore(%run_scoped3A_24 : memref<!tpu.dma_semaphore, #tpu.memory_space<semaphore_mem>>) src(%arg7 : memref<628x16xf32, #tpu.memory_space<vmem>>) dst(%dma_wait3A_38 : memref<628x16xf32, #tpu.memory_space<hbm>>)
        tpu.yield
      }) : () -> ()
    } else {
    }
    return
  }
}

#map = affine_map<(d0, d1) -> (0, 0, 0, 0, 0)>
#map1 = affine_map<(d0, d1) -> (0, 0, 0, 0)>
#map2 = affine_map<(d0, d1) -> (0, 0, 0)>
#map3 = affine_map<(d0, d1) -> (0, 0)>
module attributes {stable_mosaic.version = 14 : i64} {
  func.func @agg(%arg0: i32, %arg1: i32, %arg2: memref<2x16x4x157x32xf32, #tpu.memory_space<hbm>>, %arg3: memref<2x16x125x160xi32, #tpu.memory_space<hbm>>, %arg4: memref<16x628x16xf32, #tpu.memory_space<hbm>>, %arg5: memref<2x32xf32, #tpu.memory_space<hbm>>, %arg6: memref<2x16x4x157x32xf32, #tpu.memory_space<hbm>>, %arg7: memref<125x160xi32, #tpu.memory_space<vmem>>, %arg8: memref<125x160xi32, #tpu.memory_space<vmem>>, %arg9: memref<160x32xf32, #tpu.memory_space<vmem>>, %arg10: memref<160x32xf32, #tpu.memory_space<vmem>>, %arg11: memref<160x32xf32, #tpu.memory_space<vmem>>, %arg12: memref<160x32xf32, #tpu.memory_space<vmem>>, %arg13: memref<628x16xf32, #tpu.memory_space<vmem>>, %arg14: memref<157x32xf32, #tpu.memory_space<vmem>>, %arg15: memref<157x32xf32, #tpu.memory_space<vmem>>, %arg16: memref<32xf32, #tpu.memory_space<vmem>>, %arg17: memref<10048x32xf32, #tpu.memory_space<vmem_shared>>, %arg18: memref<10048x32xf32, #tpu.memory_space<vmem_shared>>, %arg19: memref<!tpu.dma_semaphore, #tpu.memory_space<semaphore_mem>>, %arg20: memref<!tpu.dma_semaphore, #tpu.memory_space<semaphore_mem>>, %arg21: memref<!tpu.dma_semaphore, #tpu.memory_space<semaphore_mem>>, %arg22: memref<!tpu.dma_semaphore, #tpu.memory_space<semaphore_mem>>, %arg23: memref<!tpu.dma_semaphore, #tpu.memory_space<semaphore_mem>>, %arg24: memref<!tpu.dma_semaphore, #tpu.memory_space<semaphore_mem>>, %arg25: memref<!tpu.dma_semaphore, #tpu.memory_space<semaphore_mem>>, %arg26: memref<!tpu.dma_semaphore, #tpu.memory_space<semaphore_mem>>) attributes {dimension_semantics = [#tpu.dimension_semantics<core_parallel>, #tpu.dimension_semantics<subcore_parallel>], iteration_bounds = array<i64: 2, 16>, scalar_prefetch = 0 : i64, scratch_operands = 20 : i64, tpu.core_type = #tpu.core_type<sc_vector_subcore>, window_params = [{transform_indices = #map}, {transform_indices = #map1}, {transform_indices = #map2}, {transform_indices = #map3}, {transform_indices = #map}]} {
    %mul3A = arith.constant 628 : i32
    %mul3A_0 = arith.muli %arg1, %mul3A : i32
    %run_scoped3A = arith.constant 0 : i32
    "tpu.region"() ({
      %run_scoped3A_344 = tpu.sem_alloc : memref<!tpu.dma_semaphore, #tpu.memory_space<semaphore_mem>>
      %dma_start3A_345 = arith.constant 0 : i32
      %dma_start3A_346 = arith.constant 0 : i32
      %dma_start3A_347 = tpu.memref_slice %arg3[%run_scoped3A, %arg1, %dma_start3A_345, %dma_start3A_346] : memref<2x16x125x160xi32, #tpu.memory_space<hbm>> -> memref<1x1x125x160xi32, #tpu.memory_space<hbm>>
      %dma_start3A_348 = tpu.memref_squeeze %dma_start3A_347 : memref<1x1x125x160xi32, #tpu.memory_space<hbm>> -> memref<125x160xi32, #tpu.memory_space<hbm>>
      %dma_start3A_349 = arith.constant 0 : i32
      %dma_start3A_350 = arith.constant 0 : i32
      %dma_start3A_351 = tpu.memref_slice %arg3[%run_scoped3A, %arg1, %dma_start3A_349, %dma_start3A_350] : memref<2x16x125x160xi32, #tpu.memory_space<hbm>> -> memref<1x1x125x160xi32, #tpu.memory_space<hbm>>
      %dma_start3A_352 = tpu.memref_squeeze %dma_start3A_351 : memref<1x1x125x160xi32, #tpu.memory_space<hbm>> -> memref<125x160xi32, #tpu.memory_space<hbm>>
      tpu.enqueue_dma source(%dma_start3A_352 : memref<125x160xi32, #tpu.memory_space<hbm>>) target(%arg7 : memref<125x160xi32, #tpu.memory_space<vmem>>) target_semaphore(%run_scoped3A_344 : memref<!tpu.dma_semaphore, #tpu.memory_space<semaphore_mem>>)
      %dma_wait3A_353 = arith.constant 0 : i32
      %dma_wait3A_354 = arith.constant 0 : i32
      %dma_wait3A_355 = tpu.memref_slice %arg3[%run_scoped3A, %arg1, %dma_wait3A_353, %dma_wait3A_354] : memref<2x16x125x160xi32, #tpu.memory_space<hbm>> -> memref<1x1x125x160xi32, #tpu.memory_space<hbm>>
      %dma_wait3A_356 = tpu.memref_squeeze %dma_wait3A_355 : memref<1x1x125x160xi32, #tpu.memory_space<hbm>> -> memref<125x160xi32, #tpu.memory_space<hbm>>
      %dma_wait3A_357 = arith.constant 0 : i32
      %dma_wait3A_358 = arith.constant 0 : i32
      %dma_wait3A_359 = tpu.memref_slice %arg3[%run_scoped3A, %arg1, %dma_wait3A_357, %dma_wait3A_358] : memref<2x16x125x160xi32, #tpu.memory_space<hbm>> -> memref<1x1x125x160xi32, #tpu.memory_space<hbm>>
      %dma_wait3A_360 = tpu.memref_squeeze %dma_wait3A_359 : memref<1x1x125x160xi32, #tpu.memory_space<hbm>> -> memref<125x160xi32, #tpu.memory_space<hbm>>
      tpu.wait_dma2 semaphore(%run_scoped3A_344 : memref<!tpu.dma_semaphore, #tpu.memory_space<semaphore_mem>>) src(%dma_wait3A_360 : memref<125x160xi32, #tpu.memory_space<hbm>>) dst(%arg7 : memref<125x160xi32, #tpu.memory_space<vmem>>)
      tpu.yield
    }) : () -> ()
    %run_scoped3A_1 = arith.constant 1 : i32
    "tpu.region"() ({
      %run_scoped3A_344 = tpu.sem_alloc : memref<!tpu.dma_semaphore, #tpu.memory_space<semaphore_mem>>
      %dma_start3A_345 = arith.constant 0 : i32
      %dma_start3A_346 = arith.constant 0 : i32
      %dma_start3A_347 = tpu.memref_slice %arg3[%run_scoped3A_1, %arg1, %dma_start3A_345, %dma_start3A_346] : memref<2x16x125x160xi32, #tpu.memory_space<hbm>> -> memref<1x1x125x160xi32, #tpu.memory_space<hbm>>
      %dma_start3A_348 = tpu.memref_squeeze %dma_start3A_347 : memref<1x1x125x160xi32, #tpu.memory_space<hbm>> -> memref<125x160xi32, #tpu.memory_space<hbm>>
      %dma_start3A_349 = arith.constant 0 : i32
      %dma_start3A_350 = arith.constant 0 : i32
      %dma_start3A_351 = tpu.memref_slice %arg3[%run_scoped3A_1, %arg1, %dma_start3A_349, %dma_start3A_350] : memref<2x16x125x160xi32, #tpu.memory_space<hbm>> -> memref<1x1x125x160xi32, #tpu.memory_space<hbm>>
      %dma_start3A_352 = tpu.memref_squeeze %dma_start3A_351 : memref<1x1x125x160xi32, #tpu.memory_space<hbm>> -> memref<125x160xi32, #tpu.memory_space<hbm>>
      tpu.enqueue_dma source(%dma_start3A_352 : memref<125x160xi32, #tpu.memory_space<hbm>>) target(%arg8 : memref<125x160xi32, #tpu.memory_space<vmem>>) target_semaphore(%run_scoped3A_344 : memref<!tpu.dma_semaphore, #tpu.memory_space<semaphore_mem>>)
      %dma_wait3A_353 = arith.constant 0 : i32
      %dma_wait3A_354 = arith.constant 0 : i32
      %dma_wait3A_355 = tpu.memref_slice %arg3[%run_scoped3A_1, %arg1, %dma_wait3A_353, %dma_wait3A_354] : memref<2x16x125x160xi32, #tpu.memory_space<hbm>> -> memref<1x1x125x160xi32, #tpu.memory_space<hbm>>
      %dma_wait3A_356 = tpu.memref_squeeze %dma_wait3A_355 : memref<1x1x125x160xi32, #tpu.memory_space<hbm>> -> memref<125x160xi32, #tpu.memory_space<hbm>>
      %dma_wait3A_357 = arith.constant 0 : i32
      %dma_wait3A_358 = arith.constant 0 : i32
      %dma_wait3A_359 = tpu.memref_slice %arg3[%run_scoped3A_1, %arg1, %dma_wait3A_357, %dma_wait3A_358] : memref<2x16x125x160xi32, #tpu.memory_space<hbm>> -> memref<1x1x125x160xi32, #tpu.memory_space<hbm>>
      %dma_wait3A_360 = tpu.memref_squeeze %dma_wait3A_359 : memref<1x1x125x160xi32, #tpu.memory_space<hbm>> -> memref<125x160xi32, #tpu.memory_space<hbm>>
      tpu.wait_dma2 semaphore(%run_scoped3A_344 : memref<!tpu.dma_semaphore, #tpu.memory_space<semaphore_mem>>) src(%dma_wait3A_360 : memref<125x160xi32, #tpu.memory_space<hbm>>) dst(%arg8 : memref<125x160xi32, #tpu.memory_space<vmem>>)
      tpu.yield
    }) : () -> ()
    "tpu.region"() ({
      %run_scoped3A_344 = tpu.sem_alloc : memref<!tpu.dma_semaphore, #tpu.memory_space<semaphore_mem>>
      %dma_start3A_345 = arith.constant 0 : i32
      %dma_start3A_346 = arith.constant 0 : i32
      %dma_start3A_347 = tpu.memref_slice %arg4[%arg1, %dma_start3A_345, %dma_start3A_346] : memref<16x628x16xf32, #tpu.memory_space<hbm>> -> memref<1x628x16xf32, #tpu.memory_space<hbm>>
      %dma_start3A_348 = tpu.memref_squeeze %dma_start3A_347 : memref<1x628x16xf32, #tpu.memory_space<hbm>> -> memref<628x16xf32, #tpu.memory_space<hbm>>
      %dma_start3A_349 = arith.constant 0 : i32
      %dma_start3A_350 = arith.constant 0 : i32
      %dma_start3A_351 = tpu.memref_slice %arg4[%arg1, %dma_start3A_349, %dma_start3A_350] : memref<16x628x16xf32, #tpu.memory_space<hbm>> -> memref<1x628x16xf32, #tpu.memory_space<hbm>>
      %dma_start3A_352 = tpu.memref_squeeze %dma_start3A_351 : memref<1x628x16xf32, #tpu.memory_space<hbm>> -> memref<628x16xf32, #tpu.memory_space<hbm>>
      tpu.enqueue_dma source(%dma_start3A_352 : memref<628x16xf32, #tpu.memory_space<hbm>>) target(%arg13 : memref<628x16xf32, #tpu.memory_space<vmem>>) target_semaphore(%run_scoped3A_344 : memref<!tpu.dma_semaphore, #tpu.memory_space<semaphore_mem>>)
      %dma_wait3A_353 = arith.constant 0 : i32
      %dma_wait3A_354 = arith.constant 0 : i32
      %dma_wait3A_355 = tpu.memref_slice %arg4[%arg1, %dma_wait3A_353, %dma_wait3A_354] : memref<16x628x16xf32, #tpu.memory_space<hbm>> -> memref<1x628x16xf32, #tpu.memory_space<hbm>>
      %dma_wait3A_356 = tpu.memref_squeeze %dma_wait3A_355 : memref<1x628x16xf32, #tpu.memory_space<hbm>> -> memref<628x16xf32, #tpu.memory_space<hbm>>
      %dma_wait3A_357 = arith.constant 0 : i32
      %dma_wait3A_358 = arith.constant 0 : i32
      %dma_wait3A_359 = tpu.memref_slice %arg4[%arg1, %dma_wait3A_357, %dma_wait3A_358] : memref<16x628x16xf32, #tpu.memory_space<hbm>> -> memref<1x628x16xf32, #tpu.memory_space<hbm>>
      %dma_wait3A_360 = tpu.memref_squeeze %dma_wait3A_359 : memref<1x628x16xf32, #tpu.memory_space<hbm>> -> memref<628x16xf32, #tpu.memory_space<hbm>>
      tpu.wait_dma2 semaphore(%run_scoped3A_344 : memref<!tpu.dma_semaphore, #tpu.memory_space<semaphore_mem>>) src(%dma_wait3A_360 : memref<628x16xf32, #tpu.memory_space<hbm>>) dst(%arg13 : memref<628x16xf32, #tpu.memory_space<vmem>>)
      tpu.yield
    }) : () -> ()
    "tpu.region"() ({
      %run_scoped3A_344 = tpu.sem_alloc : memref<!tpu.dma_semaphore, #tpu.memory_space<semaphore_mem>>
      %dma_start3A_345 = arith.constant 0 : i32
      %dma_start3A_346 = tpu.memref_slice %arg5[%arg0, %dma_start3A_345] : memref<2x32xf32, #tpu.memory_space<hbm>> -> memref<1x32xf32, #tpu.memory_space<hbm>>
      %dma_start3A_347 = tpu.memref_squeeze %dma_start3A_346 : memref<1x32xf32, #tpu.memory_space<hbm>> -> memref<32xf32, #tpu.memory_space<hbm>>
      %dma_start3A_348 = arith.constant 0 : i32
      %dma_start3A_349 = tpu.memref_slice %arg5[%arg0, %dma_start3A_348] : memref<2x32xf32, #tpu.memory_space<hbm>> -> memref<1x32xf32, #tpu.memory_space<hbm>>
      %dma_start3A_350 = tpu.memref_squeeze %dma_start3A_349 : memref<1x32xf32, #tpu.memory_space<hbm>> -> memref<32xf32, #tpu.memory_space<hbm>>
      tpu.enqueue_dma source(%dma_start3A_350 : memref<32xf32, #tpu.memory_space<hbm>>) target(%arg16 : memref<32xf32, #tpu.memory_space<vmem>>) target_semaphore(%run_scoped3A_344 : memref<!tpu.dma_semaphore, #tpu.memory_space<semaphore_mem>>)
      %dma_wait3A_351 = arith.constant 0 : i32
      %dma_wait3A_352 = tpu.memref_slice %arg5[%arg0, %dma_wait3A_351] : memref<2x32xf32, #tpu.memory_space<hbm>> -> memref<1x32xf32, #tpu.memory_space<hbm>>
      %dma_wait3A_353 = tpu.memref_squeeze %dma_wait3A_352 : memref<1x32xf32, #tpu.memory_space<hbm>> -> memref<32xf32, #tpu.memory_space<hbm>>
      %dma_wait3A_354 = arith.constant 0 : i32
      %dma_wait3A_355 = tpu.memref_slice %arg5[%arg0, %dma_wait3A_354] : memref<2x32xf32, #tpu.memory_space<hbm>> -> memref<1x32xf32, #tpu.memory_space<hbm>>
      %dma_wait3A_356 = tpu.memref_squeeze %dma_wait3A_355 : memref<1x32xf32, #tpu.memory_space<hbm>> -> memref<32xf32, #tpu.memory_space<hbm>>
      tpu.wait_dma2 semaphore(%run_scoped3A_344 : memref<!tpu.dma_semaphore, #tpu.memory_space<semaphore_mem>>) src(%dma_wait3A_356 : memref<32xf32, #tpu.memory_space<hbm>>) dst(%arg16 : memref<32xf32, #tpu.memory_space<vmem>>)
      tpu.yield
    }) : () -> ()
    %broadcast_in_dim3A = arith.constant 0.000000e+00 : f32
    %broadcast_in_dim3A_2 = vector.broadcast %broadcast_in_dim3A : f32 to vector<16xf32>
    %scan3A = arith.constant 0 : i32
    %scan3A_3 = arith.constant 0 : i32
    %scan3A_4 = arith.constant 157 : i32
    %scan3A_5 = arith.addi %scan3A_3, %scan3A_4 : i32
    %scan3A_6 = arith.constant 1 : i32
    scf.for %scan3A_344 = %scan3A_3 to %scan3A_5 step %scan3A_6  : i32 {
      %swap3A = arith.index_cast %scan3A_344 : i32 to index
      %swap3A_345 = arith.constant 0 : index
      %swap3A_346 = tpu.vector_load %arg15[%swap3A, %swap3A_345] {strides = array<i32>} : memref<157x32xf32, #tpu.memory_space<vmem>>, vector<16xf32>,
      tpu.vector_store %arg15[%swap3A, %swap3A_345], %broadcast_in_dim3A_2 {strides = array<i32>} : memref<157x32xf32, #tpu.memory_space<vmem>>, vector<16xf32>,
      %swap3A_347 = arith.index_cast %scan3A_344 : i32 to index
      %swap3A_348 = arith.constant 16 : index
      %swap3A_349 = tpu.vector_load %arg15[%swap3A_347, %swap3A_348] {strides = array<i32>} : memref<157x32xf32, #tpu.memory_space<vmem>>, vector<16xf32>,
      tpu.vector_store %arg15[%swap3A_347, %swap3A_348], %broadcast_in_dim3A_2 {strides = array<i32>} : memref<157x32xf32, #tpu.memory_space<vmem>>, vector<16xf32>,
    }
    %scan3A_7 = arith.constant 157 : i32
    %add3A = arith.constant 0 : i32
    %add3A_8 = arith.addi %mul3A_0, %add3A : i32
    "tpu.region"() ({
      %run_scoped3A_344 = tpu.sem_alloc : memref<!tpu.dma_semaphore, #tpu.memory_space<semaphore_mem>>
      %dma_start3A_345 = arith.constant 0 : i32
      %dma_start3A_346 = tpu.memref_slice %arg17[%add3A_8, %dma_start3A_345] : memref<10048x32xf32, #tpu.memory_space<vmem_shared>> -> memref<157x32xf32, #tpu.memory_space<vmem_shared>>
      %dma_start3A_347 = arith.constant 0 : i32
      %dma_start3A_348 = tpu.memref_slice %arg17[%add3A_8, %dma_start3A_347] : memref<10048x32xf32, #tpu.memory_space<vmem_shared>> -> memref<157x32xf32, #tpu.memory_space<vmem_shared>>
      tpu.enqueue_dma source(%arg15 : memref<157x32xf32, #tpu.memory_space<vmem>>) target(%dma_start3A_348 : memref<157x32xf32, #tpu.memory_space<vmem_shared>>) target_semaphore(%run_scoped3A_344 : memref<!tpu.dma_semaphore, #tpu.memory_space<semaphore_mem>>)
      %dma_wait3A_349 = arith.constant 0 : i32
      %dma_wait3A_350 = tpu.memref_slice %arg17[%add3A_8, %dma_wait3A_349] : memref<10048x32xf32, #tpu.memory_space<vmem_shared>> -> memref<157x32xf32, #tpu.memory_space<vmem_shared>>
      %dma_wait3A_351 = arith.constant 0 : i32
      %dma_wait3A_352 = tpu.memref_slice %arg17[%add3A_8, %dma_wait3A_351] : memref<10048x32xf32, #tpu.memory_space<vmem_shared>> -> memref<157x32xf32, #tpu.memory_space<vmem_shared>>
      tpu.wait_dma2 semaphore(%run_scoped3A_344 : memref<!tpu.dma_semaphore, #tpu.memory_space<semaphore_mem>>) src(%arg15 : memref<157x32xf32, #tpu.memory_space<vmem>>) dst(%dma_wait3A_352 : memref<157x32xf32, #tpu.memory_space<vmem_shared>>)
      tpu.yield
    }) : () -> ()
    %add3A_9 = arith.constant 157 : i32
    %add3A_10 = arith.addi %mul3A_0, %add3A_9 : i32
    "tpu.region"() ({
      %run_scoped3A_344 = tpu.sem_alloc : memref<!tpu.dma_semaphore, #tpu.memory_space<semaphore_mem>>
      %dma_start3A_345 = arith.constant 0 : i32
      %dma_start3A_346 = tpu.memref_slice %arg17[%add3A_10, %dma_start3A_345] : memref<10048x32xf32, #tpu.memory_space<vmem_shared>> -> memref<157x32xf32, #tpu.memory_space<vmem_shared>>
      %dma_start3A_347 = arith.constant 0 : i32
      %dma_start3A_348 = tpu.memref_slice %arg17[%add3A_10, %dma_start3A_347] : memref<10048x32xf32, #tpu.memory_space<vmem_shared>> -> memref<157x32xf32, #tpu.memory_space<vmem_shared>>
      tpu.enqueue_dma source(%arg15 : memref<157x32xf32, #tpu.memory_space<vmem>>) target(%dma_start3A_348 : memref<157x32xf32, #tpu.memory_space<vmem_shared>>) target_semaphore(%run_scoped3A_344 : memref<!tpu.dma_semaphore, #tpu.memory_space<semaphore_mem>>)
      %dma_wait3A_349 = arith.constant 0 : i32
      %dma_wait3A_350 = tpu.memref_slice %arg17[%add3A_10, %dma_wait3A_349] : memref<10048x32xf32, #tpu.memory_space<vmem_shared>> -> memref<157x32xf32, #tpu.memory_space<vmem_shared>>
      %dma_wait3A_351 = arith.constant 0 : i32
      %dma_wait3A_352 = tpu.memref_slice %arg17[%add3A_10, %dma_wait3A_351] : memref<10048x32xf32, #tpu.memory_space<vmem_shared>> -> memref<157x32xf32, #tpu.memory_space<vmem_shared>>
      tpu.wait_dma2 semaphore(%run_scoped3A_344 : memref<!tpu.dma_semaphore, #tpu.memory_space<semaphore_mem>>) src(%arg15 : memref<157x32xf32, #tpu.memory_space<vmem>>) dst(%dma_wait3A_352 : memref<157x32xf32, #tpu.memory_space<vmem_shared>>)
      tpu.yield
    }) : () -> ()
    %add3A_11 = arith.constant 314 : i32
    %add3A_12 = arith.addi %mul3A_0, %add3A_11 : i32
    "tpu.region"() ({
      %run_scoped3A_344 = tpu.sem_alloc : memref<!tpu.dma_semaphore, #tpu.memory_space<semaphore_mem>>
      %dma_start3A_345 = arith.constant 0 : i32
      %dma_start3A_346 = tpu.memref_slice %arg17[%add3A_12, %dma_start3A_345] : memref<10048x32xf32, #tpu.memory_space<vmem_shared>> -> memref<157x32xf32, #tpu.memory_space<vmem_shared>>
      %dma_start3A_347 = arith.constant 0 : i32
      %dma_start3A_348 = tpu.memref_slice %arg17[%add3A_12, %dma_start3A_347] : memref<10048x32xf32, #tpu.memory_space<vmem_shared>> -> memref<157x32xf32, #tpu.memory_space<vmem_shared>>
      tpu.enqueue_dma source(%arg15 : memref<157x32xf32, #tpu.memory_space<vmem>>) target(%dma_start3A_348 : memref<157x32xf32, #tpu.memory_space<vmem_shared>>) target_semaphore(%run_scoped3A_344 : memref<!tpu.dma_semaphore, #tpu.memory_space<semaphore_mem>>)
      %dma_wait3A_349 = arith.constant 0 : i32
      %dma_wait3A_350 = tpu.memref_slice %arg17[%add3A_12, %dma_wait3A_349] : memref<10048x32xf32, #tpu.memory_space<vmem_shared>> -> memref<157x32xf32, #tpu.memory_space<vmem_shared>>
      %dma_wait3A_351 = arith.constant 0 : i32
      %dma_wait3A_352 = tpu.memref_slice %arg17[%add3A_12, %dma_wait3A_351] : memref<10048x32xf32, #tpu.memory_space<vmem_shared>> -> memref<157x32xf32, #tpu.memory_space<vmem_shared>>
      tpu.wait_dma2 semaphore(%run_scoped3A_344 : memref<!tpu.dma_semaphore, #tpu.memory_space<semaphore_mem>>) src(%arg15 : memref<157x32xf32, #tpu.memory_space<vmem>>) dst(%dma_wait3A_352 : memref<157x32xf32, #tpu.memory_space<vmem_shared>>)
      tpu.yield
    }) : () -> ()
    %add3A_13 = arith.constant 471 : i32
    %add3A_14 = arith.addi %mul3A_0, %add3A_13 : i32
    "tpu.region"() ({
      %run_scoped3A_344 = tpu.sem_alloc : memref<!tpu.dma_semaphore, #tpu.memory_space<semaphore_mem>>
      %dma_start3A_345 = arith.constant 0 : i32
      %dma_start3A_346 = tpu.memref_slice %arg17[%add3A_14, %dma_start3A_345] : memref<10048x32xf32, #tpu.memory_space<vmem_shared>> -> memref<157x32xf32, #tpu.memory_space<vmem_shared>>
      %dma_start3A_347 = arith.constant 0 : i32
      %dma_start3A_348 = tpu.memref_slice %arg17[%add3A_14, %dma_start3A_347] : memref<10048x32xf32, #tpu.memory_space<vmem_shared>> -> memref<157x32xf32, #tpu.memory_space<vmem_shared>>
      tpu.enqueue_dma source(%arg15 : memref<157x32xf32, #tpu.memory_space<vmem>>) target(%dma_start3A_348 : memref<157x32xf32, #tpu.memory_space<vmem_shared>>) target_semaphore(%run_scoped3A_344 : memref<!tpu.dma_semaphore, #tpu.memory_space<semaphore_mem>>)
      %dma_wait3A_349 = arith.constant 0 : i32
      %dma_wait3A_350 = tpu.memref_slice %arg17[%add3A_14, %dma_wait3A_349] : memref<10048x32xf32, #tpu.memory_space<vmem_shared>> -> memref<157x32xf32, #tpu.memory_space<vmem_shared>>
      %dma_wait3A_351 = arith.constant 0 : i32
      %dma_wait3A_352 = tpu.memref_slice %arg17[%add3A_14, %dma_wait3A_351] : memref<10048x32xf32, #tpu.memory_space<vmem_shared>> -> memref<157x32xf32, #tpu.memory_space<vmem_shared>>
      tpu.wait_dma2 semaphore(%run_scoped3A_344 : memref<!tpu.dma_semaphore, #tpu.memory_space<semaphore_mem>>) src(%arg15 : memref<157x32xf32, #tpu.memory_space<vmem>>) dst(%dma_wait3A_352 : memref<157x32xf32, #tpu.memory_space<vmem_shared>>)
      tpu.yield
    }) : () -> ()
    %add3A_15 = arith.constant 0 : i32
    %add3A_16 = arith.addi %mul3A_0, %add3A_15 : i32
    %run_scoped3A_17 = arith.constant 0 : i32
    "tpu.region"() ({
      %run_scoped3A_344 = tpu.sem_alloc : memref<!tpu.dma_semaphore, #tpu.memory_space<semaphore_mem>>
      %dma_start3A_345 = arith.constant 0 : i32
      %dma_start3A_346 = arith.constant 0 : i32
      %dma_start3A_347 = tpu.memref_slice %arg2[%arg0, %arg1, %run_scoped3A_17, %dma_start3A_345, %dma_start3A_346] : memref<2x16x4x157x32xf32, #tpu.memory_space<hbm>> -> memref<1x1x1x157x32xf32, #tpu.memory_space<hbm>>
      %dma_start3A_348 = tpu.memref_squeeze %dma_start3A_347 : memref<1x1x1x157x32xf32, #tpu.memory_space<hbm>> -> memref<157x32xf32, #tpu.memory_space<hbm>>
      %dma_start3A_349 = arith.constant 0 : i32
      %dma_start3A_350 = arith.constant 0 : i32
      %dma_start3A_351 = tpu.memref_slice %arg2[%arg0, %arg1, %run_scoped3A_17, %dma_start3A_349, %dma_start3A_350] : memref<2x16x4x157x32xf32, #tpu.memory_space<hbm>> -> memref<1x1x1x157x32xf32, #tpu.memory_space<hbm>>
      %dma_start3A_352 = tpu.memref_squeeze %dma_start3A_351 : memref<1x1x1x157x32xf32, #tpu.memory_space<hbm>> -> memref<157x32xf32, #tpu.memory_space<hbm>>
      tpu.enqueue_dma source(%dma_start3A_352 : memref<157x32xf32, #tpu.memory_space<hbm>>) target(%arg14 : memref<157x32xf32, #tpu.memory_space<vmem>>) target_semaphore(%run_scoped3A_344 : memref<!tpu.dma_semaphore, #tpu.memory_space<semaphore_mem>>)
      %dma_wait3A_353 = arith.constant 0 : i32
      %dma_wait3A_354 = arith.constant 0 : i32
      %dma_wait3A_355 = tpu.memref_slice %arg2[%arg0, %arg1, %run_scoped3A_17, %dma_wait3A_353, %dma_wait3A_354] : memref<2x16x4x157x32xf32, #tpu.memory_space<hbm>> -> memref<1x1x1x157x32xf32, #tpu.memory_space<hbm>>
      %dma_wait3A_356 = tpu.memref_squeeze %dma_wait3A_355 : memref<1x1x1x157x32xf32, #tpu.memory_space<hbm>> -> memref<157x32xf32, #tpu.memory_space<hbm>>
      %dma_wait3A_357 = arith.constant 0 : i32
      %dma_wait3A_358 = arith.constant 0 : i32
      %dma_wait3A_359 = tpu.memref_slice %arg2[%arg0, %arg1, %run_scoped3A_17, %dma_wait3A_357, %dma_wait3A_358] : memref<2x16x4x157x32xf32, #tpu.memory_space<hbm>> -> memref<1x1x1x157x32xf32, #tpu.memory_space<hbm>>
      %dma_wait3A_360 = tpu.memref_squeeze %dma_wait3A_359 : memref<1x1x1x157x32xf32, #tpu.memory_space<hbm>> -> memref<157x32xf32, #tpu.memory_space<hbm>>
      tpu.wait_dma2 semaphore(%run_scoped3A_344 : memref<!tpu.dma_semaphore, #tpu.memory_space<semaphore_mem>>) src(%dma_wait3A_360 : memref<157x32xf32, #tpu.memory_space<hbm>>) dst(%arg14 : memref<157x32xf32, #tpu.memory_space<vmem>>)
      tpu.yield
    }) : () -> ()
    %scan3A_18 = arith.constant 0 : i32
    %scan3A_19 = arith.constant 0 : i32
    %scan3A_20 = arith.constant 157 : i32
    %scan3A_21 = arith.addi %scan3A_19, %scan3A_20 : i32
    %scan3A_22 = arith.constant 1 : i32
    scf.for %scan3A_344 = %scan3A_19 to %scan3A_21 step %scan3A_22  : i32 {
      %add3A_345 = arith.constant 0 : i32
      %add3A_346 = arith.addi %add3A_345, %scan3A_344 : i32
      %get3A = arith.index_cast %add3A_346 : i32 to index
      %get3A_347 = arith.constant 0 : index
      %get3A_348 = tpu.vector_load %arg13[%get3A, %get3A_347] {strides = array<i32>} : memref<628x16xf32, #tpu.memory_space<vmem>>, vector<16xf32>,
      %get3A_349 = arith.index_cast %scan3A_344 : i32 to index
      %get3A_350 = arith.constant 0 : index
      %get3A_351 = tpu.vector_load %arg14[%get3A_349, %get3A_350] {strides = array<i32>} : memref<157x32xf32, #tpu.memory_space<vmem>>, vector<16xf32>,
      %mul3A_352 = arith.mulf %get3A_351, %get3A_348 : vector<16xf32>
      %swap3A = arith.index_cast %scan3A_344 : i32 to index
      %swap3A_353 = arith.constant 0 : index
      %swap3A_354 = tpu.vector_load %arg14[%swap3A, %swap3A_353] {strides = array<i32>} : memref<157x32xf32, #tpu.memory_space<vmem>>, vector<16xf32>,
      tpu.vector_store %arg14[%swap3A, %swap3A_353], %mul3A_352 {strides = array<i32>} : memref<157x32xf32, #tpu.memory_space<vmem>>, vector<16xf32>,
      %get3A_355 = arith.index_cast %scan3A_344 : i32 to index
      %get3A_356 = arith.constant 16 : index
      %get3A_357 = tpu.vector_load %arg14[%get3A_355, %get3A_356] {strides = array<i32>} : memref<157x32xf32, #tpu.memory_space<vmem>>, vector<16xf32>,
      %mul3A_358 = arith.mulf %get3A_357, %get3A_348 : vector<16xf32>
      %swap3A_359 = arith.index_cast %scan3A_344 : i32 to index
      %swap3A_360 = arith.constant 16 : index
      %swap3A_361 = tpu.vector_load %arg14[%swap3A_359, %swap3A_360] {strides = array<i32>} : memref<157x32xf32, #tpu.memory_space<vmem>>, vector<16xf32>,
      tpu.vector_store %arg14[%swap3A_359, %swap3A_360], %mul3A_358 {strides = array<i32>} : memref<157x32xf32, #tpu.memory_space<vmem>>, vector<16xf32>,
    }
    %scan3A_23 = arith.constant 157 : i32
    "tpu.region"() ({
      %run_scoped3A_344 = tpu.sem_alloc : memref<!tpu.dma_semaphore, #tpu.memory_space<semaphore_mem>>
      %dma_start3A_345 = arith.constant 0 : i32
      %dma_start3A_346 = tpu.memref_slice %arg18[%add3A_16, %dma_start3A_345] : memref<10048x32xf32, #tpu.memory_space<vmem_shared>> -> memref<157x32xf32, #tpu.memory_space<vmem_shared>>
      %dma_start3A_347 = arith.constant 0 : i32
      %dma_start3A_348 = tpu.memref_slice %arg18[%add3A_16, %dma_start3A_347] : memref<10048x32xf32, #tpu.memory_space<vmem_shared>> -> memref<157x32xf32, #tpu.memory_space<vmem_shared>>
      tpu.enqueue_dma source(%arg14 : memref<157x32xf32, #tpu.memory_space<vmem>>) target(%dma_start3A_348 : memref<157x32xf32, #tpu.memory_space<vmem_shared>>) target_semaphore(%run_scoped3A_344 : memref<!tpu.dma_semaphore, #tpu.memory_space<semaphore_mem>>)
      %dma_wait3A_349 = arith.constant 0 : i32
      %dma_wait3A_350 = tpu.memref_slice %arg18[%add3A_16, %dma_wait3A_349] : memref<10048x32xf32, #tpu.memory_space<vmem_shared>> -> memref<157x32xf32, #tpu.memory_space<vmem_shared>>
      %dma_wait3A_351 = arith.constant 0 : i32
      %dma_wait3A_352 = tpu.memref_slice %arg18[%add3A_16, %dma_wait3A_351] : memref<10048x32xf32, #tpu.memory_space<vmem_shared>> -> memref<157x32xf32, #tpu.memory_space<vmem_shared>>
      tpu.wait_dma2 semaphore(%run_scoped3A_344 : memref<!tpu.dma_semaphore, #tpu.memory_space<semaphore_mem>>) src(%arg14 : memref<157x32xf32, #tpu.memory_space<vmem>>) dst(%dma_wait3A_352 : memref<157x32xf32, #tpu.memory_space<vmem_shared>>)
      tpu.yield
    }) : () -> ()
    %add3A_24 = arith.constant 157 : i32
    %add3A_25 = arith.addi %mul3A_0, %add3A_24 : i32
    %run_scoped3A_26 = arith.constant 1 : i32
    "tpu.region"() ({
      %run_scoped3A_344 = tpu.sem_alloc : memref<!tpu.dma_semaphore, #tpu.memory_space<semaphore_mem>>
      %dma_start3A_345 = arith.constant 0 : i32
      %dma_start3A_346 = arith.constant 0 : i32
      %dma_start3A_347 = tpu.memref_slice %arg2[%arg0, %arg1, %run_scoped3A_26, %dma_start3A_345, %dma_start3A_346] : memref<2x16x4x157x32xf32, #tpu.memory_space<hbm>> -> memref<1x1x1x157x32xf32, #tpu.memory_space<hbm>>
      %dma_start3A_348 = tpu.memref_squeeze %dma_start3A_347 : memref<1x1x1x157x32xf32, #tpu.memory_space<hbm>> -> memref<157x32xf32, #tpu.memory_space<hbm>>
      %dma_start3A_349 = arith.constant 0 : i32
      %dma_start3A_350 = arith.constant 0 : i32
      %dma_start3A_351 = tpu.memref_slice %arg2[%arg0, %arg1, %run_scoped3A_26, %dma_start3A_349, %dma_start3A_350] : memref<2x16x4x157x32xf32, #tpu.memory_space<hbm>> -> memref<1x1x1x157x32xf32, #tpu.memory_space<hbm>>
      %dma_start3A_352 = tpu.memref_squeeze %dma_start3A_351 : memref<1x1x1x157x32xf32, #tpu.memory_space<hbm>> -> memref<157x32xf32, #tpu.memory_space<hbm>>
      tpu.enqueue_dma source(%dma_start3A_352 : memref<157x32xf32, #tpu.memory_space<hbm>>) target(%arg14 : memref<157x32xf32, #tpu.memory_space<vmem>>) target_semaphore(%run_scoped3A_344 : memref<!tpu.dma_semaphore, #tpu.memory_space<semaphore_mem>>)
      %dma_wait3A_353 = arith.constant 0 : i32
      %dma_wait3A_354 = arith.constant 0 : i32
      %dma_wait3A_355 = tpu.memref_slice %arg2[%arg0, %arg1, %run_scoped3A_26, %dma_wait3A_353, %dma_wait3A_354] : memref<2x16x4x157x32xf32, #tpu.memory_space<hbm>> -> memref<1x1x1x157x32xf32, #tpu.memory_space<hbm>>
      %dma_wait3A_356 = tpu.memref_squeeze %dma_wait3A_355 : memref<1x1x1x157x32xf32, #tpu.memory_space<hbm>> -> memref<157x32xf32, #tpu.memory_space<hbm>>
      %dma_wait3A_357 = arith.constant 0 : i32
      %dma_wait3A_358 = arith.constant 0 : i32
      %dma_wait3A_359 = tpu.memref_slice %arg2[%arg0, %arg1, %run_scoped3A_26, %dma_wait3A_357, %dma_wait3A_358] : memref<2x16x4x157x32xf32, #tpu.memory_space<hbm>> -> memref<1x1x1x157x32xf32, #tpu.memory_space<hbm>>
      %dma_wait3A_360 = tpu.memref_squeeze %dma_wait3A_359 : memref<1x1x1x157x32xf32, #tpu.memory_space<hbm>> -> memref<157x32xf32, #tpu.memory_space<hbm>>
      tpu.wait_dma2 semaphore(%run_scoped3A_344 : memref<!tpu.dma_semaphore, #tpu.memory_space<semaphore_mem>>) src(%dma_wait3A_360 : memref<157x32xf32, #tpu.memory_space<hbm>>) dst(%arg14 : memref<157x32xf32, #tpu.memory_space<vmem>>)
      tpu.yield
    }) : () -> ()
    %scan3A_27 = arith.constant 0 : i32
    %scan3A_28 = arith.constant 0 : i32
    %scan3A_29 = arith.constant 157 : i32
    %scan3A_30 = arith.addi %scan3A_28, %scan3A_29 : i32
    %scan3A_31 = arith.constant 1 : i32
    scf.for %scan3A_344 = %scan3A_28 to %scan3A_30 step %scan3A_31  : i32 {
      %add3A_345 = arith.constant 157 : i32
      %add3A_346 = arith.addi %add3A_345, %scan3A_344 : i32
      %get3A = arith.index_cast %add3A_346 : i32 to index
      %get3A_347 = arith.constant 0 : index
      %get3A_348 = tpu.vector_load %arg13[%get3A, %get3A_347] {strides = array<i32>} : memref<628x16xf32, #tpu.memory_space<vmem>>, vector<16xf32>,
      %get3A_349 = arith.index_cast %scan3A_344 : i32 to index
      %get3A_350 = arith.constant 0 : index
      %get3A_351 = tpu.vector_load %arg14[%get3A_349, %get3A_350] {strides = array<i32>} : memref<157x32xf32, #tpu.memory_space<vmem>>, vector<16xf32>,
      %mul3A_352 = arith.mulf %get3A_351, %get3A_348 : vector<16xf32>
      %swap3A = arith.index_cast %scan3A_344 : i32 to index
      %swap3A_353 = arith.constant 0 : index
      %swap3A_354 = tpu.vector_load %arg14[%swap3A, %swap3A_353] {strides = array<i32>} : memref<157x32xf32, #tpu.memory_space<vmem>>, vector<16xf32>,
      tpu.vector_store %arg14[%swap3A, %swap3A_353], %mul3A_352 {strides = array<i32>} : memref<157x32xf32, #tpu.memory_space<vmem>>, vector<16xf32>,
      %get3A_355 = arith.index_cast %scan3A_344 : i32 to index
      %get3A_356 = arith.constant 16 : index
      %get3A_357 = tpu.vector_load %arg14[%get3A_355, %get3A_356] {strides = array<i32>} : memref<157x32xf32, #tpu.memory_space<vmem>>, vector<16xf32>,
      %mul3A_358 = arith.mulf %get3A_357, %get3A_348 : vector<16xf32>
      %swap3A_359 = arith.index_cast %scan3A_344 : i32 to index
      %swap3A_360 = arith.constant 16 : index
      %swap3A_361 = tpu.vector_load %arg14[%swap3A_359, %swap3A_360] {strides = array<i32>} : memref<157x32xf32, #tpu.memory_space<vmem>>, vector<16xf32>,
      tpu.vector_store %arg14[%swap3A_359, %swap3A_360], %mul3A_358 {strides = array<i32>} : memref<157x32xf32, #tpu.memory_space<vmem>>, vector<16xf32>,
    }
    %scan3A_32 = arith.constant 157 : i32
    "tpu.region"() ({
      %run_scoped3A_344 = tpu.sem_alloc : memref<!tpu.dma_semaphore, #tpu.memory_space<semaphore_mem>>
      %dma_start3A_345 = arith.constant 0 : i32
      %dma_start3A_346 = tpu.memref_slice %arg18[%add3A_25, %dma_start3A_345] : memref<10048x32xf32, #tpu.memory_space<vmem_shared>> -> memref<157x32xf32, #tpu.memory_space<vmem_shared>>
      %dma_start3A_347 = arith.constant 0 : i32
      %dma_start3A_348 = tpu.memref_slice %arg18[%add3A_25, %dma_start3A_347] : memref<10048x32xf32, #tpu.memory_space<vmem_shared>> -> memref<157x32xf32, #tpu.memory_space<vmem_shared>>
      tpu.enqueue_dma source(%arg14 : memref<157x32xf32, #tpu.memory_space<vmem>>) target(%dma_start3A_348 : memref<157x32xf32, #tpu.memory_space<vmem_shared>>) target_semaphore(%run_scoped3A_344 : memref<!tpu.dma_semaphore, #tpu.memory_space<semaphore_mem>>)
      %dma_wait3A_349 = arith.constant 0 : i32
      %dma_wait3A_350 = tpu.memref_slice %arg18[%add3A_25, %dma_wait3A_349] : memref<10048x32xf32, #tpu.memory_space<vmem_shared>> -> memref<157x32xf32, #tpu.memory_space<vmem_shared>>
      %dma_wait3A_351 = arith.constant 0 : i32
      %dma_wait3A_352 = tpu.memref_slice %arg18[%add3A_25, %dma_wait3A_351] : memref<10048x32xf32, #tpu.memory_space<vmem_shared>> -> memref<157x32xf32, #tpu.memory_space<vmem_shared>>
      tpu.wait_dma2 semaphore(%run_scoped3A_344 : memref<!tpu.dma_semaphore, #tpu.memory_space<semaphore_mem>>) src(%arg14 : memref<157x32xf32, #tpu.memory_space<vmem>>) dst(%dma_wait3A_352 : memref<157x32xf32, #tpu.memory_space<vmem_shared>>)
      tpu.yield
    }) : () -> ()
    %add3A_33 = arith.constant 314 : i32
    %add3A_34 = arith.addi %mul3A_0, %add3A_33 : i32
    %run_scoped3A_35 = arith.constant 2 : i32
    "tpu.region"() ({
      %run_scoped3A_344 = tpu.sem_alloc : memref<!tpu.dma_semaphore, #tpu.memory_space<semaphore_mem>>
      %dma_start3A_345 = arith.constant 0 : i32
      %dma_start3A_346 = arith.constant 0 : i32
      %dma_start3A_347 = tpu.memref_slice %arg2[%arg0, %arg1, %run_scoped3A_35, %dma_start3A_345, %dma_start3A_346] : memref<2x16x4x157x32xf32, #tpu.memory_space<hbm>> -> memref<1x1x1x157x32xf32, #tpu.memory_space<hbm>>
      %dma_start3A_348 = tpu.memref_squeeze %dma_start3A_347 : memref<1x1x1x157x32xf32, #tpu.memory_space<hbm>> -> memref<157x32xf32, #tpu.memory_space<hbm>>
      %dma_start3A_349 = arith.constant 0 : i32
      %dma_start3A_350 = arith.constant 0 : i32
      %dma_start3A_351 = tpu.memref_slice %arg2[%arg0, %arg1, %run_scoped3A_35, %dma_start3A_349, %dma_start3A_350] : memref<2x16x4x157x32xf32, #tpu.memory_space<hbm>> -> memref<1x1x1x157x32xf32, #tpu.memory_space<hbm>>
      %dma_start3A_352 = tpu.memref_squeeze %dma_start3A_351 : memref<1x1x1x157x32xf32, #tpu.memory_space<hbm>> -> memref<157x32xf32, #tpu.memory_space<hbm>>
      tpu.enqueue_dma source(%dma_start3A_352 : memref<157x32xf32, #tpu.memory_space<hbm>>) target(%arg14 : memref<157x32xf32, #tpu.memory_space<vmem>>) target_semaphore(%run_scoped3A_344 : memref<!tpu.dma_semaphore, #tpu.memory_space<semaphore_mem>>)
      %dma_wait3A_353 = arith.constant 0 : i32
      %dma_wait3A_354 = arith.constant 0 : i32
      %dma_wait3A_355 = tpu.memref_slice %arg2[%arg0, %arg1, %run_scoped3A_35, %dma_wait3A_353, %dma_wait3A_354] : memref<2x16x4x157x32xf32, #tpu.memory_space<hbm>> -> memref<1x1x1x157x32xf32, #tpu.memory_space<hbm>>
      %dma_wait3A_356 = tpu.memref_squeeze %dma_wait3A_355 : memref<1x1x1x157x32xf32, #tpu.memory_space<hbm>> -> memref<157x32xf32, #tpu.memory_space<hbm>>
      %dma_wait3A_357 = arith.constant 0 : i32
      %dma_wait3A_358 = arith.constant 0 : i32
      %dma_wait3A_359 = tpu.memref_slice %arg2[%arg0, %arg1, %run_scoped3A_35, %dma_wait3A_357, %dma_wait3A_358] : memref<2x16x4x157x32xf32, #tpu.memory_space<hbm>> -> memref<1x1x1x157x32xf32, #tpu.memory_space<hbm>>
      %dma_wait3A_360 = tpu.memref_squeeze %dma_wait3A_359 : memref<1x1x1x157x32xf32, #tpu.memory_space<hbm>> -> memref<157x32xf32, #tpu.memory_space<hbm>>
      tpu.wait_dma2 semaphore(%run_scoped3A_344 : memref<!tpu.dma_semaphore, #tpu.memory_space<semaphore_mem>>) src(%dma_wait3A_360 : memref<157x32xf32, #tpu.memory_space<hbm>>) dst(%arg14 : memref<157x32xf32, #tpu.memory_space<vmem>>)
      tpu.yield
    }) : () -> ()
    %scan3A_36 = arith.constant 0 : i32
    %scan3A_37 = arith.constant 0 : i32
    %scan3A_38 = arith.constant 157 : i32
    %scan3A_39 = arith.addi %scan3A_37, %scan3A_38 : i32
    %scan3A_40 = arith.constant 1 : i32
    scf.for %scan3A_344 = %scan3A_37 to %scan3A_39 step %scan3A_40  : i32 {
      %add3A_345 = arith.constant 314 : i32
      %add3A_346 = arith.addi %add3A_345, %scan3A_344 : i32
      %get3A = arith.index_cast %add3A_346 : i32 to index
      %get3A_347 = arith.constant 0 : index
      %get3A_348 = tpu.vector_load %arg13[%get3A, %get3A_347] {strides = array<i32>} : memref<628x16xf32, #tpu.memory_space<vmem>>, vector<16xf32>,
      %get3A_349 = arith.index_cast %scan3A_344 : i32 to index
      %get3A_350 = arith.constant 0 : index
      %get3A_351 = tpu.vector_load %arg14[%get3A_349, %get3A_350] {strides = array<i32>} : memref<157x32xf32, #tpu.memory_space<vmem>>, vector<16xf32>,
      %mul3A_352 = arith.mulf %get3A_351, %get3A_348 : vector<16xf32>
      %swap3A = arith.index_cast %scan3A_344 : i32 to index
      %swap3A_353 = arith.constant 0 : index
      %swap3A_354 = tpu.vector_load %arg14[%swap3A, %swap3A_353] {strides = array<i32>} : memref<157x32xf32, #tpu.memory_space<vmem>>, vector<16xf32>,
      tpu.vector_store %arg14[%swap3A, %swap3A_353], %mul3A_352 {strides = array<i32>} : memref<157x32xf32, #tpu.memory_space<vmem>>, vector<16xf32>,
      %get3A_355 = arith.index_cast %scan3A_344 : i32 to index
      %get3A_356 = arith.constant 16 : index
      %get3A_357 = tpu.vector_load %arg14[%get3A_355, %get3A_356] {strides = array<i32>} : memref<157x32xf32, #tpu.memory_space<vmem>>, vector<16xf32>,
      %mul3A_358 = arith.mulf %get3A_357, %get3A_348 : vector<16xf32>
      %swap3A_359 = arith.index_cast %scan3A_344 : i32 to index
      %swap3A_360 = arith.constant 16 : index
      %swap3A_361 = tpu.vector_load %arg14[%swap3A_359, %swap3A_360] {strides = array<i32>} : memref<157x32xf32, #tpu.memory_space<vmem>>, vector<16xf32>,
      tpu.vector_store %arg14[%swap3A_359, %swap3A_360], %mul3A_358 {strides = array<i32>} : memref<157x32xf32, #tpu.memory_space<vmem>>, vector<16xf32>,
    }
    %scan3A_41 = arith.constant 157 : i32
    "tpu.region"() ({
      %run_scoped3A_344 = tpu.sem_alloc : memref<!tpu.dma_semaphore, #tpu.memory_space<semaphore_mem>>
      %dma_start3A_345 = arith.constant 0 : i32
      %dma_start3A_346 = tpu.memref_slice %arg18[%add3A_34, %dma_start3A_345] : memref<10048x32xf32, #tpu.memory_space<vmem_shared>> -> memref<157x32xf32, #tpu.memory_space<vmem_shared>>
      %dma_start3A_347 = arith.constant 0 : i32
      %dma_start3A_348 = tpu.memref_slice %arg18[%add3A_34, %dma_start3A_347] : memref<10048x32xf32, #tpu.memory_space<vmem_shared>> -> memref<157x32xf32, #tpu.memory_space<vmem_shared>>
      tpu.enqueue_dma source(%arg14 : memref<157x32xf32, #tpu.memory_space<vmem>>) target(%dma_start3A_348 : memref<157x32xf32, #tpu.memory_space<vmem_shared>>) target_semaphore(%run_scoped3A_344 : memref<!tpu.dma_semaphore, #tpu.memory_space<semaphore_mem>>)
      %dma_wait3A_349 = arith.constant 0 : i32
      %dma_wait3A_350 = tpu.memref_slice %arg18[%add3A_34, %dma_wait3A_349] : memref<10048x32xf32, #tpu.memory_space<vmem_shared>> -> memref<157x32xf32, #tpu.memory_space<vmem_shared>>
      %dma_wait3A_351 = arith.constant 0 : i32
      %dma_wait3A_352 = tpu.memref_slice %arg18[%add3A_34, %dma_wait3A_351] : memref<10048x32xf32, #tpu.memory_space<vmem_shared>> -> memref<157x32xf32, #tpu.memory_space<vmem_shared>>
      tpu.wait_dma2 semaphore(%run_scoped3A_344 : memref<!tpu.dma_semaphore, #tpu.memory_space<semaphore_mem>>) src(%arg14 : memref<157x32xf32, #tpu.memory_space<vmem>>) dst(%dma_wait3A_352 : memref<157x32xf32, #tpu.memory_space<vmem_shared>>)
      tpu.yield
    }) : () -> ()
    %add3A_42 = arith.constant 471 : i32
    %add3A_43 = arith.addi %mul3A_0, %add3A_42 : i32
    %run_scoped3A_44 = arith.constant 3 : i32
    "tpu.region"() ({
      %run_scoped3A_344 = tpu.sem_alloc : memref<!tpu.dma_semaphore, #tpu.memory_space<semaphore_mem>>
      %dma_start3A_345 = arith.constant 0 : i32
      %dma_start3A_346 = arith.constant 0 : i32
      %dma_start3A_347 = tpu.memref_slice %arg2[%arg0, %arg1, %run_scoped3A_44, %dma_start3A_345, %dma_start3A_346] : memref<2x16x4x157x32xf32, #tpu.memory_space<hbm>> -> memref<1x1x1x157x32xf32, #tpu.memory_space<hbm>>
      %dma_start3A_348 = tpu.memref_squeeze %dma_start3A_347 : memref<1x1x1x157x32xf32, #tpu.memory_space<hbm>> -> memref<157x32xf32, #tpu.memory_space<hbm>>
      %dma_start3A_349 = arith.constant 0 : i32
      %dma_start3A_350 = arith.constant 0 : i32
      %dma_start3A_351 = tpu.memref_slice %arg2[%arg0, %arg1, %run_scoped3A_44, %dma_start3A_349, %dma_start3A_350] : memref<2x16x4x157x32xf32, #tpu.memory_space<hbm>> -> memref<1x1x1x157x32xf32, #tpu.memory_space<hbm>>
      %dma_start3A_352 = tpu.memref_squeeze %dma_start3A_351 : memref<1x1x1x157x32xf32, #tpu.memory_space<hbm>> -> memref<157x32xf32, #tpu.memory_space<hbm>>
      tpu.enqueue_dma source(%dma_start3A_352 : memref<157x32xf32, #tpu.memory_space<hbm>>) target(%arg14 : memref<157x32xf32, #tpu.memory_space<vmem>>) target_semaphore(%run_scoped3A_344 : memref<!tpu.dma_semaphore, #tpu.memory_space<semaphore_mem>>)
      %dma_wait3A_353 = arith.constant 0 : i32
      %dma_wait3A_354 = arith.constant 0 : i32
      %dma_wait3A_355 = tpu.memref_slice %arg2[%arg0, %arg1, %run_scoped3A_44, %dma_wait3A_353, %dma_wait3A_354] : memref<2x16x4x157x32xf32, #tpu.memory_space<hbm>> -> memref<1x1x1x157x32xf32, #tpu.memory_space<hbm>>
      %dma_wait3A_356 = tpu.memref_squeeze %dma_wait3A_355 : memref<1x1x1x157x32xf32, #tpu.memory_space<hbm>> -> memref<157x32xf32, #tpu.memory_space<hbm>>
      %dma_wait3A_357 = arith.constant 0 : i32
      %dma_wait3A_358 = arith.constant 0 : i32
      %dma_wait3A_359 = tpu.memref_slice %arg2[%arg0, %arg1, %run_scoped3A_44, %dma_wait3A_357, %dma_wait3A_358] : memref<2x16x4x157x32xf32, #tpu.memory_space<hbm>> -> memref<1x1x1x157x32xf32, #tpu.memory_space<hbm>>
      %dma_wait3A_360 = tpu.memref_squeeze %dma_wait3A_359 : memref<1x1x1x157x32xf32, #tpu.memory_space<hbm>> -> memref<157x32xf32, #tpu.memory_space<hbm>>
      tpu.wait_dma2 semaphore(%run_scoped3A_344 : memref<!tpu.dma_semaphore, #tpu.memory_space<semaphore_mem>>) src(%dma_wait3A_360 : memref<157x32xf32, #tpu.memory_space<hbm>>) dst(%arg14 : memref<157x32xf32, #tpu.memory_space<vmem>>)
      tpu.yield
    }) : () -> ()
    %scan3A_45 = arith.constant 0 : i32
    %scan3A_46 = arith.constant 0 : i32
    %scan3A_47 = arith.constant 157 : i32
    %scan3A_48 = arith.addi %scan3A_46, %scan3A_47 : i32
    %scan3A_49 = arith.constant 1 : i32
    scf.for %scan3A_344 = %scan3A_46 to %scan3A_48 step %scan3A_49  : i32 {
      %add3A_345 = arith.constant 471 : i32
      %add3A_346 = arith.addi %add3A_345, %scan3A_344 : i32
      %get3A = arith.index_cast %add3A_346 : i32 to index
      %get3A_347 = arith.constant 0 : index
      %get3A_348 = tpu.vector_load %arg13[%get3A, %get3A_347] {strides = array<i32>} : memref<628x16xf32, #tpu.memory_space<vmem>>, vector<16xf32>,
      %get3A_349 = arith.index_cast %scan3A_344 : i32 to index
      %get3A_350 = arith.constant 0 : index
      %get3A_351 = tpu.vector_load %arg14[%get3A_349, %get3A_350] {strides = array<i32>} : memref<157x32xf32, #tpu.memory_space<vmem>>, vector<16xf32>,
      %mul3A_352 = arith.mulf %get3A_351, %get3A_348 : vector<16xf32>
      %swap3A = arith.index_cast %scan3A_344 : i32 to index
      %swap3A_353 = arith.constant 0 : index
      %swap3A_354 = tpu.vector_load %arg14[%swap3A, %swap3A_353] {strides = array<i32>} : memref<157x32xf32, #tpu.memory_space<vmem>>, vector<16xf32>,
      tpu.vector_store %arg14[%swap3A, %swap3A_353], %mul3A_352 {strides = array<i32>} : memref<157x32xf32, #tpu.memory_space<vmem>>, vector<16xf32>,
      %get3A_355 = arith.index_cast %scan3A_344 : i32 to index
      %get3A_356 = arith.constant 16 : index
      %get3A_357 = tpu.vector_load %arg14[%get3A_355, %get3A_356] {strides = array<i32>} : memref<157x32xf32, #tpu.memory_space<vmem>>, vector<16xf32>,
      %mul3A_358 = arith.mulf %get3A_357, %get3A_348 : vector<16xf32>
      %swap3A_359 = arith.index_cast %scan3A_344 : i32 to index
      %swap3A_360 = arith.constant 16 : index
      %swap3A_361 = tpu.vector_load %arg14[%swap3A_359, %swap3A_360] {strides = array<i32>} : memref<157x32xf32, #tpu.memory_space<vmem>>, vector<16xf32>,
      tpu.vector_store %arg14[%swap3A_359, %swap3A_360], %mul3A_358 {strides = array<i32>} : memref<157x32xf32, #tpu.memory_space<vmem>>, vector<16xf32>,
    }
    %scan3A_50 = arith.constant 157 : i32
    "tpu.region"() ({
      %run_scoped3A_344 = tpu.sem_alloc : memref<!tpu.dma_semaphore, #tpu.memory_space<semaphore_mem>>
      %dma_start3A_345 = arith.constant 0 : i32
      %dma_start3A_346 = tpu.memref_slice %arg18[%add3A_43, %dma_start3A_345] : memref<10048x32xf32, #tpu.memory_space<vmem_shared>> -> memref<157x32xf32, #tpu.memory_space<vmem_shared>>
      %dma_start3A_347 = arith.constant 0 : i32
      %dma_start3A_348 = tpu.memref_slice %arg18[%add3A_43, %dma_start3A_347] : memref<10048x32xf32, #tpu.memory_space<vmem_shared>> -> memref<157x32xf32, #tpu.memory_space<vmem_shared>>
      tpu.enqueue_dma source(%arg14 : memref<157x32xf32, #tpu.memory_space<vmem>>) target(%dma_start3A_348 : memref<157x32xf32, #tpu.memory_space<vmem_shared>>) target_semaphore(%run_scoped3A_344 : memref<!tpu.dma_semaphore, #tpu.memory_space<semaphore_mem>>)
      %dma_wait3A_349 = arith.constant 0 : i32
      %dma_wait3A_350 = tpu.memref_slice %arg18[%add3A_43, %dma_wait3A_349] : memref<10048x32xf32, #tpu.memory_space<vmem_shared>> -> memref<157x32xf32, #tpu.memory_space<vmem_shared>>
      %dma_wait3A_351 = arith.constant 0 : i32
      %dma_wait3A_352 = tpu.memref_slice %arg18[%add3A_43, %dma_wait3A_351] : memref<10048x32xf32, #tpu.memory_space<vmem_shared>> -> memref<157x32xf32, #tpu.memory_space<vmem_shared>>
      tpu.wait_dma2 semaphore(%run_scoped3A_344 : memref<!tpu.dma_semaphore, #tpu.memory_space<semaphore_mem>>) src(%arg14 : memref<157x32xf32, #tpu.memory_space<vmem>>) dst(%dma_wait3A_352 : memref<157x32xf32, #tpu.memory_space<vmem_shared>>)
      tpu.yield
    }) : () -> ()
    %barrier3A = arith.constant 0 : index
    tpu.barrier barrier_id(%barrier3A)
    %dma_start3A = arith.constant 0 : i32
    %dma_start3A_51 = arith.constant 0 : i32
    %dma_start3A_52 = tpu.memref_slice %arg7[%dma_start3A, %dma_start3A_51] : memref<125x160xi32, #tpu.memory_space<vmem>> -> memref<1x160xi32, #tpu.memory_space<vmem>>
    %dma_start3A_53 = tpu.memref_squeeze %dma_start3A_52 : memref<1x160xi32, #tpu.memory_space<vmem>> -> memref<160xi32, #tpu.memory_space<vmem>>
    %dma_start3A_54 = arith.constant 0 : i32
    %dma_start3A_55 = arith.constant 0 : i32
    %dma_start3A_56 = tpu.memref_slice %arg18[%dma_start3A_54, %dma_start3A_55] : memref<10048x32xf32, #tpu.memory_space<vmem_shared>> -> memref<10048x32xf32, #tpu.memory_space<vmem_shared>>
    tpu.enqueue_indirect_dma source(%dma_start3A_56 : memref<10048x32xf32, #tpu.memory_space<vmem_shared>>) target(%arg9 : memref<160x32xf32, #tpu.memory_space<vmem>>) offsets(%dma_start3A_53 : memref<160xi32, #tpu.memory_space<vmem>>) semaphore(%arg19 : memref<!tpu.dma_semaphore, #tpu.memory_space<semaphore_mem>>)
    %dma_start3A_57 = arith.constant 1 : i32
    %dma_start3A_58 = arith.constant 0 : i32
    %dma_start3A_59 = tpu.memref_slice %arg7[%dma_start3A_57, %dma_start3A_58] : memref<125x160xi32, #tpu.memory_space<vmem>> -> memref<1x160xi32, #tpu.memory_space<vmem>>
    %dma_start3A_60 = tpu.memref_squeeze %dma_start3A_59 : memref<1x160xi32, #tpu.memory_space<vmem>> -> memref<160xi32, #tpu.memory_space<vmem>>
    %dma_start3A_61 = arith.constant 0 : i32
    %dma_start3A_62 = arith.constant 0 : i32
    %dma_start3A_63 = tpu.memref_slice %arg18[%dma_start3A_61, %dma_start3A_62] : memref<10048x32xf32, #tpu.memory_space<vmem_shared>> -> memref<10048x32xf32, #tpu.memory_space<vmem_shared>>
    tpu.enqueue_indirect_dma source(%dma_start3A_63 : memref<10048x32xf32, #tpu.memory_space<vmem_shared>>) target(%arg10 : memref<160x32xf32, #tpu.memory_space<vmem>>) offsets(%dma_start3A_60 : memref<160xi32, #tpu.memory_space<vmem>>) semaphore(%arg20 : memref<!tpu.dma_semaphore, #tpu.memory_space<semaphore_mem>>)
    %dma_start3A_64 = arith.constant 2 : i32
    %dma_start3A_65 = arith.constant 0 : i32
    %dma_start3A_66 = tpu.memref_slice %arg7[%dma_start3A_64, %dma_start3A_65] : memref<125x160xi32, #tpu.memory_space<vmem>> -> memref<1x160xi32, #tpu.memory_space<vmem>>
    %dma_start3A_67 = tpu.memref_squeeze %dma_start3A_66 : memref<1x160xi32, #tpu.memory_space<vmem>> -> memref<160xi32, #tpu.memory_space<vmem>>
    %dma_start3A_68 = arith.constant 0 : i32
    %dma_start3A_69 = arith.constant 0 : i32
    %dma_start3A_70 = tpu.memref_slice %arg18[%dma_start3A_68, %dma_start3A_69] : memref<10048x32xf32, #tpu.memory_space<vmem_shared>> -> memref<10048x32xf32, #tpu.memory_space<vmem_shared>>
    tpu.enqueue_indirect_dma source(%dma_start3A_70 : memref<10048x32xf32, #tpu.memory_space<vmem_shared>>) target(%arg11 : memref<160x32xf32, #tpu.memory_space<vmem>>) offsets(%dma_start3A_67 : memref<160xi32, #tpu.memory_space<vmem>>) semaphore(%arg21 : memref<!tpu.dma_semaphore, #tpu.memory_space<semaphore_mem>>)
    %dma_wait3A = arith.constant 0 : i32
    %dma_wait3A_71 = arith.constant 0 : i32
    %dma_wait3A_72 = tpu.memref_slice %arg7[%dma_wait3A, %dma_wait3A_71] : memref<125x160xi32, #tpu.memory_space<vmem>> -> memref<1x160xi32, #tpu.memory_space<vmem>>
    %dma_wait3A_73 = tpu.memref_squeeze %dma_wait3A_72 : memref<1x160xi32, #tpu.memory_space<vmem>> -> memref<160xi32, #tpu.memory_space<vmem>>
    %dma_wait3A_74 = arith.constant 0 : i32
    %dma_wait3A_75 = arith.constant 0 : i32
    %dma_wait3A_76 = tpu.memref_slice %arg18[%dma_wait3A_74, %dma_wait3A_75] : memref<10048x32xf32, #tpu.memory_space<vmem_shared>> -> memref<10048x32xf32, #tpu.memory_space<vmem_shared>>
    tpu.wait_indirect_dma semaphore(%arg19 : memref<!tpu.dma_semaphore, #tpu.memory_space<semaphore_mem>>) src(%dma_wait3A_76 : memref<10048x32xf32, #tpu.memory_space<vmem_shared>>) dst(%arg9 : memref<160x32xf32, #tpu.memory_space<vmem>>)
    %dma_start3A_77 = arith.constant 0 : i32
    %dma_start3A_78 = arith.constant 0 : i32
    %dma_start3A_79 = tpu.memref_slice %arg8[%dma_start3A_77, %dma_start3A_78] : memref<125x160xi32, #tpu.memory_space<vmem>> -> memref<1x160xi32, #tpu.memory_space<vmem>>
    %dma_start3A_80 = tpu.memref_squeeze %dma_start3A_79 : memref<1x160xi32, #tpu.memory_space<vmem>> -> memref<160xi32, #tpu.memory_space<vmem>>
    %dma_start3A_81 = arith.constant 0 : i32
    %dma_start3A_82 = arith.constant 0 : i32
    %dma_start3A_83 = tpu.memref_slice %arg17[%dma_start3A_81, %dma_start3A_82] : memref<10048x32xf32, #tpu.memory_space<vmem_shared>> -> memref<10048x32xf32, #tpu.memory_space<vmem_shared>>
    tpu.enqueue_indirect_dma source(%arg9 : memref<160x32xf32, #tpu.memory_space<vmem>>) target(%dma_start3A_83 : memref<10048x32xf32, #tpu.memory_space<vmem_shared>>) offsets(%dma_start3A_80 : memref<160xi32, #tpu.memory_space<vmem>>) semaphore(%arg23 : memref<!tpu.dma_semaphore, #tpu.memory_space<semaphore_mem>>) {add = true}
    %dma_start3A_84 = arith.constant 3 : i32
    %dma_start3A_85 = arith.constant 0 : i32
    %dma_start3A_86 = tpu.memref_slice %arg7[%dma_start3A_84, %dma_start3A_85] : memref<125x160xi32, #tpu.memory_space<vmem>> -> memref<1x160xi32, #tpu.memory_space<vmem>>
    %dma_start3A_87 = tpu.memref_squeeze %dma_start3A_86 : memref<1x160xi32, #tpu.memory_space<vmem>> -> memref<160xi32, #tpu.memory_space<vmem>>
    %dma_start3A_88 = arith.constant 0 : i32
    %dma_start3A_89 = arith.constant 0 : i32
    %dma_start3A_90 = tpu.memref_slice %arg18[%dma_start3A_88, %dma_start3A_89] : memref<10048x32xf32, #tpu.memory_space<vmem_shared>> -> memref<10048x32xf32, #tpu.memory_space<vmem_shared>>
    tpu.enqueue_indirect_dma source(%dma_start3A_90 : memref<10048x32xf32, #tpu.memory_space<vmem_shared>>) target(%arg12 : memref<160x32xf32, #tpu.memory_space<vmem>>) offsets(%dma_start3A_87 : memref<160xi32, #tpu.memory_space<vmem>>) semaphore(%arg22 : memref<!tpu.dma_semaphore, #tpu.memory_space<semaphore_mem>>)
    %dma_wait3A_91 = arith.constant 1 : i32
    %dma_wait3A_92 = arith.constant 0 : i32
    %dma_wait3A_93 = tpu.memref_slice %arg7[%dma_wait3A_91, %dma_wait3A_92] : memref<125x160xi32, #tpu.memory_space<vmem>> -> memref<1x160xi32, #tpu.memory_space<vmem>>
    %dma_wait3A_94 = tpu.memref_squeeze %dma_wait3A_93 : memref<1x160xi32, #tpu.memory_space<vmem>> -> memref<160xi32, #tpu.memory_space<vmem>>
    %dma_wait3A_95 = arith.constant 0 : i32
    %dma_wait3A_96 = arith.constant 0 : i32
    %dma_wait3A_97 = tpu.memref_slice %arg18[%dma_wait3A_95, %dma_wait3A_96] : memref<10048x32xf32, #tpu.memory_space<vmem_shared>> -> memref<10048x32xf32, #tpu.memory_space<vmem_shared>>
    tpu.wait_indirect_dma semaphore(%arg20 : memref<!tpu.dma_semaphore, #tpu.memory_space<semaphore_mem>>) src(%dma_wait3A_97 : memref<10048x32xf32, #tpu.memory_space<vmem_shared>>) dst(%arg10 : memref<160x32xf32, #tpu.memory_space<vmem>>)
    %dma_start3A_98 = arith.constant 1 : i32
    %dma_start3A_99 = arith.constant 0 : i32
    %dma_start3A_100 = tpu.memref_slice %arg8[%dma_start3A_98, %dma_start3A_99] : memref<125x160xi32, #tpu.memory_space<vmem>> -> memref<1x160xi32, #tpu.memory_space<vmem>>
    %dma_start3A_101 = tpu.memref_squeeze %dma_start3A_100 : memref<1x160xi32, #tpu.memory_space<vmem>> -> memref<160xi32, #tpu.memory_space<vmem>>
    %dma_start3A_102 = arith.constant 0 : i32
    %dma_start3A_103 = arith.constant 0 : i32
    %dma_start3A_104 = tpu.memref_slice %arg17[%dma_start3A_102, %dma_start3A_103] : memref<10048x32xf32, #tpu.memory_space<vmem_shared>> -> memref<10048x32xf32, #tpu.memory_space<vmem_shared>>
    tpu.enqueue_indirect_dma source(%arg10 : memref<160x32xf32, #tpu.memory_space<vmem>>) target(%dma_start3A_104 : memref<10048x32xf32, #tpu.memory_space<vmem_shared>>) offsets(%dma_start3A_101 : memref<160xi32, #tpu.memory_space<vmem>>) semaphore(%arg24 : memref<!tpu.dma_semaphore, #tpu.memory_space<semaphore_mem>>) {add = true}
    %dma_wait3A_105 = arith.constant 0 : i32
    %dma_wait3A_106 = arith.constant 0 : i32
    %dma_wait3A_107 = tpu.memref_slice %arg8[%dma_wait3A_105, %dma_wait3A_106] : memref<125x160xi32, #tpu.memory_space<vmem>> -> memref<1x160xi32, #tpu.memory_space<vmem>>
    %dma_wait3A_108 = tpu.memref_squeeze %dma_wait3A_107 : memref<1x160xi32, #tpu.memory_space<vmem>> -> memref<160xi32, #tpu.memory_space<vmem>>
    %dma_wait3A_109 = arith.constant 0 : i32
    %dma_wait3A_110 = arith.constant 0 : i32
    %dma_wait3A_111 = tpu.memref_slice %arg17[%dma_wait3A_109, %dma_wait3A_110] : memref<10048x32xf32, #tpu.memory_space<vmem_shared>> -> memref<10048x32xf32, #tpu.memory_space<vmem_shared>>
    tpu.wait_indirect_dma semaphore(%arg23 : memref<!tpu.dma_semaphore, #tpu.memory_space<semaphore_mem>>) src(%arg9 : memref<160x32xf32, #tpu.memory_space<vmem>>) dst(%dma_wait3A_111 : memref<10048x32xf32, #tpu.memory_space<vmem_shared>>)
    %dma_start3A_112 = arith.constant 4 : i32
    %dma_start3A_113 = arith.constant 0 : i32
    %dma_start3A_114 = tpu.memref_slice %arg7[%dma_start3A_112, %dma_start3A_113] : memref<125x160xi32, #tpu.memory_space<vmem>> -> memref<1x160xi32, #tpu.memory_space<vmem>>
    %dma_start3A_115 = tpu.memref_squeeze %dma_start3A_114 : memref<1x160xi32, #tpu.memory_space<vmem>> -> memref<160xi32, #tpu.memory_space<vmem>>
    %dma_start3A_116 = arith.constant 0 : i32
    %dma_start3A_117 = arith.constant 0 : i32
    %dma_start3A_118 = tpu.memref_slice %arg18[%dma_start3A_116, %dma_start3A_117] : memref<10048x32xf32, #tpu.memory_space<vmem_shared>> -> memref<10048x32xf32, #tpu.memory_space<vmem_shared>>
    tpu.enqueue_indirect_dma source(%dma_start3A_118 : memref<10048x32xf32, #tpu.memory_space<vmem_shared>>) target(%arg9 : memref<160x32xf32, #tpu.memory_space<vmem>>) offsets(%dma_start3A_115 : memref<160xi32, #tpu.memory_space<vmem>>) semaphore(%arg19 : memref<!tpu.dma_semaphore, #tpu.memory_space<semaphore_mem>>)
    %dma_wait3A_119 = arith.constant 2 : i32
    %dma_wait3A_120 = arith.constant 0 : i32
    %dma_wait3A_121 = tpu.memref_slice %arg7[%dma_wait3A_119, %dma_wait3A_120] : memref<125x160xi32, #tpu.memory_space<vmem>> -> memref<1x160xi32, #tpu.memory_space<vmem>>
    %dma_wait3A_122 = tpu.memref_squeeze %dma_wait3A_121 : memref<1x160xi32, #tpu.memory_space<vmem>> -> memref<160xi32, #tpu.memory_space<vmem>>
    %dma_wait3A_123 = arith.constant 0 : i32
    %dma_wait3A_124 = arith.constant 0 : i32
    %dma_wait3A_125 = tpu.memref_slice %arg18[%dma_wait3A_123, %dma_wait3A_124] : memref<10048x32xf32, #tpu.memory_space<vmem_shared>> -> memref<10048x32xf32, #tpu.memory_space<vmem_shared>>
    tpu.wait_indirect_dma semaphore(%arg21 : memref<!tpu.dma_semaphore, #tpu.memory_space<semaphore_mem>>) src(%dma_wait3A_125 : memref<10048x32xf32, #tpu.memory_space<vmem_shared>>) dst(%arg11 : memref<160x32xf32, #tpu.memory_space<vmem>>)
    %dma_start3A_126 = arith.constant 2 : i32
    %dma_start3A_127 = arith.constant 0 : i32
    %dma_start3A_128 = tpu.memref_slice %arg8[%dma_start3A_126, %dma_start3A_127] : memref<125x160xi32, #tpu.memory_space<vmem>> -> memref<1x160xi32, #tpu.memory_space<vmem>>
    %dma_start3A_129 = tpu.memref_squeeze %dma_start3A_128 : memref<1x160xi32, #tpu.memory_space<vmem>> -> memref<160xi32, #tpu.memory_space<vmem>>
    %dma_start3A_130 = arith.constant 0 : i32
    %dma_start3A_131 = arith.constant 0 : i32
    %dma_start3A_132 = tpu.memref_slice %arg17[%dma_start3A_130, %dma_start3A_131] : memref<10048x32xf32, #tpu.memory_space<vmem_shared>> -> memref<10048x32xf32, #tpu.memory_space<vmem_shared>>
    tpu.enqueue_indirect_dma source(%arg11 : memref<160x32xf32, #tpu.memory_space<vmem>>) target(%dma_start3A_132 : memref<10048x32xf32, #tpu.memory_space<vmem_shared>>) offsets(%dma_start3A_129 : memref<160xi32, #tpu.memory_space<vmem>>) semaphore(%arg25 : memref<!tpu.dma_semaphore, #tpu.memory_space<semaphore_mem>>) {add = true}
    %dma_wait3A_133 = arith.constant 1 : i32
    %dma_wait3A_134 = arith.constant 0 : i32
    %dma_wait3A_135 = tpu.memref_slice %arg8[%dma_wait3A_133, %dma_wait3A_134] : memref<125x160xi32, #tpu.memory_space<vmem>> -> memref<1x160xi32, #tpu.memory_space<vmem>>
    %dma_wait3A_136 = tpu.memref_squeeze %dma_wait3A_135 : memref<1x160xi32, #tpu.memory_space<vmem>> -> memref<160xi32, #tpu.memory_space<vmem>>
    %dma_wait3A_137 = arith.constant 0 : i32
    %dma_wait3A_138 = arith.constant 0 : i32
    %dma_wait3A_139 = tpu.memref_slice %arg17[%dma_wait3A_137, %dma_wait3A_138] : memref<10048x32xf32, #tpu.memory_space<vmem_shared>> -> memref<10048x32xf32, #tpu.memory_space<vmem_shared>>
    tpu.wait_indirect_dma semaphore(%arg24 : memref<!tpu.dma_semaphore, #tpu.memory_space<semaphore_mem>>) src(%arg10 : memref<160x32xf32, #tpu.memory_space<vmem>>) dst(%dma_wait3A_139 : memref<10048x32xf32, #tpu.memory_space<vmem_shared>>)
    %dma_start3A_140 = arith.constant 5 : i32
    %dma_start3A_141 = arith.constant 0 : i32
    %dma_start3A_142 = tpu.memref_slice %arg7[%dma_start3A_140, %dma_start3A_141] : memref<125x160xi32, #tpu.memory_space<vmem>> -> memref<1x160xi32, #tpu.memory_space<vmem>>
    %dma_start3A_143 = tpu.memref_squeeze %dma_start3A_142 : memref<1x160xi32, #tpu.memory_space<vmem>> -> memref<160xi32, #tpu.memory_space<vmem>>
    %dma_start3A_144 = arith.constant 0 : i32
    %dma_start3A_145 = arith.constant 0 : i32
    %dma_start3A_146 = tpu.memref_slice %arg18[%dma_start3A_144, %dma_start3A_145] : memref<10048x32xf32, #tpu.memory_space<vmem_shared>> -> memref<10048x32xf32, #tpu.memory_space<vmem_shared>>
    tpu.enqueue_indirect_dma source(%dma_start3A_146 : memref<10048x32xf32, #tpu.memory_space<vmem_shared>>) target(%arg10 : memref<160x32xf32, #tpu.memory_space<vmem>>) offsets(%dma_start3A_143 : memref<160xi32, #tpu.memory_space<vmem>>) semaphore(%arg20 : memref<!tpu.dma_semaphore, #tpu.memory_space<semaphore_mem>>)
    %dma_wait3A_147 = arith.constant 3 : i32
    %dma_wait3A_148 = arith.constant 0 : i32
    %dma_wait3A_149 = tpu.memref_slice %arg7[%dma_wait3A_147, %dma_wait3A_148] : memref<125x160xi32, #tpu.memory_space<vmem>> -> memref<1x160xi32, #tpu.memory_space<vmem>>
    %dma_wait3A_150 = tpu.memref_squeeze %dma_wait3A_149 : memref<1x160xi32, #tpu.memory_space<vmem>> -> memref<160xi32, #tpu.memory_space<vmem>>
    %dma_wait3A_151 = arith.constant 0 : i32
    %dma_wait3A_152 = arith.constant 0 : i32
    %dma_wait3A_153 = tpu.memref_slice %arg18[%dma_wait3A_151, %dma_wait3A_152] : memref<10048x32xf32, #tpu.memory_space<vmem_shared>> -> memref<10048x32xf32, #tpu.memory_space<vmem_shared>>
    tpu.wait_indirect_dma semaphore(%arg22 : memref<!tpu.dma_semaphore, #tpu.memory_space<semaphore_mem>>) src(%dma_wait3A_153 : memref<10048x32xf32, #tpu.memory_space<vmem_shared>>) dst(%arg12 : memref<160x32xf32, #tpu.memory_space<vmem>>)
    %dma_start3A_154 = arith.constant 3 : i32
    %dma_start3A_155 = arith.constant 0 : i32
    %dma_start3A_156 = tpu.memref_slice %arg8[%dma_start3A_154, %dma_start3A_155] : memref<125x160xi32, #tpu.memory_space<vmem>> -> memref<1x160xi32, #tpu.memory_space<vmem>>
    %dma_start3A_157 = tpu.memref_squeeze %dma_start3A_156 : memref<1x160xi32, #tpu.memory_space<vmem>> -> memref<160xi32, #tpu.memory_space<vmem>>
    %dma_start3A_158 = arith.constant 0 : i32
    %dma_start3A_159 = arith.constant 0 : i32
    %dma_start3A_160 = tpu.memref_slice %arg17[%dma_start3A_158, %dma_start3A_159] : memref<10048x32xf32, #tpu.memory_space<vmem_shared>> -> memref<10048x32xf32, #tpu.memory_space<vmem_shared>>
    tpu.enqueue_indirect_dma source(%arg12 : memref<160x32xf32, #tpu.memory_space<vmem>>) target(%dma_start3A_160 : memref<10048x32xf32, #tpu.memory_space<vmem_shared>>) offsets(%dma_start3A_157 : memref<160xi32, #tpu.memory_space<vmem>>) semaphore(%arg26 : memref<!tpu.dma_semaphore, #tpu.memory_space<semaphore_mem>>) {add = true}
    %scan3A_161 = arith.constant 0 : i32
    %scan3A_162 = arith.constant 1 : i32
    %scan3A_163 = arith.constant 29 : i32
    %scan3A_164 = arith.addi %scan3A_162, %scan3A_163 : i32
    %scan3A_165 = arith.constant 1 : i32
    scf.for %scan3A_344 = %scan3A_162 to %scan3A_164 step %scan3A_165  : i32 {
      %mul3A_345 = arith.constant 4 : i32
      %mul3A_346 = arith.muli %mul3A_345, %scan3A_344 : i32
      %add3A_347 = arith.constant 0 : i32
      %add3A_348 = arith.addi %mul3A_346, %add3A_347 : i32
      %add3A_349 = arith.constant 2 : i32
      %add3A_350 = arith.addi %add3A_348, %add3A_349 : i32
      %sub3A = arith.constant 4 : i32
      %sub3A_351 = arith.subi %add3A_350, %sub3A : i32
      %dma_wait3A_352 = arith.constant 0 : i32
      %dma_wait3A_353 = tpu.memref_slice %arg8[%sub3A_351, %dma_wait3A_352] : memref<125x160xi32, #tpu.memory_space<vmem>> -> memref<1x160xi32, #tpu.memory_space<vmem>>
      %dma_wait3A_354 = tpu.memref_squeeze %dma_wait3A_353 : memref<1x160xi32, #tpu.memory_space<vmem>> -> memref<160xi32, #tpu.memory_space<vmem>>
      %dma_wait3A_355 = arith.constant 0 : i32
      %dma_wait3A_356 = arith.constant 0 : i32
      %dma_wait3A_357 = tpu.memref_slice %arg17[%dma_wait3A_355, %dma_wait3A_356] : memref<10048x32xf32, #tpu.memory_space<vmem_shared>> -> memref<10048x32xf32, #tpu.memory_space<vmem_shared>>
      tpu.wait_indirect_dma semaphore(%arg25 : memref<!tpu.dma_semaphore, #tpu.memory_space<semaphore_mem>>) src(%arg11 : memref<160x32xf32, #tpu.memory_space<vmem>>) dst(%dma_wait3A_357 : memref<10048x32xf32, #tpu.memory_space<vmem_shared>>)
      %add3A_358 = arith.constant 2 : i32
      %add3A_359 = arith.addi %add3A_348, %add3A_358 : i32
      %dma_start3A_360 = arith.constant 0 : i32
      %dma_start3A_361 = tpu.memref_slice %arg7[%add3A_359, %dma_start3A_360] : memref<125x160xi32, #tpu.memory_space<vmem>> -> memref<1x160xi32, #tpu.memory_space<vmem>>
      %dma_start3A_362 = tpu.memref_squeeze %dma_start3A_361 : memref<1x160xi32, #tpu.memory_space<vmem>> -> memref<160xi32, #tpu.memory_space<vmem>>
      %dma_start3A_363 = arith.constant 0 : i32
      %dma_start3A_364 = arith.constant 0 : i32
      %dma_start3A_365 = tpu.memref_slice %arg18[%dma_start3A_363, %dma_start3A_364] : memref<10048x32xf32, #tpu.memory_space<vmem_shared>> -> memref<10048x32xf32, #tpu.memory_space<vmem_shared>>
      tpu.enqueue_indirect_dma source(%dma_start3A_365 : memref<10048x32xf32, #tpu.memory_space<vmem_shared>>) target(%arg11 : memref<160x32xf32, #tpu.memory_space<vmem>>) offsets(%dma_start3A_362 : memref<160xi32, #tpu.memory_space<vmem>>) semaphore(%arg21 : memref<!tpu.dma_semaphore, #tpu.memory_space<semaphore_mem>>)
      %dma_wait3A_366 = arith.constant 0 : i32
      %dma_wait3A_367 = tpu.memref_slice %arg7[%add3A_348, %dma_wait3A_366] : memref<125x160xi32, #tpu.memory_space<vmem>> -> memref<1x160xi32, #tpu.memory_space<vmem>>
      %dma_wait3A_368 = tpu.memref_squeeze %dma_wait3A_367 : memref<1x160xi32, #tpu.memory_space<vmem>> -> memref<160xi32, #tpu.memory_space<vmem>>
      %dma_wait3A_369 = arith.constant 0 : i32
      %dma_wait3A_370 = arith.constant 0 : i32
      %dma_wait3A_371 = tpu.memref_slice %arg18[%dma_wait3A_369, %dma_wait3A_370] : memref<10048x32xf32, #tpu.memory_space<vmem_shared>> -> memref<10048x32xf32, #tpu.memory_space<vmem_shared>>
      tpu.wait_indirect_dma semaphore(%arg19 : memref<!tpu.dma_semaphore, #tpu.memory_space<semaphore_mem>>) src(%dma_wait3A_371 : memref<10048x32xf32, #tpu.memory_space<vmem_shared>>) dst(%arg9 : memref<160x32xf32, #tpu.memory_space<vmem>>)
      %dma_start3A_372 = arith.constant 0 : i32
      %dma_start3A_373 = tpu.memref_slice %arg8[%add3A_348, %dma_start3A_372] : memref<125x160xi32, #tpu.memory_space<vmem>> -> memref<1x160xi32, #tpu.memory_space<vmem>>
      %dma_start3A_374 = tpu.memref_squeeze %dma_start3A_373 : memref<1x160xi32, #tpu.memory_space<vmem>> -> memref<160xi32, #tpu.memory_space<vmem>>
      %dma_start3A_375 = arith.constant 0 : i32
      %dma_start3A_376 = arith.constant 0 : i32
      %dma_start3A_377 = tpu.memref_slice %arg17[%dma_start3A_375, %dma_start3A_376] : memref<10048x32xf32, #tpu.memory_space<vmem_shared>> -> memref<10048x32xf32, #tpu.memory_space<vmem_shared>>
      tpu.enqueue_indirect_dma source(%arg9 : memref<160x32xf32, #tpu.memory_space<vmem>>) target(%dma_start3A_377 : memref<10048x32xf32, #tpu.memory_space<vmem_shared>>) offsets(%dma_start3A_374 : memref<160xi32, #tpu.memory_space<vmem>>) semaphore(%arg23 : memref<!tpu.dma_semaphore, #tpu.memory_space<semaphore_mem>>) {add = true}
      %mul3A_378 = arith.constant 4 : i32
      %mul3A_379 = arith.muli %mul3A_378, %scan3A_344 : i32
      %add3A_380 = arith.constant 1 : i32
      %add3A_381 = arith.addi %mul3A_379, %add3A_380 : i32
      %add3A_382 = arith.constant 2 : i32
      %add3A_383 = arith.addi %add3A_381, %add3A_382 : i32
      %sub3A_384 = arith.constant 4 : i32
      %sub3A_385 = arith.subi %add3A_383, %sub3A_384 : i32
      %dma_wait3A_386 = arith.constant 0 : i32
      %dma_wait3A_387 = tpu.memref_slice %arg8[%sub3A_385, %dma_wait3A_386] : memref<125x160xi32, #tpu.memory_space<vmem>> -> memref<1x160xi32, #tpu.memory_space<vmem>>
      %dma_wait3A_388 = tpu.memref_squeeze %dma_wait3A_387 : memref<1x160xi32, #tpu.memory_space<vmem>> -> memref<160xi32, #tpu.memory_space<vmem>>
      %dma_wait3A_389 = arith.constant 0 : i32
      %dma_wait3A_390 = arith.constant 0 : i32
      %dma_wait3A_391 = tpu.memref_slice %arg17[%dma_wait3A_389, %dma_wait3A_390] : memref<10048x32xf32, #tpu.memory_space<vmem_shared>> -> memref<10048x32xf32, #tpu.memory_space<vmem_shared>>
      tpu.wait_indirect_dma semaphore(%arg26 : memref<!tpu.dma_semaphore, #tpu.memory_space<semaphore_mem>>) src(%arg12 : memref<160x32xf32, #tpu.memory_space<vmem>>) dst(%dma_wait3A_391 : memref<10048x32xf32, #tpu.memory_space<vmem_shared>>)
      %add3A_392 = arith.constant 2 : i32
      %add3A_393 = arith.addi %add3A_381, %add3A_392 : i32
      %dma_start3A_394 = arith.constant 0 : i32
      %dma_start3A_395 = tpu.memref_slice %arg7[%add3A_393, %dma_start3A_394] : memref<125x160xi32, #tpu.memory_space<vmem>> -> memref<1x160xi32, #tpu.memory_space<vmem>>
      %dma_start3A_396 = tpu.memref_squeeze %dma_start3A_395 : memref<1x160xi32, #tpu.memory_space<vmem>> -> memref<160xi32, #tpu.memory_space<vmem>>
      %dma_start3A_397 = arith.constant 0 : i32
      %dma_start3A_398 = arith.constant 0 : i32
      %dma_start3A_399 = tpu.memref_slice %arg18[%dma_start3A_397, %dma_start3A_398] : memref<10048x32xf32, #tpu.memory_space<vmem_shared>> -> memref<10048x32xf32, #tpu.memory_space<vmem_shared>>
      tpu.enqueue_indirect_dma source(%dma_start3A_399 : memref<10048x32xf32, #tpu.memory_space<vmem_shared>>) target(%arg12 : memref<160x32xf32, #tpu.memory_space<vmem>>) offsets(%dma_start3A_396 : memref<160xi32, #tpu.memory_space<vmem>>) semaphore(%arg22 : memref<!tpu.dma_semaphore, #tpu.memory_space<semaphore_mem>>)
      %dma_wait3A_400 = arith.constant 0 : i32
      %dma_wait3A_401 = tpu.memref_slice %arg7[%add3A_381, %dma_wait3A_400] : memref<125x160xi32, #tpu.memory_space<vmem>> -> memref<1x160xi32, #tpu.memory_space<vmem>>
      %dma_wait3A_402 = tpu.memref_squeeze %dma_wait3A_401 : memref<1x160xi32, #tpu.memory_space<vmem>> -> memref<160xi32, #tpu.memory_space<vmem>>
      %dma_wait3A_403 = arith.constant 0 : i32
      %dma_wait3A_404 = arith.constant 0 : i32
      %dma_wait3A_405 = tpu.memref_slice %arg18[%dma_wait3A_403, %dma_wait3A_404] : memref<10048x32xf32, #tpu.memory_space<vmem_shared>> -> memref<10048x32xf32, #tpu.memory_space<vmem_shared>>
      tpu.wait_indirect_dma semaphore(%arg20 : memref<!tpu.dma_semaphore, #tpu.memory_space<semaphore_mem>>) src(%dma_wait3A_405 : memref<10048x32xf32, #tpu.memory_space<vmem_shared>>) dst(%arg10 : memref<160x32xf32, #tpu.memory_space<vmem>>)
      %dma_start3A_406 = arith.constant 0 : i32
      %dma_start3A_407 = tpu.memref_slice %arg8[%add3A_381, %dma_start3A_406] : memref<125x160xi32, #tpu.memory_space<vmem>> -> memref<1x160xi32, #tpu.memory_space<vmem>>
      %dma_start3A_408 = tpu.memref_squeeze %dma_start3A_407 : memref<1x160xi32, #tpu.memory_space<vmem>> -> memref<160xi32, #tpu.memory_space<vmem>>
      %dma_start3A_409 = arith.constant 0 : i32
      %dma_start3A_410 = arith.constant 0 : i32
      %dma_start3A_411 = tpu.memref_slice %arg17[%dma_start3A_409, %dma_start3A_410] : memref<10048x32xf32, #tpu.memory_space<vmem_shared>> -> memref<10048x32xf32, #tpu.memory_space<vmem_shared>>
      tpu.enqueue_indirect_dma source(%arg10 : memref<160x32xf32, #tpu.memory_space<vmem>>) target(%dma_start3A_411 : memref<10048x32xf32, #tpu.memory_space<vmem_shared>>) offsets(%dma_start3A_408 : memref<160xi32, #tpu.memory_space<vmem>>) semaphore(%arg24 : memref<!tpu.dma_semaphore, #tpu.memory_space<semaphore_mem>>) {add = true}
      %mul3A_412 = arith.constant 4 : i32
      %mul3A_413 = arith.muli %mul3A_412, %scan3A_344 : i32
      %add3A_414 = arith.constant 2 : i32
      %add3A_415 = arith.addi %mul3A_413, %add3A_414 : i32
      %add3A_416 = arith.constant 2 : i32
      %add3A_417 = arith.addi %add3A_415, %add3A_416 : i32
      %sub3A_418 = arith.constant 4 : i32
      %sub3A_419 = arith.subi %add3A_417, %sub3A_418 : i32
      %dma_wait3A_420 = arith.constant 0 : i32
      %dma_wait3A_421 = tpu.memref_slice %arg8[%sub3A_419, %dma_wait3A_420] : memref<125x160xi32, #tpu.memory_space<vmem>> -> memref<1x160xi32, #tpu.memory_space<vmem>>
      %dma_wait3A_422 = tpu.memref_squeeze %dma_wait3A_421 : memref<1x160xi32, #tpu.memory_space<vmem>> -> memref<160xi32, #tpu.memory_space<vmem>>
      %dma_wait3A_423 = arith.constant 0 : i32
      %dma_wait3A_424 = arith.constant 0 : i32
      %dma_wait3A_425 = tpu.memref_slice %arg17[%dma_wait3A_423, %dma_wait3A_424] : memref<10048x32xf32, #tpu.memory_space<vmem_shared>> -> memref<10048x32xf32, #tpu.memory_space<vmem_shared>>
      tpu.wait_indirect_dma semaphore(%arg23 : memref<!tpu.dma_semaphore, #tpu.memory_space<semaphore_mem>>) src(%arg9 : memref<160x32xf32, #tpu.memory_space<vmem>>) dst(%dma_wait3A_425 : memref<10048x32xf32, #tpu.memory_space<vmem_shared>>)
      %add3A_426 = arith.constant 2 : i32
      %add3A_427 = arith.addi %add3A_415, %add3A_426 : i32
      %dma_start3A_428 = arith.constant 0 : i32
      %dma_start3A_429 = tpu.memref_slice %arg7[%add3A_427, %dma_start3A_428] : memref<125x160xi32, #tpu.memory_space<vmem>> -> memref<1x160xi32, #tpu.memory_space<vmem>>
      %dma_start3A_430 = tpu.memref_squeeze %dma_start3A_429 : memref<1x160xi32, #tpu.memory_space<vmem>> -> memref<160xi32, #tpu.memory_space<vmem>>
      %dma_start3A_431 = arith.constant 0 : i32
      %dma_start3A_432 = arith.constant 0 : i32
      %dma_start3A_433 = tpu.memref_slice %arg18[%dma_start3A_431, %dma_start3A_432] : memref<10048x32xf32, #tpu.memory_space<vmem_shared>> -> memref<10048x32xf32, #tpu.memory_space<vmem_shared>>
      tpu.enqueue_indirect_dma source(%dma_start3A_433 : memref<10048x32xf32, #tpu.memory_space<vmem_shared>>) target(%arg9 : memref<160x32xf32, #tpu.memory_space<vmem>>) offsets(%dma_start3A_430 : memref<160xi32, #tpu.memory_space<vmem>>) semaphore(%arg19 : memref<!tpu.dma_semaphore, #tpu.memory_space<semaphore_mem>>)
      %dma_wait3A_434 = arith.constant 0 : i32
      %dma_wait3A_435 = tpu.memref_slice %arg7[%add3A_415, %dma_wait3A_434] : memref<125x160xi32, #tpu.memory_space<vmem>> -> memref<1x160xi32, #tpu.memory_space<vmem>>
      %dma_wait3A_436 = tpu.memref_squeeze %dma_wait3A_435 : memref<1x160xi32, #tpu.memory_space<vmem>> -> memref<160xi32, #tpu.memory_space<vmem>>
      %dma_wait3A_437 = arith.constant 0 : i32
      %dma_wait3A_438 = arith.constant 0 : i32
      %dma_wait3A_439 = tpu.memref_slice %arg18[%dma_wait3A_437, %dma_wait3A_438] : memref<10048x32xf32, #tpu.memory_space<vmem_shared>> -> memref<10048x32xf32, #tpu.memory_space<vmem_shared>>
      tpu.wait_indirect_dma semaphore(%arg21 : memref<!tpu.dma_semaphore, #tpu.memory_space<semaphore_mem>>) src(%dma_wait3A_439 : memref<10048x32xf32, #tpu.memory_space<vmem_shared>>) dst(%arg11 : memref<160x32xf32, #tpu.memory_space<vmem>>)
      %dma_start3A_440 = arith.constant 0 : i32
      %dma_start3A_441 = tpu.memref_slice %arg8[%add3A_415, %dma_start3A_440] : memref<125x160xi32, #tpu.memory_space<vmem>> -> memref<1x160xi32, #tpu.memory_space<vmem>>
      %dma_start3A_442 = tpu.memref_squeeze %dma_start3A_441 : memref<1x160xi32, #tpu.memory_space<vmem>> -> memref<160xi32, #tpu.memory_space<vmem>>
      %dma_start3A_443 = arith.constant 0 : i32
      %dma_start3A_444 = arith.constant 0 : i32
      %dma_start3A_445 = tpu.memref_slice %arg17[%dma_start3A_443, %dma_start3A_444] : memref<10048x32xf32, #tpu.memory_space<vmem_shared>> -> memref<10048x32xf32, #tpu.memory_space<vmem_shared>>
      tpu.enqueue_indirect_dma source(%arg11 : memref<160x32xf32, #tpu.memory_space<vmem>>) target(%dma_start3A_445 : memref<10048x32xf32, #tpu.memory_space<vmem_shared>>) offsets(%dma_start3A_442 : memref<160xi32, #tpu.memory_space<vmem>>) semaphore(%arg25 : memref<!tpu.dma_semaphore, #tpu.memory_space<semaphore_mem>>) {add = true}
      %mul3A_446 = arith.constant 4 : i32
      %mul3A_447 = arith.muli %mul3A_446, %scan3A_344 : i32
      %add3A_448 = arith.constant 3 : i32
      %add3A_449 = arith.addi %mul3A_447, %add3A_448 : i32
      %add3A_450 = arith.constant 2 : i32
      %add3A_451 = arith.addi %add3A_449, %add3A_450 : i32
      %sub3A_452 = arith.constant 4 : i32
      %sub3A_453 = arith.subi %add3A_451, %sub3A_452 : i32
      %dma_wait3A_454 = arith.constant 0 : i32
      %dma_wait3A_455 = tpu.memref_slice %arg8[%sub3A_453, %dma_wait3A_454] : memref<125x160xi32, #tpu.memory_space<vmem>> -> memref<1x160xi32, #tpu.memory_space<vmem>>
      %dma_wait3A_456 = tpu.memref_squeeze %dma_wait3A_455 : memref<1x160xi32, #tpu.memory_space<vmem>> -> memref<160xi32, #tpu.memory_space<vmem>>
      %dma_wait3A_457 = arith.constant 0 : i32
      %dma_wait3A_458 = arith.constant 0 : i32
      %dma_wait3A_459 = tpu.memref_slice %arg17[%dma_wait3A_457, %dma_wait3A_458] : memref<10048x32xf32, #tpu.memory_space<vmem_shared>> -> memref<10048x32xf32, #tpu.memory_space<vmem_shared>>
      tpu.wait_indirect_dma semaphore(%arg24 : memref<!tpu.dma_semaphore, #tpu.memory_space<semaphore_mem>>) src(%arg10 : memref<160x32xf32, #tpu.memory_space<vmem>>) dst(%dma_wait3A_459 : memref<10048x32xf32, #tpu.memory_space<vmem_shared>>)
      %add3A_460 = arith.constant 2 : i32
      %add3A_461 = arith.addi %add3A_449, %add3A_460 : i32
      %dma_start3A_462 = arith.constant 0 : i32
      %dma_start3A_463 = tpu.memref_slice %arg7[%add3A_461, %dma_start3A_462] : memref<125x160xi32, #tpu.memory_space<vmem>> -> memref<1x160xi32, #tpu.memory_space<vmem>>
      %dma_start3A_464 = tpu.memref_squeeze %dma_start3A_463 : memref<1x160xi32, #tpu.memory_space<vmem>> -> memref<160xi32, #tpu.memory_space<vmem>>
      %dma_start3A_465 = arith.constant 0 : i32
      %dma_start3A_466 = arith.constant 0 : i32
      %dma_start3A_467 = tpu.memref_slice %arg18[%dma_start3A_465, %dma_start3A_466] : memref<10048x32xf32, #tpu.memory_space<vmem_shared>> -> memref<10048x32xf32, #tpu.memory_space<vmem_shared>>
      tpu.enqueue_indirect_dma source(%dma_start3A_467 : memref<10048x32xf32, #tpu.memory_space<vmem_shared>>) target(%arg10 : memref<160x32xf32, #tpu.memory_space<vmem>>) offsets(%dma_start3A_464 : memref<160xi32, #tpu.memory_space<vmem>>) semaphore(%arg20 : memref<!tpu.dma_semaphore, #tpu.memory_space<semaphore_mem>>)
      %dma_wait3A_468 = arith.constant 0 : i32
      %dma_wait3A_469 = tpu.memref_slice %arg7[%add3A_449, %dma_wait3A_468] : memref<125x160xi32, #tpu.memory_space<vmem>> -> memref<1x160xi32, #tpu.memory_space<vmem>>
      %dma_wait3A_470 = tpu.memref_squeeze %dma_wait3A_469 : memref<1x160xi32, #tpu.memory_space<vmem>> -> memref<160xi32, #tpu.memory_space<vmem>>
      %dma_wait3A_471 = arith.constant 0 : i32
      %dma_wait3A_472 = arith.constant 0 : i32
      %dma_wait3A_473 = tpu.memref_slice %arg18[%dma_wait3A_471, %dma_wait3A_472] : memref<10048x32xf32, #tpu.memory_space<vmem_shared>> -> memref<10048x32xf32, #tpu.memory_space<vmem_shared>>
      tpu.wait_indirect_dma semaphore(%arg22 : memref<!tpu.dma_semaphore, #tpu.memory_space<semaphore_mem>>) src(%dma_wait3A_473 : memref<10048x32xf32, #tpu.memory_space<vmem_shared>>) dst(%arg12 : memref<160x32xf32, #tpu.memory_space<vmem>>)
      %dma_start3A_474 = arith.constant 0 : i32
      %dma_start3A_475 = tpu.memref_slice %arg8[%add3A_449, %dma_start3A_474] : memref<125x160xi32, #tpu.memory_space<vmem>> -> memref<1x160xi32, #tpu.memory_space<vmem>>
      %dma_start3A_476 = tpu.memref_squeeze %dma_start3A_475 : memref<1x160xi32, #tpu.memory_space<vmem>> -> memref<160xi32, #tpu.memory_space<vmem>>
      %dma_start3A_477 = arith.constant 0 : i32
      %dma_start3A_478 = arith.constant 0 : i32
      %dma_start3A_479 = tpu.memref_slice %arg17[%dma_start3A_477, %dma_start3A_478] : memref<10048x32xf32, #tpu.memory_space<vmem_shared>> -> memref<10048x32xf32, #tpu.memory_space<vmem_shared>>
      tpu.enqueue_indirect_dma source(%arg12 : memref<160x32xf32, #tpu.memory_space<vmem>>) target(%dma_start3A_479 : memref<10048x32xf32, #tpu.memory_space<vmem_shared>>) offsets(%dma_start3A_476 : memref<160xi32, #tpu.memory_space<vmem>>) semaphore(%arg26 : memref<!tpu.dma_semaphore, #tpu.memory_space<semaphore_mem>>) {add = true}
    }
    %scan3A_166 = arith.constant 29 : i32
    %dma_wait3A_167 = arith.constant 118 : i32
    %dma_wait3A_168 = arith.constant 0 : i32
    %dma_wait3A_169 = tpu.memref_slice %arg8[%dma_wait3A_167, %dma_wait3A_168] : memref<125x160xi32, #tpu.memory_space<vmem>> -> memref<1x160xi32, #tpu.memory_space<vmem>>
    %dma_wait3A_170 = tpu.memref_squeeze %dma_wait3A_169 : memref<1x160xi32, #tpu.memory_space<vmem>> -> memref<160xi32, #tpu.memory_space<vmem>>
    %dma_wait3A_171 = arith.constant 0 : i32
    %dma_wait3A_172 = arith.constant 0 : i32
    %dma_wait3A_173 = tpu.memref_slice %arg17[%dma_wait3A_171, %dma_wait3A_172] : memref<10048x32xf32, #tpu.memory_space<vmem_shared>> -> memref<10048x32xf32, #tpu.memory_space<vmem_shared>>
    tpu.wait_indirect_dma semaphore(%arg25 : memref<!tpu.dma_semaphore, #tpu.memory_space<semaphore_mem>>) src(%arg11 : memref<160x32xf32, #tpu.memory_space<vmem>>) dst(%dma_wait3A_173 : memref<10048x32xf32, #tpu.memory_space<vmem_shared>>)
    %dma_start3A_174 = arith.constant 122 : i32
    %dma_start3A_175 = arith.constant 0 : i32
    %dma_start3A_176 = tpu.memref_slice %arg7[%dma_start3A_174, %dma_start3A_175] : memref<125x160xi32, #tpu.memory_space<vmem>> -> memref<1x160xi32, #tpu.memory_space<vmem>>
    %dma_start3A_177 = tpu.memref_squeeze %dma_start3A_176 : memref<1x160xi32, #tpu.memory_space<vmem>> -> memref<160xi32, #tpu.memory_space<vmem>>
    %dma_start3A_178 = arith.constant 0 : i32
    %dma_start3A_179 = arith.constant 0 : i32
    %dma_start3A_180 = tpu.memref_slice %arg18[%dma_start3A_178, %dma_start3A_179] : memref<10048x32xf32, #tpu.memory_space<vmem_shared>> -> memref<10048x32xf32, #tpu.memory_space<vmem_shared>>
    tpu.enqueue_indirect_dma source(%dma_start3A_180 : memref<10048x32xf32, #tpu.memory_space<vmem_shared>>) target(%arg11 : memref<160x32xf32, #tpu.memory_space<vmem>>) offsets(%dma_start3A_177 : memref<160xi32, #tpu.memory_space<vmem>>) semaphore(%arg21 : memref<!tpu.dma_semaphore, #tpu.memory_space<semaphore_mem>>)
    %dma_wait3A_181 = arith.constant 120 : i32
    %dma_wait3A_182 = arith.constant 0 : i32
    %dma_wait3A_183 = tpu.memref_slice %arg7[%dma_wait3A_181, %dma_wait3A_182] : memref<125x160xi32, #tpu.memory_space<vmem>> -> memref<1x160xi32, #tpu.memory_space<vmem>>
    %dma_wait3A_184 = tpu.memref_squeeze %dma_wait3A_183 : memref<1x160xi32, #tpu.memory_space<vmem>> -> memref<160xi32, #tpu.memory_space<vmem>>
    %dma_wait3A_185 = arith.constant 0 : i32
    %dma_wait3A_186 = arith.constant 0 : i32
    %dma_wait3A_187 = tpu.memref_slice %arg18[%dma_wait3A_185, %dma_wait3A_186] : memref<10048x32xf32, #tpu.memory_space<vmem_shared>> -> memref<10048x32xf32, #tpu.memory_space<vmem_shared>>
    tpu.wait_indirect_dma semaphore(%arg19 : memref<!tpu.dma_semaphore, #tpu.memory_space<semaphore_mem>>) src(%dma_wait3A_187 : memref<10048x32xf32, #tpu.memory_space<vmem_shared>>) dst(%arg9 : memref<160x32xf32, #tpu.memory_space<vmem>>)
    %dma_start3A_188 = arith.constant 120 : i32
    %dma_start3A_189 = arith.constant 0 : i32
    %dma_start3A_190 = tpu.memref_slice %arg8[%dma_start3A_188, %dma_start3A_189] : memref<125x160xi32, #tpu.memory_space<vmem>> -> memref<1x160xi32, #tpu.memory_space<vmem>>
    %dma_start3A_191 = tpu.memref_squeeze %dma_start3A_190 : memref<1x160xi32, #tpu.memory_space<vmem>> -> memref<160xi32, #tpu.memory_space<vmem>>
    %dma_start3A_192 = arith.constant 0 : i32
    %dma_start3A_193 = arith.constant 0 : i32
    %dma_start3A_194 = tpu.memref_slice %arg17[%dma_start3A_192, %dma_start3A_193] : memref<10048x32xf32, #tpu.memory_space<vmem_shared>> -> memref<10048x32xf32, #tpu.memory_space<vmem_shared>>
    tpu.enqueue_indirect_dma source(%arg9 : memref<160x32xf32, #tpu.memory_space<vmem>>) target(%dma_start3A_194 : memref<10048x32xf32, #tpu.memory_space<vmem_shared>>) offsets(%dma_start3A_191 : memref<160xi32, #tpu.memory_space<vmem>>) semaphore(%arg23 : memref<!tpu.dma_semaphore, #tpu.memory_space<semaphore_mem>>) {add = true}
    %dma_wait3A_195 = arith.constant 119 : i32
    %dma_wait3A_196 = arith.constant 0 : i32
    %dma_wait3A_197 = tpu.memref_slice %arg8[%dma_wait3A_195, %dma_wait3A_196] : memref<125x160xi32, #tpu.memory_space<vmem>> -> memref<1x160xi32, #tpu.memory_space<vmem>>
    %dma_wait3A_198 = tpu.memref_squeeze %dma_wait3A_197 : memref<1x160xi32, #tpu.memory_space<vmem>> -> memref<160xi32, #tpu.memory_space<vmem>>
    %dma_wait3A_199 = arith.constant 0 : i32
    %dma_wait3A_200 = arith.constant 0 : i32
    %dma_wait3A_201 = tpu.memref_slice %arg17[%dma_wait3A_199, %dma_wait3A_200] : memref<10048x32xf32, #tpu.memory_space<vmem_shared>> -> memref<10048x32xf32, #tpu.memory_space<vmem_shared>>
    tpu.wait_indirect_dma semaphore(%arg26 : memref<!tpu.dma_semaphore, #tpu.memory_space<semaphore_mem>>) src(%arg12 : memref<160x32xf32, #tpu.memory_space<vmem>>) dst(%dma_wait3A_201 : memref<10048x32xf32, #tpu.memory_space<vmem_shared>>)
    %dma_start3A_202 = arith.constant 123 : i32
    %dma_start3A_203 = arith.constant 0 : i32
    %dma_start3A_204 = tpu.memref_slice %arg7[%dma_start3A_202, %dma_start3A_203] : memref<125x160xi32, #tpu.memory_space<vmem>> -> memref<1x160xi32, #tpu.memory_space<vmem>>
    %dma_start3A_205 = tpu.memref_squeeze %dma_start3A_204 : memref<1x160xi32, #tpu.memory_space<vmem>> -> memref<160xi32, #tpu.memory_space<vmem>>
    %dma_start3A_206 = arith.constant 0 : i32
    %dma_start3A_207 = arith.constant 0 : i32
    %dma_start3A_208 = tpu.memref_slice %arg18[%dma_start3A_206, %dma_start3A_207] : memref<10048x32xf32, #tpu.memory_space<vmem_shared>> -> memref<10048x32xf32, #tpu.memory_space<vmem_shared>>
    tpu.enqueue_indirect_dma source(%dma_start3A_208 : memref<10048x32xf32, #tpu.memory_space<vmem_shared>>) target(%arg12 : memref<160x32xf32, #tpu.memory_space<vmem>>) offsets(%dma_start3A_205 : memref<160xi32, #tpu.memory_space<vmem>>) semaphore(%arg22 : memref<!tpu.dma_semaphore, #tpu.memory_space<semaphore_mem>>)
    %dma_wait3A_209 = arith.constant 121 : i32
    %dma_wait3A_210 = arith.constant 0 : i32
    %dma_wait3A_211 = tpu.memref_slice %arg7[%dma_wait3A_209, %dma_wait3A_210] : memref<125x160xi32, #tpu.memory_space<vmem>> -> memref<1x160xi32, #tpu.memory_space<vmem>>
    %dma_wait3A_212 = tpu.memref_squeeze %dma_wait3A_211 : memref<1x160xi32, #tpu.memory_space<vmem>> -> memref<160xi32, #tpu.memory_space<vmem>>
    %dma_wait3A_213 = arith.constant 0 : i32
    %dma_wait3A_214 = arith.constant 0 : i32
    %dma_wait3A_215 = tpu.memref_slice %arg18[%dma_wait3A_213, %dma_wait3A_214] : memref<10048x32xf32, #tpu.memory_space<vmem_shared>> -> memref<10048x32xf32, #tpu.memory_space<vmem_shared>>
    tpu.wait_indirect_dma semaphore(%arg20 : memref<!tpu.dma_semaphore, #tpu.memory_space<semaphore_mem>>) src(%dma_wait3A_215 : memref<10048x32xf32, #tpu.memory_space<vmem_shared>>) dst(%arg10 : memref<160x32xf32, #tpu.memory_space<vmem>>)
    %dma_start3A_216 = arith.constant 121 : i32
    %dma_start3A_217 = arith.constant 0 : i32
    %dma_start3A_218 = tpu.memref_slice %arg8[%dma_start3A_216, %dma_start3A_217] : memref<125x160xi32, #tpu.memory_space<vmem>> -> memref<1x160xi32, #tpu.memory_space<vmem>>
    %dma_start3A_219 = tpu.memref_squeeze %dma_start3A_218 : memref<1x160xi32, #tpu.memory_space<vmem>> -> memref<160xi32, #tpu.memory_space<vmem>>
    %dma_start3A_220 = arith.constant 0 : i32
    %dma_start3A_221 = arith.constant 0 : i32
    %dma_start3A_222 = tpu.memref_slice %arg17[%dma_start3A_220, %dma_start3A_221] : memref<10048x32xf32, #tpu.memory_space<vmem_shared>> -> memref<10048x32xf32, #tpu.memory_space<vmem_shared>>
    tpu.enqueue_indirect_dma source(%arg10 : memref<160x32xf32, #tpu.memory_space<vmem>>) target(%dma_start3A_222 : memref<10048x32xf32, #tpu.memory_space<vmem_shared>>) offsets(%dma_start3A_219 : memref<160xi32, #tpu.memory_space<vmem>>) semaphore(%arg24 : memref<!tpu.dma_semaphore, #tpu.memory_space<semaphore_mem>>) {add = true}
    %dma_wait3A_223 = arith.constant 120 : i32
    %dma_wait3A_224 = arith.constant 0 : i32
    %dma_wait3A_225 = tpu.memref_slice %arg8[%dma_wait3A_223, %dma_wait3A_224] : memref<125x160xi32, #tpu.memory_space<vmem>> -> memref<1x160xi32, #tpu.memory_space<vmem>>
    %dma_wait3A_226 = tpu.memref_squeeze %dma_wait3A_225 : memref<1x160xi32, #tpu.memory_space<vmem>> -> memref<160xi32, #tpu.memory_space<vmem>>
    %dma_wait3A_227 = arith.constant 0 : i32
    %dma_wait3A_228 = arith.constant 0 : i32
    %dma_wait3A_229 = tpu.memref_slice %arg17[%dma_wait3A_227, %dma_wait3A_228] : memref<10048x32xf32, #tpu.memory_space<vmem_shared>> -> memref<10048x32xf32, #tpu.memory_space<vmem_shared>>
    tpu.wait_indirect_dma semaphore(%arg23 : memref<!tpu.dma_semaphore, #tpu.memory_space<semaphore_mem>>) src(%arg9 : memref<160x32xf32, #tpu.memory_space<vmem>>) dst(%dma_wait3A_229 : memref<10048x32xf32, #tpu.memory_space<vmem_shared>>)
    %dma_start3A_230 = arith.constant 124 : i32
    %dma_start3A_231 = arith.constant 0 : i32
    %dma_start3A_232 = tpu.memref_slice %arg7[%dma_start3A_230, %dma_start3A_231] : memref<125x160xi32, #tpu.memory_space<vmem>> -> memref<1x160xi32, #tpu.memory_space<vmem>>
    %dma_start3A_233 = tpu.memref_squeeze %dma_start3A_232 : memref<1x160xi32, #tpu.memory_space<vmem>> -> memref<160xi32, #tpu.memory_space<vmem>>
    %dma_start3A_234 = arith.constant 0 : i32
    %dma_start3A_235 = arith.constant 0 : i32
    %dma_start3A_236 = tpu.memref_slice %arg18[%dma_start3A_234, %dma_start3A_235] : memref<10048x32xf32, #tpu.memory_space<vmem_shared>> -> memref<10048x32xf32, #tpu.memory_space<vmem_shared>>
    tpu.enqueue_indirect_dma source(%dma_start3A_236 : memref<10048x32xf32, #tpu.memory_space<vmem_shared>>) target(%arg9 : memref<160x32xf32, #tpu.memory_space<vmem>>) offsets(%dma_start3A_233 : memref<160xi32, #tpu.memory_space<vmem>>) semaphore(%arg19 : memref<!tpu.dma_semaphore, #tpu.memory_space<semaphore_mem>>)
    %dma_wait3A_237 = arith.constant 122 : i32
    %dma_wait3A_238 = arith.constant 0 : i32
    %dma_wait3A_239 = tpu.memref_slice %arg7[%dma_wait3A_237, %dma_wait3A_238] : memref<125x160xi32, #tpu.memory_space<vmem>> -> memref<1x160xi32, #tpu.memory_space<vmem>>
    %dma_wait3A_240 = tpu.memref_squeeze %dma_wait3A_239 : memref<1x160xi32, #tpu.memory_space<vmem>> -> memref<160xi32, #tpu.memory_space<vmem>>
    %dma_wait3A_241 = arith.constant 0 : i32
    %dma_wait3A_242 = arith.constant 0 : i32
    %dma_wait3A_243 = tpu.memref_slice %arg18[%dma_wait3A_241, %dma_wait3A_242] : memref<10048x32xf32, #tpu.memory_space<vmem_shared>> -> memref<10048x32xf32, #tpu.memory_space<vmem_shared>>
    tpu.wait_indirect_dma semaphore(%arg21 : memref<!tpu.dma_semaphore, #tpu.memory_space<semaphore_mem>>) src(%dma_wait3A_243 : memref<10048x32xf32, #tpu.memory_space<vmem_shared>>) dst(%arg11 : memref<160x32xf32, #tpu.memory_space<vmem>>)
    %dma_start3A_244 = arith.constant 122 : i32
    %dma_start3A_245 = arith.constant 0 : i32
    %dma_start3A_246 = tpu.memref_slice %arg8[%dma_start3A_244, %dma_start3A_245] : memref<125x160xi32, #tpu.memory_space<vmem>> -> memref<1x160xi32, #tpu.memory_space<vmem>>
    %dma_start3A_247 = tpu.memref_squeeze %dma_start3A_246 : memref<1x160xi32, #tpu.memory_space<vmem>> -> memref<160xi32, #tpu.memory_space<vmem>>
    %dma_start3A_248 = arith.constant 0 : i32
    %dma_start3A_249 = arith.constant 0 : i32
    %dma_start3A_250 = tpu.memref_slice %arg17[%dma_start3A_248, %dma_start3A_249] : memref<10048x32xf32, #tpu.memory_space<vmem_shared>> -> memref<10048x32xf32, #tpu.memory_space<vmem_shared>>
    tpu.enqueue_indirect_dma source(%arg11 : memref<160x32xf32, #tpu.memory_space<vmem>>) target(%dma_start3A_250 : memref<10048x32xf32, #tpu.memory_space<vmem_shared>>) offsets(%dma_start3A_247 : memref<160xi32, #tpu.memory_space<vmem>>) semaphore(%arg25 : memref<!tpu.dma_semaphore, #tpu.memory_space<semaphore_mem>>) {add = true}
    %dma_wait3A_251 = arith.constant 123 : i32
    %dma_wait3A_252 = arith.constant 0 : i32
    %dma_wait3A_253 = tpu.memref_slice %arg7[%dma_wait3A_251, %dma_wait3A_252] : memref<125x160xi32, #tpu.memory_space<vmem>> -> memref<1x160xi32, #tpu.memory_space<vmem>>
    %dma_wait3A_254 = tpu.memref_squeeze %dma_wait3A_253 : memref<1x160xi32, #tpu.memory_space<vmem>> -> memref<160xi32, #tpu.memory_space<vmem>>
    %dma_wait3A_255 = arith.constant 0 : i32
    %dma_wait3A_256 = arith.constant 0 : i32
    %dma_wait3A_257 = tpu.memref_slice %arg18[%dma_wait3A_255, %dma_wait3A_256] : memref<10048x32xf32, #tpu.memory_space<vmem_shared>> -> memref<10048x32xf32, #tpu.memory_space<vmem_shared>>
    tpu.wait_indirect_dma semaphore(%arg22 : memref<!tpu.dma_semaphore, #tpu.memory_space<semaphore_mem>>) src(%dma_wait3A_257 : memref<10048x32xf32, #tpu.memory_space<vmem_shared>>) dst(%arg12 : memref<160x32xf32, #tpu.memory_space<vmem>>)
    %dma_start3A_258 = arith.constant 123 : i32
    %dma_start3A_259 = arith.constant 0 : i32
    %dma_start3A_260 = tpu.memref_slice %arg8[%dma_start3A_258, %dma_start3A_259] : memref<125x160xi32, #tpu.memory_space<vmem>> -> memref<1x160xi32, #tpu.memory_space<vmem>>
    %dma_start3A_261 = tpu.memref_squeeze %dma_start3A_260 : memref<1x160xi32, #tpu.memory_space<vmem>> -> memref<160xi32, #tpu.memory_space<vmem>>
    %dma_start3A_262 = arith.constant 0 : i32
    %dma_start3A_263 = arith.constant 0 : i32
    %dma_start3A_264 = tpu.memref_slice %arg17[%dma_start3A_262, %dma_start3A_263] : memref<10048x32xf32, #tpu.memory_space<vmem_shared>> -> memref<10048x32xf32, #tpu.memory_space<vmem_shared>>
    tpu.enqueue_indirect_dma source(%arg12 : memref<160x32xf32, #tpu.memory_space<vmem>>) target(%dma_start3A_264 : memref<10048x32xf32, #tpu.memory_space<vmem_shared>>) offsets(%dma_start3A_261 : memref<160xi32, #tpu.memory_space<vmem>>) semaphore(%arg26 : memref<!tpu.dma_semaphore, #tpu.memory_space<semaphore_mem>>) {add = true}
    %dma_wait3A_265 = arith.constant 124 : i32
    %dma_wait3A_266 = arith.constant 0 : i32
    %dma_wait3A_267 = tpu.memref_slice %arg7[%dma_wait3A_265, %dma_wait3A_266] : memref<125x160xi32, #tpu.memory_space<vmem>> -> memref<1x160xi32, #tpu.memory_space<vmem>>
    %dma_wait3A_268 = tpu.memref_squeeze %dma_wait3A_267 : memref<1x160xi32, #tpu.memory_space<vmem>> -> memref<160xi32, #tpu.memory_space<vmem>>
    %dma_wait3A_269 = arith.constant 0 : i32
    %dma_wait3A_270 = arith.constant 0 : i32
    %dma_wait3A_271 = tpu.memref_slice %arg18[%dma_wait3A_269, %dma_wait3A_270] : memref<10048x32xf32, #tpu.memory_space<vmem_shared>> -> memref<10048x32xf32, #tpu.memory_space<vmem_shared>>
    tpu.wait_indirect_dma semaphore(%arg19 : memref<!tpu.dma_semaphore, #tpu.memory_space<semaphore_mem>>) src(%dma_wait3A_271 : memref<10048x32xf32, #tpu.memory_space<vmem_shared>>) dst(%arg9 : memref<160x32xf32, #tpu.memory_space<vmem>>)
    %dma_start3A_272 = arith.constant 124 : i32
    %dma_start3A_273 = arith.constant 0 : i32
    %dma_start3A_274 = tpu.memref_slice %arg8[%dma_start3A_272, %dma_start3A_273] : memref<125x160xi32, #tpu.memory_space<vmem>> -> memref<1x160xi32, #tpu.memory_space<vmem>>
    %dma_start3A_275 = tpu.memref_squeeze %dma_start3A_274 : memref<1x160xi32, #tpu.memory_space<vmem>> -> memref<160xi32, #tpu.memory_space<vmem>>
    %dma_start3A_276 = arith.constant 0 : i32
    %dma_start3A_277 = arith.constant 0 : i32
    %dma_start3A_278 = tpu.memref_slice %arg17[%dma_start3A_276, %dma_start3A_277] : memref<10048x32xf32, #tpu.memory_space<vmem_shared>> -> memref<10048x32xf32, #tpu.memory_space<vmem_shared>>
    tpu.enqueue_indirect_dma source(%arg9 : memref<160x32xf32, #tpu.memory_space<vmem>>) target(%dma_start3A_278 : memref<10048x32xf32, #tpu.memory_space<vmem_shared>>) offsets(%dma_start3A_275 : memref<160xi32, #tpu.memory_space<vmem>>) semaphore(%arg23 : memref<!tpu.dma_semaphore, #tpu.memory_space<semaphore_mem>>) {add = true}
    %dma_wait3A_279 = arith.constant 121 : i32
    %dma_wait3A_280 = arith.constant 0 : i32
    %dma_wait3A_281 = tpu.memref_slice %arg8[%dma_wait3A_279, %dma_wait3A_280] : memref<125x160xi32, #tpu.memory_space<vmem>> -> memref<1x160xi32, #tpu.memory_space<vmem>>
    %dma_wait3A_282 = tpu.memref_squeeze %dma_wait3A_281 : memref<1x160xi32, #tpu.memory_space<vmem>> -> memref<160xi32, #tpu.memory_space<vmem>>
    %dma_wait3A_283 = arith.constant 0 : i32
    %dma_wait3A_284 = arith.constant 0 : i32
    %dma_wait3A_285 = tpu.memref_slice %arg17[%dma_wait3A_283, %dma_wait3A_284] : memref<10048x32xf32, #tpu.memory_space<vmem_shared>> -> memref<10048x32xf32, #tpu.memory_space<vmem_shared>>
    tpu.wait_indirect_dma semaphore(%arg24 : memref<!tpu.dma_semaphore, #tpu.memory_space<semaphore_mem>>) src(%arg10 : memref<160x32xf32, #tpu.memory_space<vmem>>) dst(%dma_wait3A_285 : memref<10048x32xf32, #tpu.memory_space<vmem_shared>>)
    %dma_wait3A_286 = arith.constant 122 : i32
    %dma_wait3A_287 = arith.constant 0 : i32
    %dma_wait3A_288 = tpu.memref_slice %arg8[%dma_wait3A_286, %dma_wait3A_287] : memref<125x160xi32, #tpu.memory_space<vmem>> -> memref<1x160xi32, #tpu.memory_space<vmem>>
    %dma_wait3A_289 = tpu.memref_squeeze %dma_wait3A_288 : memref<1x160xi32, #tpu.memory_space<vmem>> -> memref<160xi32, #tpu.memory_space<vmem>>
    %dma_wait3A_290 = arith.constant 0 : i32
    %dma_wait3A_291 = arith.constant 0 : i32
    %dma_wait3A_292 = tpu.memref_slice %arg17[%dma_wait3A_290, %dma_wait3A_291] : memref<10048x32xf32, #tpu.memory_space<vmem_shared>> -> memref<10048x32xf32, #tpu.memory_space<vmem_shared>>
    tpu.wait_indirect_dma semaphore(%arg25 : memref<!tpu.dma_semaphore, #tpu.memory_space<semaphore_mem>>) src(%arg11 : memref<160x32xf32, #tpu.memory_space<vmem>>) dst(%dma_wait3A_292 : memref<10048x32xf32, #tpu.memory_space<vmem_shared>>)
    %dma_wait3A_293 = arith.constant 123 : i32
    %dma_wait3A_294 = arith.constant 0 : i32
    %dma_wait3A_295 = tpu.memref_slice %arg8[%dma_wait3A_293, %dma_wait3A_294] : memref<125x160xi32, #tpu.memory_space<vmem>> -> memref<1x160xi32, #tpu.memory_space<vmem>>
    %dma_wait3A_296 = tpu.memref_squeeze %dma_wait3A_295 : memref<1x160xi32, #tpu.memory_space<vmem>> -> memref<160xi32, #tpu.memory_space<vmem>>
    %dma_wait3A_297 = arith.constant 0 : i32
    %dma_wait3A_298 = arith.constant 0 : i32
    %dma_wait3A_299 = tpu.memref_slice %arg17[%dma_wait3A_297, %dma_wait3A_298] : memref<10048x32xf32, #tpu.memory_space<vmem_shared>> -> memref<10048x32xf32, #tpu.memory_space<vmem_shared>>
    tpu.wait_indirect_dma semaphore(%arg26 : memref<!tpu.dma_semaphore, #tpu.memory_space<semaphore_mem>>) src(%arg12 : memref<160x32xf32, #tpu.memory_space<vmem>>) dst(%dma_wait3A_299 : memref<10048x32xf32, #tpu.memory_space<vmem_shared>>)
    %dma_wait3A_300 = arith.constant 124 : i32
    %dma_wait3A_301 = arith.constant 0 : i32
    %dma_wait3A_302 = tpu.memref_slice %arg8[%dma_wait3A_300, %dma_wait3A_301] : memref<125x160xi32, #tpu.memory_space<vmem>> -> memref<1x160xi32, #tpu.memory_space<vmem>>
    %dma_wait3A_303 = tpu.memref_squeeze %dma_wait3A_302 : memref<1x160xi32, #tpu.memory_space<vmem>> -> memref<160xi32, #tpu.memory_space<vmem>>
    %dma_wait3A_304 = arith.constant 0 : i32
    %dma_wait3A_305 = arith.constant 0 : i32
    %dma_wait3A_306 = tpu.memref_slice %arg17[%dma_wait3A_304, %dma_wait3A_305] : memref<10048x32xf32, #tpu.memory_space<vmem_shared>> -> memref<10048x32xf32, #tpu.memory_space<vmem_shared>>
    tpu.wait_indirect_dma semaphore(%arg23 : memref<!tpu.dma_semaphore, #tpu.memory_space<semaphore_mem>>) src(%arg9 : memref<160x32xf32, #tpu.memory_space<vmem>>) dst(%dma_wait3A_306 : memref<10048x32xf32, #tpu.memory_space<vmem_shared>>)
    %barrier3A_307 = arith.constant 0 : index
    tpu.barrier barrier_id(%barrier3A_307)
    %add3A_308 = arith.constant 0 : i32
    %add3A_309 = arith.addi %mul3A_0, %add3A_308 : i32
    "tpu.region"() ({
      %run_scoped3A_344 = tpu.sem_alloc : memref<!tpu.dma_semaphore, #tpu.memory_space<semaphore_mem>>
      %dma_start3A_345 = arith.constant 0 : i32
      %dma_start3A_346 = tpu.memref_slice %arg17[%add3A_309, %dma_start3A_345] : memref<10048x32xf32, #tpu.memory_space<vmem_shared>> -> memref<157x32xf32, #tpu.memory_space<vmem_shared>>
      %dma_start3A_347 = arith.constant 0 : i32
      %dma_start3A_348 = tpu.memref_slice %arg17[%add3A_309, %dma_start3A_347] : memref<10048x32xf32, #tpu.memory_space<vmem_shared>> -> memref<157x32xf32, #tpu.memory_space<vmem_shared>>
      tpu.enqueue_dma source(%dma_start3A_348 : memref<157x32xf32, #tpu.memory_space<vmem_shared>>) target(%arg14 : memref<157x32xf32, #tpu.memory_space<vmem>>) target_semaphore(%run_scoped3A_344 : memref<!tpu.dma_semaphore, #tpu.memory_space<semaphore_mem>>)
      %dma_wait3A_349 = arith.constant 0 : i32
      %dma_wait3A_350 = tpu.memref_slice %arg17[%add3A_309, %dma_wait3A_349] : memref<10048x32xf32, #tpu.memory_space<vmem_shared>> -> memref<157x32xf32, #tpu.memory_space<vmem_shared>>
      %dma_wait3A_351 = arith.constant 0 : i32
      %dma_wait3A_352 = tpu.memref_slice %arg17[%add3A_309, %dma_wait3A_351] : memref<10048x32xf32, #tpu.memory_space<vmem_shared>> -> memref<157x32xf32, #tpu.memory_space<vmem_shared>>
      tpu.wait_dma2 semaphore(%run_scoped3A_344 : memref<!tpu.dma_semaphore, #tpu.memory_space<semaphore_mem>>) src(%dma_wait3A_352 : memref<157x32xf32, #tpu.memory_space<vmem_shared>>) dst(%arg14 : memref<157x32xf32, #tpu.memory_space<vmem>>)
      tpu.yield
    }) : () -> ()
    "tpu.region"() ({
      %run_scoped3A_344 = tpu.sem_alloc : memref<!tpu.dma_semaphore, #tpu.memory_space<semaphore_mem>>
      %dma_start3A_345 = arith.constant 0 : i32
      %dma_start3A_346 = tpu.memref_slice %arg18[%add3A_309, %dma_start3A_345] : memref<10048x32xf32, #tpu.memory_space<vmem_shared>> -> memref<157x32xf32, #tpu.memory_space<vmem_shared>>
      %dma_start3A_347 = arith.constant 0 : i32
      %dma_start3A_348 = tpu.memref_slice %arg18[%add3A_309, %dma_start3A_347] : memref<10048x32xf32, #tpu.memory_space<vmem_shared>> -> memref<157x32xf32, #tpu.memory_space<vmem_shared>>
      tpu.enqueue_dma source(%dma_start3A_348 : memref<157x32xf32, #tpu.memory_space<vmem_shared>>) target(%arg15 : memref<157x32xf32, #tpu.memory_space<vmem>>) target_semaphore(%run_scoped3A_344 : memref<!tpu.dma_semaphore, #tpu.memory_space<semaphore_mem>>)
      %dma_wait3A_349 = arith.constant 0 : i32
      %dma_wait3A_350 = tpu.memref_slice %arg18[%add3A_309, %dma_wait3A_349] : memref<10048x32xf32, #tpu.memory_space<vmem_shared>> -> memref<157x32xf32, #tpu.memory_space<vmem_shared>>
      %dma_wait3A_351 = arith.constant 0 : i32
      %dma_wait3A_352 = tpu.memref_slice %arg18[%add3A_309, %dma_wait3A_351] : memref<10048x32xf32, #tpu.memory_space<vmem_shared>> -> memref<157x32xf32, #tpu.memory_space<vmem_shared>>
      tpu.wait_dma2 semaphore(%run_scoped3A_344 : memref<!tpu.dma_semaphore, #tpu.memory_space<semaphore_mem>>) src(%dma_wait3A_352 : memref<157x32xf32, #tpu.memory_space<vmem_shared>>) dst(%arg15 : memref<157x32xf32, #tpu.memory_space<vmem>>)
      tpu.yield
    }) : () -> ()
    %scan3A_310 = arith.constant 0 : i32
    %scan3A_311 = arith.constant 0 : i32
    %scan3A_312 = arith.constant 157 : i32
    %scan3A_313 = arith.addi %scan3A_311, %scan3A_312 : i32
    %scan3A_314 = arith.constant 1 : i32
    scf.for %scan3A_344 = %scan3A_311 to %scan3A_313 step %scan3A_314  : i32 {
      %add3A_345 = arith.constant 0 : i32
      %add3A_346 = arith.addi %add3A_345, %scan3A_344 : i32
      %get3A = arith.index_cast %add3A_346 : i32 to index
      %get3A_347 = arith.constant 0 : index
      %get3A_348 = tpu.vector_load %arg13[%get3A, %get3A_347] {strides = array<i32>} : memref<628x16xf32, #tpu.memory_space<vmem>>, vector<16xf32>,
      %get3A_349 = arith.index_cast %scan3A_344 : i32 to index
      %get3A_350 = arith.constant 0 : index
      %get3A_351 = tpu.vector_load %arg14[%get3A_349, %get3A_350] {strides = array<i32>} : memref<157x32xf32, #tpu.memory_space<vmem>>, vector<16xf32>,
      %get3A_352 = arith.index_cast %scan3A_344 : i32 to index
      %get3A_353 = arith.constant 0 : index
      %get3A_354 = tpu.vector_load %arg15[%get3A_352, %get3A_353] {strides = array<i32>} : memref<157x32xf32, #tpu.memory_space<vmem>>, vector<16xf32>,
      %add3A_355 = arith.addf %get3A_351, %get3A_354 : vector<16xf32>
      %mul3A_356 = arith.mulf %add3A_355, %get3A_348 : vector<16xf32>
      %get3A_357 = arith.constant 0 : index
      %get3A_358 = tpu.vector_load %arg16[%get3A_357] {strides = array<i32>} : memref<32xf32, #tpu.memory_space<vmem>>, vector<16xf32>,
      %add3A_359 = arith.addf %mul3A_356, %get3A_358 : vector<16xf32>
      %mul3A_360 = arith.mulf %add3A_359, %get3A_348 : vector<16xf32>
      %swap3A = arith.index_cast %scan3A_344 : i32 to index
      %swap3A_361 = arith.constant 0 : index
      %swap3A_362 = tpu.vector_load %arg14[%swap3A, %swap3A_361] {strides = array<i32>} : memref<157x32xf32, #tpu.memory_space<vmem>>, vector<16xf32>,
      tpu.vector_store %arg14[%swap3A, %swap3A_361], %mul3A_360 {strides = array<i32>} : memref<157x32xf32, #tpu.memory_space<vmem>>, vector<16xf32>,
      %get3A_363 = arith.index_cast %scan3A_344 : i32 to index
      %get3A_364 = arith.constant 16 : index
      %get3A_365 = tpu.vector_load %arg14[%get3A_363, %get3A_364] {strides = array<i32>} : memref<157x32xf32, #tpu.memory_space<vmem>>, vector<16xf32>,
      %get3A_366 = arith.index_cast %scan3A_344 : i32 to index
      %get3A_367 = arith.constant 16 : index
      %get3A_368 = tpu.vector_load %arg15[%get3A_366, %get3A_367] {strides = array<i32>} : memref<157x32xf32, #tpu.memory_space<vmem>>, vector<16xf32>,
      %add3A_369 = arith.addf %get3A_365, %get3A_368 : vector<16xf32>
      %mul3A_370 = arith.mulf %add3A_369, %get3A_348 : vector<16xf32>
      %get3A_371 = arith.constant 16 : index
      %get3A_372 = tpu.vector_load %arg16[%get3A_371] {strides = array<i32>} : memref<32xf32, #tpu.memory_space<vmem>>, vector<16xf32>,
      %add3A_373 = arith.addf %mul3A_370, %get3A_372 : vector<16xf32>
      %mul3A_374 = arith.mulf %add3A_373, %get3A_348 : vector<16xf32>
      %swap3A_375 = arith.index_cast %scan3A_344 : i32 to index
      %swap3A_376 = arith.constant 16 : index
      %swap3A_377 = tpu.vector_load %arg14[%swap3A_375, %swap3A_376] {strides = array<i32>} : memref<157x32xf32, #tpu.memory_space<vmem>>, vector<16xf32>,
      tpu.vector_store %arg14[%swap3A_375, %swap3A_376], %mul3A_374 {strides = array<i32>} : memref<157x32xf32, #tpu.memory_space<vmem>>, vector<16xf32>,
    }
    %scan3A_315 = arith.constant 157 : i32
    %run_scoped3A_316 = arith.constant 0 : i32
    "tpu.region"() ({
      %run_scoped3A_344 = tpu.sem_alloc : memref<!tpu.dma_semaphore, #tpu.memory_space<semaphore_mem>>
      %dma_start3A_345 = arith.constant 0 : i32
      %dma_start3A_346 = arith.constant 0 : i32
      %dma_start3A_347 = tpu.memref_slice %arg6[%arg0, %arg1, %run_scoped3A_316, %dma_start3A_345, %dma_start3A_346] : memref<2x16x4x157x32xf32, #tpu.memory_space<hbm>> -> memref<1x1x1x157x32xf32, #tpu.memory_space<hbm>>
      %dma_start3A_348 = tpu.memref_squeeze %dma_start3A_347 : memref<1x1x1x157x32xf32, #tpu.memory_space<hbm>> -> memref<157x32xf32, #tpu.memory_space<hbm>>
      %dma_start3A_349 = arith.constant 0 : i32
      %dma_start3A_350 = arith.constant 0 : i32
      %dma_start3A_351 = tpu.memref_slice %arg6[%arg0, %arg1, %run_scoped3A_316, %dma_start3A_349, %dma_start3A_350] : memref<2x16x4x157x32xf32, #tpu.memory_space<hbm>> -> memref<1x1x1x157x32xf32, #tpu.memory_space<hbm>>
      %dma_start3A_352 = tpu.memref_squeeze %dma_start3A_351 : memref<1x1x1x157x32xf32, #tpu.memory_space<hbm>> -> memref<157x32xf32, #tpu.memory_space<hbm>>
      tpu.enqueue_dma source(%arg14 : memref<157x32xf32, #tpu.memory_space<vmem>>) target(%dma_start3A_352 : memref<157x32xf32, #tpu.memory_space<hbm>>) target_semaphore(%run_scoped3A_344 : memref<!tpu.dma_semaphore, #tpu.memory_space<semaphore_mem>>)
      %dma_wait3A_353 = arith.constant 0 : i32
      %dma_wait3A_354 = arith.constant 0 : i32
      %dma_wait3A_355 = tpu.memref_slice %arg6[%arg0, %arg1, %run_scoped3A_316, %dma_wait3A_353, %dma_wait3A_354] : memref<2x16x4x157x32xf32, #tpu.memory_space<hbm>> -> memref<1x1x1x157x32xf32, #tpu.memory_space<hbm>>
      %dma_wait3A_356 = tpu.memref_squeeze %dma_wait3A_355 : memref<1x1x1x157x32xf32, #tpu.memory_space<hbm>> -> memref<157x32xf32, #tpu.memory_space<hbm>>
      %dma_wait3A_357 = arith.constant 0 : i32
      %dma_wait3A_358 = arith.constant 0 : i32
      %dma_wait3A_359 = tpu.memref_slice %arg6[%arg0, %arg1, %run_scoped3A_316, %dma_wait3A_357, %dma_wait3A_358] : memref<2x16x4x157x32xf32, #tpu.memory_space<hbm>> -> memref<1x1x1x157x32xf32, #tpu.memory_space<hbm>>
      %dma_wait3A_360 = tpu.memref_squeeze %dma_wait3A_359 : memref<1x1x1x157x32xf32, #tpu.memory_space<hbm>> -> memref<157x32xf32, #tpu.memory_space<hbm>>
      tpu.wait_dma2 semaphore(%run_scoped3A_344 : memref<!tpu.dma_semaphore, #tpu.memory_space<semaphore_mem>>) src(%arg14 : memref<157x32xf32, #tpu.memory_space<vmem>>) dst(%dma_wait3A_360 : memref<157x32xf32, #tpu.memory_space<hbm>>)
      tpu.yield
    }) : () -> ()
    %add3A_317 = arith.constant 157 : i32
    %add3A_318 = arith.addi %mul3A_0, %add3A_317 : i32
    "tpu.region"() ({
      %run_scoped3A_344 = tpu.sem_alloc : memref<!tpu.dma_semaphore, #tpu.memory_space<semaphore_mem>>
      %dma_start3A_345 = arith.constant 0 : i32
      %dma_start3A_346 = tpu.memref_slice %arg17[%add3A_318, %dma_start3A_345] : memref<10048x32xf32, #tpu.memory_space<vmem_shared>> -> memref<157x32xf32, #tpu.memory_space<vmem_shared>>
      %dma_start3A_347 = arith.constant 0 : i32
      %dma_start3A_348 = tpu.memref_slice %arg17[%add3A_318, %dma_start3A_347] : memref<10048x32xf32, #tpu.memory_space<vmem_shared>> -> memref<157x32xf32, #tpu.memory_space<vmem_shared>>
      tpu.enqueue_dma source(%dma_start3A_348 : memref<157x32xf32, #tpu.memory_space<vmem_shared>>) target(%arg14 : memref<157x32xf32, #tpu.memory_space<vmem>>) target_semaphore(%run_scoped3A_344 : memref<!tpu.dma_semaphore, #tpu.memory_space<semaphore_mem>>)
      %dma_wait3A_349 = arith.constant 0 : i32
      %dma_wait3A_350 = tpu.memref_slice %arg17[%add3A_318, %dma_wait3A_349] : memref<10048x32xf32, #tpu.memory_space<vmem_shared>> -> memref<157x32xf32, #tpu.memory_space<vmem_shared>>
      %dma_wait3A_351 = arith.constant 0 : i32
      %dma_wait3A_352 = tpu.memref_slice %arg17[%add3A_318, %dma_wait3A_351] : memref<10048x32xf32, #tpu.memory_space<vmem_shared>> -> memref<157x32xf32, #tpu.memory_space<vmem_shared>>
      tpu.wait_dma2 semaphore(%run_scoped3A_344 : memref<!tpu.dma_semaphore, #tpu.memory_space<semaphore_mem>>) src(%dma_wait3A_352 : memref<157x32xf32, #tpu.memory_space<vmem_shared>>) dst(%arg14 : memref<157x32xf32, #tpu.memory_space<vmem>>)
      tpu.yield
    }) : () -> ()
    "tpu.region"() ({
      %run_scoped3A_344 = tpu.sem_alloc : memref<!tpu.dma_semaphore, #tpu.memory_space<semaphore_mem>>
      %dma_start3A_345 = arith.constant 0 : i32
      %dma_start3A_346 = tpu.memref_slice %arg18[%add3A_318, %dma_start3A_345] : memref<10048x32xf32, #tpu.memory_space<vmem_shared>> -> memref<157x32xf32, #tpu.memory_space<vmem_shared>>
      %dma_start3A_347 = arith.constant 0 : i32
      %dma_start3A_348 = tpu.memref_slice %arg18[%add3A_318, %dma_start3A_347] : memref<10048x32xf32, #tpu.memory_space<vmem_shared>> -> memref<157x32xf32, #tpu.memory_space<vmem_shared>>
      tpu.enqueue_dma source(%dma_start3A_348 : memref<157x32xf32, #tpu.memory_space<vmem_shared>>) target(%arg15 : memref<157x32xf32, #tpu.memory_space<vmem>>) target_semaphore(%run_scoped3A_344 : memref<!tpu.dma_semaphore, #tpu.memory_space<semaphore_mem>>)
      %dma_wait3A_349 = arith.constant 0 : i32
      %dma_wait3A_350 = tpu.memref_slice %arg18[%add3A_318, %dma_wait3A_349] : memref<10048x32xf32, #tpu.memory_space<vmem_shared>> -> memref<157x32xf32, #tpu.memory_space<vmem_shared>>
      %dma_wait3A_351 = arith.constant 0 : i32
      %dma_wait3A_352 = tpu.memref_slice %arg18[%add3A_318, %dma_wait3A_351] : memref<10048x32xf32, #tpu.memory_space<vmem_shared>> -> memref<157x32xf32, #tpu.memory_space<vmem_shared>>
      tpu.wait_dma2 semaphore(%run_scoped3A_344 : memref<!tpu.dma_semaphore, #tpu.memory_space<semaphore_mem>>) src(%dma_wait3A_352 : memref<157x32xf32, #tpu.memory_space<vmem_shared>>) dst(%arg15 : memref<157x32xf32, #tpu.memory_space<vmem>>)
      tpu.yield
    }) : () -> ()
    %scan3A_319 = arith.constant 0 : i32
    %scan3A_320 = arith.constant 0 : i32
    %scan3A_321 = arith.constant 157 : i32
    %scan3A_322 = arith.addi %scan3A_320, %scan3A_321 : i32
    %scan3A_323 = arith.constant 1 : i32
    scf.for %scan3A_344 = %scan3A_320 to %scan3A_322 step %scan3A_323  : i32 {
      %add3A_345 = arith.constant 157 : i32
      %add3A_346 = arith.addi %add3A_345, %scan3A_344 : i32
      %get3A = arith.index_cast %add3A_346 : i32 to index
      %get3A_347 = arith.constant 0 : index
      %get3A_348 = tpu.vector_load %arg13[%get3A, %get3A_347] {strides = array<i32>} : memref<628x16xf32, #tpu.memory_space<vmem>>, vector<16xf32>,
      %get3A_349 = arith.index_cast %scan3A_344 : i32 to index
      %get3A_350 = arith.constant 0 : index
      %get3A_351 = tpu.vector_load %arg14[%get3A_349, %get3A_350] {strides = array<i32>} : memref<157x32xf32, #tpu.memory_space<vmem>>, vector<16xf32>,
      %get3A_352 = arith.index_cast %scan3A_344 : i32 to index
      %get3A_353 = arith.constant 0 : index
      %get3A_354 = tpu.vector_load %arg15[%get3A_352, %get3A_353] {strides = array<i32>} : memref<157x32xf32, #tpu.memory_space<vmem>>, vector<16xf32>,
      %add3A_355 = arith.addf %get3A_351, %get3A_354 : vector<16xf32>
      %mul3A_356 = arith.mulf %add3A_355, %get3A_348 : vector<16xf32>
      %get3A_357 = arith.constant 0 : index
      %get3A_358 = tpu.vector_load %arg16[%get3A_357] {strides = array<i32>} : memref<32xf32, #tpu.memory_space<vmem>>, vector<16xf32>,
      %add3A_359 = arith.addf %mul3A_356, %get3A_358 : vector<16xf32>
      %mul3A_360 = arith.mulf %add3A_359, %get3A_348 : vector<16xf32>
      %swap3A = arith.index_cast %scan3A_344 : i32 to index
      %swap3A_361 = arith.constant 0 : index
      %swap3A_362 = tpu.vector_load %arg14[%swap3A, %swap3A_361] {strides = array<i32>} : memref<157x32xf32, #tpu.memory_space<vmem>>, vector<16xf32>,
      tpu.vector_store %arg14[%swap3A, %swap3A_361], %mul3A_360 {strides = array<i32>} : memref<157x32xf32, #tpu.memory_space<vmem>>, vector<16xf32>,
      %get3A_363 = arith.index_cast %scan3A_344 : i32 to index
      %get3A_364 = arith.constant 16 : index
      %get3A_365 = tpu.vector_load %arg14[%get3A_363, %get3A_364] {strides = array<i32>} : memref<157x32xf32, #tpu.memory_space<vmem>>, vector<16xf32>,
      %get3A_366 = arith.index_cast %scan3A_344 : i32 to index
      %get3A_367 = arith.constant 16 : index
      %get3A_368 = tpu.vector_load %arg15[%get3A_366, %get3A_367] {strides = array<i32>} : memref<157x32xf32, #tpu.memory_space<vmem>>, vector<16xf32>,
      %add3A_369 = arith.addf %get3A_365, %get3A_368 : vector<16xf32>
      %mul3A_370 = arith.mulf %add3A_369, %get3A_348 : vector<16xf32>
      %get3A_371 = arith.constant 16 : index
      %get3A_372 = tpu.vector_load %arg16[%get3A_371] {strides = array<i32>} : memref<32xf32, #tpu.memory_space<vmem>>, vector<16xf32>,
      %add3A_373 = arith.addf %mul3A_370, %get3A_372 : vector<16xf32>
      %mul3A_374 = arith.mulf %add3A_373, %get3A_348 : vector<16xf32>
      %swap3A_375 = arith.index_cast %scan3A_344 : i32 to index
      %swap3A_376 = arith.constant 16 : index
      %swap3A_377 = tpu.vector_load %arg14[%swap3A_375, %swap3A_376] {strides = array<i32>} : memref<157x32xf32, #tpu.memory_space<vmem>>, vector<16xf32>,
      tpu.vector_store %arg14[%swap3A_375, %swap3A_376], %mul3A_374 {strides = array<i32>} : memref<157x32xf32, #tpu.memory_space<vmem>>, vector<16xf32>,
    }
    %scan3A_324 = arith.constant 157 : i32
    %run_scoped3A_325 = arith.constant 1 : i32
    "tpu.region"() ({
      %run_scoped3A_344 = tpu.sem_alloc : memref<!tpu.dma_semaphore, #tpu.memory_space<semaphore_mem>>
      %dma_start3A_345 = arith.constant 0 : i32
      %dma_start3A_346 = arith.constant 0 : i32
      %dma_start3A_347 = tpu.memref_slice %arg6[%arg0, %arg1, %run_scoped3A_325, %dma_start3A_345, %dma_start3A_346] : memref<2x16x4x157x32xf32, #tpu.memory_space<hbm>> -> memref<1x1x1x157x32xf32, #tpu.memory_space<hbm>>
      %dma_start3A_348 = tpu.memref_squeeze %dma_start3A_347 : memref<1x1x1x157x32xf32, #tpu.memory_space<hbm>> -> memref<157x32xf32, #tpu.memory_space<hbm>>
      %dma_start3A_349 = arith.constant 0 : i32
      %dma_start3A_350 = arith.constant 0 : i32
      %dma_start3A_351 = tpu.memref_slice %arg6[%arg0, %arg1, %run_scoped3A_325, %dma_start3A_349, %dma_start3A_350] : memref<2x16x4x157x32xf32, #tpu.memory_space<hbm>> -> memref<1x1x1x157x32xf32, #tpu.memory_space<hbm>>
      %dma_start3A_352 = tpu.memref_squeeze %dma_start3A_351 : memref<1x1x1x157x32xf32, #tpu.memory_space<hbm>> -> memref<157x32xf32, #tpu.memory_space<hbm>>
      tpu.enqueue_dma source(%arg14 : memref<157x32xf32, #tpu.memory_space<vmem>>) target(%dma_start3A_352 : memref<157x32xf32, #tpu.memory_space<hbm>>) target_semaphore(%run_scoped3A_344 : memref<!tpu.dma_semaphore, #tpu.memory_space<semaphore_mem>>)
      %dma_wait3A_353 = arith.constant 0 : i32
      %dma_wait3A_354 = arith.constant 0 : i32
      %dma_wait3A_355 = tpu.memref_slice %arg6[%arg0, %arg1, %run_scoped3A_325, %dma_wait3A_353, %dma_wait3A_354] : memref<2x16x4x157x32xf32, #tpu.memory_space<hbm>> -> memref<1x1x1x157x32xf32, #tpu.memory_space<hbm>>
      %dma_wait3A_356 = tpu.memref_squeeze %dma_wait3A_355 : memref<1x1x1x157x32xf32, #tpu.memory_space<hbm>> -> memref<157x32xf32, #tpu.memory_space<hbm>>
      %dma_wait3A_357 = arith.constant 0 : i32
      %dma_wait3A_358 = arith.constant 0 : i32
      %dma_wait3A_359 = tpu.memref_slice %arg6[%arg0, %arg1, %run_scoped3A_325, %dma_wait3A_357, %dma_wait3A_358] : memref<2x16x4x157x32xf32, #tpu.memory_space<hbm>> -> memref<1x1x1x157x32xf32, #tpu.memory_space<hbm>>
      %dma_wait3A_360 = tpu.memref_squeeze %dma_wait3A_359 : memref<1x1x1x157x32xf32, #tpu.memory_space<hbm>> -> memref<157x32xf32, #tpu.memory_space<hbm>>
      tpu.wait_dma2 semaphore(%run_scoped3A_344 : memref<!tpu.dma_semaphore, #tpu.memory_space<semaphore_mem>>) src(%arg14 : memref<157x32xf32, #tpu.memory_space<vmem>>) dst(%dma_wait3A_360 : memref<157x32xf32, #tpu.memory_space<hbm>>)
      tpu.yield
    }) : () -> ()
    %add3A_326 = arith.constant 314 : i32
    %add3A_327 = arith.addi %mul3A_0, %add3A_326 : i32
    "tpu.region"() ({
      %run_scoped3A_344 = tpu.sem_alloc : memref<!tpu.dma_semaphore, #tpu.memory_space<semaphore_mem>>
      %dma_start3A_345 = arith.constant 0 : i32
      %dma_start3A_346 = tpu.memref_slice %arg17[%add3A_327, %dma_start3A_345] : memref<10048x32xf32, #tpu.memory_space<vmem_shared>> -> memref<157x32xf32, #tpu.memory_space<vmem_shared>>
      %dma_start3A_347 = arith.constant 0 : i32
      %dma_start3A_348 = tpu.memref_slice %arg17[%add3A_327, %dma_start3A_347] : memref<10048x32xf32, #tpu.memory_space<vmem_shared>> -> memref<157x32xf32, #tpu.memory_space<vmem_shared>>
      tpu.enqueue_dma source(%dma_start3A_348 : memref<157x32xf32, #tpu.memory_space<vmem_shared>>) target(%arg14 : memref<157x32xf32, #tpu.memory_space<vmem>>) target_semaphore(%run_scoped3A_344 : memref<!tpu.dma_semaphore, #tpu.memory_space<semaphore_mem>>)
      %dma_wait3A_349 = arith.constant 0 : i32
      %dma_wait3A_350 = tpu.memref_slice %arg17[%add3A_327, %dma_wait3A_349] : memref<10048x32xf32, #tpu.memory_space<vmem_shared>> -> memref<157x32xf32, #tpu.memory_space<vmem_shared>>
      %dma_wait3A_351 = arith.constant 0 : i32
      %dma_wait3A_352 = tpu.memref_slice %arg17[%add3A_327, %dma_wait3A_351] : memref<10048x32xf32, #tpu.memory_space<vmem_shared>> -> memref<157x32xf32, #tpu.memory_space<vmem_shared>>
      tpu.wait_dma2 semaphore(%run_scoped3A_344 : memref<!tpu.dma_semaphore, #tpu.memory_space<semaphore_mem>>) src(%dma_wait3A_352 : memref<157x32xf32, #tpu.memory_space<vmem_shared>>) dst(%arg14 : memref<157x32xf32, #tpu.memory_space<vmem>>)
      tpu.yield
    }) : () -> ()
    "tpu.region"() ({
      %run_scoped3A_344 = tpu.sem_alloc : memref<!tpu.dma_semaphore, #tpu.memory_space<semaphore_mem>>
      %dma_start3A_345 = arith.constant 0 : i32
      %dma_start3A_346 = tpu.memref_slice %arg18[%add3A_327, %dma_start3A_345] : memref<10048x32xf32, #tpu.memory_space<vmem_shared>> -> memref<157x32xf32, #tpu.memory_space<vmem_shared>>
      %dma_start3A_347 = arith.constant 0 : i32
      %dma_start3A_348 = tpu.memref_slice %arg18[%add3A_327, %dma_start3A_347] : memref<10048x32xf32, #tpu.memory_space<vmem_shared>> -> memref<157x32xf32, #tpu.memory_space<vmem_shared>>
      tpu.enqueue_dma source(%dma_start3A_348 : memref<157x32xf32, #tpu.memory_space<vmem_shared>>) target(%arg15 : memref<157x32xf32, #tpu.memory_space<vmem>>) target_semaphore(%run_scoped3A_344 : memref<!tpu.dma_semaphore, #tpu.memory_space<semaphore_mem>>)
      %dma_wait3A_349 = arith.constant 0 : i32
      %dma_wait3A_350 = tpu.memref_slice %arg18[%add3A_327, %dma_wait3A_349] : memref<10048x32xf32, #tpu.memory_space<vmem_shared>> -> memref<157x32xf32, #tpu.memory_space<vmem_shared>>
      %dma_wait3A_351 = arith.constant 0 : i32
      %dma_wait3A_352 = tpu.memref_slice %arg18[%add3A_327, %dma_wait3A_351] : memref<10048x32xf32, #tpu.memory_space<vmem_shared>> -> memref<157x32xf32, #tpu.memory_space<vmem_shared>>
      tpu.wait_dma2 semaphore(%run_scoped3A_344 : memref<!tpu.dma_semaphore, #tpu.memory_space<semaphore_mem>>) src(%dma_wait3A_352 : memref<157x32xf32, #tpu.memory_space<vmem_shared>>) dst(%arg15 : memref<157x32xf32, #tpu.memory_space<vmem>>)
      tpu.yield
    }) : () -> ()
    %scan3A_328 = arith.constant 0 : i32
    %scan3A_329 = arith.constant 0 : i32
    %scan3A_330 = arith.constant 157 : i32
    %scan3A_331 = arith.addi %scan3A_329, %scan3A_330 : i32
    %scan3A_332 = arith.constant 1 : i32
    scf.for %scan3A_344 = %scan3A_329 to %scan3A_331 step %scan3A_332  : i32 {
      %add3A_345 = arith.constant 314 : i32
      %add3A_346 = arith.addi %add3A_345, %scan3A_344 : i32
      %get3A = arith.index_cast %add3A_346 : i32 to index
      %get3A_347 = arith.constant 0 : index
      %get3A_348 = tpu.vector_load %arg13[%get3A, %get3A_347] {strides = array<i32>} : memref<628x16xf32, #tpu.memory_space<vmem>>, vector<16xf32>,
      %get3A_349 = arith.index_cast %scan3A_344 : i32 to index
      %get3A_350 = arith.constant 0 : index
      %get3A_351 = tpu.vector_load %arg14[%get3A_349, %get3A_350] {strides = array<i32>} : memref<157x32xf32, #tpu.memory_space<vmem>>, vector<16xf32>,
      %get3A_352 = arith.index_cast %scan3A_344 : i32 to index
      %get3A_353 = arith.constant 0 : index
      %get3A_354 = tpu.vector_load %arg15[%get3A_352, %get3A_353] {strides = array<i32>} : memref<157x32xf32, #tpu.memory_space<vmem>>, vector<16xf32>,
      %add3A_355 = arith.addf %get3A_351, %get3A_354 : vector<16xf32>
      %mul3A_356 = arith.mulf %add3A_355, %get3A_348 : vector<16xf32>
      %get3A_357 = arith.constant 0 : index
      %get3A_358 = tpu.vector_load %arg16[%get3A_357] {strides = array<i32>} : memref<32xf32, #tpu.memory_space<vmem>>, vector<16xf32>,
      %add3A_359 = arith.addf %mul3A_356, %get3A_358 : vector<16xf32>
      %mul3A_360 = arith.mulf %add3A_359, %get3A_348 : vector<16xf32>
      %swap3A = arith.index_cast %scan3A_344 : i32 to index
      %swap3A_361 = arith.constant 0 : index
      %swap3A_362 = tpu.vector_load %arg14[%swap3A, %swap3A_361] {strides = array<i32>} : memref<157x32xf32, #tpu.memory_space<vmem>>, vector<16xf32>,
      tpu.vector_store %arg14[%swap3A, %swap3A_361], %mul3A_360 {strides = array<i32>} : memref<157x32xf32, #tpu.memory_space<vmem>>, vector<16xf32>,
      %get3A_363 = arith.index_cast %scan3A_344 : i32 to index
      %get3A_364 = arith.constant 16 : index
      %get3A_365 = tpu.vector_load %arg14[%get3A_363, %get3A_364] {strides = array<i32>} : memref<157x32xf32, #tpu.memory_space<vmem>>, vector<16xf32>,
      %get3A_366 = arith.index_cast %scan3A_344 : i32 to index
      %get3A_367 = arith.constant 16 : index
      %get3A_368 = tpu.vector_load %arg15[%get3A_366, %get3A_367] {strides = array<i32>} : memref<157x32xf32, #tpu.memory_space<vmem>>, vector<16xf32>,
      %add3A_369 = arith.addf %get3A_365, %get3A_368 : vector<16xf32>
      %mul3A_370 = arith.mulf %add3A_369, %get3A_348 : vector<16xf32>
      %get3A_371 = arith.constant 16 : index
      %get3A_372 = tpu.vector_load %arg16[%get3A_371] {strides = array<i32>} : memref<32xf32, #tpu.memory_space<vmem>>, vector<16xf32>,
      %add3A_373 = arith.addf %mul3A_370, %get3A_372 : vector<16xf32>
      %mul3A_374 = arith.mulf %add3A_373, %get3A_348 : vector<16xf32>
      %swap3A_375 = arith.index_cast %scan3A_344 : i32 to index
      %swap3A_376 = arith.constant 16 : index
      %swap3A_377 = tpu.vector_load %arg14[%swap3A_375, %swap3A_376] {strides = array<i32>} : memref<157x32xf32, #tpu.memory_space<vmem>>, vector<16xf32>,
      tpu.vector_store %arg14[%swap3A_375, %swap3A_376], %mul3A_374 {strides = array<i32>} : memref<157x32xf32, #tpu.memory_space<vmem>>, vector<16xf32>,
    }
    %scan3A_333 = arith.constant 157 : i32
    %run_scoped3A_334 = arith.constant 2 : i32
    "tpu.region"() ({
      %run_scoped3A_344 = tpu.sem_alloc : memref<!tpu.dma_semaphore, #tpu.memory_space<semaphore_mem>>
      %dma_start3A_345 = arith.constant 0 : i32
      %dma_start3A_346 = arith.constant 0 : i32
      %dma_start3A_347 = tpu.memref_slice %arg6[%arg0, %arg1, %run_scoped3A_334, %dma_start3A_345, %dma_start3A_346] : memref<2x16x4x157x32xf32, #tpu.memory_space<hbm>> -> memref<1x1x1x157x32xf32, #tpu.memory_space<hbm>>
      %dma_start3A_348 = tpu.memref_squeeze %dma_start3A_347 : memref<1x1x1x157x32xf32, #tpu.memory_space<hbm>> -> memref<157x32xf32, #tpu.memory_space<hbm>>
      %dma_start3A_349 = arith.constant 0 : i32
      %dma_start3A_350 = arith.constant 0 : i32
      %dma_start3A_351 = tpu.memref_slice %arg6[%arg0, %arg1, %run_scoped3A_334, %dma_start3A_349, %dma_start3A_350] : memref<2x16x4x157x32xf32, #tpu.memory_space<hbm>> -> memref<1x1x1x157x32xf32, #tpu.memory_space<hbm>>
      %dma_start3A_352 = tpu.memref_squeeze %dma_start3A_351 : memref<1x1x1x157x32xf32, #tpu.memory_space<hbm>> -> memref<157x32xf32, #tpu.memory_space<hbm>>
      tpu.enqueue_dma source(%arg14 : memref<157x32xf32, #tpu.memory_space<vmem>>) target(%dma_start3A_352 : memref<157x32xf32, #tpu.memory_space<hbm>>) target_semaphore(%run_scoped3A_344 : memref<!tpu.dma_semaphore, #tpu.memory_space<semaphore_mem>>)
      %dma_wait3A_353 = arith.constant 0 : i32
      %dma_wait3A_354 = arith.constant 0 : i32
      %dma_wait3A_355 = tpu.memref_slice %arg6[%arg0, %arg1, %run_scoped3A_334, %dma_wait3A_353, %dma_wait3A_354] : memref<2x16x4x157x32xf32, #tpu.memory_space<hbm>> -> memref<1x1x1x157x32xf32, #tpu.memory_space<hbm>>
      %dma_wait3A_356 = tpu.memref_squeeze %dma_wait3A_355 : memref<1x1x1x157x32xf32, #tpu.memory_space<hbm>> -> memref<157x32xf32, #tpu.memory_space<hbm>>
      %dma_wait3A_357 = arith.constant 0 : i32
      %dma_wait3A_358 = arith.constant 0 : i32
      %dma_wait3A_359 = tpu.memref_slice %arg6[%arg0, %arg1, %run_scoped3A_334, %dma_wait3A_357, %dma_wait3A_358] : memref<2x16x4x157x32xf32, #tpu.memory_space<hbm>> -> memref<1x1x1x157x32xf32, #tpu.memory_space<hbm>>
      %dma_wait3A_360 = tpu.memref_squeeze %dma_wait3A_359 : memref<1x1x1x157x32xf32, #tpu.memory_space<hbm>> -> memref<157x32xf32, #tpu.memory_space<hbm>>
      tpu.wait_dma2 semaphore(%run_scoped3A_344 : memref<!tpu.dma_semaphore, #tpu.memory_space<semaphore_mem>>) src(%arg14 : memref<157x32xf32, #tpu.memory_space<vmem>>) dst(%dma_wait3A_360 : memref<157x32xf32, #tpu.memory_space<hbm>>)
      tpu.yield
    }) : () -> ()
    %add3A_335 = arith.constant 471 : i32
    %add3A_336 = arith.addi %mul3A_0, %add3A_335 : i32
    "tpu.region"() ({
      %run_scoped3A_344 = tpu.sem_alloc : memref<!tpu.dma_semaphore, #tpu.memory_space<semaphore_mem>>
      %dma_start3A_345 = arith.constant 0 : i32
      %dma_start3A_346 = tpu.memref_slice %arg17[%add3A_336, %dma_start3A_345] : memref<10048x32xf32, #tpu.memory_space<vmem_shared>> -> memref<157x32xf32, #tpu.memory_space<vmem_shared>>
      %dma_start3A_347 = arith.constant 0 : i32
      %dma_start3A_348 = tpu.memref_slice %arg17[%add3A_336, %dma_start3A_347] : memref<10048x32xf32, #tpu.memory_space<vmem_shared>> -> memref<157x32xf32, #tpu.memory_space<vmem_shared>>
      tpu.enqueue_dma source(%dma_start3A_348 : memref<157x32xf32, #tpu.memory_space<vmem_shared>>) target(%arg14 : memref<157x32xf32, #tpu.memory_space<vmem>>) target_semaphore(%run_scoped3A_344 : memref<!tpu.dma_semaphore, #tpu.memory_space<semaphore_mem>>)
      %dma_wait3A_349 = arith.constant 0 : i32
      %dma_wait3A_350 = tpu.memref_slice %arg17[%add3A_336, %dma_wait3A_349] : memref<10048x32xf32, #tpu.memory_space<vmem_shared>> -> memref<157x32xf32, #tpu.memory_space<vmem_shared>>
      %dma_wait3A_351 = arith.constant 0 : i32
      %dma_wait3A_352 = tpu.memref_slice %arg17[%add3A_336, %dma_wait3A_351] : memref<10048x32xf32, #tpu.memory_space<vmem_shared>> -> memref<157x32xf32, #tpu.memory_space<vmem_shared>>
      tpu.wait_dma2 semaphore(%run_scoped3A_344 : memref<!tpu.dma_semaphore, #tpu.memory_space<semaphore_mem>>) src(%dma_wait3A_352 : memref<157x32xf32, #tpu.memory_space<vmem_shared>>) dst(%arg14 : memref<157x32xf32, #tpu.memory_space<vmem>>)
      tpu.yield
    }) : () -> ()
    "tpu.region"() ({
      %run_scoped3A_344 = tpu.sem_alloc : memref<!tpu.dma_semaphore, #tpu.memory_space<semaphore_mem>>
      %dma_start3A_345 = arith.constant 0 : i32
      %dma_start3A_346 = tpu.memref_slice %arg18[%add3A_336, %dma_start3A_345] : memref<10048x32xf32, #tpu.memory_space<vmem_shared>> -> memref<157x32xf32, #tpu.memory_space<vmem_shared>>
      %dma_start3A_347 = arith.constant 0 : i32
      %dma_start3A_348 = tpu.memref_slice %arg18[%add3A_336, %dma_start3A_347] : memref<10048x32xf32, #tpu.memory_space<vmem_shared>> -> memref<157x32xf32, #tpu.memory_space<vmem_shared>>
      tpu.enqueue_dma source(%dma_start3A_348 : memref<157x32xf32, #tpu.memory_space<vmem_shared>>) target(%arg15 : memref<157x32xf32, #tpu.memory_space<vmem>>) target_semaphore(%run_scoped3A_344 : memref<!tpu.dma_semaphore, #tpu.memory_space<semaphore_mem>>)
      %dma_wait3A_349 = arith.constant 0 : i32
      %dma_wait3A_350 = tpu.memref_slice %arg18[%add3A_336, %dma_wait3A_349] : memref<10048x32xf32, #tpu.memory_space<vmem_shared>> -> memref<157x32xf32, #tpu.memory_space<vmem_shared>>
      %dma_wait3A_351 = arith.constant 0 : i32
      %dma_wait3A_352 = tpu.memref_slice %arg18[%add3A_336, %dma_wait3A_351] : memref<10048x32xf32, #tpu.memory_space<vmem_shared>> -> memref<157x32xf32, #tpu.memory_space<vmem_shared>>
      tpu.wait_dma2 semaphore(%run_scoped3A_344 : memref<!tpu.dma_semaphore, #tpu.memory_space<semaphore_mem>>) src(%dma_wait3A_352 : memref<157x32xf32, #tpu.memory_space<vmem_shared>>) dst(%arg15 : memref<157x32xf32, #tpu.memory_space<vmem>>)
      tpu.yield
    }) : () -> ()
    %scan3A_337 = arith.constant 0 : i32
    %scan3A_338 = arith.constant 0 : i32
    %scan3A_339 = arith.constant 157 : i32
    %scan3A_340 = arith.addi %scan3A_338, %scan3A_339 : i32
    %scan3A_341 = arith.constant 1 : i32
    scf.for %scan3A_344 = %scan3A_338 to %scan3A_340 step %scan3A_341  : i32 {
      %add3A_345 = arith.constant 471 : i32
      %add3A_346 = arith.addi %add3A_345, %scan3A_344 : i32
      %get3A = arith.index_cast %add3A_346 : i32 to index
      %get3A_347 = arith.constant 0 : index
      %get3A_348 = tpu.vector_load %arg13[%get3A, %get3A_347] {strides = array<i32>} : memref<628x16xf32, #tpu.memory_space<vmem>>, vector<16xf32>,
      %get3A_349 = arith.index_cast %scan3A_344 : i32 to index
      %get3A_350 = arith.constant 0 : index
      %get3A_351 = tpu.vector_load %arg14[%get3A_349, %get3A_350] {strides = array<i32>} : memref<157x32xf32, #tpu.memory_space<vmem>>, vector<16xf32>,
      %get3A_352 = arith.index_cast %scan3A_344 : i32 to index
      %get3A_353 = arith.constant 0 : index
      %get3A_354 = tpu.vector_load %arg15[%get3A_352, %get3A_353] {strides = array<i32>} : memref<157x32xf32, #tpu.memory_space<vmem>>, vector<16xf32>,
      %add3A_355 = arith.addf %get3A_351, %get3A_354 : vector<16xf32>
      %mul3A_356 = arith.mulf %add3A_355, %get3A_348 : vector<16xf32>
      %get3A_357 = arith.constant 0 : index
      %get3A_358 = tpu.vector_load %arg16[%get3A_357] {strides = array<i32>} : memref<32xf32, #tpu.memory_space<vmem>>, vector<16xf32>,
      %add3A_359 = arith.addf %mul3A_356, %get3A_358 : vector<16xf32>
      %mul3A_360 = arith.mulf %add3A_359, %get3A_348 : vector<16xf32>
      %swap3A = arith.index_cast %scan3A_344 : i32 to index
      %swap3A_361 = arith.constant 0 : index
      %swap3A_362 = tpu.vector_load %arg14[%swap3A, %swap3A_361] {strides = array<i32>} : memref<157x32xf32, #tpu.memory_space<vmem>>, vector<16xf32>,
      tpu.vector_store %arg14[%swap3A, %swap3A_361], %mul3A_360 {strides = array<i32>} : memref<157x32xf32, #tpu.memory_space<vmem>>, vector<16xf32>,
      %get3A_363 = arith.index_cast %scan3A_344 : i32 to index
      %get3A_364 = arith.constant 16 : index
      %get3A_365 = tpu.vector_load %arg14[%get3A_363, %get3A_364] {strides = array<i32>} : memref<157x32xf32, #tpu.memory_space<vmem>>, vector<16xf32>,
      %get3A_366 = arith.index_cast %scan3A_344 : i32 to index
      %get3A_367 = arith.constant 16 : index
      %get3A_368 = tpu.vector_load %arg15[%get3A_366, %get3A_367] {strides = array<i32>} : memref<157x32xf32, #tpu.memory_space<vmem>>, vector<16xf32>,
      %add3A_369 = arith.addf %get3A_365, %get3A_368 : vector<16xf32>
      %mul3A_370 = arith.mulf %add3A_369, %get3A_348 : vector<16xf32>
      %get3A_371 = arith.constant 16 : index
      %get3A_372 = tpu.vector_load %arg16[%get3A_371] {strides = array<i32>} : memref<32xf32, #tpu.memory_space<vmem>>, vector<16xf32>,
      %add3A_373 = arith.addf %mul3A_370, %get3A_372 : vector<16xf32>
      %mul3A_374 = arith.mulf %add3A_373, %get3A_348 : vector<16xf32>
      %swap3A_375 = arith.index_cast %scan3A_344 : i32 to index
      %swap3A_376 = arith.constant 16 : index
      %swap3A_377 = tpu.vector_load %arg14[%swap3A_375, %swap3A_376] {strides = array<i32>} : memref<157x32xf32, #tpu.memory_space<vmem>>, vector<16xf32>,
      tpu.vector_store %arg14[%swap3A_375, %swap3A_376], %mul3A_374 {strides = array<i32>} : memref<157x32xf32, #tpu.memory_space<vmem>>, vector<16xf32>,
    }
    %scan3A_342 = arith.constant 157 : i32
    %run_scoped3A_343 = arith.constant 3 : i32
    "tpu.region"() ({
      %run_scoped3A_344 = tpu.sem_alloc : memref<!tpu.dma_semaphore, #tpu.memory_space<semaphore_mem>>
      %dma_start3A_345 = arith.constant 0 : i32
      %dma_start3A_346 = arith.constant 0 : i32
      %dma_start3A_347 = tpu.memref_slice %arg6[%arg0, %arg1, %run_scoped3A_343, %dma_start3A_345, %dma_start3A_346] : memref<2x16x4x157x32xf32, #tpu.memory_space<hbm>> -> memref<1x1x1x157x32xf32, #tpu.memory_space<hbm>>
      %dma_start3A_348 = tpu.memref_squeeze %dma_start3A_347 : memref<1x1x1x157x32xf32, #tpu.memory_space<hbm>> -> memref<157x32xf32, #tpu.memory_space<hbm>>
      %dma_start3A_349 = arith.constant 0 : i32
      %dma_start3A_350 = arith.constant 0 : i32
      %dma_start3A_351 = tpu.memref_slice %arg6[%arg0, %arg1, %run_scoped3A_343, %dma_start3A_349, %dma_start3A_350] : memref<2x16x4x157x32xf32, #tpu.memory_space<hbm>> -> memref<1x1x1x157x32xf32, #tpu.memory_space<hbm>>
      %dma_start3A_352 = tpu.memref_squeeze %dma_start3A_351 : memref<1x1x1x157x32xf32, #tpu.memory_space<hbm>> -> memref<157x32xf32, #tpu.memory_space<hbm>>
      tpu.enqueue_dma source(%arg14 : memref<157x32xf32, #tpu.memory_space<vmem>>) target(%dma_start3A_352 : memref<157x32xf32, #tpu.memory_space<hbm>>) target_semaphore(%run_scoped3A_344 : memref<!tpu.dma_semaphore, #tpu.memory_space<semaphore_mem>>)
      %dma_wait3A_353 = arith.constant 0 : i32
      %dma_wait3A_354 = arith.constant 0 : i32
      %dma_wait3A_355 = tpu.memref_slice %arg6[%arg0, %arg1, %run_scoped3A_343, %dma_wait3A_353, %dma_wait3A_354] : memref<2x16x4x157x32xf32, #tpu.memory_space<hbm>> -> memref<1x1x1x157x32xf32, #tpu.memory_space<hbm>>
      %dma_wait3A_356 = tpu.memref_squeeze %dma_wait3A_355 : memref<1x1x1x157x32xf32, #tpu.memory_space<hbm>> -> memref<157x32xf32, #tpu.memory_space<hbm>>
      %dma_wait3A_357 = arith.constant 0 : i32
      %dma_wait3A_358 = arith.constant 0 : i32
      %dma_wait3A_359 = tpu.memref_slice %arg6[%arg0, %arg1, %run_scoped3A_343, %dma_wait3A_357, %dma_wait3A_358] : memref<2x16x4x157x32xf32, #tpu.memory_space<hbm>> -> memref<1x1x1x157x32xf32, #tpu.memory_space<hbm>>
      %dma_wait3A_360 = tpu.memref_squeeze %dma_wait3A_359 : memref<1x1x1x157x32xf32, #tpu.memory_space<hbm>> -> memref<157x32xf32, #tpu.memory_space<hbm>>
      tpu.wait_dma2 semaphore(%run_scoped3A_344 : memref<!tpu.dma_semaphore, #tpu.memory_space<semaphore_mem>>) src(%arg14 : memref<157x32xf32, #tpu.memory_space<vmem>>) dst(%dma_wait3A_360 : memref<157x32xf32, #tpu.memory_space<hbm>>)
      tpu.yield
    }) : () -> ()
    return
  }
}

#map = affine_map<(d0, d1) -> (0, 0, 0, 0, 0)>
#map1 = affine_map<(d0, d1) -> (0, 0, 0, 0)>
#map2 = affine_map<(d0, d1) -> (0, 0, 0)>
#map3 = affine_map<(d0, d1) -> (0, 0)>
module attributes {stable_mosaic.version = 14 : i64} {
  func.func @agg(%arg0: i32, %arg1: i32, %arg2: memref<2x16x4x157x32xf32, #tpu.memory_space<hbm>>, %arg3: memref<2x16x125x160xi32, #tpu.memory_space<hbm>>, %arg4: memref<16x628x16xf32, #tpu.memory_space<hbm>>, %arg5: memref<2x32xf32, #tpu.memory_space<hbm>>, %arg6: memref<2x16x4x157x32xf32, #tpu.memory_space<hbm>>, %arg7: memref<125x160xi32, #tpu.memory_space<vmem>>, %arg8: memref<125x160xi32, #tpu.memory_space<vmem>>, %arg9: memref<160x32xf32, #tpu.memory_space<vmem>>, %arg10: memref<160x32xf32, #tpu.memory_space<vmem>>, %arg11: memref<160x32xf32, #tpu.memory_space<vmem>>, %arg12: memref<160x32xf32, #tpu.memory_space<vmem>>, %arg13: memref<628x16xf32, #tpu.memory_space<vmem>>, %arg14: memref<157x32xf32, #tpu.memory_space<vmem>>, %arg15: memref<157x32xf32, #tpu.memory_space<vmem>>, %arg16: memref<32xf32, #tpu.memory_space<vmem>>, %arg17: memref<10048x32xf32, #tpu.memory_space<vmem_shared>>, %arg18: memref<10048x32xf32, #tpu.memory_space<vmem_shared>>, %arg19: memref<!tpu.dma_semaphore, #tpu.memory_space<semaphore_mem>>, %arg20: memref<!tpu.dma_semaphore, #tpu.memory_space<semaphore_mem>>, %arg21: memref<!tpu.dma_semaphore, #tpu.memory_space<semaphore_mem>>, %arg22: memref<!tpu.dma_semaphore, #tpu.memory_space<semaphore_mem>>, %arg23: memref<!tpu.dma_semaphore, #tpu.memory_space<semaphore_mem>>, %arg24: memref<!tpu.dma_semaphore, #tpu.memory_space<semaphore_mem>>, %arg25: memref<!tpu.dma_semaphore, #tpu.memory_space<semaphore_mem>>, %arg26: memref<!tpu.dma_semaphore, #tpu.memory_space<semaphore_mem>>) attributes {dimension_semantics = [#tpu.dimension_semantics<core_parallel>, #tpu.dimension_semantics<subcore_parallel>], iteration_bounds = array<i64: 2, 16>, scalar_prefetch = 0 : i64, scratch_operands = 20 : i64, tpu.core_type = #tpu.core_type<sc_vector_subcore>, window_params = [{transform_indices = #map}, {transform_indices = #map1}, {transform_indices = #map2}, {transform_indices = #map3}, {transform_indices = #map}]} {
    %mul3A = arith.constant 628 : i32
    %mul3A_0 = arith.muli %arg1, %mul3A : i32
    %run_scoped3A = arith.constant 0 : i32
    "tpu.region"() ({
      %run_scoped3A_320 = tpu.sem_alloc : memref<!tpu.dma_semaphore, #tpu.memory_space<semaphore_mem>>
      %dma_start3A_321 = arith.constant 0 : i32
      %dma_start3A_322 = arith.constant 0 : i32
      %dma_start3A_323 = tpu.memref_slice %arg3[%run_scoped3A, %arg1, %dma_start3A_321, %dma_start3A_322] : memref<2x16x125x160xi32, #tpu.memory_space<hbm>> -> memref<1x1x125x160xi32, #tpu.memory_space<hbm>>
      %dma_start3A_324 = tpu.memref_squeeze %dma_start3A_323 : memref<1x1x125x160xi32, #tpu.memory_space<hbm>> -> memref<125x160xi32, #tpu.memory_space<hbm>>
      %dma_start3A_325 = arith.constant 0 : i32
      %dma_start3A_326 = arith.constant 0 : i32
      %dma_start3A_327 = tpu.memref_slice %arg3[%run_scoped3A, %arg1, %dma_start3A_325, %dma_start3A_326] : memref<2x16x125x160xi32, #tpu.memory_space<hbm>> -> memref<1x1x125x160xi32, #tpu.memory_space<hbm>>
      %dma_start3A_328 = tpu.memref_squeeze %dma_start3A_327 : memref<1x1x125x160xi32, #tpu.memory_space<hbm>> -> memref<125x160xi32, #tpu.memory_space<hbm>>
      tpu.enqueue_dma source(%dma_start3A_328 : memref<125x160xi32, #tpu.memory_space<hbm>>) target(%arg7 : memref<125x160xi32, #tpu.memory_space<vmem>>) target_semaphore(%run_scoped3A_320 : memref<!tpu.dma_semaphore, #tpu.memory_space<semaphore_mem>>)
      %dma_wait3A_329 = arith.constant 0 : i32
      %dma_wait3A_330 = arith.constant 0 : i32
      %dma_wait3A_331 = tpu.memref_slice %arg3[%run_scoped3A, %arg1, %dma_wait3A_329, %dma_wait3A_330] : memref<2x16x125x160xi32, #tpu.memory_space<hbm>> -> memref<1x1x125x160xi32, #tpu.memory_space<hbm>>
      %dma_wait3A_332 = tpu.memref_squeeze %dma_wait3A_331 : memref<1x1x125x160xi32, #tpu.memory_space<hbm>> -> memref<125x160xi32, #tpu.memory_space<hbm>>
      %dma_wait3A_333 = arith.constant 0 : i32
      %dma_wait3A_334 = arith.constant 0 : i32
      %dma_wait3A_335 = tpu.memref_slice %arg3[%run_scoped3A, %arg1, %dma_wait3A_333, %dma_wait3A_334] : memref<2x16x125x160xi32, #tpu.memory_space<hbm>> -> memref<1x1x125x160xi32, #tpu.memory_space<hbm>>
      %dma_wait3A_336 = tpu.memref_squeeze %dma_wait3A_335 : memref<1x1x125x160xi32, #tpu.memory_space<hbm>> -> memref<125x160xi32, #tpu.memory_space<hbm>>
      tpu.wait_dma2 semaphore(%run_scoped3A_320 : memref<!tpu.dma_semaphore, #tpu.memory_space<semaphore_mem>>) src(%dma_wait3A_336 : memref<125x160xi32, #tpu.memory_space<hbm>>) dst(%arg7 : memref<125x160xi32, #tpu.memory_space<vmem>>)
      tpu.yield
    }) : () -> ()
    %run_scoped3A_1 = arith.constant 1 : i32
    "tpu.region"() ({
      %run_scoped3A_320 = tpu.sem_alloc : memref<!tpu.dma_semaphore, #tpu.memory_space<semaphore_mem>>
      %dma_start3A_321 = arith.constant 0 : i32
      %dma_start3A_322 = arith.constant 0 : i32
      %dma_start3A_323 = tpu.memref_slice %arg3[%run_scoped3A_1, %arg1, %dma_start3A_321, %dma_start3A_322] : memref<2x16x125x160xi32, #tpu.memory_space<hbm>> -> memref<1x1x125x160xi32, #tpu.memory_space<hbm>>
      %dma_start3A_324 = tpu.memref_squeeze %dma_start3A_323 : memref<1x1x125x160xi32, #tpu.memory_space<hbm>> -> memref<125x160xi32, #tpu.memory_space<hbm>>
      %dma_start3A_325 = arith.constant 0 : i32
      %dma_start3A_326 = arith.constant 0 : i32
      %dma_start3A_327 = tpu.memref_slice %arg3[%run_scoped3A_1, %arg1, %dma_start3A_325, %dma_start3A_326] : memref<2x16x125x160xi32, #tpu.memory_space<hbm>> -> memref<1x1x125x160xi32, #tpu.memory_space<hbm>>
      %dma_start3A_328 = tpu.memref_squeeze %dma_start3A_327 : memref<1x1x125x160xi32, #tpu.memory_space<hbm>> -> memref<125x160xi32, #tpu.memory_space<hbm>>
      tpu.enqueue_dma source(%dma_start3A_328 : memref<125x160xi32, #tpu.memory_space<hbm>>) target(%arg8 : memref<125x160xi32, #tpu.memory_space<vmem>>) target_semaphore(%run_scoped3A_320 : memref<!tpu.dma_semaphore, #tpu.memory_space<semaphore_mem>>)
      %dma_wait3A_329 = arith.constant 0 : i32
      %dma_wait3A_330 = arith.constant 0 : i32
      %dma_wait3A_331 = tpu.memref_slice %arg3[%run_scoped3A_1, %arg1, %dma_wait3A_329, %dma_wait3A_330] : memref<2x16x125x160xi32, #tpu.memory_space<hbm>> -> memref<1x1x125x160xi32, #tpu.memory_space<hbm>>
      %dma_wait3A_332 = tpu.memref_squeeze %dma_wait3A_331 : memref<1x1x125x160xi32, #tpu.memory_space<hbm>> -> memref<125x160xi32, #tpu.memory_space<hbm>>
      %dma_wait3A_333 = arith.constant 0 : i32
      %dma_wait3A_334 = arith.constant 0 : i32
      %dma_wait3A_335 = tpu.memref_slice %arg3[%run_scoped3A_1, %arg1, %dma_wait3A_333, %dma_wait3A_334] : memref<2x16x125x160xi32, #tpu.memory_space<hbm>> -> memref<1x1x125x160xi32, #tpu.memory_space<hbm>>
      %dma_wait3A_336 = tpu.memref_squeeze %dma_wait3A_335 : memref<1x1x125x160xi32, #tpu.memory_space<hbm>> -> memref<125x160xi32, #tpu.memory_space<hbm>>
      tpu.wait_dma2 semaphore(%run_scoped3A_320 : memref<!tpu.dma_semaphore, #tpu.memory_space<semaphore_mem>>) src(%dma_wait3A_336 : memref<125x160xi32, #tpu.memory_space<hbm>>) dst(%arg8 : memref<125x160xi32, #tpu.memory_space<vmem>>)
      tpu.yield
    }) : () -> ()
    "tpu.region"() ({
      %run_scoped3A_320 = tpu.sem_alloc : memref<!tpu.dma_semaphore, #tpu.memory_space<semaphore_mem>>
      %dma_start3A_321 = arith.constant 0 : i32
      %dma_start3A_322 = arith.constant 0 : i32
      %dma_start3A_323 = tpu.memref_slice %arg4[%arg1, %dma_start3A_321, %dma_start3A_322] : memref<16x628x16xf32, #tpu.memory_space<hbm>> -> memref<1x628x16xf32, #tpu.memory_space<hbm>>
      %dma_start3A_324 = tpu.memref_squeeze %dma_start3A_323 : memref<1x628x16xf32, #tpu.memory_space<hbm>> -> memref<628x16xf32, #tpu.memory_space<hbm>>
      %dma_start3A_325 = arith.constant 0 : i32
      %dma_start3A_326 = arith.constant 0 : i32
      %dma_start3A_327 = tpu.memref_slice %arg4[%arg1, %dma_start3A_325, %dma_start3A_326] : memref<16x628x16xf32, #tpu.memory_space<hbm>> -> memref<1x628x16xf32, #tpu.memory_space<hbm>>
      %dma_start3A_328 = tpu.memref_squeeze %dma_start3A_327 : memref<1x628x16xf32, #tpu.memory_space<hbm>> -> memref<628x16xf32, #tpu.memory_space<hbm>>
      tpu.enqueue_dma source(%dma_start3A_328 : memref<628x16xf32, #tpu.memory_space<hbm>>) target(%arg13 : memref<628x16xf32, #tpu.memory_space<vmem>>) target_semaphore(%run_scoped3A_320 : memref<!tpu.dma_semaphore, #tpu.memory_space<semaphore_mem>>)
      %dma_wait3A_329 = arith.constant 0 : i32
      %dma_wait3A_330 = arith.constant 0 : i32
      %dma_wait3A_331 = tpu.memref_slice %arg4[%arg1, %dma_wait3A_329, %dma_wait3A_330] : memref<16x628x16xf32, #tpu.memory_space<hbm>> -> memref<1x628x16xf32, #tpu.memory_space<hbm>>
      %dma_wait3A_332 = tpu.memref_squeeze %dma_wait3A_331 : memref<1x628x16xf32, #tpu.memory_space<hbm>> -> memref<628x16xf32, #tpu.memory_space<hbm>>
      %dma_wait3A_333 = arith.constant 0 : i32
      %dma_wait3A_334 = arith.constant 0 : i32
      %dma_wait3A_335 = tpu.memref_slice %arg4[%arg1, %dma_wait3A_333, %dma_wait3A_334] : memref<16x628x16xf32, #tpu.memory_space<hbm>> -> memref<1x628x16xf32, #tpu.memory_space<hbm>>
      %dma_wait3A_336 = tpu.memref_squeeze %dma_wait3A_335 : memref<1x628x16xf32, #tpu.memory_space<hbm>> -> memref<628x16xf32, #tpu.memory_space<hbm>>
      tpu.wait_dma2 semaphore(%run_scoped3A_320 : memref<!tpu.dma_semaphore, #tpu.memory_space<semaphore_mem>>) src(%dma_wait3A_336 : memref<628x16xf32, #tpu.memory_space<hbm>>) dst(%arg13 : memref<628x16xf32, #tpu.memory_space<vmem>>)
      tpu.yield
    }) : () -> ()
    "tpu.region"() ({
      %run_scoped3A_320 = tpu.sem_alloc : memref<!tpu.dma_semaphore, #tpu.memory_space<semaphore_mem>>
      %dma_start3A_321 = arith.constant 0 : i32
      %dma_start3A_322 = tpu.memref_slice %arg5[%arg0, %dma_start3A_321] : memref<2x32xf32, #tpu.memory_space<hbm>> -> memref<1x32xf32, #tpu.memory_space<hbm>>
      %dma_start3A_323 = tpu.memref_squeeze %dma_start3A_322 : memref<1x32xf32, #tpu.memory_space<hbm>> -> memref<32xf32, #tpu.memory_space<hbm>>
      %dma_start3A_324 = arith.constant 0 : i32
      %dma_start3A_325 = tpu.memref_slice %arg5[%arg0, %dma_start3A_324] : memref<2x32xf32, #tpu.memory_space<hbm>> -> memref<1x32xf32, #tpu.memory_space<hbm>>
      %dma_start3A_326 = tpu.memref_squeeze %dma_start3A_325 : memref<1x32xf32, #tpu.memory_space<hbm>> -> memref<32xf32, #tpu.memory_space<hbm>>
      tpu.enqueue_dma source(%dma_start3A_326 : memref<32xf32, #tpu.memory_space<hbm>>) target(%arg16 : memref<32xf32, #tpu.memory_space<vmem>>) target_semaphore(%run_scoped3A_320 : memref<!tpu.dma_semaphore, #tpu.memory_space<semaphore_mem>>)
      %dma_wait3A_327 = arith.constant 0 : i32
      %dma_wait3A_328 = tpu.memref_slice %arg5[%arg0, %dma_wait3A_327] : memref<2x32xf32, #tpu.memory_space<hbm>> -> memref<1x32xf32, #tpu.memory_space<hbm>>
      %dma_wait3A_329 = tpu.memref_squeeze %dma_wait3A_328 : memref<1x32xf32, #tpu.memory_space<hbm>> -> memref<32xf32, #tpu.memory_space<hbm>>
      %dma_wait3A_330 = arith.constant 0 : i32
      %dma_wait3A_331 = tpu.memref_slice %arg5[%arg0, %dma_wait3A_330] : memref<2x32xf32, #tpu.memory_space<hbm>> -> memref<1x32xf32, #tpu.memory_space<hbm>>
      %dma_wait3A_332 = tpu.memref_squeeze %dma_wait3A_331 : memref<1x32xf32, #tpu.memory_space<hbm>> -> memref<32xf32, #tpu.memory_space<hbm>>
      tpu.wait_dma2 semaphore(%run_scoped3A_320 : memref<!tpu.dma_semaphore, #tpu.memory_space<semaphore_mem>>) src(%dma_wait3A_332 : memref<32xf32, #tpu.memory_space<hbm>>) dst(%arg16 : memref<32xf32, #tpu.memory_space<vmem>>)
      tpu.yield
    }) : () -> ()
    %broadcast_in_dim3A = arith.constant 0.000000e+00 : f32
    %broadcast_in_dim3A_2 = vector.broadcast %broadcast_in_dim3A : f32 to vector<16xf32>
    %scan3A = arith.constant 0 : i32
    %scan3A_3 = arith.constant 0 : i32
    %scan3A_4 = arith.constant 157 : i32
    %scan3A_5 = arith.addi %scan3A_3, %scan3A_4 : i32
    %scan3A_6 = arith.constant 1 : i32
    scf.for %scan3A_320 = %scan3A_3 to %scan3A_5 step %scan3A_6  : i32 {
      %swap3A = arith.index_cast %scan3A_320 : i32 to index
      %swap3A_321 = arith.constant 0 : index
      %swap3A_322 = tpu.vector_load %arg15[%swap3A, %swap3A_321] {strides = array<i32>} : memref<157x32xf32, #tpu.memory_space<vmem>>, vector<16xf32>,
      tpu.vector_store %arg15[%swap3A, %swap3A_321], %broadcast_in_dim3A_2 {strides = array<i32>} : memref<157x32xf32, #tpu.memory_space<vmem>>, vector<16xf32>,
      %swap3A_323 = arith.index_cast %scan3A_320 : i32 to index
      %swap3A_324 = arith.constant 16 : index
      %swap3A_325 = tpu.vector_load %arg15[%swap3A_323, %swap3A_324] {strides = array<i32>} : memref<157x32xf32, #tpu.memory_space<vmem>>, vector<16xf32>,
      tpu.vector_store %arg15[%swap3A_323, %swap3A_324], %broadcast_in_dim3A_2 {strides = array<i32>} : memref<157x32xf32, #tpu.memory_space<vmem>>, vector<16xf32>,
    }
    %scan3A_7 = arith.constant 157 : i32
    %add3A = arith.constant 0 : i32
    %add3A_8 = arith.addi %mul3A_0, %add3A : i32
    "tpu.region"() ({
      %run_scoped3A_320 = tpu.sem_alloc : memref<!tpu.dma_semaphore, #tpu.memory_space<semaphore_mem>>
      %dma_start3A_321 = arith.constant 0 : i32
      %dma_start3A_322 = tpu.memref_slice %arg17[%add3A_8, %dma_start3A_321] : memref<10048x32xf32, #tpu.memory_space<vmem_shared>> -> memref<157x32xf32, #tpu.memory_space<vmem_shared>>
      %dma_start3A_323 = arith.constant 0 : i32
      %dma_start3A_324 = tpu.memref_slice %arg17[%add3A_8, %dma_start3A_323] : memref<10048x32xf32, #tpu.memory_space<vmem_shared>> -> memref<157x32xf32, #tpu.memory_space<vmem_shared>>
      tpu.enqueue_dma source(%arg15 : memref<157x32xf32, #tpu.memory_space<vmem>>) target(%dma_start3A_324 : memref<157x32xf32, #tpu.memory_space<vmem_shared>>) target_semaphore(%run_scoped3A_320 : memref<!tpu.dma_semaphore, #tpu.memory_space<semaphore_mem>>)
      %dma_wait3A_325 = arith.constant 0 : i32
      %dma_wait3A_326 = tpu.memref_slice %arg17[%add3A_8, %dma_wait3A_325] : memref<10048x32xf32, #tpu.memory_space<vmem_shared>> -> memref<157x32xf32, #tpu.memory_space<vmem_shared>>
      %dma_wait3A_327 = arith.constant 0 : i32
      %dma_wait3A_328 = tpu.memref_slice %arg17[%add3A_8, %dma_wait3A_327] : memref<10048x32xf32, #tpu.memory_space<vmem_shared>> -> memref<157x32xf32, #tpu.memory_space<vmem_shared>>
      tpu.wait_dma2 semaphore(%run_scoped3A_320 : memref<!tpu.dma_semaphore, #tpu.memory_space<semaphore_mem>>) src(%arg15 : memref<157x32xf32, #tpu.memory_space<vmem>>) dst(%dma_wait3A_328 : memref<157x32xf32, #tpu.memory_space<vmem_shared>>)
      tpu.yield
    }) : () -> ()
    %add3A_9 = arith.constant 157 : i32
    %add3A_10 = arith.addi %mul3A_0, %add3A_9 : i32
    "tpu.region"() ({
      %run_scoped3A_320 = tpu.sem_alloc : memref<!tpu.dma_semaphore, #tpu.memory_space<semaphore_mem>>
      %dma_start3A_321 = arith.constant 0 : i32
      %dma_start3A_322 = tpu.memref_slice %arg17[%add3A_10, %dma_start3A_321] : memref<10048x32xf32, #tpu.memory_space<vmem_shared>> -> memref<157x32xf32, #tpu.memory_space<vmem_shared>>
      %dma_start3A_323 = arith.constant 0 : i32
      %dma_start3A_324 = tpu.memref_slice %arg17[%add3A_10, %dma_start3A_323] : memref<10048x32xf32, #tpu.memory_space<vmem_shared>> -> memref<157x32xf32, #tpu.memory_space<vmem_shared>>
      tpu.enqueue_dma source(%arg15 : memref<157x32xf32, #tpu.memory_space<vmem>>) target(%dma_start3A_324 : memref<157x32xf32, #tpu.memory_space<vmem_shared>>) target_semaphore(%run_scoped3A_320 : memref<!tpu.dma_semaphore, #tpu.memory_space<semaphore_mem>>)
      %dma_wait3A_325 = arith.constant 0 : i32
      %dma_wait3A_326 = tpu.memref_slice %arg17[%add3A_10, %dma_wait3A_325] : memref<10048x32xf32, #tpu.memory_space<vmem_shared>> -> memref<157x32xf32, #tpu.memory_space<vmem_shared>>
      %dma_wait3A_327 = arith.constant 0 : i32
      %dma_wait3A_328 = tpu.memref_slice %arg17[%add3A_10, %dma_wait3A_327] : memref<10048x32xf32, #tpu.memory_space<vmem_shared>> -> memref<157x32xf32, #tpu.memory_space<vmem_shared>>
      tpu.wait_dma2 semaphore(%run_scoped3A_320 : memref<!tpu.dma_semaphore, #tpu.memory_space<semaphore_mem>>) src(%arg15 : memref<157x32xf32, #tpu.memory_space<vmem>>) dst(%dma_wait3A_328 : memref<157x32xf32, #tpu.memory_space<vmem_shared>>)
      tpu.yield
    }) : () -> ()
    %add3A_11 = arith.constant 314 : i32
    %add3A_12 = arith.addi %mul3A_0, %add3A_11 : i32
    "tpu.region"() ({
      %run_scoped3A_320 = tpu.sem_alloc : memref<!tpu.dma_semaphore, #tpu.memory_space<semaphore_mem>>
      %dma_start3A_321 = arith.constant 0 : i32
      %dma_start3A_322 = tpu.memref_slice %arg17[%add3A_12, %dma_start3A_321] : memref<10048x32xf32, #tpu.memory_space<vmem_shared>> -> memref<157x32xf32, #tpu.memory_space<vmem_shared>>
      %dma_start3A_323 = arith.constant 0 : i32
      %dma_start3A_324 = tpu.memref_slice %arg17[%add3A_12, %dma_start3A_323] : memref<10048x32xf32, #tpu.memory_space<vmem_shared>> -> memref<157x32xf32, #tpu.memory_space<vmem_shared>>
      tpu.enqueue_dma source(%arg15 : memref<157x32xf32, #tpu.memory_space<vmem>>) target(%dma_start3A_324 : memref<157x32xf32, #tpu.memory_space<vmem_shared>>) target_semaphore(%run_scoped3A_320 : memref<!tpu.dma_semaphore, #tpu.memory_space<semaphore_mem>>)
      %dma_wait3A_325 = arith.constant 0 : i32
      %dma_wait3A_326 = tpu.memref_slice %arg17[%add3A_12, %dma_wait3A_325] : memref<10048x32xf32, #tpu.memory_space<vmem_shared>> -> memref<157x32xf32, #tpu.memory_space<vmem_shared>>
      %dma_wait3A_327 = arith.constant 0 : i32
      %dma_wait3A_328 = tpu.memref_slice %arg17[%add3A_12, %dma_wait3A_327] : memref<10048x32xf32, #tpu.memory_space<vmem_shared>> -> memref<157x32xf32, #tpu.memory_space<vmem_shared>>
      tpu.wait_dma2 semaphore(%run_scoped3A_320 : memref<!tpu.dma_semaphore, #tpu.memory_space<semaphore_mem>>) src(%arg15 : memref<157x32xf32, #tpu.memory_space<vmem>>) dst(%dma_wait3A_328 : memref<157x32xf32, #tpu.memory_space<vmem_shared>>)
      tpu.yield
    }) : () -> ()
    %add3A_13 = arith.constant 471 : i32
    %add3A_14 = arith.addi %mul3A_0, %add3A_13 : i32
    "tpu.region"() ({
      %run_scoped3A_320 = tpu.sem_alloc : memref<!tpu.dma_semaphore, #tpu.memory_space<semaphore_mem>>
      %dma_start3A_321 = arith.constant 0 : i32
      %dma_start3A_322 = tpu.memref_slice %arg17[%add3A_14, %dma_start3A_321] : memref<10048x32xf32, #tpu.memory_space<vmem_shared>> -> memref<157x32xf32, #tpu.memory_space<vmem_shared>>
      %dma_start3A_323 = arith.constant 0 : i32
      %dma_start3A_324 = tpu.memref_slice %arg17[%add3A_14, %dma_start3A_323] : memref<10048x32xf32, #tpu.memory_space<vmem_shared>> -> memref<157x32xf32, #tpu.memory_space<vmem_shared>>
      tpu.enqueue_dma source(%arg15 : memref<157x32xf32, #tpu.memory_space<vmem>>) target(%dma_start3A_324 : memref<157x32xf32, #tpu.memory_space<vmem_shared>>) target_semaphore(%run_scoped3A_320 : memref<!tpu.dma_semaphore, #tpu.memory_space<semaphore_mem>>)
      %dma_wait3A_325 = arith.constant 0 : i32
      %dma_wait3A_326 = tpu.memref_slice %arg17[%add3A_14, %dma_wait3A_325] : memref<10048x32xf32, #tpu.memory_space<vmem_shared>> -> memref<157x32xf32, #tpu.memory_space<vmem_shared>>
      %dma_wait3A_327 = arith.constant 0 : i32
      %dma_wait3A_328 = tpu.memref_slice %arg17[%add3A_14, %dma_wait3A_327] : memref<10048x32xf32, #tpu.memory_space<vmem_shared>> -> memref<157x32xf32, #tpu.memory_space<vmem_shared>>
      tpu.wait_dma2 semaphore(%run_scoped3A_320 : memref<!tpu.dma_semaphore, #tpu.memory_space<semaphore_mem>>) src(%arg15 : memref<157x32xf32, #tpu.memory_space<vmem>>) dst(%dma_wait3A_328 : memref<157x32xf32, #tpu.memory_space<vmem_shared>>)
      tpu.yield
    }) : () -> ()
    %add3A_15 = arith.constant 0 : i32
    %add3A_16 = arith.addi %mul3A_0, %add3A_15 : i32
    %run_scoped3A_17 = arith.constant 0 : i32
    "tpu.region"() ({
      %run_scoped3A_320 = tpu.sem_alloc : memref<!tpu.dma_semaphore, #tpu.memory_space<semaphore_mem>>
      %dma_start3A_321 = arith.constant 0 : i32
      %dma_start3A_322 = tpu.memref_slice %arg18[%add3A_16, %dma_start3A_321] : memref<10048x32xf32, #tpu.memory_space<vmem_shared>> -> memref<157x32xf32, #tpu.memory_space<vmem_shared>>
      %dma_start3A_323 = arith.constant 0 : i32
      %dma_start3A_324 = arith.constant 0 : i32
      %dma_start3A_325 = tpu.memref_slice %arg2[%arg0, %arg1, %run_scoped3A_17, %dma_start3A_323, %dma_start3A_324] : memref<2x16x4x157x32xf32, #tpu.memory_space<hbm>> -> memref<1x1x1x157x32xf32, #tpu.memory_space<hbm>>
      %dma_start3A_326 = tpu.memref_squeeze %dma_start3A_325 : memref<1x1x1x157x32xf32, #tpu.memory_space<hbm>> -> memref<157x32xf32, #tpu.memory_space<hbm>>
      tpu.enqueue_dma source(%dma_start3A_326 : memref<157x32xf32, #tpu.memory_space<hbm>>) target(%dma_start3A_322 : memref<157x32xf32, #tpu.memory_space<vmem_shared>>) target_semaphore(%run_scoped3A_320 : memref<!tpu.dma_semaphore, #tpu.memory_space<semaphore_mem>>)
      %dma_wait3A_327 = arith.constant 0 : i32
      %dma_wait3A_328 = tpu.memref_slice %arg18[%add3A_16, %dma_wait3A_327] : memref<10048x32xf32, #tpu.memory_space<vmem_shared>> -> memref<157x32xf32, #tpu.memory_space<vmem_shared>>
      %dma_wait3A_329 = arith.constant 0 : i32
      %dma_wait3A_330 = arith.constant 0 : i32
      %dma_wait3A_331 = tpu.memref_slice %arg2[%arg0, %arg1, %run_scoped3A_17, %dma_wait3A_329, %dma_wait3A_330] : memref<2x16x4x157x32xf32, #tpu.memory_space<hbm>> -> memref<1x1x1x157x32xf32, #tpu.memory_space<hbm>>
      %dma_wait3A_332 = tpu.memref_squeeze %dma_wait3A_331 : memref<1x1x1x157x32xf32, #tpu.memory_space<hbm>> -> memref<157x32xf32, #tpu.memory_space<hbm>>
      tpu.wait_dma2 semaphore(%run_scoped3A_320 : memref<!tpu.dma_semaphore, #tpu.memory_space<semaphore_mem>>) src(%dma_wait3A_332 : memref<157x32xf32, #tpu.memory_space<hbm>>) dst(%dma_wait3A_328 : memref<157x32xf32, #tpu.memory_space<vmem_shared>>)
      tpu.yield
    }) : () -> ()
    %add3A_18 = arith.constant 157 : i32
    %add3A_19 = arith.addi %mul3A_0, %add3A_18 : i32
    %run_scoped3A_20 = arith.constant 1 : i32
    "tpu.region"() ({
      %run_scoped3A_320 = tpu.sem_alloc : memref<!tpu.dma_semaphore, #tpu.memory_space<semaphore_mem>>
      %dma_start3A_321 = arith.constant 0 : i32
      %dma_start3A_322 = tpu.memref_slice %arg18[%add3A_19, %dma_start3A_321] : memref<10048x32xf32, #tpu.memory_space<vmem_shared>> -> memref<157x32xf32, #tpu.memory_space<vmem_shared>>
      %dma_start3A_323 = arith.constant 0 : i32
      %dma_start3A_324 = arith.constant 0 : i32
      %dma_start3A_325 = tpu.memref_slice %arg2[%arg0, %arg1, %run_scoped3A_20, %dma_start3A_323, %dma_start3A_324] : memref<2x16x4x157x32xf32, #tpu.memory_space<hbm>> -> memref<1x1x1x157x32xf32, #tpu.memory_space<hbm>>
      %dma_start3A_326 = tpu.memref_squeeze %dma_start3A_325 : memref<1x1x1x157x32xf32, #tpu.memory_space<hbm>> -> memref<157x32xf32, #tpu.memory_space<hbm>>
      tpu.enqueue_dma source(%dma_start3A_326 : memref<157x32xf32, #tpu.memory_space<hbm>>) target(%dma_start3A_322 : memref<157x32xf32, #tpu.memory_space<vmem_shared>>) target_semaphore(%run_scoped3A_320 : memref<!tpu.dma_semaphore, #tpu.memory_space<semaphore_mem>>)
      %dma_wait3A_327 = arith.constant 0 : i32
      %dma_wait3A_328 = tpu.memref_slice %arg18[%add3A_19, %dma_wait3A_327] : memref<10048x32xf32, #tpu.memory_space<vmem_shared>> -> memref<157x32xf32, #tpu.memory_space<vmem_shared>>
      %dma_wait3A_329 = arith.constant 0 : i32
      %dma_wait3A_330 = arith.constant 0 : i32
      %dma_wait3A_331 = tpu.memref_slice %arg2[%arg0, %arg1, %run_scoped3A_20, %dma_wait3A_329, %dma_wait3A_330] : memref<2x16x4x157x32xf32, #tpu.memory_space<hbm>> -> memref<1x1x1x157x32xf32, #tpu.memory_space<hbm>>
      %dma_wait3A_332 = tpu.memref_squeeze %dma_wait3A_331 : memref<1x1x1x157x32xf32, #tpu.memory_space<hbm>> -> memref<157x32xf32, #tpu.memory_space<hbm>>
      tpu.wait_dma2 semaphore(%run_scoped3A_320 : memref<!tpu.dma_semaphore, #tpu.memory_space<semaphore_mem>>) src(%dma_wait3A_332 : memref<157x32xf32, #tpu.memory_space<hbm>>) dst(%dma_wait3A_328 : memref<157x32xf32, #tpu.memory_space<vmem_shared>>)
      tpu.yield
    }) : () -> ()
    %add3A_21 = arith.constant 314 : i32
    %add3A_22 = arith.addi %mul3A_0, %add3A_21 : i32
    %run_scoped3A_23 = arith.constant 2 : i32
    "tpu.region"() ({
      %run_scoped3A_320 = tpu.sem_alloc : memref<!tpu.dma_semaphore, #tpu.memory_space<semaphore_mem>>
      %dma_start3A_321 = arith.constant 0 : i32
      %dma_start3A_322 = tpu.memref_slice %arg18[%add3A_22, %dma_start3A_321] : memref<10048x32xf32, #tpu.memory_space<vmem_shared>> -> memref<157x32xf32, #tpu.memory_space<vmem_shared>>
      %dma_start3A_323 = arith.constant 0 : i32
      %dma_start3A_324 = arith.constant 0 : i32
      %dma_start3A_325 = tpu.memref_slice %arg2[%arg0, %arg1, %run_scoped3A_23, %dma_start3A_323, %dma_start3A_324] : memref<2x16x4x157x32xf32, #tpu.memory_space<hbm>> -> memref<1x1x1x157x32xf32, #tpu.memory_space<hbm>>
      %dma_start3A_326 = tpu.memref_squeeze %dma_start3A_325 : memref<1x1x1x157x32xf32, #tpu.memory_space<hbm>> -> memref<157x32xf32, #tpu.memory_space<hbm>>
      tpu.enqueue_dma source(%dma_start3A_326 : memref<157x32xf32, #tpu.memory_space<hbm>>) target(%dma_start3A_322 : memref<157x32xf32, #tpu.memory_space<vmem_shared>>) target_semaphore(%run_scoped3A_320 : memref<!tpu.dma_semaphore, #tpu.memory_space<semaphore_mem>>)
      %dma_wait3A_327 = arith.constant 0 : i32
      %dma_wait3A_328 = tpu.memref_slice %arg18[%add3A_22, %dma_wait3A_327] : memref<10048x32xf32, #tpu.memory_space<vmem_shared>> -> memref<157x32xf32, #tpu.memory_space<vmem_shared>>
      %dma_wait3A_329 = arith.constant 0 : i32
      %dma_wait3A_330 = arith.constant 0 : i32
      %dma_wait3A_331 = tpu.memref_slice %arg2[%arg0, %arg1, %run_scoped3A_23, %dma_wait3A_329, %dma_wait3A_330] : memref<2x16x4x157x32xf32, #tpu.memory_space<hbm>> -> memref<1x1x1x157x32xf32, #tpu.memory_space<hbm>>
      %dma_wait3A_332 = tpu.memref_squeeze %dma_wait3A_331 : memref<1x1x1x157x32xf32, #tpu.memory_space<hbm>> -> memref<157x32xf32, #tpu.memory_space<hbm>>
      tpu.wait_dma2 semaphore(%run_scoped3A_320 : memref<!tpu.dma_semaphore, #tpu.memory_space<semaphore_mem>>) src(%dma_wait3A_332 : memref<157x32xf32, #tpu.memory_space<hbm>>) dst(%dma_wait3A_328 : memref<157x32xf32, #tpu.memory_space<vmem_shared>>)
      tpu.yield
    }) : () -> ()
    %add3A_24 = arith.constant 471 : i32
    %add3A_25 = arith.addi %mul3A_0, %add3A_24 : i32
    %run_scoped3A_26 = arith.constant 3 : i32
    "tpu.region"() ({
      %run_scoped3A_320 = tpu.sem_alloc : memref<!tpu.dma_semaphore, #tpu.memory_space<semaphore_mem>>
      %dma_start3A_321 = arith.constant 0 : i32
      %dma_start3A_322 = tpu.memref_slice %arg18[%add3A_25, %dma_start3A_321] : memref<10048x32xf32, #tpu.memory_space<vmem_shared>> -> memref<157x32xf32, #tpu.memory_space<vmem_shared>>
      %dma_start3A_323 = arith.constant 0 : i32
      %dma_start3A_324 = arith.constant 0 : i32
      %dma_start3A_325 = tpu.memref_slice %arg2[%arg0, %arg1, %run_scoped3A_26, %dma_start3A_323, %dma_start3A_324] : memref<2x16x4x157x32xf32, #tpu.memory_space<hbm>> -> memref<1x1x1x157x32xf32, #tpu.memory_space<hbm>>
      %dma_start3A_326 = tpu.memref_squeeze %dma_start3A_325 : memref<1x1x1x157x32xf32, #tpu.memory_space<hbm>> -> memref<157x32xf32, #tpu.memory_space<hbm>>
      tpu.enqueue_dma source(%dma_start3A_326 : memref<157x32xf32, #tpu.memory_space<hbm>>) target(%dma_start3A_322 : memref<157x32xf32, #tpu.memory_space<vmem_shared>>) target_semaphore(%run_scoped3A_320 : memref<!tpu.dma_semaphore, #tpu.memory_space<semaphore_mem>>)
      %dma_wait3A_327 = arith.constant 0 : i32
      %dma_wait3A_328 = tpu.memref_slice %arg18[%add3A_25, %dma_wait3A_327] : memref<10048x32xf32, #tpu.memory_space<vmem_shared>> -> memref<157x32xf32, #tpu.memory_space<vmem_shared>>
      %dma_wait3A_329 = arith.constant 0 : i32
      %dma_wait3A_330 = arith.constant 0 : i32
      %dma_wait3A_331 = tpu.memref_slice %arg2[%arg0, %arg1, %run_scoped3A_26, %dma_wait3A_329, %dma_wait3A_330] : memref<2x16x4x157x32xf32, #tpu.memory_space<hbm>> -> memref<1x1x1x157x32xf32, #tpu.memory_space<hbm>>
      %dma_wait3A_332 = tpu.memref_squeeze %dma_wait3A_331 : memref<1x1x1x157x32xf32, #tpu.memory_space<hbm>> -> memref<157x32xf32, #tpu.memory_space<hbm>>
      tpu.wait_dma2 semaphore(%run_scoped3A_320 : memref<!tpu.dma_semaphore, #tpu.memory_space<semaphore_mem>>) src(%dma_wait3A_332 : memref<157x32xf32, #tpu.memory_space<hbm>>) dst(%dma_wait3A_328 : memref<157x32xf32, #tpu.memory_space<vmem_shared>>)
      tpu.yield
    }) : () -> ()
    %barrier3A = arith.constant 0 : index
    tpu.barrier barrier_id(%barrier3A)
    %dma_start3A = arith.constant 0 : i32
    %dma_start3A_27 = arith.constant 0 : i32
    %dma_start3A_28 = tpu.memref_slice %arg7[%dma_start3A, %dma_start3A_27] : memref<125x160xi32, #tpu.memory_space<vmem>> -> memref<1x160xi32, #tpu.memory_space<vmem>>
    %dma_start3A_29 = tpu.memref_squeeze %dma_start3A_28 : memref<1x160xi32, #tpu.memory_space<vmem>> -> memref<160xi32, #tpu.memory_space<vmem>>
    %dma_start3A_30 = arith.constant 0 : i32
    %dma_start3A_31 = arith.constant 0 : i32
    %dma_start3A_32 = tpu.memref_slice %arg18[%dma_start3A_30, %dma_start3A_31] : memref<10048x32xf32, #tpu.memory_space<vmem_shared>> -> memref<10048x32xf32, #tpu.memory_space<vmem_shared>>
    tpu.enqueue_indirect_dma source(%dma_start3A_32 : memref<10048x32xf32, #tpu.memory_space<vmem_shared>>) target(%arg9 : memref<160x32xf32, #tpu.memory_space<vmem>>) offsets(%dma_start3A_29 : memref<160xi32, #tpu.memory_space<vmem>>) semaphore(%arg19 : memref<!tpu.dma_semaphore, #tpu.memory_space<semaphore_mem>>)
    %dma_start3A_33 = arith.constant 1 : i32
    %dma_start3A_34 = arith.constant 0 : i32
    %dma_start3A_35 = tpu.memref_slice %arg7[%dma_start3A_33, %dma_start3A_34] : memref<125x160xi32, #tpu.memory_space<vmem>> -> memref<1x160xi32, #tpu.memory_space<vmem>>
    %dma_start3A_36 = tpu.memref_squeeze %dma_start3A_35 : memref<1x160xi32, #tpu.memory_space<vmem>> -> memref<160xi32, #tpu.memory_space<vmem>>
    %dma_start3A_37 = arith.constant 0 : i32
    %dma_start3A_38 = arith.constant 0 : i32
    %dma_start3A_39 = tpu.memref_slice %arg18[%dma_start3A_37, %dma_start3A_38] : memref<10048x32xf32, #tpu.memory_space<vmem_shared>> -> memref<10048x32xf32, #tpu.memory_space<vmem_shared>>
    tpu.enqueue_indirect_dma source(%dma_start3A_39 : memref<10048x32xf32, #tpu.memory_space<vmem_shared>>) target(%arg10 : memref<160x32xf32, #tpu.memory_space<vmem>>) offsets(%dma_start3A_36 : memref<160xi32, #tpu.memory_space<vmem>>) semaphore(%arg20 : memref<!tpu.dma_semaphore, #tpu.memory_space<semaphore_mem>>)
    %dma_start3A_40 = arith.constant 2 : i32
    %dma_start3A_41 = arith.constant 0 : i32
    %dma_start3A_42 = tpu.memref_slice %arg7[%dma_start3A_40, %dma_start3A_41] : memref<125x160xi32, #tpu.memory_space<vmem>> -> memref<1x160xi32, #tpu.memory_space<vmem>>
    %dma_start3A_43 = tpu.memref_squeeze %dma_start3A_42 : memref<1x160xi32, #tpu.memory_space<vmem>> -> memref<160xi32, #tpu.memory_space<vmem>>
    %dma_start3A_44 = arith.constant 0 : i32
    %dma_start3A_45 = arith.constant 0 : i32
    %dma_start3A_46 = tpu.memref_slice %arg18[%dma_start3A_44, %dma_start3A_45] : memref<10048x32xf32, #tpu.memory_space<vmem_shared>> -> memref<10048x32xf32, #tpu.memory_space<vmem_shared>>
    tpu.enqueue_indirect_dma source(%dma_start3A_46 : memref<10048x32xf32, #tpu.memory_space<vmem_shared>>) target(%arg11 : memref<160x32xf32, #tpu.memory_space<vmem>>) offsets(%dma_start3A_43 : memref<160xi32, #tpu.memory_space<vmem>>) semaphore(%arg21 : memref<!tpu.dma_semaphore, #tpu.memory_space<semaphore_mem>>)
    %dma_wait3A = arith.constant 0 : i32
    %dma_wait3A_47 = arith.constant 0 : i32
    %dma_wait3A_48 = tpu.memref_slice %arg7[%dma_wait3A, %dma_wait3A_47] : memref<125x160xi32, #tpu.memory_space<vmem>> -> memref<1x160xi32, #tpu.memory_space<vmem>>
    %dma_wait3A_49 = tpu.memref_squeeze %dma_wait3A_48 : memref<1x160xi32, #tpu.memory_space<vmem>> -> memref<160xi32, #tpu.memory_space<vmem>>
    %dma_wait3A_50 = arith.constant 0 : i32
    %dma_wait3A_51 = arith.constant 0 : i32
    %dma_wait3A_52 = tpu.memref_slice %arg18[%dma_wait3A_50, %dma_wait3A_51] : memref<10048x32xf32, #tpu.memory_space<vmem_shared>> -> memref<10048x32xf32, #tpu.memory_space<vmem_shared>>
    tpu.wait_indirect_dma semaphore(%arg19 : memref<!tpu.dma_semaphore, #tpu.memory_space<semaphore_mem>>) src(%dma_wait3A_52 : memref<10048x32xf32, #tpu.memory_space<vmem_shared>>) dst(%arg9 : memref<160x32xf32, #tpu.memory_space<vmem>>)
    %dma_start3A_53 = arith.constant 0 : i32
    %dma_start3A_54 = arith.constant 0 : i32
    %dma_start3A_55 = tpu.memref_slice %arg8[%dma_start3A_53, %dma_start3A_54] : memref<125x160xi32, #tpu.memory_space<vmem>> -> memref<1x160xi32, #tpu.memory_space<vmem>>
    %dma_start3A_56 = tpu.memref_squeeze %dma_start3A_55 : memref<1x160xi32, #tpu.memory_space<vmem>> -> memref<160xi32, #tpu.memory_space<vmem>>
    %dma_start3A_57 = arith.constant 0 : i32
    %dma_start3A_58 = arith.constant 0 : i32
    %dma_start3A_59 = tpu.memref_slice %arg17[%dma_start3A_57, %dma_start3A_58] : memref<10048x32xf32, #tpu.memory_space<vmem_shared>> -> memref<10048x32xf32, #tpu.memory_space<vmem_shared>>
    tpu.enqueue_indirect_dma source(%arg9 : memref<160x32xf32, #tpu.memory_space<vmem>>) target(%dma_start3A_59 : memref<10048x32xf32, #tpu.memory_space<vmem_shared>>) offsets(%dma_start3A_56 : memref<160xi32, #tpu.memory_space<vmem>>) semaphore(%arg23 : memref<!tpu.dma_semaphore, #tpu.memory_space<semaphore_mem>>) {add = true}
    %dma_start3A_60 = arith.constant 3 : i32
    %dma_start3A_61 = arith.constant 0 : i32
    %dma_start3A_62 = tpu.memref_slice %arg7[%dma_start3A_60, %dma_start3A_61] : memref<125x160xi32, #tpu.memory_space<vmem>> -> memref<1x160xi32, #tpu.memory_space<vmem>>
    %dma_start3A_63 = tpu.memref_squeeze %dma_start3A_62 : memref<1x160xi32, #tpu.memory_space<vmem>> -> memref<160xi32, #tpu.memory_space<vmem>>
    %dma_start3A_64 = arith.constant 0 : i32
    %dma_start3A_65 = arith.constant 0 : i32
    %dma_start3A_66 = tpu.memref_slice %arg18[%dma_start3A_64, %dma_start3A_65] : memref<10048x32xf32, #tpu.memory_space<vmem_shared>> -> memref<10048x32xf32, #tpu.memory_space<vmem_shared>>
    tpu.enqueue_indirect_dma source(%dma_start3A_66 : memref<10048x32xf32, #tpu.memory_space<vmem_shared>>) target(%arg12 : memref<160x32xf32, #tpu.memory_space<vmem>>) offsets(%dma_start3A_63 : memref<160xi32, #tpu.memory_space<vmem>>) semaphore(%arg22 : memref<!tpu.dma_semaphore, #tpu.memory_space<semaphore_mem>>)
    %dma_wait3A_67 = arith.constant 1 : i32
    %dma_wait3A_68 = arith.constant 0 : i32
    %dma_wait3A_69 = tpu.memref_slice %arg7[%dma_wait3A_67, %dma_wait3A_68] : memref<125x160xi32, #tpu.memory_space<vmem>> -> memref<1x160xi32, #tpu.memory_space<vmem>>
    %dma_wait3A_70 = tpu.memref_squeeze %dma_wait3A_69 : memref<1x160xi32, #tpu.memory_space<vmem>> -> memref<160xi32, #tpu.memory_space<vmem>>
    %dma_wait3A_71 = arith.constant 0 : i32
    %dma_wait3A_72 = arith.constant 0 : i32
    %dma_wait3A_73 = tpu.memref_slice %arg18[%dma_wait3A_71, %dma_wait3A_72] : memref<10048x32xf32, #tpu.memory_space<vmem_shared>> -> memref<10048x32xf32, #tpu.memory_space<vmem_shared>>
    tpu.wait_indirect_dma semaphore(%arg20 : memref<!tpu.dma_semaphore, #tpu.memory_space<semaphore_mem>>) src(%dma_wait3A_73 : memref<10048x32xf32, #tpu.memory_space<vmem_shared>>) dst(%arg10 : memref<160x32xf32, #tpu.memory_space<vmem>>)
    %dma_start3A_74 = arith.constant 1 : i32
    %dma_start3A_75 = arith.constant 0 : i32
    %dma_start3A_76 = tpu.memref_slice %arg8[%dma_start3A_74, %dma_start3A_75] : memref<125x160xi32, #tpu.memory_space<vmem>> -> memref<1x160xi32, #tpu.memory_space<vmem>>
    %dma_start3A_77 = tpu.memref_squeeze %dma_start3A_76 : memref<1x160xi32, #tpu.memory_space<vmem>> -> memref<160xi32, #tpu.memory_space<vmem>>
    %dma_start3A_78 = arith.constant 0 : i32
    %dma_start3A_79 = arith.constant 0 : i32
    %dma_start3A_80 = tpu.memref_slice %arg17[%dma_start3A_78, %dma_start3A_79] : memref<10048x32xf32, #tpu.memory_space<vmem_shared>> -> memref<10048x32xf32, #tpu.memory_space<vmem_shared>>
    tpu.enqueue_indirect_dma source(%arg10 : memref<160x32xf32, #tpu.memory_space<vmem>>) target(%dma_start3A_80 : memref<10048x32xf32, #tpu.memory_space<vmem_shared>>) offsets(%dma_start3A_77 : memref<160xi32, #tpu.memory_space<vmem>>) semaphore(%arg24 : memref<!tpu.dma_semaphore, #tpu.memory_space<semaphore_mem>>) {add = true}
    %dma_wait3A_81 = arith.constant 0 : i32
    %dma_wait3A_82 = arith.constant 0 : i32
    %dma_wait3A_83 = tpu.memref_slice %arg8[%dma_wait3A_81, %dma_wait3A_82] : memref<125x160xi32, #tpu.memory_space<vmem>> -> memref<1x160xi32, #tpu.memory_space<vmem>>
    %dma_wait3A_84 = tpu.memref_squeeze %dma_wait3A_83 : memref<1x160xi32, #tpu.memory_space<vmem>> -> memref<160xi32, #tpu.memory_space<vmem>>
    %dma_wait3A_85 = arith.constant 0 : i32
    %dma_wait3A_86 = arith.constant 0 : i32
    %dma_wait3A_87 = tpu.memref_slice %arg17[%dma_wait3A_85, %dma_wait3A_86] : memref<10048x32xf32, #tpu.memory_space<vmem_shared>> -> memref<10048x32xf32, #tpu.memory_space<vmem_shared>>
    tpu.wait_indirect_dma semaphore(%arg23 : memref<!tpu.dma_semaphore, #tpu.memory_space<semaphore_mem>>) src(%arg9 : memref<160x32xf32, #tpu.memory_space<vmem>>) dst(%dma_wait3A_87 : memref<10048x32xf32, #tpu.memory_space<vmem_shared>>)
    %dma_start3A_88 = arith.constant 4 : i32
    %dma_start3A_89 = arith.constant 0 : i32
    %dma_start3A_90 = tpu.memref_slice %arg7[%dma_start3A_88, %dma_start3A_89] : memref<125x160xi32, #tpu.memory_space<vmem>> -> memref<1x160xi32, #tpu.memory_space<vmem>>
    %dma_start3A_91 = tpu.memref_squeeze %dma_start3A_90 : memref<1x160xi32, #tpu.memory_space<vmem>> -> memref<160xi32, #tpu.memory_space<vmem>>
    %dma_start3A_92 = arith.constant 0 : i32
    %dma_start3A_93 = arith.constant 0 : i32
    %dma_start3A_94 = tpu.memref_slice %arg18[%dma_start3A_92, %dma_start3A_93] : memref<10048x32xf32, #tpu.memory_space<vmem_shared>> -> memref<10048x32xf32, #tpu.memory_space<vmem_shared>>
    tpu.enqueue_indirect_dma source(%dma_start3A_94 : memref<10048x32xf32, #tpu.memory_space<vmem_shared>>) target(%arg9 : memref<160x32xf32, #tpu.memory_space<vmem>>) offsets(%dma_start3A_91 : memref<160xi32, #tpu.memory_space<vmem>>) semaphore(%arg19 : memref<!tpu.dma_semaphore, #tpu.memory_space<semaphore_mem>>)
    %dma_wait3A_95 = arith.constant 2 : i32
    %dma_wait3A_96 = arith.constant 0 : i32
    %dma_wait3A_97 = tpu.memref_slice %arg7[%dma_wait3A_95, %dma_wait3A_96] : memref<125x160xi32, #tpu.memory_space<vmem>> -> memref<1x160xi32, #tpu.memory_space<vmem>>
    %dma_wait3A_98 = tpu.memref_squeeze %dma_wait3A_97 : memref<1x160xi32, #tpu.memory_space<vmem>> -> memref<160xi32, #tpu.memory_space<vmem>>
    %dma_wait3A_99 = arith.constant 0 : i32
    %dma_wait3A_100 = arith.constant 0 : i32
    %dma_wait3A_101 = tpu.memref_slice %arg18[%dma_wait3A_99, %dma_wait3A_100] : memref<10048x32xf32, #tpu.memory_space<vmem_shared>> -> memref<10048x32xf32, #tpu.memory_space<vmem_shared>>
    tpu.wait_indirect_dma semaphore(%arg21 : memref<!tpu.dma_semaphore, #tpu.memory_space<semaphore_mem>>) src(%dma_wait3A_101 : memref<10048x32xf32, #tpu.memory_space<vmem_shared>>) dst(%arg11 : memref<160x32xf32, #tpu.memory_space<vmem>>)
    %dma_start3A_102 = arith.constant 2 : i32
    %dma_start3A_103 = arith.constant 0 : i32
    %dma_start3A_104 = tpu.memref_slice %arg8[%dma_start3A_102, %dma_start3A_103] : memref<125x160xi32, #tpu.memory_space<vmem>> -> memref<1x160xi32, #tpu.memory_space<vmem>>
    %dma_start3A_105 = tpu.memref_squeeze %dma_start3A_104 : memref<1x160xi32, #tpu.memory_space<vmem>> -> memref<160xi32, #tpu.memory_space<vmem>>
    %dma_start3A_106 = arith.constant 0 : i32
    %dma_start3A_107 = arith.constant 0 : i32
    %dma_start3A_108 = tpu.memref_slice %arg17[%dma_start3A_106, %dma_start3A_107] : memref<10048x32xf32, #tpu.memory_space<vmem_shared>> -> memref<10048x32xf32, #tpu.memory_space<vmem_shared>>
    tpu.enqueue_indirect_dma source(%arg11 : memref<160x32xf32, #tpu.memory_space<vmem>>) target(%dma_start3A_108 : memref<10048x32xf32, #tpu.memory_space<vmem_shared>>) offsets(%dma_start3A_105 : memref<160xi32, #tpu.memory_space<vmem>>) semaphore(%arg25 : memref<!tpu.dma_semaphore, #tpu.memory_space<semaphore_mem>>) {add = true}
    %dma_wait3A_109 = arith.constant 1 : i32
    %dma_wait3A_110 = arith.constant 0 : i32
    %dma_wait3A_111 = tpu.memref_slice %arg8[%dma_wait3A_109, %dma_wait3A_110] : memref<125x160xi32, #tpu.memory_space<vmem>> -> memref<1x160xi32, #tpu.memory_space<vmem>>
    %dma_wait3A_112 = tpu.memref_squeeze %dma_wait3A_111 : memref<1x160xi32, #tpu.memory_space<vmem>> -> memref<160xi32, #tpu.memory_space<vmem>>
    %dma_wait3A_113 = arith.constant 0 : i32
    %dma_wait3A_114 = arith.constant 0 : i32
    %dma_wait3A_115 = tpu.memref_slice %arg17[%dma_wait3A_113, %dma_wait3A_114] : memref<10048x32xf32, #tpu.memory_space<vmem_shared>> -> memref<10048x32xf32, #tpu.memory_space<vmem_shared>>
    tpu.wait_indirect_dma semaphore(%arg24 : memref<!tpu.dma_semaphore, #tpu.memory_space<semaphore_mem>>) src(%arg10 : memref<160x32xf32, #tpu.memory_space<vmem>>) dst(%dma_wait3A_115 : memref<10048x32xf32, #tpu.memory_space<vmem_shared>>)
    %dma_start3A_116 = arith.constant 5 : i32
    %dma_start3A_117 = arith.constant 0 : i32
    %dma_start3A_118 = tpu.memref_slice %arg7[%dma_start3A_116, %dma_start3A_117] : memref<125x160xi32, #tpu.memory_space<vmem>> -> memref<1x160xi32, #tpu.memory_space<vmem>>
    %dma_start3A_119 = tpu.memref_squeeze %dma_start3A_118 : memref<1x160xi32, #tpu.memory_space<vmem>> -> memref<160xi32, #tpu.memory_space<vmem>>
    %dma_start3A_120 = arith.constant 0 : i32
    %dma_start3A_121 = arith.constant 0 : i32
    %dma_start3A_122 = tpu.memref_slice %arg18[%dma_start3A_120, %dma_start3A_121] : memref<10048x32xf32, #tpu.memory_space<vmem_shared>> -> memref<10048x32xf32, #tpu.memory_space<vmem_shared>>
    tpu.enqueue_indirect_dma source(%dma_start3A_122 : memref<10048x32xf32, #tpu.memory_space<vmem_shared>>) target(%arg10 : memref<160x32xf32, #tpu.memory_space<vmem>>) offsets(%dma_start3A_119 : memref<160xi32, #tpu.memory_space<vmem>>) semaphore(%arg20 : memref<!tpu.dma_semaphore, #tpu.memory_space<semaphore_mem>>)
    %dma_wait3A_123 = arith.constant 3 : i32
    %dma_wait3A_124 = arith.constant 0 : i32
    %dma_wait3A_125 = tpu.memref_slice %arg7[%dma_wait3A_123, %dma_wait3A_124] : memref<125x160xi32, #tpu.memory_space<vmem>> -> memref<1x160xi32, #tpu.memory_space<vmem>>
    %dma_wait3A_126 = tpu.memref_squeeze %dma_wait3A_125 : memref<1x160xi32, #tpu.memory_space<vmem>> -> memref<160xi32, #tpu.memory_space<vmem>>
    %dma_wait3A_127 = arith.constant 0 : i32
    %dma_wait3A_128 = arith.constant 0 : i32
    %dma_wait3A_129 = tpu.memref_slice %arg18[%dma_wait3A_127, %dma_wait3A_128] : memref<10048x32xf32, #tpu.memory_space<vmem_shared>> -> memref<10048x32xf32, #tpu.memory_space<vmem_shared>>
    tpu.wait_indirect_dma semaphore(%arg22 : memref<!tpu.dma_semaphore, #tpu.memory_space<semaphore_mem>>) src(%dma_wait3A_129 : memref<10048x32xf32, #tpu.memory_space<vmem_shared>>) dst(%arg12 : memref<160x32xf32, #tpu.memory_space<vmem>>)
    %dma_start3A_130 = arith.constant 3 : i32
    %dma_start3A_131 = arith.constant 0 : i32
    %dma_start3A_132 = tpu.memref_slice %arg8[%dma_start3A_130, %dma_start3A_131] : memref<125x160xi32, #tpu.memory_space<vmem>> -> memref<1x160xi32, #tpu.memory_space<vmem>>
    %dma_start3A_133 = tpu.memref_squeeze %dma_start3A_132 : memref<1x160xi32, #tpu.memory_space<vmem>> -> memref<160xi32, #tpu.memory_space<vmem>>
    %dma_start3A_134 = arith.constant 0 : i32
    %dma_start3A_135 = arith.constant 0 : i32
    %dma_start3A_136 = tpu.memref_slice %arg17[%dma_start3A_134, %dma_start3A_135] : memref<10048x32xf32, #tpu.memory_space<vmem_shared>> -> memref<10048x32xf32, #tpu.memory_space<vmem_shared>>
    tpu.enqueue_indirect_dma source(%arg12 : memref<160x32xf32, #tpu.memory_space<vmem>>) target(%dma_start3A_136 : memref<10048x32xf32, #tpu.memory_space<vmem_shared>>) offsets(%dma_start3A_133 : memref<160xi32, #tpu.memory_space<vmem>>) semaphore(%arg26 : memref<!tpu.dma_semaphore, #tpu.memory_space<semaphore_mem>>) {add = true}
    %scan3A_137 = arith.constant 0 : i32
    %scan3A_138 = arith.constant 1 : i32
    %scan3A_139 = arith.constant 29 : i32
    %scan3A_140 = arith.addi %scan3A_138, %scan3A_139 : i32
    %scan3A_141 = arith.constant 1 : i32
    scf.for %scan3A_320 = %scan3A_138 to %scan3A_140 step %scan3A_141  : i32 {
      %mul3A_321 = arith.constant 4 : i32
      %mul3A_322 = arith.muli %mul3A_321, %scan3A_320 : i32
      %add3A_323 = arith.constant 0 : i32
      %add3A_324 = arith.addi %mul3A_322, %add3A_323 : i32
      %add3A_325 = arith.constant 2 : i32
      %add3A_326 = arith.addi %add3A_324, %add3A_325 : i32
      %sub3A = arith.constant 4 : i32
      %sub3A_327 = arith.subi %add3A_326, %sub3A : i32
      %dma_wait3A_328 = arith.constant 0 : i32
      %dma_wait3A_329 = tpu.memref_slice %arg8[%sub3A_327, %dma_wait3A_328] : memref<125x160xi32, #tpu.memory_space<vmem>> -> memref<1x160xi32, #tpu.memory_space<vmem>>
      %dma_wait3A_330 = tpu.memref_squeeze %dma_wait3A_329 : memref<1x160xi32, #tpu.memory_space<vmem>> -> memref<160xi32, #tpu.memory_space<vmem>>
      %dma_wait3A_331 = arith.constant 0 : i32
      %dma_wait3A_332 = arith.constant 0 : i32
      %dma_wait3A_333 = tpu.memref_slice %arg17[%dma_wait3A_331, %dma_wait3A_332] : memref<10048x32xf32, #tpu.memory_space<vmem_shared>> -> memref<10048x32xf32, #tpu.memory_space<vmem_shared>>
      tpu.wait_indirect_dma semaphore(%arg25 : memref<!tpu.dma_semaphore, #tpu.memory_space<semaphore_mem>>) src(%arg11 : memref<160x32xf32, #tpu.memory_space<vmem>>) dst(%dma_wait3A_333 : memref<10048x32xf32, #tpu.memory_space<vmem_shared>>)
      %add3A_334 = arith.constant 2 : i32
      %add3A_335 = arith.addi %add3A_324, %add3A_334 : i32
      %dma_start3A_336 = arith.constant 0 : i32
      %dma_start3A_337 = tpu.memref_slice %arg7[%add3A_335, %dma_start3A_336] : memref<125x160xi32, #tpu.memory_space<vmem>> -> memref<1x160xi32, #tpu.memory_space<vmem>>
      %dma_start3A_338 = tpu.memref_squeeze %dma_start3A_337 : memref<1x160xi32, #tpu.memory_space<vmem>> -> memref<160xi32, #tpu.memory_space<vmem>>
      %dma_start3A_339 = arith.constant 0 : i32
      %dma_start3A_340 = arith.constant 0 : i32
      %dma_start3A_341 = tpu.memref_slice %arg18[%dma_start3A_339, %dma_start3A_340] : memref<10048x32xf32, #tpu.memory_space<vmem_shared>> -> memref<10048x32xf32, #tpu.memory_space<vmem_shared>>
      tpu.enqueue_indirect_dma source(%dma_start3A_341 : memref<10048x32xf32, #tpu.memory_space<vmem_shared>>) target(%arg11 : memref<160x32xf32, #tpu.memory_space<vmem>>) offsets(%dma_start3A_338 : memref<160xi32, #tpu.memory_space<vmem>>) semaphore(%arg21 : memref<!tpu.dma_semaphore, #tpu.memory_space<semaphore_mem>>)
      %dma_wait3A_342 = arith.constant 0 : i32
      %dma_wait3A_343 = tpu.memref_slice %arg7[%add3A_324, %dma_wait3A_342] : memref<125x160xi32, #tpu.memory_space<vmem>> -> memref<1x160xi32, #tpu.memory_space<vmem>>
      %dma_wait3A_344 = tpu.memref_squeeze %dma_wait3A_343 : memref<1x160xi32, #tpu.memory_space<vmem>> -> memref<160xi32, #tpu.memory_space<vmem>>
      %dma_wait3A_345 = arith.constant 0 : i32
      %dma_wait3A_346 = arith.constant 0 : i32
      %dma_wait3A_347 = tpu.memref_slice %arg18[%dma_wait3A_345, %dma_wait3A_346] : memref<10048x32xf32, #tpu.memory_space<vmem_shared>> -> memref<10048x32xf32, #tpu.memory_space<vmem_shared>>
      tpu.wait_indirect_dma semaphore(%arg19 : memref<!tpu.dma_semaphore, #tpu.memory_space<semaphore_mem>>) src(%dma_wait3A_347 : memref<10048x32xf32, #tpu.memory_space<vmem_shared>>) dst(%arg9 : memref<160x32xf32, #tpu.memory_space<vmem>>)
      %dma_start3A_348 = arith.constant 0 : i32
      %dma_start3A_349 = tpu.memref_slice %arg8[%add3A_324, %dma_start3A_348] : memref<125x160xi32, #tpu.memory_space<vmem>> -> memref<1x160xi32, #tpu.memory_space<vmem>>
      %dma_start3A_350 = tpu.memref_squeeze %dma_start3A_349 : memref<1x160xi32, #tpu.memory_space<vmem>> -> memref<160xi32, #tpu.memory_space<vmem>>
      %dma_start3A_351 = arith.constant 0 : i32
      %dma_start3A_352 = arith.constant 0 : i32
      %dma_start3A_353 = tpu.memref_slice %arg17[%dma_start3A_351, %dma_start3A_352] : memref<10048x32xf32, #tpu.memory_space<vmem_shared>> -> memref<10048x32xf32, #tpu.memory_space<vmem_shared>>
      tpu.enqueue_indirect_dma source(%arg9 : memref<160x32xf32, #tpu.memory_space<vmem>>) target(%dma_start3A_353 : memref<10048x32xf32, #tpu.memory_space<vmem_shared>>) offsets(%dma_start3A_350 : memref<160xi32, #tpu.memory_space<vmem>>) semaphore(%arg23 : memref<!tpu.dma_semaphore, #tpu.memory_space<semaphore_mem>>) {add = true}
      %mul3A_354 = arith.constant 4 : i32
      %mul3A_355 = arith.muli %mul3A_354, %scan3A_320 : i32
      %add3A_356 = arith.constant 1 : i32
      %add3A_357 = arith.addi %mul3A_355, %add3A_356 : i32
      %add3A_358 = arith.constant 2 : i32
      %add3A_359 = arith.addi %add3A_357, %add3A_358 : i32
      %sub3A_360 = arith.constant 4 : i32
      %sub3A_361 = arith.subi %add3A_359, %sub3A_360 : i32
      %dma_wait3A_362 = arith.constant 0 : i32
      %dma_wait3A_363 = tpu.memref_slice %arg8[%sub3A_361, %dma_wait3A_362] : memref<125x160xi32, #tpu.memory_space<vmem>> -> memref<1x160xi32, #tpu.memory_space<vmem>>
      %dma_wait3A_364 = tpu.memref_squeeze %dma_wait3A_363 : memref<1x160xi32, #tpu.memory_space<vmem>> -> memref<160xi32, #tpu.memory_space<vmem>>
      %dma_wait3A_365 = arith.constant 0 : i32
      %dma_wait3A_366 = arith.constant 0 : i32
      %dma_wait3A_367 = tpu.memref_slice %arg17[%dma_wait3A_365, %dma_wait3A_366] : memref<10048x32xf32, #tpu.memory_space<vmem_shared>> -> memref<10048x32xf32, #tpu.memory_space<vmem_shared>>
      tpu.wait_indirect_dma semaphore(%arg26 : memref<!tpu.dma_semaphore, #tpu.memory_space<semaphore_mem>>) src(%arg12 : memref<160x32xf32, #tpu.memory_space<vmem>>) dst(%dma_wait3A_367 : memref<10048x32xf32, #tpu.memory_space<vmem_shared>>)
      %add3A_368 = arith.constant 2 : i32
      %add3A_369 = arith.addi %add3A_357, %add3A_368 : i32
      %dma_start3A_370 = arith.constant 0 : i32
      %dma_start3A_371 = tpu.memref_slice %arg7[%add3A_369, %dma_start3A_370] : memref<125x160xi32, #tpu.memory_space<vmem>> -> memref<1x160xi32, #tpu.memory_space<vmem>>
      %dma_start3A_372 = tpu.memref_squeeze %dma_start3A_371 : memref<1x160xi32, #tpu.memory_space<vmem>> -> memref<160xi32, #tpu.memory_space<vmem>>
      %dma_start3A_373 = arith.constant 0 : i32
      %dma_start3A_374 = arith.constant 0 : i32
      %dma_start3A_375 = tpu.memref_slice %arg18[%dma_start3A_373, %dma_start3A_374] : memref<10048x32xf32, #tpu.memory_space<vmem_shared>> -> memref<10048x32xf32, #tpu.memory_space<vmem_shared>>
      tpu.enqueue_indirect_dma source(%dma_start3A_375 : memref<10048x32xf32, #tpu.memory_space<vmem_shared>>) target(%arg12 : memref<160x32xf32, #tpu.memory_space<vmem>>) offsets(%dma_start3A_372 : memref<160xi32, #tpu.memory_space<vmem>>) semaphore(%arg22 : memref<!tpu.dma_semaphore, #tpu.memory_space<semaphore_mem>>)
      %dma_wait3A_376 = arith.constant 0 : i32
      %dma_wait3A_377 = tpu.memref_slice %arg7[%add3A_357, %dma_wait3A_376] : memref<125x160xi32, #tpu.memory_space<vmem>> -> memref<1x160xi32, #tpu.memory_space<vmem>>
      %dma_wait3A_378 = tpu.memref_squeeze %dma_wait3A_377 : memref<1x160xi32, #tpu.memory_space<vmem>> -> memref<160xi32, #tpu.memory_space<vmem>>
      %dma_wait3A_379 = arith.constant 0 : i32
      %dma_wait3A_380 = arith.constant 0 : i32
      %dma_wait3A_381 = tpu.memref_slice %arg18[%dma_wait3A_379, %dma_wait3A_380] : memref<10048x32xf32, #tpu.memory_space<vmem_shared>> -> memref<10048x32xf32, #tpu.memory_space<vmem_shared>>
      tpu.wait_indirect_dma semaphore(%arg20 : memref<!tpu.dma_semaphore, #tpu.memory_space<semaphore_mem>>) src(%dma_wait3A_381 : memref<10048x32xf32, #tpu.memory_space<vmem_shared>>) dst(%arg10 : memref<160x32xf32, #tpu.memory_space<vmem>>)
      %dma_start3A_382 = arith.constant 0 : i32
      %dma_start3A_383 = tpu.memref_slice %arg8[%add3A_357, %dma_start3A_382] : memref<125x160xi32, #tpu.memory_space<vmem>> -> memref<1x160xi32, #tpu.memory_space<vmem>>
      %dma_start3A_384 = tpu.memref_squeeze %dma_start3A_383 : memref<1x160xi32, #tpu.memory_space<vmem>> -> memref<160xi32, #tpu.memory_space<vmem>>
      %dma_start3A_385 = arith.constant 0 : i32
      %dma_start3A_386 = arith.constant 0 : i32
      %dma_start3A_387 = tpu.memref_slice %arg17[%dma_start3A_385, %dma_start3A_386] : memref<10048x32xf32, #tpu.memory_space<vmem_shared>> -> memref<10048x32xf32, #tpu.memory_space<vmem_shared>>
      tpu.enqueue_indirect_dma source(%arg10 : memref<160x32xf32, #tpu.memory_space<vmem>>) target(%dma_start3A_387 : memref<10048x32xf32, #tpu.memory_space<vmem_shared>>) offsets(%dma_start3A_384 : memref<160xi32, #tpu.memory_space<vmem>>) semaphore(%arg24 : memref<!tpu.dma_semaphore, #tpu.memory_space<semaphore_mem>>) {add = true}
      %mul3A_388 = arith.constant 4 : i32
      %mul3A_389 = arith.muli %mul3A_388, %scan3A_320 : i32
      %add3A_390 = arith.constant 2 : i32
      %add3A_391 = arith.addi %mul3A_389, %add3A_390 : i32
      %add3A_392 = arith.constant 2 : i32
      %add3A_393 = arith.addi %add3A_391, %add3A_392 : i32
      %sub3A_394 = arith.constant 4 : i32
      %sub3A_395 = arith.subi %add3A_393, %sub3A_394 : i32
      %dma_wait3A_396 = arith.constant 0 : i32
      %dma_wait3A_397 = tpu.memref_slice %arg8[%sub3A_395, %dma_wait3A_396] : memref<125x160xi32, #tpu.memory_space<vmem>> -> memref<1x160xi32, #tpu.memory_space<vmem>>
      %dma_wait3A_398 = tpu.memref_squeeze %dma_wait3A_397 : memref<1x160xi32, #tpu.memory_space<vmem>> -> memref<160xi32, #tpu.memory_space<vmem>>
      %dma_wait3A_399 = arith.constant 0 : i32
      %dma_wait3A_400 = arith.constant 0 : i32
      %dma_wait3A_401 = tpu.memref_slice %arg17[%dma_wait3A_399, %dma_wait3A_400] : memref<10048x32xf32, #tpu.memory_space<vmem_shared>> -> memref<10048x32xf32, #tpu.memory_space<vmem_shared>>
      tpu.wait_indirect_dma semaphore(%arg23 : memref<!tpu.dma_semaphore, #tpu.memory_space<semaphore_mem>>) src(%arg9 : memref<160x32xf32, #tpu.memory_space<vmem>>) dst(%dma_wait3A_401 : memref<10048x32xf32, #tpu.memory_space<vmem_shared>>)
      %add3A_402 = arith.constant 2 : i32
      %add3A_403 = arith.addi %add3A_391, %add3A_402 : i32
      %dma_start3A_404 = arith.constant 0 : i32
      %dma_start3A_405 = tpu.memref_slice %arg7[%add3A_403, %dma_start3A_404] : memref<125x160xi32, #tpu.memory_space<vmem>> -> memref<1x160xi32, #tpu.memory_space<vmem>>
      %dma_start3A_406 = tpu.memref_squeeze %dma_start3A_405 : memref<1x160xi32, #tpu.memory_space<vmem>> -> memref<160xi32, #tpu.memory_space<vmem>>
      %dma_start3A_407 = arith.constant 0 : i32
      %dma_start3A_408 = arith.constant 0 : i32
      %dma_start3A_409 = tpu.memref_slice %arg18[%dma_start3A_407, %dma_start3A_408] : memref<10048x32xf32, #tpu.memory_space<vmem_shared>> -> memref<10048x32xf32, #tpu.memory_space<vmem_shared>>
      tpu.enqueue_indirect_dma source(%dma_start3A_409 : memref<10048x32xf32, #tpu.memory_space<vmem_shared>>) target(%arg9 : memref<160x32xf32, #tpu.memory_space<vmem>>) offsets(%dma_start3A_406 : memref<160xi32, #tpu.memory_space<vmem>>) semaphore(%arg19 : memref<!tpu.dma_semaphore, #tpu.memory_space<semaphore_mem>>)
      %dma_wait3A_410 = arith.constant 0 : i32
      %dma_wait3A_411 = tpu.memref_slice %arg7[%add3A_391, %dma_wait3A_410] : memref<125x160xi32, #tpu.memory_space<vmem>> -> memref<1x160xi32, #tpu.memory_space<vmem>>
      %dma_wait3A_412 = tpu.memref_squeeze %dma_wait3A_411 : memref<1x160xi32, #tpu.memory_space<vmem>> -> memref<160xi32, #tpu.memory_space<vmem>>
      %dma_wait3A_413 = arith.constant 0 : i32
      %dma_wait3A_414 = arith.constant 0 : i32
      %dma_wait3A_415 = tpu.memref_slice %arg18[%dma_wait3A_413, %dma_wait3A_414] : memref<10048x32xf32, #tpu.memory_space<vmem_shared>> -> memref<10048x32xf32, #tpu.memory_space<vmem_shared>>
      tpu.wait_indirect_dma semaphore(%arg21 : memref<!tpu.dma_semaphore, #tpu.memory_space<semaphore_mem>>) src(%dma_wait3A_415 : memref<10048x32xf32, #tpu.memory_space<vmem_shared>>) dst(%arg11 : memref<160x32xf32, #tpu.memory_space<vmem>>)
      %dma_start3A_416 = arith.constant 0 : i32
      %dma_start3A_417 = tpu.memref_slice %arg8[%add3A_391, %dma_start3A_416] : memref<125x160xi32, #tpu.memory_space<vmem>> -> memref<1x160xi32, #tpu.memory_space<vmem>>
      %dma_start3A_418 = tpu.memref_squeeze %dma_start3A_417 : memref<1x160xi32, #tpu.memory_space<vmem>> -> memref<160xi32, #tpu.memory_space<vmem>>
      %dma_start3A_419 = arith.constant 0 : i32
      %dma_start3A_420 = arith.constant 0 : i32
      %dma_start3A_421 = tpu.memref_slice %arg17[%dma_start3A_419, %dma_start3A_420] : memref<10048x32xf32, #tpu.memory_space<vmem_shared>> -> memref<10048x32xf32, #tpu.memory_space<vmem_shared>>
      tpu.enqueue_indirect_dma source(%arg11 : memref<160x32xf32, #tpu.memory_space<vmem>>) target(%dma_start3A_421 : memref<10048x32xf32, #tpu.memory_space<vmem_shared>>) offsets(%dma_start3A_418 : memref<160xi32, #tpu.memory_space<vmem>>) semaphore(%arg25 : memref<!tpu.dma_semaphore, #tpu.memory_space<semaphore_mem>>) {add = true}
      %mul3A_422 = arith.constant 4 : i32
      %mul3A_423 = arith.muli %mul3A_422, %scan3A_320 : i32
      %add3A_424 = arith.constant 3 : i32
      %add3A_425 = arith.addi %mul3A_423, %add3A_424 : i32
      %add3A_426 = arith.constant 2 : i32
      %add3A_427 = arith.addi %add3A_425, %add3A_426 : i32
      %sub3A_428 = arith.constant 4 : i32
      %sub3A_429 = arith.subi %add3A_427, %sub3A_428 : i32
      %dma_wait3A_430 = arith.constant 0 : i32
      %dma_wait3A_431 = tpu.memref_slice %arg8[%sub3A_429, %dma_wait3A_430] : memref<125x160xi32, #tpu.memory_space<vmem>> -> memref<1x160xi32, #tpu.memory_space<vmem>>
      %dma_wait3A_432 = tpu.memref_squeeze %dma_wait3A_431 : memref<1x160xi32, #tpu.memory_space<vmem>> -> memref<160xi32, #tpu.memory_space<vmem>>
      %dma_wait3A_433 = arith.constant 0 : i32
      %dma_wait3A_434 = arith.constant 0 : i32
      %dma_wait3A_435 = tpu.memref_slice %arg17[%dma_wait3A_433, %dma_wait3A_434] : memref<10048x32xf32, #tpu.memory_space<vmem_shared>> -> memref<10048x32xf32, #tpu.memory_space<vmem_shared>>
      tpu.wait_indirect_dma semaphore(%arg24 : memref<!tpu.dma_semaphore, #tpu.memory_space<semaphore_mem>>) src(%arg10 : memref<160x32xf32, #tpu.memory_space<vmem>>) dst(%dma_wait3A_435 : memref<10048x32xf32, #tpu.memory_space<vmem_shared>>)
      %add3A_436 = arith.constant 2 : i32
      %add3A_437 = arith.addi %add3A_425, %add3A_436 : i32
      %dma_start3A_438 = arith.constant 0 : i32
      %dma_start3A_439 = tpu.memref_slice %arg7[%add3A_437, %dma_start3A_438] : memref<125x160xi32, #tpu.memory_space<vmem>> -> memref<1x160xi32, #tpu.memory_space<vmem>>
      %dma_start3A_440 = tpu.memref_squeeze %dma_start3A_439 : memref<1x160xi32, #tpu.memory_space<vmem>> -> memref<160xi32, #tpu.memory_space<vmem>>
      %dma_start3A_441 = arith.constant 0 : i32
      %dma_start3A_442 = arith.constant 0 : i32
      %dma_start3A_443 = tpu.memref_slice %arg18[%dma_start3A_441, %dma_start3A_442] : memref<10048x32xf32, #tpu.memory_space<vmem_shared>> -> memref<10048x32xf32, #tpu.memory_space<vmem_shared>>
      tpu.enqueue_indirect_dma source(%dma_start3A_443 : memref<10048x32xf32, #tpu.memory_space<vmem_shared>>) target(%arg10 : memref<160x32xf32, #tpu.memory_space<vmem>>) offsets(%dma_start3A_440 : memref<160xi32, #tpu.memory_space<vmem>>) semaphore(%arg20 : memref<!tpu.dma_semaphore, #tpu.memory_space<semaphore_mem>>)
      %dma_wait3A_444 = arith.constant 0 : i32
      %dma_wait3A_445 = tpu.memref_slice %arg7[%add3A_425, %dma_wait3A_444] : memref<125x160xi32, #tpu.memory_space<vmem>> -> memref<1x160xi32, #tpu.memory_space<vmem>>
      %dma_wait3A_446 = tpu.memref_squeeze %dma_wait3A_445 : memref<1x160xi32, #tpu.memory_space<vmem>> -> memref<160xi32, #tpu.memory_space<vmem>>
      %dma_wait3A_447 = arith.constant 0 : i32
      %dma_wait3A_448 = arith.constant 0 : i32
      %dma_wait3A_449 = tpu.memref_slice %arg18[%dma_wait3A_447, %dma_wait3A_448] : memref<10048x32xf32, #tpu.memory_space<vmem_shared>> -> memref<10048x32xf32, #tpu.memory_space<vmem_shared>>
      tpu.wait_indirect_dma semaphore(%arg22 : memref<!tpu.dma_semaphore, #tpu.memory_space<semaphore_mem>>) src(%dma_wait3A_449 : memref<10048x32xf32, #tpu.memory_space<vmem_shared>>) dst(%arg12 : memref<160x32xf32, #tpu.memory_space<vmem>>)
      %dma_start3A_450 = arith.constant 0 : i32
      %dma_start3A_451 = tpu.memref_slice %arg8[%add3A_425, %dma_start3A_450] : memref<125x160xi32, #tpu.memory_space<vmem>> -> memref<1x160xi32, #tpu.memory_space<vmem>>
      %dma_start3A_452 = tpu.memref_squeeze %dma_start3A_451 : memref<1x160xi32, #tpu.memory_space<vmem>> -> memref<160xi32, #tpu.memory_space<vmem>>
      %dma_start3A_453 = arith.constant 0 : i32
      %dma_start3A_454 = arith.constant 0 : i32
      %dma_start3A_455 = tpu.memref_slice %arg17[%dma_start3A_453, %dma_start3A_454] : memref<10048x32xf32, #tpu.memory_space<vmem_shared>> -> memref<10048x32xf32, #tpu.memory_space<vmem_shared>>
      tpu.enqueue_indirect_dma source(%arg12 : memref<160x32xf32, #tpu.memory_space<vmem>>) target(%dma_start3A_455 : memref<10048x32xf32, #tpu.memory_space<vmem_shared>>) offsets(%dma_start3A_452 : memref<160xi32, #tpu.memory_space<vmem>>) semaphore(%arg26 : memref<!tpu.dma_semaphore, #tpu.memory_space<semaphore_mem>>) {add = true}
    }
    %scan3A_142 = arith.constant 29 : i32
    %dma_wait3A_143 = arith.constant 118 : i32
    %dma_wait3A_144 = arith.constant 0 : i32
    %dma_wait3A_145 = tpu.memref_slice %arg8[%dma_wait3A_143, %dma_wait3A_144] : memref<125x160xi32, #tpu.memory_space<vmem>> -> memref<1x160xi32, #tpu.memory_space<vmem>>
    %dma_wait3A_146 = tpu.memref_squeeze %dma_wait3A_145 : memref<1x160xi32, #tpu.memory_space<vmem>> -> memref<160xi32, #tpu.memory_space<vmem>>
    %dma_wait3A_147 = arith.constant 0 : i32
    %dma_wait3A_148 = arith.constant 0 : i32
    %dma_wait3A_149 = tpu.memref_slice %arg17[%dma_wait3A_147, %dma_wait3A_148] : memref<10048x32xf32, #tpu.memory_space<vmem_shared>> -> memref<10048x32xf32, #tpu.memory_space<vmem_shared>>
    tpu.wait_indirect_dma semaphore(%arg25 : memref<!tpu.dma_semaphore, #tpu.memory_space<semaphore_mem>>) src(%arg11 : memref<160x32xf32, #tpu.memory_space<vmem>>) dst(%dma_wait3A_149 : memref<10048x32xf32, #tpu.memory_space<vmem_shared>>)
    %dma_start3A_150 = arith.constant 122 : i32
    %dma_start3A_151 = arith.constant 0 : i32
    %dma_start3A_152 = tpu.memref_slice %arg7[%dma_start3A_150, %dma_start3A_151] : memref<125x160xi32, #tpu.memory_space<vmem>> -> memref<1x160xi32, #tpu.memory_space<vmem>>
    %dma_start3A_153 = tpu.memref_squeeze %dma_start3A_152 : memref<1x160xi32, #tpu.memory_space<vmem>> -> memref<160xi32, #tpu.memory_space<vmem>>
    %dma_start3A_154 = arith.constant 0 : i32
    %dma_start3A_155 = arith.constant 0 : i32
    %dma_start3A_156 = tpu.memref_slice %arg18[%dma_start3A_154, %dma_start3A_155] : memref<10048x32xf32, #tpu.memory_space<vmem_shared>> -> memref<10048x32xf32, #tpu.memory_space<vmem_shared>>
    tpu.enqueue_indirect_dma source(%dma_start3A_156 : memref<10048x32xf32, #tpu.memory_space<vmem_shared>>) target(%arg11 : memref<160x32xf32, #tpu.memory_space<vmem>>) offsets(%dma_start3A_153 : memref<160xi32, #tpu.memory_space<vmem>>) semaphore(%arg21 : memref<!tpu.dma_semaphore, #tpu.memory_space<semaphore_mem>>)
    %dma_wait3A_157 = arith.constant 120 : i32
    %dma_wait3A_158 = arith.constant 0 : i32
    %dma_wait3A_159 = tpu.memref_slice %arg7[%dma_wait3A_157, %dma_wait3A_158] : memref<125x160xi32, #tpu.memory_space<vmem>> -> memref<1x160xi32, #tpu.memory_space<vmem>>
    %dma_wait3A_160 = tpu.memref_squeeze %dma_wait3A_159 : memref<1x160xi32, #tpu.memory_space<vmem>> -> memref<160xi32, #tpu.memory_space<vmem>>
    %dma_wait3A_161 = arith.constant 0 : i32
    %dma_wait3A_162 = arith.constant 0 : i32
    %dma_wait3A_163 = tpu.memref_slice %arg18[%dma_wait3A_161, %dma_wait3A_162] : memref<10048x32xf32, #tpu.memory_space<vmem_shared>> -> memref<10048x32xf32, #tpu.memory_space<vmem_shared>>
    tpu.wait_indirect_dma semaphore(%arg19 : memref<!tpu.dma_semaphore, #tpu.memory_space<semaphore_mem>>) src(%dma_wait3A_163 : memref<10048x32xf32, #tpu.memory_space<vmem_shared>>) dst(%arg9 : memref<160x32xf32, #tpu.memory_space<vmem>>)
    %dma_start3A_164 = arith.constant 120 : i32
    %dma_start3A_165 = arith.constant 0 : i32
    %dma_start3A_166 = tpu.memref_slice %arg8[%dma_start3A_164, %dma_start3A_165] : memref<125x160xi32, #tpu.memory_space<vmem>> -> memref<1x160xi32, #tpu.memory_space<vmem>>
    %dma_start3A_167 = tpu.memref_squeeze %dma_start3A_166 : memref<1x160xi32, #tpu.memory_space<vmem>> -> memref<160xi32, #tpu.memory_space<vmem>>
    %dma_start3A_168 = arith.constant 0 : i32
    %dma_start3A_169 = arith.constant 0 : i32
    %dma_start3A_170 = tpu.memref_slice %arg17[%dma_start3A_168, %dma_start3A_169] : memref<10048x32xf32, #tpu.memory_space<vmem_shared>> -> memref<10048x32xf32, #tpu.memory_space<vmem_shared>>
    tpu.enqueue_indirect_dma source(%arg9 : memref<160x32xf32, #tpu.memory_space<vmem>>) target(%dma_start3A_170 : memref<10048x32xf32, #tpu.memory_space<vmem_shared>>) offsets(%dma_start3A_167 : memref<160xi32, #tpu.memory_space<vmem>>) semaphore(%arg23 : memref<!tpu.dma_semaphore, #tpu.memory_space<semaphore_mem>>) {add = true}
    %dma_wait3A_171 = arith.constant 119 : i32
    %dma_wait3A_172 = arith.constant 0 : i32
    %dma_wait3A_173 = tpu.memref_slice %arg8[%dma_wait3A_171, %dma_wait3A_172] : memref<125x160xi32, #tpu.memory_space<vmem>> -> memref<1x160xi32, #tpu.memory_space<vmem>>
    %dma_wait3A_174 = tpu.memref_squeeze %dma_wait3A_173 : memref<1x160xi32, #tpu.memory_space<vmem>> -> memref<160xi32, #tpu.memory_space<vmem>>
    %dma_wait3A_175 = arith.constant 0 : i32
    %dma_wait3A_176 = arith.constant 0 : i32
    %dma_wait3A_177 = tpu.memref_slice %arg17[%dma_wait3A_175, %dma_wait3A_176] : memref<10048x32xf32, #tpu.memory_space<vmem_shared>> -> memref<10048x32xf32, #tpu.memory_space<vmem_shared>>
    tpu.wait_indirect_dma semaphore(%arg26 : memref<!tpu.dma_semaphore, #tpu.memory_space<semaphore_mem>>) src(%arg12 : memref<160x32xf32, #tpu.memory_space<vmem>>) dst(%dma_wait3A_177 : memref<10048x32xf32, #tpu.memory_space<vmem_shared>>)
    %dma_start3A_178 = arith.constant 123 : i32
    %dma_start3A_179 = arith.constant 0 : i32
    %dma_start3A_180 = tpu.memref_slice %arg7[%dma_start3A_178, %dma_start3A_179] : memref<125x160xi32, #tpu.memory_space<vmem>> -> memref<1x160xi32, #tpu.memory_space<vmem>>
    %dma_start3A_181 = tpu.memref_squeeze %dma_start3A_180 : memref<1x160xi32, #tpu.memory_space<vmem>> -> memref<160xi32, #tpu.memory_space<vmem>>
    %dma_start3A_182 = arith.constant 0 : i32
    %dma_start3A_183 = arith.constant 0 : i32
    %dma_start3A_184 = tpu.memref_slice %arg18[%dma_start3A_182, %dma_start3A_183] : memref<10048x32xf32, #tpu.memory_space<vmem_shared>> -> memref<10048x32xf32, #tpu.memory_space<vmem_shared>>
    tpu.enqueue_indirect_dma source(%dma_start3A_184 : memref<10048x32xf32, #tpu.memory_space<vmem_shared>>) target(%arg12 : memref<160x32xf32, #tpu.memory_space<vmem>>) offsets(%dma_start3A_181 : memref<160xi32, #tpu.memory_space<vmem>>) semaphore(%arg22 : memref<!tpu.dma_semaphore, #tpu.memory_space<semaphore_mem>>)
    %dma_wait3A_185 = arith.constant 121 : i32
    %dma_wait3A_186 = arith.constant 0 : i32
    %dma_wait3A_187 = tpu.memref_slice %arg7[%dma_wait3A_185, %dma_wait3A_186] : memref<125x160xi32, #tpu.memory_space<vmem>> -> memref<1x160xi32, #tpu.memory_space<vmem>>
    %dma_wait3A_188 = tpu.memref_squeeze %dma_wait3A_187 : memref<1x160xi32, #tpu.memory_space<vmem>> -> memref<160xi32, #tpu.memory_space<vmem>>
    %dma_wait3A_189 = arith.constant 0 : i32
    %dma_wait3A_190 = arith.constant 0 : i32
    %dma_wait3A_191 = tpu.memref_slice %arg18[%dma_wait3A_189, %dma_wait3A_190] : memref<10048x32xf32, #tpu.memory_space<vmem_shared>> -> memref<10048x32xf32, #tpu.memory_space<vmem_shared>>
    tpu.wait_indirect_dma semaphore(%arg20 : memref<!tpu.dma_semaphore, #tpu.memory_space<semaphore_mem>>) src(%dma_wait3A_191 : memref<10048x32xf32, #tpu.memory_space<vmem_shared>>) dst(%arg10 : memref<160x32xf32, #tpu.memory_space<vmem>>)
    %dma_start3A_192 = arith.constant 121 : i32
    %dma_start3A_193 = arith.constant 0 : i32
    %dma_start3A_194 = tpu.memref_slice %arg8[%dma_start3A_192, %dma_start3A_193] : memref<125x160xi32, #tpu.memory_space<vmem>> -> memref<1x160xi32, #tpu.memory_space<vmem>>
    %dma_start3A_195 = tpu.memref_squeeze %dma_start3A_194 : memref<1x160xi32, #tpu.memory_space<vmem>> -> memref<160xi32, #tpu.memory_space<vmem>>
    %dma_start3A_196 = arith.constant 0 : i32
    %dma_start3A_197 = arith.constant 0 : i32
    %dma_start3A_198 = tpu.memref_slice %arg17[%dma_start3A_196, %dma_start3A_197] : memref<10048x32xf32, #tpu.memory_space<vmem_shared>> -> memref<10048x32xf32, #tpu.memory_space<vmem_shared>>
    tpu.enqueue_indirect_dma source(%arg10 : memref<160x32xf32, #tpu.memory_space<vmem>>) target(%dma_start3A_198 : memref<10048x32xf32, #tpu.memory_space<vmem_shared>>) offsets(%dma_start3A_195 : memref<160xi32, #tpu.memory_space<vmem>>) semaphore(%arg24 : memref<!tpu.dma_semaphore, #tpu.memory_space<semaphore_mem>>) {add = true}
    %dma_wait3A_199 = arith.constant 120 : i32
    %dma_wait3A_200 = arith.constant 0 : i32
    %dma_wait3A_201 = tpu.memref_slice %arg8[%dma_wait3A_199, %dma_wait3A_200] : memref<125x160xi32, #tpu.memory_space<vmem>> -> memref<1x160xi32, #tpu.memory_space<vmem>>
    %dma_wait3A_202 = tpu.memref_squeeze %dma_wait3A_201 : memref<1x160xi32, #tpu.memory_space<vmem>> -> memref<160xi32, #tpu.memory_space<vmem>>
    %dma_wait3A_203 = arith.constant 0 : i32
    %dma_wait3A_204 = arith.constant 0 : i32
    %dma_wait3A_205 = tpu.memref_slice %arg17[%dma_wait3A_203, %dma_wait3A_204] : memref<10048x32xf32, #tpu.memory_space<vmem_shared>> -> memref<10048x32xf32, #tpu.memory_space<vmem_shared>>
    tpu.wait_indirect_dma semaphore(%arg23 : memref<!tpu.dma_semaphore, #tpu.memory_space<semaphore_mem>>) src(%arg9 : memref<160x32xf32, #tpu.memory_space<vmem>>) dst(%dma_wait3A_205 : memref<10048x32xf32, #tpu.memory_space<vmem_shared>>)
    %dma_start3A_206 = arith.constant 124 : i32
    %dma_start3A_207 = arith.constant 0 : i32
    %dma_start3A_208 = tpu.memref_slice %arg7[%dma_start3A_206, %dma_start3A_207] : memref<125x160xi32, #tpu.memory_space<vmem>> -> memref<1x160xi32, #tpu.memory_space<vmem>>
    %dma_start3A_209 = tpu.memref_squeeze %dma_start3A_208 : memref<1x160xi32, #tpu.memory_space<vmem>> -> memref<160xi32, #tpu.memory_space<vmem>>
    %dma_start3A_210 = arith.constant 0 : i32
    %dma_start3A_211 = arith.constant 0 : i32
    %dma_start3A_212 = tpu.memref_slice %arg18[%dma_start3A_210, %dma_start3A_211] : memref<10048x32xf32, #tpu.memory_space<vmem_shared>> -> memref<10048x32xf32, #tpu.memory_space<vmem_shared>>
    tpu.enqueue_indirect_dma source(%dma_start3A_212 : memref<10048x32xf32, #tpu.memory_space<vmem_shared>>) target(%arg9 : memref<160x32xf32, #tpu.memory_space<vmem>>) offsets(%dma_start3A_209 : memref<160xi32, #tpu.memory_space<vmem>>) semaphore(%arg19 : memref<!tpu.dma_semaphore, #tpu.memory_space<semaphore_mem>>)
    %dma_wait3A_213 = arith.constant 122 : i32
    %dma_wait3A_214 = arith.constant 0 : i32
    %dma_wait3A_215 = tpu.memref_slice %arg7[%dma_wait3A_213, %dma_wait3A_214] : memref<125x160xi32, #tpu.memory_space<vmem>> -> memref<1x160xi32, #tpu.memory_space<vmem>>
    %dma_wait3A_216 = tpu.memref_squeeze %dma_wait3A_215 : memref<1x160xi32, #tpu.memory_space<vmem>> -> memref<160xi32, #tpu.memory_space<vmem>>
    %dma_wait3A_217 = arith.constant 0 : i32
    %dma_wait3A_218 = arith.constant 0 : i32
    %dma_wait3A_219 = tpu.memref_slice %arg18[%dma_wait3A_217, %dma_wait3A_218] : memref<10048x32xf32, #tpu.memory_space<vmem_shared>> -> memref<10048x32xf32, #tpu.memory_space<vmem_shared>>
    tpu.wait_indirect_dma semaphore(%arg21 : memref<!tpu.dma_semaphore, #tpu.memory_space<semaphore_mem>>) src(%dma_wait3A_219 : memref<10048x32xf32, #tpu.memory_space<vmem_shared>>) dst(%arg11 : memref<160x32xf32, #tpu.memory_space<vmem>>)
    %dma_start3A_220 = arith.constant 122 : i32
    %dma_start3A_221 = arith.constant 0 : i32
    %dma_start3A_222 = tpu.memref_slice %arg8[%dma_start3A_220, %dma_start3A_221] : memref<125x160xi32, #tpu.memory_space<vmem>> -> memref<1x160xi32, #tpu.memory_space<vmem>>
    %dma_start3A_223 = tpu.memref_squeeze %dma_start3A_222 : memref<1x160xi32, #tpu.memory_space<vmem>> -> memref<160xi32, #tpu.memory_space<vmem>>
    %dma_start3A_224 = arith.constant 0 : i32
    %dma_start3A_225 = arith.constant 0 : i32
    %dma_start3A_226 = tpu.memref_slice %arg17[%dma_start3A_224, %dma_start3A_225] : memref<10048x32xf32, #tpu.memory_space<vmem_shared>> -> memref<10048x32xf32, #tpu.memory_space<vmem_shared>>
    tpu.enqueue_indirect_dma source(%arg11 : memref<160x32xf32, #tpu.memory_space<vmem>>) target(%dma_start3A_226 : memref<10048x32xf32, #tpu.memory_space<vmem_shared>>) offsets(%dma_start3A_223 : memref<160xi32, #tpu.memory_space<vmem>>) semaphore(%arg25 : memref<!tpu.dma_semaphore, #tpu.memory_space<semaphore_mem>>) {add = true}
    %dma_wait3A_227 = arith.constant 123 : i32
    %dma_wait3A_228 = arith.constant 0 : i32
    %dma_wait3A_229 = tpu.memref_slice %arg7[%dma_wait3A_227, %dma_wait3A_228] : memref<125x160xi32, #tpu.memory_space<vmem>> -> memref<1x160xi32, #tpu.memory_space<vmem>>
    %dma_wait3A_230 = tpu.memref_squeeze %dma_wait3A_229 : memref<1x160xi32, #tpu.memory_space<vmem>> -> memref<160xi32, #tpu.memory_space<vmem>>
    %dma_wait3A_231 = arith.constant 0 : i32
    %dma_wait3A_232 = arith.constant 0 : i32
    %dma_wait3A_233 = tpu.memref_slice %arg18[%dma_wait3A_231, %dma_wait3A_232] : memref<10048x32xf32, #tpu.memory_space<vmem_shared>> -> memref<10048x32xf32, #tpu.memory_space<vmem_shared>>
    tpu.wait_indirect_dma semaphore(%arg22 : memref<!tpu.dma_semaphore, #tpu.memory_space<semaphore_mem>>) src(%dma_wait3A_233 : memref<10048x32xf32, #tpu.memory_space<vmem_shared>>) dst(%arg12 : memref<160x32xf32, #tpu.memory_space<vmem>>)
    %dma_start3A_234 = arith.constant 123 : i32
    %dma_start3A_235 = arith.constant 0 : i32
    %dma_start3A_236 = tpu.memref_slice %arg8[%dma_start3A_234, %dma_start3A_235] : memref<125x160xi32, #tpu.memory_space<vmem>> -> memref<1x160xi32, #tpu.memory_space<vmem>>
    %dma_start3A_237 = tpu.memref_squeeze %dma_start3A_236 : memref<1x160xi32, #tpu.memory_space<vmem>> -> memref<160xi32, #tpu.memory_space<vmem>>
    %dma_start3A_238 = arith.constant 0 : i32
    %dma_start3A_239 = arith.constant 0 : i32
    %dma_start3A_240 = tpu.memref_slice %arg17[%dma_start3A_238, %dma_start3A_239] : memref<10048x32xf32, #tpu.memory_space<vmem_shared>> -> memref<10048x32xf32, #tpu.memory_space<vmem_shared>>
    tpu.enqueue_indirect_dma source(%arg12 : memref<160x32xf32, #tpu.memory_space<vmem>>) target(%dma_start3A_240 : memref<10048x32xf32, #tpu.memory_space<vmem_shared>>) offsets(%dma_start3A_237 : memref<160xi32, #tpu.memory_space<vmem>>) semaphore(%arg26 : memref<!tpu.dma_semaphore, #tpu.memory_space<semaphore_mem>>) {add = true}
    %dma_wait3A_241 = arith.constant 124 : i32
    %dma_wait3A_242 = arith.constant 0 : i32
    %dma_wait3A_243 = tpu.memref_slice %arg7[%dma_wait3A_241, %dma_wait3A_242] : memref<125x160xi32, #tpu.memory_space<vmem>> -> memref<1x160xi32, #tpu.memory_space<vmem>>
    %dma_wait3A_244 = tpu.memref_squeeze %dma_wait3A_243 : memref<1x160xi32, #tpu.memory_space<vmem>> -> memref<160xi32, #tpu.memory_space<vmem>>
    %dma_wait3A_245 = arith.constant 0 : i32
    %dma_wait3A_246 = arith.constant 0 : i32
    %dma_wait3A_247 = tpu.memref_slice %arg18[%dma_wait3A_245, %dma_wait3A_246] : memref<10048x32xf32, #tpu.memory_space<vmem_shared>> -> memref<10048x32xf32, #tpu.memory_space<vmem_shared>>
    tpu.wait_indirect_dma semaphore(%arg19 : memref<!tpu.dma_semaphore, #tpu.memory_space<semaphore_mem>>) src(%dma_wait3A_247 : memref<10048x32xf32, #tpu.memory_space<vmem_shared>>) dst(%arg9 : memref<160x32xf32, #tpu.memory_space<vmem>>)
    %dma_start3A_248 = arith.constant 124 : i32
    %dma_start3A_249 = arith.constant 0 : i32
    %dma_start3A_250 = tpu.memref_slice %arg8[%dma_start3A_248, %dma_start3A_249] : memref<125x160xi32, #tpu.memory_space<vmem>> -> memref<1x160xi32, #tpu.memory_space<vmem>>
    %dma_start3A_251 = tpu.memref_squeeze %dma_start3A_250 : memref<1x160xi32, #tpu.memory_space<vmem>> -> memref<160xi32, #tpu.memory_space<vmem>>
    %dma_start3A_252 = arith.constant 0 : i32
    %dma_start3A_253 = arith.constant 0 : i32
    %dma_start3A_254 = tpu.memref_slice %arg17[%dma_start3A_252, %dma_start3A_253] : memref<10048x32xf32, #tpu.memory_space<vmem_shared>> -> memref<10048x32xf32, #tpu.memory_space<vmem_shared>>
    tpu.enqueue_indirect_dma source(%arg9 : memref<160x32xf32, #tpu.memory_space<vmem>>) target(%dma_start3A_254 : memref<10048x32xf32, #tpu.memory_space<vmem_shared>>) offsets(%dma_start3A_251 : memref<160xi32, #tpu.memory_space<vmem>>) semaphore(%arg23 : memref<!tpu.dma_semaphore, #tpu.memory_space<semaphore_mem>>) {add = true}
    %dma_wait3A_255 = arith.constant 121 : i32
    %dma_wait3A_256 = arith.constant 0 : i32
    %dma_wait3A_257 = tpu.memref_slice %arg8[%dma_wait3A_255, %dma_wait3A_256] : memref<125x160xi32, #tpu.memory_space<vmem>> -> memref<1x160xi32, #tpu.memory_space<vmem>>
    %dma_wait3A_258 = tpu.memref_squeeze %dma_wait3A_257 : memref<1x160xi32, #tpu.memory_space<vmem>> -> memref<160xi32, #tpu.memory_space<vmem>>
    %dma_wait3A_259 = arith.constant 0 : i32
    %dma_wait3A_260 = arith.constant 0 : i32
    %dma_wait3A_261 = tpu.memref_slice %arg17[%dma_wait3A_259, %dma_wait3A_260] : memref<10048x32xf32, #tpu.memory_space<vmem_shared>> -> memref<10048x32xf32, #tpu.memory_space<vmem_shared>>
    tpu.wait_indirect_dma semaphore(%arg24 : memref<!tpu.dma_semaphore, #tpu.memory_space<semaphore_mem>>) src(%arg10 : memref<160x32xf32, #tpu.memory_space<vmem>>) dst(%dma_wait3A_261 : memref<10048x32xf32, #tpu.memory_space<vmem_shared>>)
    %dma_wait3A_262 = arith.constant 122 : i32
    %dma_wait3A_263 = arith.constant 0 : i32
    %dma_wait3A_264 = tpu.memref_slice %arg8[%dma_wait3A_262, %dma_wait3A_263] : memref<125x160xi32, #tpu.memory_space<vmem>> -> memref<1x160xi32, #tpu.memory_space<vmem>>
    %dma_wait3A_265 = tpu.memref_squeeze %dma_wait3A_264 : memref<1x160xi32, #tpu.memory_space<vmem>> -> memref<160xi32, #tpu.memory_space<vmem>>
    %dma_wait3A_266 = arith.constant 0 : i32
    %dma_wait3A_267 = arith.constant 0 : i32
    %dma_wait3A_268 = tpu.memref_slice %arg17[%dma_wait3A_266, %dma_wait3A_267] : memref<10048x32xf32, #tpu.memory_space<vmem_shared>> -> memref<10048x32xf32, #tpu.memory_space<vmem_shared>>
    tpu.wait_indirect_dma semaphore(%arg25 : memref<!tpu.dma_semaphore, #tpu.memory_space<semaphore_mem>>) src(%arg11 : memref<160x32xf32, #tpu.memory_space<vmem>>) dst(%dma_wait3A_268 : memref<10048x32xf32, #tpu.memory_space<vmem_shared>>)
    %dma_wait3A_269 = arith.constant 123 : i32
    %dma_wait3A_270 = arith.constant 0 : i32
    %dma_wait3A_271 = tpu.memref_slice %arg8[%dma_wait3A_269, %dma_wait3A_270] : memref<125x160xi32, #tpu.memory_space<vmem>> -> memref<1x160xi32, #tpu.memory_space<vmem>>
    %dma_wait3A_272 = tpu.memref_squeeze %dma_wait3A_271 : memref<1x160xi32, #tpu.memory_space<vmem>> -> memref<160xi32, #tpu.memory_space<vmem>>
    %dma_wait3A_273 = arith.constant 0 : i32
    %dma_wait3A_274 = arith.constant 0 : i32
    %dma_wait3A_275 = tpu.memref_slice %arg17[%dma_wait3A_273, %dma_wait3A_274] : memref<10048x32xf32, #tpu.memory_space<vmem_shared>> -> memref<10048x32xf32, #tpu.memory_space<vmem_shared>>
    tpu.wait_indirect_dma semaphore(%arg26 : memref<!tpu.dma_semaphore, #tpu.memory_space<semaphore_mem>>) src(%arg12 : memref<160x32xf32, #tpu.memory_space<vmem>>) dst(%dma_wait3A_275 : memref<10048x32xf32, #tpu.memory_space<vmem_shared>>)
    %dma_wait3A_276 = arith.constant 124 : i32
    %dma_wait3A_277 = arith.constant 0 : i32
    %dma_wait3A_278 = tpu.memref_slice %arg8[%dma_wait3A_276, %dma_wait3A_277] : memref<125x160xi32, #tpu.memory_space<vmem>> -> memref<1x160xi32, #tpu.memory_space<vmem>>
    %dma_wait3A_279 = tpu.memref_squeeze %dma_wait3A_278 : memref<1x160xi32, #tpu.memory_space<vmem>> -> memref<160xi32, #tpu.memory_space<vmem>>
    %dma_wait3A_280 = arith.constant 0 : i32
    %dma_wait3A_281 = arith.constant 0 : i32
    %dma_wait3A_282 = tpu.memref_slice %arg17[%dma_wait3A_280, %dma_wait3A_281] : memref<10048x32xf32, #tpu.memory_space<vmem_shared>> -> memref<10048x32xf32, #tpu.memory_space<vmem_shared>>
    tpu.wait_indirect_dma semaphore(%arg23 : memref<!tpu.dma_semaphore, #tpu.memory_space<semaphore_mem>>) src(%arg9 : memref<160x32xf32, #tpu.memory_space<vmem>>) dst(%dma_wait3A_282 : memref<10048x32xf32, #tpu.memory_space<vmem_shared>>)
    %barrier3A_283 = arith.constant 0 : index
    tpu.barrier barrier_id(%barrier3A_283)
    %add3A_284 = arith.constant 0 : i32
    %add3A_285 = arith.addi %mul3A_0, %add3A_284 : i32
    "tpu.region"() ({
      %run_scoped3A_320 = tpu.sem_alloc : memref<!tpu.dma_semaphore, #tpu.memory_space<semaphore_mem>>
      %dma_start3A_321 = arith.constant 0 : i32
      %dma_start3A_322 = tpu.memref_slice %arg17[%add3A_285, %dma_start3A_321] : memref<10048x32xf32, #tpu.memory_space<vmem_shared>> -> memref<157x32xf32, #tpu.memory_space<vmem_shared>>
      %dma_start3A_323 = arith.constant 0 : i32
      %dma_start3A_324 = tpu.memref_slice %arg17[%add3A_285, %dma_start3A_323] : memref<10048x32xf32, #tpu.memory_space<vmem_shared>> -> memref<157x32xf32, #tpu.memory_space<vmem_shared>>
      tpu.enqueue_dma source(%dma_start3A_324 : memref<157x32xf32, #tpu.memory_space<vmem_shared>>) target(%arg14 : memref<157x32xf32, #tpu.memory_space<vmem>>) target_semaphore(%run_scoped3A_320 : memref<!tpu.dma_semaphore, #tpu.memory_space<semaphore_mem>>)
      %dma_wait3A_325 = arith.constant 0 : i32
      %dma_wait3A_326 = tpu.memref_slice %arg17[%add3A_285, %dma_wait3A_325] : memref<10048x32xf32, #tpu.memory_space<vmem_shared>> -> memref<157x32xf32, #tpu.memory_space<vmem_shared>>
      %dma_wait3A_327 = arith.constant 0 : i32
      %dma_wait3A_328 = tpu.memref_slice %arg17[%add3A_285, %dma_wait3A_327] : memref<10048x32xf32, #tpu.memory_space<vmem_shared>> -> memref<157x32xf32, #tpu.memory_space<vmem_shared>>
      tpu.wait_dma2 semaphore(%run_scoped3A_320 : memref<!tpu.dma_semaphore, #tpu.memory_space<semaphore_mem>>) src(%dma_wait3A_328 : memref<157x32xf32, #tpu.memory_space<vmem_shared>>) dst(%arg14 : memref<157x32xf32, #tpu.memory_space<vmem>>)
      tpu.yield
    }) : () -> ()
    "tpu.region"() ({
      %run_scoped3A_320 = tpu.sem_alloc : memref<!tpu.dma_semaphore, #tpu.memory_space<semaphore_mem>>
      %dma_start3A_321 = arith.constant 0 : i32
      %dma_start3A_322 = tpu.memref_slice %arg18[%add3A_285, %dma_start3A_321] : memref<10048x32xf32, #tpu.memory_space<vmem_shared>> -> memref<157x32xf32, #tpu.memory_space<vmem_shared>>
      %dma_start3A_323 = arith.constant 0 : i32
      %dma_start3A_324 = tpu.memref_slice %arg18[%add3A_285, %dma_start3A_323] : memref<10048x32xf32, #tpu.memory_space<vmem_shared>> -> memref<157x32xf32, #tpu.memory_space<vmem_shared>>
      tpu.enqueue_dma source(%dma_start3A_324 : memref<157x32xf32, #tpu.memory_space<vmem_shared>>) target(%arg15 : memref<157x32xf32, #tpu.memory_space<vmem>>) target_semaphore(%run_scoped3A_320 : memref<!tpu.dma_semaphore, #tpu.memory_space<semaphore_mem>>)
      %dma_wait3A_325 = arith.constant 0 : i32
      %dma_wait3A_326 = tpu.memref_slice %arg18[%add3A_285, %dma_wait3A_325] : memref<10048x32xf32, #tpu.memory_space<vmem_shared>> -> memref<157x32xf32, #tpu.memory_space<vmem_shared>>
      %dma_wait3A_327 = arith.constant 0 : i32
      %dma_wait3A_328 = tpu.memref_slice %arg18[%add3A_285, %dma_wait3A_327] : memref<10048x32xf32, #tpu.memory_space<vmem_shared>> -> memref<157x32xf32, #tpu.memory_space<vmem_shared>>
      tpu.wait_dma2 semaphore(%run_scoped3A_320 : memref<!tpu.dma_semaphore, #tpu.memory_space<semaphore_mem>>) src(%dma_wait3A_328 : memref<157x32xf32, #tpu.memory_space<vmem_shared>>) dst(%arg15 : memref<157x32xf32, #tpu.memory_space<vmem>>)
      tpu.yield
    }) : () -> ()
    %scan3A_286 = arith.constant 0 : i32
    %scan3A_287 = arith.constant 0 : i32
    %scan3A_288 = arith.constant 157 : i32
    %scan3A_289 = arith.addi %scan3A_287, %scan3A_288 : i32
    %scan3A_290 = arith.constant 1 : i32
    scf.for %scan3A_320 = %scan3A_287 to %scan3A_289 step %scan3A_290  : i32 {
      %add3A_321 = arith.constant 0 : i32
      %add3A_322 = arith.addi %add3A_321, %scan3A_320 : i32
      %get3A = arith.index_cast %add3A_322 : i32 to index
      %get3A_323 = arith.constant 0 : index
      %get3A_324 = tpu.vector_load %arg13[%get3A, %get3A_323] {strides = array<i32>} : memref<628x16xf32, #tpu.memory_space<vmem>>, vector<16xf32>,
      %get3A_325 = arith.index_cast %scan3A_320 : i32 to index
      %get3A_326 = arith.constant 0 : index
      %get3A_327 = tpu.vector_load %arg14[%get3A_325, %get3A_326] {strides = array<i32>} : memref<157x32xf32, #tpu.memory_space<vmem>>, vector<16xf32>,
      %get3A_328 = arith.index_cast %scan3A_320 : i32 to index
      %get3A_329 = arith.constant 0 : index
      %get3A_330 = tpu.vector_load %arg15[%get3A_328, %get3A_329] {strides = array<i32>} : memref<157x32xf32, #tpu.memory_space<vmem>>, vector<16xf32>,
      %add3A_331 = arith.addf %get3A_327, %get3A_330 : vector<16xf32>
      %mul3A_332 = arith.mulf %add3A_331, %get3A_324 : vector<16xf32>
      %swap3A = arith.index_cast %scan3A_320 : i32 to index
      %swap3A_333 = arith.constant 0 : index
      %swap3A_334 = tpu.vector_load %arg14[%swap3A, %swap3A_333] {strides = array<i32>} : memref<157x32xf32, #tpu.memory_space<vmem>>, vector<16xf32>,
      tpu.vector_store %arg14[%swap3A, %swap3A_333], %mul3A_332 {strides = array<i32>} : memref<157x32xf32, #tpu.memory_space<vmem>>, vector<16xf32>,
      %get3A_335 = arith.index_cast %scan3A_320 : i32 to index
      %get3A_336 = arith.constant 16 : index
      %get3A_337 = tpu.vector_load %arg14[%get3A_335, %get3A_336] {strides = array<i32>} : memref<157x32xf32, #tpu.memory_space<vmem>>, vector<16xf32>,
      %get3A_338 = arith.index_cast %scan3A_320 : i32 to index
      %get3A_339 = arith.constant 16 : index
      %get3A_340 = tpu.vector_load %arg15[%get3A_338, %get3A_339] {strides = array<i32>} : memref<157x32xf32, #tpu.memory_space<vmem>>, vector<16xf32>,
      %add3A_341 = arith.addf %get3A_337, %get3A_340 : vector<16xf32>
      %mul3A_342 = arith.mulf %add3A_341, %get3A_324 : vector<16xf32>
      %swap3A_343 = arith.index_cast %scan3A_320 : i32 to index
      %swap3A_344 = arith.constant 16 : index
      %swap3A_345 = tpu.vector_load %arg14[%swap3A_343, %swap3A_344] {strides = array<i32>} : memref<157x32xf32, #tpu.memory_space<vmem>>, vector<16xf32>,
      tpu.vector_store %arg14[%swap3A_343, %swap3A_344], %mul3A_342 {strides = array<i32>} : memref<157x32xf32, #tpu.memory_space<vmem>>, vector<16xf32>,
    }
    %scan3A_291 = arith.constant 157 : i32
    %run_scoped3A_292 = arith.constant 0 : i32
    "tpu.region"() ({
      %run_scoped3A_320 = tpu.sem_alloc : memref<!tpu.dma_semaphore, #tpu.memory_space<semaphore_mem>>
      %dma_start3A_321 = arith.constant 0 : i32
      %dma_start3A_322 = arith.constant 0 : i32
      %dma_start3A_323 = tpu.memref_slice %arg6[%arg0, %arg1, %run_scoped3A_292, %dma_start3A_321, %dma_start3A_322] : memref<2x16x4x157x32xf32, #tpu.memory_space<hbm>> -> memref<1x1x1x157x32xf32, #tpu.memory_space<hbm>>
      %dma_start3A_324 = tpu.memref_squeeze %dma_start3A_323 : memref<1x1x1x157x32xf32, #tpu.memory_space<hbm>> -> memref<157x32xf32, #tpu.memory_space<hbm>>
      %dma_start3A_325 = arith.constant 0 : i32
      %dma_start3A_326 = arith.constant 0 : i32
      %dma_start3A_327 = tpu.memref_slice %arg6[%arg0, %arg1, %run_scoped3A_292, %dma_start3A_325, %dma_start3A_326] : memref<2x16x4x157x32xf32, #tpu.memory_space<hbm>> -> memref<1x1x1x157x32xf32, #tpu.memory_space<hbm>>
      %dma_start3A_328 = tpu.memref_squeeze %dma_start3A_327 : memref<1x1x1x157x32xf32, #tpu.memory_space<hbm>> -> memref<157x32xf32, #tpu.memory_space<hbm>>
      tpu.enqueue_dma source(%arg14 : memref<157x32xf32, #tpu.memory_space<vmem>>) target(%dma_start3A_328 : memref<157x32xf32, #tpu.memory_space<hbm>>) target_semaphore(%run_scoped3A_320 : memref<!tpu.dma_semaphore, #tpu.memory_space<semaphore_mem>>)
      %dma_wait3A_329 = arith.constant 0 : i32
      %dma_wait3A_330 = arith.constant 0 : i32
      %dma_wait3A_331 = tpu.memref_slice %arg6[%arg0, %arg1, %run_scoped3A_292, %dma_wait3A_329, %dma_wait3A_330] : memref<2x16x4x157x32xf32, #tpu.memory_space<hbm>> -> memref<1x1x1x157x32xf32, #tpu.memory_space<hbm>>
      %dma_wait3A_332 = tpu.memref_squeeze %dma_wait3A_331 : memref<1x1x1x157x32xf32, #tpu.memory_space<hbm>> -> memref<157x32xf32, #tpu.memory_space<hbm>>
      %dma_wait3A_333 = arith.constant 0 : i32
      %dma_wait3A_334 = arith.constant 0 : i32
      %dma_wait3A_335 = tpu.memref_slice %arg6[%arg0, %arg1, %run_scoped3A_292, %dma_wait3A_333, %dma_wait3A_334] : memref<2x16x4x157x32xf32, #tpu.memory_space<hbm>> -> memref<1x1x1x157x32xf32, #tpu.memory_space<hbm>>
      %dma_wait3A_336 = tpu.memref_squeeze %dma_wait3A_335 : memref<1x1x1x157x32xf32, #tpu.memory_space<hbm>> -> memref<157x32xf32, #tpu.memory_space<hbm>>
      tpu.wait_dma2 semaphore(%run_scoped3A_320 : memref<!tpu.dma_semaphore, #tpu.memory_space<semaphore_mem>>) src(%arg14 : memref<157x32xf32, #tpu.memory_space<vmem>>) dst(%dma_wait3A_336 : memref<157x32xf32, #tpu.memory_space<hbm>>)
      tpu.yield
    }) : () -> ()
    %add3A_293 = arith.constant 157 : i32
    %add3A_294 = arith.addi %mul3A_0, %add3A_293 : i32
    "tpu.region"() ({
      %run_scoped3A_320 = tpu.sem_alloc : memref<!tpu.dma_semaphore, #tpu.memory_space<semaphore_mem>>
      %dma_start3A_321 = arith.constant 0 : i32
      %dma_start3A_322 = tpu.memref_slice %arg17[%add3A_294, %dma_start3A_321] : memref<10048x32xf32, #tpu.memory_space<vmem_shared>> -> memref<157x32xf32, #tpu.memory_space<vmem_shared>>
      %dma_start3A_323 = arith.constant 0 : i32
      %dma_start3A_324 = tpu.memref_slice %arg17[%add3A_294, %dma_start3A_323] : memref<10048x32xf32, #tpu.memory_space<vmem_shared>> -> memref<157x32xf32, #tpu.memory_space<vmem_shared>>
      tpu.enqueue_dma source(%dma_start3A_324 : memref<157x32xf32, #tpu.memory_space<vmem_shared>>) target(%arg14 : memref<157x32xf32, #tpu.memory_space<vmem>>) target_semaphore(%run_scoped3A_320 : memref<!tpu.dma_semaphore, #tpu.memory_space<semaphore_mem>>)
      %dma_wait3A_325 = arith.constant 0 : i32
      %dma_wait3A_326 = tpu.memref_slice %arg17[%add3A_294, %dma_wait3A_325] : memref<10048x32xf32, #tpu.memory_space<vmem_shared>> -> memref<157x32xf32, #tpu.memory_space<vmem_shared>>
      %dma_wait3A_327 = arith.constant 0 : i32
      %dma_wait3A_328 = tpu.memref_slice %arg17[%add3A_294, %dma_wait3A_327] : memref<10048x32xf32, #tpu.memory_space<vmem_shared>> -> memref<157x32xf32, #tpu.memory_space<vmem_shared>>
      tpu.wait_dma2 semaphore(%run_scoped3A_320 : memref<!tpu.dma_semaphore, #tpu.memory_space<semaphore_mem>>) src(%dma_wait3A_328 : memref<157x32xf32, #tpu.memory_space<vmem_shared>>) dst(%arg14 : memref<157x32xf32, #tpu.memory_space<vmem>>)
      tpu.yield
    }) : () -> ()
    "tpu.region"() ({
      %run_scoped3A_320 = tpu.sem_alloc : memref<!tpu.dma_semaphore, #tpu.memory_space<semaphore_mem>>
      %dma_start3A_321 = arith.constant 0 : i32
      %dma_start3A_322 = tpu.memref_slice %arg18[%add3A_294, %dma_start3A_321] : memref<10048x32xf32, #tpu.memory_space<vmem_shared>> -> memref<157x32xf32, #tpu.memory_space<vmem_shared>>
      %dma_start3A_323 = arith.constant 0 : i32
      %dma_start3A_324 = tpu.memref_slice %arg18[%add3A_294, %dma_start3A_323] : memref<10048x32xf32, #tpu.memory_space<vmem_shared>> -> memref<157x32xf32, #tpu.memory_space<vmem_shared>>
      tpu.enqueue_dma source(%dma_start3A_324 : memref<157x32xf32, #tpu.memory_space<vmem_shared>>) target(%arg15 : memref<157x32xf32, #tpu.memory_space<vmem>>) target_semaphore(%run_scoped3A_320 : memref<!tpu.dma_semaphore, #tpu.memory_space<semaphore_mem>>)
      %dma_wait3A_325 = arith.constant 0 : i32
      %dma_wait3A_326 = tpu.memref_slice %arg18[%add3A_294, %dma_wait3A_325] : memref<10048x32xf32, #tpu.memory_space<vmem_shared>> -> memref<157x32xf32, #tpu.memory_space<vmem_shared>>
      %dma_wait3A_327 = arith.constant 0 : i32
      %dma_wait3A_328 = tpu.memref_slice %arg18[%add3A_294, %dma_wait3A_327] : memref<10048x32xf32, #tpu.memory_space<vmem_shared>> -> memref<157x32xf32, #tpu.memory_space<vmem_shared>>
      tpu.wait_dma2 semaphore(%run_scoped3A_320 : memref<!tpu.dma_semaphore, #tpu.memory_space<semaphore_mem>>) src(%dma_wait3A_328 : memref<157x32xf32, #tpu.memory_space<vmem_shared>>) dst(%arg15 : memref<157x32xf32, #tpu.memory_space<vmem>>)
      tpu.yield
    }) : () -> ()
    %scan3A_295 = arith.constant 0 : i32
    %scan3A_296 = arith.constant 0 : i32
    %scan3A_297 = arith.constant 157 : i32
    %scan3A_298 = arith.addi %scan3A_296, %scan3A_297 : i32
    %scan3A_299 = arith.constant 1 : i32
    scf.for %scan3A_320 = %scan3A_296 to %scan3A_298 step %scan3A_299  : i32 {
      %add3A_321 = arith.constant 157 : i32
      %add3A_322 = arith.addi %add3A_321, %scan3A_320 : i32
      %get3A = arith.index_cast %add3A_322 : i32 to index
      %get3A_323 = arith.constant 0 : index
      %get3A_324 = tpu.vector_load %arg13[%get3A, %get3A_323] {strides = array<i32>} : memref<628x16xf32, #tpu.memory_space<vmem>>, vector<16xf32>,
      %get3A_325 = arith.index_cast %scan3A_320 : i32 to index
      %get3A_326 = arith.constant 0 : index
      %get3A_327 = tpu.vector_load %arg14[%get3A_325, %get3A_326] {strides = array<i32>} : memref<157x32xf32, #tpu.memory_space<vmem>>, vector<16xf32>,
      %get3A_328 = arith.index_cast %scan3A_320 : i32 to index
      %get3A_329 = arith.constant 0 : index
      %get3A_330 = tpu.vector_load %arg15[%get3A_328, %get3A_329] {strides = array<i32>} : memref<157x32xf32, #tpu.memory_space<vmem>>, vector<16xf32>,
      %add3A_331 = arith.addf %get3A_327, %get3A_330 : vector<16xf32>
      %mul3A_332 = arith.mulf %add3A_331, %get3A_324 : vector<16xf32>
      %swap3A = arith.index_cast %scan3A_320 : i32 to index
      %swap3A_333 = arith.constant 0 : index
      %swap3A_334 = tpu.vector_load %arg14[%swap3A, %swap3A_333] {strides = array<i32>} : memref<157x32xf32, #tpu.memory_space<vmem>>, vector<16xf32>,
      tpu.vector_store %arg14[%swap3A, %swap3A_333], %mul3A_332 {strides = array<i32>} : memref<157x32xf32, #tpu.memory_space<vmem>>, vector<16xf32>,
      %get3A_335 = arith.index_cast %scan3A_320 : i32 to index
      %get3A_336 = arith.constant 16 : index
      %get3A_337 = tpu.vector_load %arg14[%get3A_335, %get3A_336] {strides = array<i32>} : memref<157x32xf32, #tpu.memory_space<vmem>>, vector<16xf32>,
      %get3A_338 = arith.index_cast %scan3A_320 : i32 to index
      %get3A_339 = arith.constant 16 : index
      %get3A_340 = tpu.vector_load %arg15[%get3A_338, %get3A_339] {strides = array<i32>} : memref<157x32xf32, #tpu.memory_space<vmem>>, vector<16xf32>,
      %add3A_341 = arith.addf %get3A_337, %get3A_340 : vector<16xf32>
      %mul3A_342 = arith.mulf %add3A_341, %get3A_324 : vector<16xf32>
      %swap3A_343 = arith.index_cast %scan3A_320 : i32 to index
      %swap3A_344 = arith.constant 16 : index
      %swap3A_345 = tpu.vector_load %arg14[%swap3A_343, %swap3A_344] {strides = array<i32>} : memref<157x32xf32, #tpu.memory_space<vmem>>, vector<16xf32>,
      tpu.vector_store %arg14[%swap3A_343, %swap3A_344], %mul3A_342 {strides = array<i32>} : memref<157x32xf32, #tpu.memory_space<vmem>>, vector<16xf32>,
    }
    %scan3A_300 = arith.constant 157 : i32
    %run_scoped3A_301 = arith.constant 1 : i32
    "tpu.region"() ({
      %run_scoped3A_320 = tpu.sem_alloc : memref<!tpu.dma_semaphore, #tpu.memory_space<semaphore_mem>>
      %dma_start3A_321 = arith.constant 0 : i32
      %dma_start3A_322 = arith.constant 0 : i32
      %dma_start3A_323 = tpu.memref_slice %arg6[%arg0, %arg1, %run_scoped3A_301, %dma_start3A_321, %dma_start3A_322] : memref<2x16x4x157x32xf32, #tpu.memory_space<hbm>> -> memref<1x1x1x157x32xf32, #tpu.memory_space<hbm>>
      %dma_start3A_324 = tpu.memref_squeeze %dma_start3A_323 : memref<1x1x1x157x32xf32, #tpu.memory_space<hbm>> -> memref<157x32xf32, #tpu.memory_space<hbm>>
      %dma_start3A_325 = arith.constant 0 : i32
      %dma_start3A_326 = arith.constant 0 : i32
      %dma_start3A_327 = tpu.memref_slice %arg6[%arg0, %arg1, %run_scoped3A_301, %dma_start3A_325, %dma_start3A_326] : memref<2x16x4x157x32xf32, #tpu.memory_space<hbm>> -> memref<1x1x1x157x32xf32, #tpu.memory_space<hbm>>
      %dma_start3A_328 = tpu.memref_squeeze %dma_start3A_327 : memref<1x1x1x157x32xf32, #tpu.memory_space<hbm>> -> memref<157x32xf32, #tpu.memory_space<hbm>>
      tpu.enqueue_dma source(%arg14 : memref<157x32xf32, #tpu.memory_space<vmem>>) target(%dma_start3A_328 : memref<157x32xf32, #tpu.memory_space<hbm>>) target_semaphore(%run_scoped3A_320 : memref<!tpu.dma_semaphore, #tpu.memory_space<semaphore_mem>>)
      %dma_wait3A_329 = arith.constant 0 : i32
      %dma_wait3A_330 = arith.constant 0 : i32
      %dma_wait3A_331 = tpu.memref_slice %arg6[%arg0, %arg1, %run_scoped3A_301, %dma_wait3A_329, %dma_wait3A_330] : memref<2x16x4x157x32xf32, #tpu.memory_space<hbm>> -> memref<1x1x1x157x32xf32, #tpu.memory_space<hbm>>
      %dma_wait3A_332 = tpu.memref_squeeze %dma_wait3A_331 : memref<1x1x1x157x32xf32, #tpu.memory_space<hbm>> -> memref<157x32xf32, #tpu.memory_space<hbm>>
      %dma_wait3A_333 = arith.constant 0 : i32
      %dma_wait3A_334 = arith.constant 0 : i32
      %dma_wait3A_335 = tpu.memref_slice %arg6[%arg0, %arg1, %run_scoped3A_301, %dma_wait3A_333, %dma_wait3A_334] : memref<2x16x4x157x32xf32, #tpu.memory_space<hbm>> -> memref<1x1x1x157x32xf32, #tpu.memory_space<hbm>>
      %dma_wait3A_336 = tpu.memref_squeeze %dma_wait3A_335 : memref<1x1x1x157x32xf32, #tpu.memory_space<hbm>> -> memref<157x32xf32, #tpu.memory_space<hbm>>
      tpu.wait_dma2 semaphore(%run_scoped3A_320 : memref<!tpu.dma_semaphore, #tpu.memory_space<semaphore_mem>>) src(%arg14 : memref<157x32xf32, #tpu.memory_space<vmem>>) dst(%dma_wait3A_336 : memref<157x32xf32, #tpu.memory_space<hbm>>)
      tpu.yield
    }) : () -> ()
    %add3A_302 = arith.constant 314 : i32
    %add3A_303 = arith.addi %mul3A_0, %add3A_302 : i32
    "tpu.region"() ({
      %run_scoped3A_320 = tpu.sem_alloc : memref<!tpu.dma_semaphore, #tpu.memory_space<semaphore_mem>>
      %dma_start3A_321 = arith.constant 0 : i32
      %dma_start3A_322 = tpu.memref_slice %arg17[%add3A_303, %dma_start3A_321] : memref<10048x32xf32, #tpu.memory_space<vmem_shared>> -> memref<157x32xf32, #tpu.memory_space<vmem_shared>>
      %dma_start3A_323 = arith.constant 0 : i32
      %dma_start3A_324 = tpu.memref_slice %arg17[%add3A_303, %dma_start3A_323] : memref<10048x32xf32, #tpu.memory_space<vmem_shared>> -> memref<157x32xf32, #tpu.memory_space<vmem_shared>>
      tpu.enqueue_dma source(%dma_start3A_324 : memref<157x32xf32, #tpu.memory_space<vmem_shared>>) target(%arg14 : memref<157x32xf32, #tpu.memory_space<vmem>>) target_semaphore(%run_scoped3A_320 : memref<!tpu.dma_semaphore, #tpu.memory_space<semaphore_mem>>)
      %dma_wait3A_325 = arith.constant 0 : i32
      %dma_wait3A_326 = tpu.memref_slice %arg17[%add3A_303, %dma_wait3A_325] : memref<10048x32xf32, #tpu.memory_space<vmem_shared>> -> memref<157x32xf32, #tpu.memory_space<vmem_shared>>
      %dma_wait3A_327 = arith.constant 0 : i32
      %dma_wait3A_328 = tpu.memref_slice %arg17[%add3A_303, %dma_wait3A_327] : memref<10048x32xf32, #tpu.memory_space<vmem_shared>> -> memref<157x32xf32, #tpu.memory_space<vmem_shared>>
      tpu.wait_dma2 semaphore(%run_scoped3A_320 : memref<!tpu.dma_semaphore, #tpu.memory_space<semaphore_mem>>) src(%dma_wait3A_328 : memref<157x32xf32, #tpu.memory_space<vmem_shared>>) dst(%arg14 : memref<157x32xf32, #tpu.memory_space<vmem>>)
      tpu.yield
    }) : () -> ()
    "tpu.region"() ({
      %run_scoped3A_320 = tpu.sem_alloc : memref<!tpu.dma_semaphore, #tpu.memory_space<semaphore_mem>>
      %dma_start3A_321 = arith.constant 0 : i32
      %dma_start3A_322 = tpu.memref_slice %arg18[%add3A_303, %dma_start3A_321] : memref<10048x32xf32, #tpu.memory_space<vmem_shared>> -> memref<157x32xf32, #tpu.memory_space<vmem_shared>>
      %dma_start3A_323 = arith.constant 0 : i32
      %dma_start3A_324 = tpu.memref_slice %arg18[%add3A_303, %dma_start3A_323] : memref<10048x32xf32, #tpu.memory_space<vmem_shared>> -> memref<157x32xf32, #tpu.memory_space<vmem_shared>>
      tpu.enqueue_dma source(%dma_start3A_324 : memref<157x32xf32, #tpu.memory_space<vmem_shared>>) target(%arg15 : memref<157x32xf32, #tpu.memory_space<vmem>>) target_semaphore(%run_scoped3A_320 : memref<!tpu.dma_semaphore, #tpu.memory_space<semaphore_mem>>)
      %dma_wait3A_325 = arith.constant 0 : i32
      %dma_wait3A_326 = tpu.memref_slice %arg18[%add3A_303, %dma_wait3A_325] : memref<10048x32xf32, #tpu.memory_space<vmem_shared>> -> memref<157x32xf32, #tpu.memory_space<vmem_shared>>
      %dma_wait3A_327 = arith.constant 0 : i32
      %dma_wait3A_328 = tpu.memref_slice %arg18[%add3A_303, %dma_wait3A_327] : memref<10048x32xf32, #tpu.memory_space<vmem_shared>> -> memref<157x32xf32, #tpu.memory_space<vmem_shared>>
      tpu.wait_dma2 semaphore(%run_scoped3A_320 : memref<!tpu.dma_semaphore, #tpu.memory_space<semaphore_mem>>) src(%dma_wait3A_328 : memref<157x32xf32, #tpu.memory_space<vmem_shared>>) dst(%arg15 : memref<157x32xf32, #tpu.memory_space<vmem>>)
      tpu.yield
    }) : () -> ()
    %scan3A_304 = arith.constant 0 : i32
    %scan3A_305 = arith.constant 0 : i32
    %scan3A_306 = arith.constant 157 : i32
    %scan3A_307 = arith.addi %scan3A_305, %scan3A_306 : i32
    %scan3A_308 = arith.constant 1 : i32
    scf.for %scan3A_320 = %scan3A_305 to %scan3A_307 step %scan3A_308  : i32 {
      %add3A_321 = arith.constant 314 : i32
      %add3A_322 = arith.addi %add3A_321, %scan3A_320 : i32
      %get3A = arith.index_cast %add3A_322 : i32 to index
      %get3A_323 = arith.constant 0 : index
      %get3A_324 = tpu.vector_load %arg13[%get3A, %get3A_323] {strides = array<i32>} : memref<628x16xf32, #tpu.memory_space<vmem>>, vector<16xf32>,
      %get3A_325 = arith.index_cast %scan3A_320 : i32 to index
      %get3A_326 = arith.constant 0 : index
      %get3A_327 = tpu.vector_load %arg14[%get3A_325, %get3A_326] {strides = array<i32>} : memref<157x32xf32, #tpu.memory_space<vmem>>, vector<16xf32>,
      %get3A_328 = arith.index_cast %scan3A_320 : i32 to index
      %get3A_329 = arith.constant 0 : index
      %get3A_330 = tpu.vector_load %arg15[%get3A_328, %get3A_329] {strides = array<i32>} : memref<157x32xf32, #tpu.memory_space<vmem>>, vector<16xf32>,
      %add3A_331 = arith.addf %get3A_327, %get3A_330 : vector<16xf32>
      %mul3A_332 = arith.mulf %add3A_331, %get3A_324 : vector<16xf32>
      %swap3A = arith.index_cast %scan3A_320 : i32 to index
      %swap3A_333 = arith.constant 0 : index
      %swap3A_334 = tpu.vector_load %arg14[%swap3A, %swap3A_333] {strides = array<i32>} : memref<157x32xf32, #tpu.memory_space<vmem>>, vector<16xf32>,
      tpu.vector_store %arg14[%swap3A, %swap3A_333], %mul3A_332 {strides = array<i32>} : memref<157x32xf32, #tpu.memory_space<vmem>>, vector<16xf32>,
      %get3A_335 = arith.index_cast %scan3A_320 : i32 to index
      %get3A_336 = arith.constant 16 : index
      %get3A_337 = tpu.vector_load %arg14[%get3A_335, %get3A_336] {strides = array<i32>} : memref<157x32xf32, #tpu.memory_space<vmem>>, vector<16xf32>,
      %get3A_338 = arith.index_cast %scan3A_320 : i32 to index
      %get3A_339 = arith.constant 16 : index
      %get3A_340 = tpu.vector_load %arg15[%get3A_338, %get3A_339] {strides = array<i32>} : memref<157x32xf32, #tpu.memory_space<vmem>>, vector<16xf32>,
      %add3A_341 = arith.addf %get3A_337, %get3A_340 : vector<16xf32>
      %mul3A_342 = arith.mulf %add3A_341, %get3A_324 : vector<16xf32>
      %swap3A_343 = arith.index_cast %scan3A_320 : i32 to index
      %swap3A_344 = arith.constant 16 : index
      %swap3A_345 = tpu.vector_load %arg14[%swap3A_343, %swap3A_344] {strides = array<i32>} : memref<157x32xf32, #tpu.memory_space<vmem>>, vector<16xf32>,
      tpu.vector_store %arg14[%swap3A_343, %swap3A_344], %mul3A_342 {strides = array<i32>} : memref<157x32xf32, #tpu.memory_space<vmem>>, vector<16xf32>,
    }
    %scan3A_309 = arith.constant 157 : i32
    %run_scoped3A_310 = arith.constant 2 : i32
    "tpu.region"() ({
      %run_scoped3A_320 = tpu.sem_alloc : memref<!tpu.dma_semaphore, #tpu.memory_space<semaphore_mem>>
      %dma_start3A_321 = arith.constant 0 : i32
      %dma_start3A_322 = arith.constant 0 : i32
      %dma_start3A_323 = tpu.memref_slice %arg6[%arg0, %arg1, %run_scoped3A_310, %dma_start3A_321, %dma_start3A_322] : memref<2x16x4x157x32xf32, #tpu.memory_space<hbm>> -> memref<1x1x1x157x32xf32, #tpu.memory_space<hbm>>
      %dma_start3A_324 = tpu.memref_squeeze %dma_start3A_323 : memref<1x1x1x157x32xf32, #tpu.memory_space<hbm>> -> memref<157x32xf32, #tpu.memory_space<hbm>>
      %dma_start3A_325 = arith.constant 0 : i32
      %dma_start3A_326 = arith.constant 0 : i32
      %dma_start3A_327 = tpu.memref_slice %arg6[%arg0, %arg1, %run_scoped3A_310, %dma_start3A_325, %dma_start3A_326] : memref<2x16x4x157x32xf32, #tpu.memory_space<hbm>> -> memref<1x1x1x157x32xf32, #tpu.memory_space<hbm>>
      %dma_start3A_328 = tpu.memref_squeeze %dma_start3A_327 : memref<1x1x1x157x32xf32, #tpu.memory_space<hbm>> -> memref<157x32xf32, #tpu.memory_space<hbm>>
      tpu.enqueue_dma source(%arg14 : memref<157x32xf32, #tpu.memory_space<vmem>>) target(%dma_start3A_328 : memref<157x32xf32, #tpu.memory_space<hbm>>) target_semaphore(%run_scoped3A_320 : memref<!tpu.dma_semaphore, #tpu.memory_space<semaphore_mem>>)
      %dma_wait3A_329 = arith.constant 0 : i32
      %dma_wait3A_330 = arith.constant 0 : i32
      %dma_wait3A_331 = tpu.memref_slice %arg6[%arg0, %arg1, %run_scoped3A_310, %dma_wait3A_329, %dma_wait3A_330] : memref<2x16x4x157x32xf32, #tpu.memory_space<hbm>> -> memref<1x1x1x157x32xf32, #tpu.memory_space<hbm>>
      %dma_wait3A_332 = tpu.memref_squeeze %dma_wait3A_331 : memref<1x1x1x157x32xf32, #tpu.memory_space<hbm>> -> memref<157x32xf32, #tpu.memory_space<hbm>>
      %dma_wait3A_333 = arith.constant 0 : i32
      %dma_wait3A_334 = arith.constant 0 : i32
      %dma_wait3A_335 = tpu.memref_slice %arg6[%arg0, %arg1, %run_scoped3A_310, %dma_wait3A_333, %dma_wait3A_334] : memref<2x16x4x157x32xf32, #tpu.memory_space<hbm>> -> memref<1x1x1x157x32xf32, #tpu.memory_space<hbm>>
      %dma_wait3A_336 = tpu.memref_squeeze %dma_wait3A_335 : memref<1x1x1x157x32xf32, #tpu.memory_space<hbm>> -> memref<157x32xf32, #tpu.memory_space<hbm>>
      tpu.wait_dma2 semaphore(%run_scoped3A_320 : memref<!tpu.dma_semaphore, #tpu.memory_space<semaphore_mem>>) src(%arg14 : memref<157x32xf32, #tpu.memory_space<vmem>>) dst(%dma_wait3A_336 : memref<157x32xf32, #tpu.memory_space<hbm>>)
      tpu.yield
    }) : () -> ()
    %add3A_311 = arith.constant 471 : i32
    %add3A_312 = arith.addi %mul3A_0, %add3A_311 : i32
    "tpu.region"() ({
      %run_scoped3A_320 = tpu.sem_alloc : memref<!tpu.dma_semaphore, #tpu.memory_space<semaphore_mem>>
      %dma_start3A_321 = arith.constant 0 : i32
      %dma_start3A_322 = tpu.memref_slice %arg17[%add3A_312, %dma_start3A_321] : memref<10048x32xf32, #tpu.memory_space<vmem_shared>> -> memref<157x32xf32, #tpu.memory_space<vmem_shared>>
      %dma_start3A_323 = arith.constant 0 : i32
      %dma_start3A_324 = tpu.memref_slice %arg17[%add3A_312, %dma_start3A_323] : memref<10048x32xf32, #tpu.memory_space<vmem_shared>> -> memref<157x32xf32, #tpu.memory_space<vmem_shared>>
      tpu.enqueue_dma source(%dma_start3A_324 : memref<157x32xf32, #tpu.memory_space<vmem_shared>>) target(%arg14 : memref<157x32xf32, #tpu.memory_space<vmem>>) target_semaphore(%run_scoped3A_320 : memref<!tpu.dma_semaphore, #tpu.memory_space<semaphore_mem>>)
      %dma_wait3A_325 = arith.constant 0 : i32
      %dma_wait3A_326 = tpu.memref_slice %arg17[%add3A_312, %dma_wait3A_325] : memref<10048x32xf32, #tpu.memory_space<vmem_shared>> -> memref<157x32xf32, #tpu.memory_space<vmem_shared>>
      %dma_wait3A_327 = arith.constant 0 : i32
      %dma_wait3A_328 = tpu.memref_slice %arg17[%add3A_312, %dma_wait3A_327] : memref<10048x32xf32, #tpu.memory_space<vmem_shared>> -> memref<157x32xf32, #tpu.memory_space<vmem_shared>>
      tpu.wait_dma2 semaphore(%run_scoped3A_320 : memref<!tpu.dma_semaphore, #tpu.memory_space<semaphore_mem>>) src(%dma_wait3A_328 : memref<157x32xf32, #tpu.memory_space<vmem_shared>>) dst(%arg14 : memref<157x32xf32, #tpu.memory_space<vmem>>)
      tpu.yield
    }) : () -> ()
    "tpu.region"() ({
      %run_scoped3A_320 = tpu.sem_alloc : memref<!tpu.dma_semaphore, #tpu.memory_space<semaphore_mem>>
      %dma_start3A_321 = arith.constant 0 : i32
      %dma_start3A_322 = tpu.memref_slice %arg18[%add3A_312, %dma_start3A_321] : memref<10048x32xf32, #tpu.memory_space<vmem_shared>> -> memref<157x32xf32, #tpu.memory_space<vmem_shared>>
      %dma_start3A_323 = arith.constant 0 : i32
      %dma_start3A_324 = tpu.memref_slice %arg18[%add3A_312, %dma_start3A_323] : memref<10048x32xf32, #tpu.memory_space<vmem_shared>> -> memref<157x32xf32, #tpu.memory_space<vmem_shared>>
      tpu.enqueue_dma source(%dma_start3A_324 : memref<157x32xf32, #tpu.memory_space<vmem_shared>>) target(%arg15 : memref<157x32xf32, #tpu.memory_space<vmem>>) target_semaphore(%run_scoped3A_320 : memref<!tpu.dma_semaphore, #tpu.memory_space<semaphore_mem>>)
      %dma_wait3A_325 = arith.constant 0 : i32
      %dma_wait3A_326 = tpu.memref_slice %arg18[%add3A_312, %dma_wait3A_325] : memref<10048x32xf32, #tpu.memory_space<vmem_shared>> -> memref<157x32xf32, #tpu.memory_space<vmem_shared>>
      %dma_wait3A_327 = arith.constant 0 : i32
      %dma_wait3A_328 = tpu.memref_slice %arg18[%add3A_312, %dma_wait3A_327] : memref<10048x32xf32, #tpu.memory_space<vmem_shared>> -> memref<157x32xf32, #tpu.memory_space<vmem_shared>>
      tpu.wait_dma2 semaphore(%run_scoped3A_320 : memref<!tpu.dma_semaphore, #tpu.memory_space<semaphore_mem>>) src(%dma_wait3A_328 : memref<157x32xf32, #tpu.memory_space<vmem_shared>>) dst(%arg15 : memref<157x32xf32, #tpu.memory_space<vmem>>)
      tpu.yield
    }) : () -> ()
    %scan3A_313 = arith.constant 0 : i32
    %scan3A_314 = arith.constant 0 : i32
    %scan3A_315 = arith.constant 157 : i32
    %scan3A_316 = arith.addi %scan3A_314, %scan3A_315 : i32
    %scan3A_317 = arith.constant 1 : i32
    scf.for %scan3A_320 = %scan3A_314 to %scan3A_316 step %scan3A_317  : i32 {
      %add3A_321 = arith.constant 471 : i32
      %add3A_322 = arith.addi %add3A_321, %scan3A_320 : i32
      %get3A = arith.index_cast %add3A_322 : i32 to index
      %get3A_323 = arith.constant 0 : index
      %get3A_324 = tpu.vector_load %arg13[%get3A, %get3A_323] {strides = array<i32>} : memref<628x16xf32, #tpu.memory_space<vmem>>, vector<16xf32>,
      %get3A_325 = arith.index_cast %scan3A_320 : i32 to index
      %get3A_326 = arith.constant 0 : index
      %get3A_327 = tpu.vector_load %arg14[%get3A_325, %get3A_326] {strides = array<i32>} : memref<157x32xf32, #tpu.memory_space<vmem>>, vector<16xf32>,
      %get3A_328 = arith.index_cast %scan3A_320 : i32 to index
      %get3A_329 = arith.constant 0 : index
      %get3A_330 = tpu.vector_load %arg15[%get3A_328, %get3A_329] {strides = array<i32>} : memref<157x32xf32, #tpu.memory_space<vmem>>, vector<16xf32>,
      %add3A_331 = arith.addf %get3A_327, %get3A_330 : vector<16xf32>
      %mul3A_332 = arith.mulf %add3A_331, %get3A_324 : vector<16xf32>
      %swap3A = arith.index_cast %scan3A_320 : i32 to index
      %swap3A_333 = arith.constant 0 : index
      %swap3A_334 = tpu.vector_load %arg14[%swap3A, %swap3A_333] {strides = array<i32>} : memref<157x32xf32, #tpu.memory_space<vmem>>, vector<16xf32>,
      tpu.vector_store %arg14[%swap3A, %swap3A_333], %mul3A_332 {strides = array<i32>} : memref<157x32xf32, #tpu.memory_space<vmem>>, vector<16xf32>,
      %get3A_335 = arith.index_cast %scan3A_320 : i32 to index
      %get3A_336 = arith.constant 16 : index
      %get3A_337 = tpu.vector_load %arg14[%get3A_335, %get3A_336] {strides = array<i32>} : memref<157x32xf32, #tpu.memory_space<vmem>>, vector<16xf32>,
      %get3A_338 = arith.index_cast %scan3A_320 : i32 to index
      %get3A_339 = arith.constant 16 : index
      %get3A_340 = tpu.vector_load %arg15[%get3A_338, %get3A_339] {strides = array<i32>} : memref<157x32xf32, #tpu.memory_space<vmem>>, vector<16xf32>,
      %add3A_341 = arith.addf %get3A_337, %get3A_340 : vector<16xf32>
      %mul3A_342 = arith.mulf %add3A_341, %get3A_324 : vector<16xf32>
      %swap3A_343 = arith.index_cast %scan3A_320 : i32 to index
      %swap3A_344 = arith.constant 16 : index
      %swap3A_345 = tpu.vector_load %arg14[%swap3A_343, %swap3A_344] {strides = array<i32>} : memref<157x32xf32, #tpu.memory_space<vmem>>, vector<16xf32>,
      tpu.vector_store %arg14[%swap3A_343, %swap3A_344], %mul3A_342 {strides = array<i32>} : memref<157x32xf32, #tpu.memory_space<vmem>>, vector<16xf32>,
    }
    %scan3A_318 = arith.constant 157 : i32
    %run_scoped3A_319 = arith.constant 3 : i32
    "tpu.region"() ({
      %run_scoped3A_320 = tpu.sem_alloc : memref<!tpu.dma_semaphore, #tpu.memory_space<semaphore_mem>>
      %dma_start3A_321 = arith.constant 0 : i32
      %dma_start3A_322 = arith.constant 0 : i32
      %dma_start3A_323 = tpu.memref_slice %arg6[%arg0, %arg1, %run_scoped3A_319, %dma_start3A_321, %dma_start3A_322] : memref<2x16x4x157x32xf32, #tpu.memory_space<hbm>> -> memref<1x1x1x157x32xf32, #tpu.memory_space<hbm>>
      %dma_start3A_324 = tpu.memref_squeeze %dma_start3A_323 : memref<1x1x1x157x32xf32, #tpu.memory_space<hbm>> -> memref<157x32xf32, #tpu.memory_space<hbm>>
      %dma_start3A_325 = arith.constant 0 : i32
      %dma_start3A_326 = arith.constant 0 : i32
      %dma_start3A_327 = tpu.memref_slice %arg6[%arg0, %arg1, %run_scoped3A_319, %dma_start3A_325, %dma_start3A_326] : memref<2x16x4x157x32xf32, #tpu.memory_space<hbm>> -> memref<1x1x1x157x32xf32, #tpu.memory_space<hbm>>
      %dma_start3A_328 = tpu.memref_squeeze %dma_start3A_327 : memref<1x1x1x157x32xf32, #tpu.memory_space<hbm>> -> memref<157x32xf32, #tpu.memory_space<hbm>>
      tpu.enqueue_dma source(%arg14 : memref<157x32xf32, #tpu.memory_space<vmem>>) target(%dma_start3A_328 : memref<157x32xf32, #tpu.memory_space<hbm>>) target_semaphore(%run_scoped3A_320 : memref<!tpu.dma_semaphore, #tpu.memory_space<semaphore_mem>>)
      %dma_wait3A_329 = arith.constant 0 : i32
      %dma_wait3A_330 = arith.constant 0 : i32
      %dma_wait3A_331 = tpu.memref_slice %arg6[%arg0, %arg1, %run_scoped3A_319, %dma_wait3A_329, %dma_wait3A_330] : memref<2x16x4x157x32xf32, #tpu.memory_space<hbm>> -> memref<1x1x1x157x32xf32, #tpu.memory_space<hbm>>
      %dma_wait3A_332 = tpu.memref_squeeze %dma_wait3A_331 : memref<1x1x1x157x32xf32, #tpu.memory_space<hbm>> -> memref<157x32xf32, #tpu.memory_space<hbm>>
      %dma_wait3A_333 = arith.constant 0 : i32
      %dma_wait3A_334 = arith.constant 0 : i32
      %dma_wait3A_335 = tpu.memref_slice %arg6[%arg0, %arg1, %run_scoped3A_319, %dma_wait3A_333, %dma_wait3A_334] : memref<2x16x4x157x32xf32, #tpu.memory_space<hbm>> -> memref<1x1x1x157x32xf32, #tpu.memory_space<hbm>>
      %dma_wait3A_336 = tpu.memref_squeeze %dma_wait3A_335 : memref<1x1x1x157x32xf32, #tpu.memory_space<hbm>> -> memref<157x32xf32, #tpu.memory_space<hbm>>
      tpu.wait_dma2 semaphore(%run_scoped3A_320 : memref<!tpu.dma_semaphore, #tpu.memory_space<semaphore_mem>>) src(%arg14 : memref<157x32xf32, #tpu.memory_space<vmem>>) dst(%dma_wait3A_336 : memref<157x32xf32, #tpu.memory_space<hbm>>)
      tpu.yield
    }) : () -> ()
    return
  }
}

module attributes {stable_mosaic.version = 14 : i64} {
  func.func @_proj_body(%arg0: i32, %arg1: memref<2000x128xf32, #tpu.memory_space<vmem>>, %arg2: memref<64x128xf32, #tpu.memory_space<vmem>>, %arg3: memref<2x2000x32xf32, #tpu.memory_space<vmem>>) attributes {dimension_semantics = [#tpu.dimension_semantics<arbitrary>], iteration_bounds = array<i64: 5>, scalar_prefetch = 0 : i64, scratch_operands = 0 : i64, tpu.core_type = #tpu.core_type<tc>, window_params = [{transform_indices = @transform_0, window_bounds = array<i64: 2000, 128>}, {pipeline_mode = #tpu.pipeline_mode<synchronous>, transform_indices = @transform_1, window_bounds = array<i64: 64, 128>}, {transform_indices = @transform_2, window_bounds = array<i64: 2, 2000, 32>}]} {
    %get3A = arith.constant 0 : index
    %get3A_0 = arith.constant 0 : index
    %get3A_1 = vector.load %arg1[%get3A, %get3A_0] : memref<2000x128xf32, #tpu.memory_space<vmem>>, vector<2000x128xf32>
    %get3A_2 = arith.constant 0 : index
    %get3A_3 = arith.constant 0 : index
    %get3A_4 = vector.load %arg2[%get3A_2, %get3A_3] : memref<64x128xf32, #tpu.memory_space<vmem>>, vector<64x128xf32>
    %dot_general3A = arith.constant dense<0.000000e+00> : vector<2000x64xf32>
    %dot_general3A_5 = tpu.matmul %get3A_1, %get3A_4, %dot_general3A {dimension_numbers = #tpu.dot_dimension_numbers<[1], [1], [0], [0], [0, 0, 1, 0], [], []>, transpose_lhs_hint = false} : vector<2000x128xf32>, vector<64x128xf32>, vector<2000x64xf32> -> vector<2000x64xf32>
    %slice3A = vector.extract_strided_slice %dot_general3A_5 {offsets = [0, 0], sizes = [2000, 32], strides = [1, 1]} : vector<2000x64xf32> to vector<2000x32xf32>
    %swap3A = arith.constant 0 : index
    %swap3A_6 = arith.constant 0 : index
    %swap3A_7 = arith.constant 0 : index
    %swap3A_8 = vector.load %arg3[%swap3A, %swap3A_6, %swap3A_7] : memref<2x2000x32xf32, #tpu.memory_space<vmem>>, vector<1x2000x32xf32>
    %swap3A_9 = vector.shape_cast %swap3A_8 : vector<1x2000x32xf32> to vector<2000x32xf32>
    %swap3A_10 = vector.shape_cast %slice3A : vector<2000x32xf32> to vector<1x2000x32xf32>
    tpu.vector_store %arg3[%swap3A, %swap3A_6, %swap3A_7], %swap3A_10 {strides = array<i32>} : memref<2x2000x32xf32, #tpu.memory_space<vmem>>, vector<1x2000x32xf32>,
    %slice3A_11 = vector.extract_strided_slice %dot_general3A_5 {offsets = [0, 32], sizes = [2000, 32], strides = [1, 1]} : vector<2000x64xf32> to vector<2000x32xf32>
    %swap3A_12 = arith.constant 1 : index
    %swap3A_13 = arith.constant 0 : index
    %swap3A_14 = arith.constant 0 : index
    %swap3A_15 = vector.load %arg3[%swap3A_12, %swap3A_13, %swap3A_14] : memref<2x2000x32xf32, #tpu.memory_space<vmem>>, vector<1x2000x32xf32>
    %swap3A_16 = vector.shape_cast %swap3A_15 : vector<1x2000x32xf32> to vector<2000x32xf32>
    %swap3A_17 = vector.shape_cast %slice3A_11 : vector<2000x32xf32> to vector<1x2000x32xf32>
    tpu.vector_store %arg3[%swap3A_12, %swap3A_13, %swap3A_14], %swap3A_17 {strides = array<i32>} : memref<2x2000x32xf32, #tpu.memory_space<vmem>>, vector<1x2000x32xf32>,
    return
  }
  func.func @transform_0(%arg0: i32) -> (i32, i32) {
    %c0_i32 = arith.constant 0 : i32
    %c0_i32_0 = arith.constant 0 : i32
    return %arg0, %c0_i32 : i32, i32
  }
  func.func @transform_1(%arg0: i32) -> (i32, i32) {
    %c0_i32 = arith.constant 0 : i32
    %c0_i32_0 = arith.constant 0 : i32
    %c0_i32_1 = arith.constant 0 : i32
    return %c0_i32, %c0_i32_0 : i32, i32
  }
  func.func @transform_2(%arg0: i32) -> (i32, i32, i32) {
    %c0_i32 = arith.constant 0 : i32
    %c0_i32_0 = arith.constant 0 : i32
    %c0_i32_1 = arith.constant 0 : i32
    return %c0_i32, %arg0, %c0_i32_0 : i32, i32, i32
  }
}

module attributes {stable_mosaic.version = 14 : i64} {
  func.func @_out_body(%arg0: i32, %arg1: memref<1x2000x32xf32, #tpu.memory_space<vmem>>, %arg2: memref<1x2000x32xf32, #tpu.memory_space<vmem>>, %arg3: memref<128x64xf32, #tpu.memory_space<vmem>>, %arg4: memref<1x128xf32, #tpu.memory_space<vmem>>, %arg5: memref<128x64xf32, #tpu.memory_space<vmem>>, %arg6: memref<1x128xf32, #tpu.memory_space<vmem>>, %arg7: memref<2000x128xf32, #tpu.memory_space<vmem>>, %arg8: memref<2000x128xf32, #tpu.memory_space<vmem>>) attributes {dimension_semantics = [#tpu.dimension_semantics<arbitrary>], iteration_bounds = array<i64: 5>, scalar_prefetch = 0 : i64, scratch_operands = 0 : i64, tpu.core_type = #tpu.core_type<tc>, window_params = [{transform_indices = @transform_0, window_bounds = array<i64: 1, 2000, 32>}, {transform_indices = @transform_1, window_bounds = array<i64: 1, 2000, 32>}, {pipeline_mode = #tpu.pipeline_mode<synchronous>, transform_indices = @transform_2, window_bounds = array<i64: 128, 64>}, {pipeline_mode = #tpu.pipeline_mode<synchronous>, transform_indices = @transform_3, window_bounds = array<i64: 1, 128>}, {pipeline_mode = #tpu.pipeline_mode<synchronous>, transform_indices = @transform_4, window_bounds = array<i64: 128, 64>}, {pipeline_mode = #tpu.pipeline_mode<synchronous>, transform_indices = @transform_5, window_bounds = array<i64: 1, 128>}, {transform_indices = @transform_6, window_bounds = array<i64: 2000, 128>}, {transform_indices = @transform_7, window_bounds = array<i64: 2000, 128>}]} {
    %get3A = arith.constant 0 : index
    %get3A_0 = arith.constant 0 : index
    %get3A_1 = arith.constant 0 : index
    %get3A_2 = vector.load %arg1[%get3A, %get3A_0, %get3A_1] : memref<1x2000x32xf32, #tpu.memory_space<vmem>>, vector<1x2000x32xf32>
    %get3A_3 = vector.shape_cast %get3A_2 : vector<1x2000x32xf32> to vector<2000x32xf32>
    %get3A_4 = arith.constant 0 : index
    %get3A_5 = arith.constant 0 : index
    %get3A_6 = arith.constant 0 : index
    %get3A_7 = vector.load %arg2[%get3A_4, %get3A_5, %get3A_6] : memref<1x2000x32xf32, #tpu.memory_space<vmem>>, vector<1x2000x32xf32>
    %get3A_8 = vector.shape_cast %get3A_7 : vector<1x2000x32xf32> to vector<2000x32xf32>
    %concatenate3A = tpu.concatenate %get3A_3, %get3A_8 in 1 : vector<2000x32xf32>, vector<2000x32xf32> -> vector<2000x64xf32>
    %get3A_9 = arith.constant 0 : index
    %get3A_10 = arith.constant 0 : index
    %get3A_11 = vector.load %arg3[%get3A_9, %get3A_10] : memref<128x64xf32, #tpu.memory_space<vmem>>, vector<128x64xf32>
    %dot_general3A = arith.constant dense<0.000000e+00> : vector<2000x128xf32>
    %dot_general3A_12 = tpu.matmul %concatenate3A, %get3A_11, %dot_general3A {dimension_numbers = #tpu.dot_dimension_numbers<[1], [1], [0], [0], [0, 0, 1, 0], [], []>, transpose_lhs_hint = false} : vector<2000x64xf32>, vector<128x64xf32>, vector<2000x128xf32> -> vector<2000x128xf32>
    %get3A_13 = arith.constant 0 : index
    %get3A_14 = arith.constant 0 : index
    %get3A_15 = vector.load %arg4[%get3A_13, %get3A_14] : memref<1x128xf32, #tpu.memory_space<vmem>>, vector<1x128xf32>
    %add3A = vector.broadcast %get3A_15 : vector<1x128xf32> to vector<2000x128xf32>
    %add3A_16 = arith.addf %dot_general3A_12, %add3A : vector<2000x128xf32>
    %swap3A = arith.constant 0 : index
    %swap3A_17 = arith.constant 0 : index
    %swap3A_18 = vector.load %arg7[%swap3A, %swap3A_17] : memref<2000x128xf32, #tpu.memory_space<vmem>>, vector<2000x128xf32>
    tpu.vector_store %arg7[%swap3A, %swap3A_17], %add3A_16 {strides = array<i32>} : memref<2000x128xf32, #tpu.memory_space<vmem>>, vector<2000x128xf32>,
    %get3A_19 = arith.constant 0 : index
    %get3A_20 = arith.constant 0 : index
    %get3A_21 = vector.load %arg5[%get3A_19, %get3A_20] : memref<128x64xf32, #tpu.memory_space<vmem>>, vector<128x64xf32>
    %dot_general3A_22 = arith.constant dense<0.000000e+00> : vector<2000x128xf32>
    %dot_general3A_23 = tpu.matmul %concatenate3A, %get3A_21, %dot_general3A_22 {dimension_numbers = #tpu.dot_dimension_numbers<[1], [1], [0], [0], [0, 0, 1, 0], [], []>, transpose_lhs_hint = false} : vector<2000x64xf32>, vector<128x64xf32>, vector<2000x128xf32> -> vector<2000x128xf32>
    %get3A_24 = arith.constant 0 : index
    %get3A_25 = arith.constant 0 : index
    %get3A_26 = vector.load %arg6[%get3A_24, %get3A_25] : memref<1x128xf32, #tpu.memory_space<vmem>>, vector<1x128xf32>
    %add3A_27 = vector.broadcast %get3A_26 : vector<1x128xf32> to vector<2000x128xf32>
    %add3A_28 = arith.addf %dot_general3A_23, %add3A_27 : vector<2000x128xf32>
    %swap3A_29 = arith.constant 0 : index
    %swap3A_30 = arith.constant 0 : index
    %swap3A_31 = vector.load %arg8[%swap3A_29, %swap3A_30] : memref<2000x128xf32, #tpu.memory_space<vmem>>, vector<2000x128xf32>
    tpu.vector_store %arg8[%swap3A_29, %swap3A_30], %add3A_28 {strides = array<i32>} : memref<2000x128xf32, #tpu.memory_space<vmem>>, vector<2000x128xf32>,
    return
  }
  func.func @transform_0(%arg0: i32) -> (i32, i32, i32) {
    %c0_i32 = arith.constant 0 : i32
    %c0_i32_0 = arith.constant 0 : i32
    %c0_i32_1 = arith.constant 0 : i32
    return %c0_i32, %arg0, %c0_i32_0 : i32, i32, i32
  }
  func.func @transform_1(%arg0: i32) -> (i32, i32, i32) {
    %c1_i32 = arith.constant 1 : i32
    %c0_i32 = arith.constant 0 : i32
    %c0_i32_0 = arith.constant 0 : i32
    return %c1_i32, %arg0, %c0_i32 : i32, i32, i32
  }
  func.func @transform_2(%arg0: i32) -> (i32, i32) {
    %c0_i32 = arith.constant 0 : i32
    %c0_i32_0 = arith.constant 0 : i32
    %c0_i32_1 = arith.constant 0 : i32
    return %c0_i32, %c0_i32_0 : i32, i32
  }
  func.func @transform_3(%arg0: i32) -> (i32, i32) {
    %c0_i32 = arith.constant 0 : i32
    %c0_i32_0 = arith.constant 0 : i32
    %c0_i32_1 = arith.constant 0 : i32
    return %c0_i32, %c0_i32_0 : i32, i32
  }
  func.func @transform_4(%arg0: i32) -> (i32, i32) {
    %c0_i32 = arith.constant 0 : i32
    %c0_i32_0 = arith.constant 0 : i32
    %c0_i32_1 = arith.constant 0 : i32
    return %c0_i32, %c0_i32_0 : i32, i32
  }
  func.func @transform_5(%arg0: i32) -> (i32, i32) {
    %c0_i32 = arith.constant 0 : i32
    %c0_i32_0 = arith.constant 0 : i32
    %c0_i32_1 = arith.constant 0 : i32
    return %c0_i32, %c0_i32_0 : i32, i32
  }
  func.func @transform_6(%arg0: i32) -> (i32, i32) {
    %c0_i32 = arith.constant 0 : i32
    %c0_i32_0 = arith.constant 0 : i32
    return %arg0, %c0_i32 : i32, i32
  }
  func.func @transform_7(%arg0: i32) -> (i32, i32) {
    %c0_i32 = arith.constant 0 : i32
    %c0_i32_0 = arith.constant 0 : i32
    return %arg0, %c0_i32 : i32, i32
  }
}

</mosaic_0001>

<sc_bundles>
// kernel: kernel.10.cloned.1.call-start
scs
__scs_entry_jumppad:
0x0: {  	(pc) =	sbr.rel $0x88, $3  }
0x1: {  	(tag) =	ssettag $0x0;
	lr =	simm.s32 $0x1  }
0x2: {  	[smem:$0x3F99] =	sst lr;
	_ =	strace $0xD0000000  }
0x3: {  	_ = 	snop  }
0x4: {  	_ = 	snop  }
0x5: {  	_ = 	snop  }
0x6: {  	_ = 	snop  }
0x7: {  	_ = 	snop  }
__scs_overlays_trampoline_lowered:
0x8: {  	[smem:$0x3FA8] =	sst s0  }
0x9: {  	[smem:$0x3FA9] =	sst s1  }
0xa: {  	[smem:$0x3FAA] =	sst s2  }
0xb: {  	[smem:$0x3FAB] =	sst s3  }
0xc: {  	[smem:$0x3FAC] =	sst s4  }
0xd: {  	[smem:$0x3FAD] =	sst s5  }
0xe: {  	[smem:$0x3FAE] =	sst s6  }
0xf: {  	[smem:$0x3FAF] =	sst s7  }
0x10: {  	[smem:$0x3FB0] =	sst s8  }
0x11: {  	[smem:$0x3FB1] =	sst s9;
	s0 =	simm.s32 @!p0 $0x0  }
0x12: {  	s1 =	sld [smem:$0x3F97];
	s0 =	simm.s32 @p0 $0x1  }
0x13: {  	[smem:$0x3FB2] =	sst s0;
	s0 =	simm.s32 @!p1 $0x0  }
0x14: {  	s2 =	sld [smem:$0x3F96];
	s0 =	simm.s32 @p1 $0x1  }
0x15: {  	[smem:$0x3FB3] =	sst s0;
	s0 =	simm.s32 @!p2 $0x0  }
0x16: {  	s3 =	sld [smem:$0x3FDB];
	s0 =	simm.s32 @p2 $0x1  }
0x17: {  	s4 =	simm.s32 $0x1BF5;
	[smem:$0x3FB5] =	sst s0  }
0x18: {  	s0 =	sld [smem:$0x3F98];
	_ =	swait.ge [sflag:s4], $0x0  }
0x19: {  	s7 =	sld [smem:$0x3F99]  }
0x1a: {  	s8 =	sadd.s32 $0xFFFFE003, lr  }
0x1b: {  	s9 =	sadd.s32 $0xFFFFFEF7, lr;
	s5 =	simm.s32 $0xFFFFFFFF;
	p2 =	slt.u32 s8, $0xFFFFF086  }
0x1c: {  	p1 =	slt.u32 s9, $0xF7A;
	s5 =	simm.s32 @!p2 $0x0  }
0x1d: {  	s5 =	simm.s32 @p1 $0x1;
	p0 =	seq.s32 s7, s2  }
0x1e: {  	s7 =	smul.u32 @!p0 $0xF7A, s2;
	p2 =	seq.s32 @!p0 s5, $0x0  }
0x1f: {  	s9 =	smul.u32 $0xF7A, s1;
	s8 =	simm.s32 @!p0 $0x1BF5;
	p2 =	por !p2, p0  }
0x20: {  	[sflag:s8] =	ssyncset.s32 @!p0 $0xFFFFF086;
	s6 =	sadd.s32 @!p0 s3, s7;
	s7 =	simm.s32 @!p0 $0x108  }
0x21: {  	s3 =	sadd.s32 s3, s9;
	s6 =	sadd.s32 @!p0 $0x88, s6;
	s7 =	simm.s32 @p2 $0x1082  }
0x22: {  	[simem:s7], [sflag:s8] =	dma.local @!p0 [hbm:s6], $0xF7A  }
0x23: {  	s9 =	sor.u32 $0xD0000000, s2;
	s6 =	simm.s32 $0x108;
	_ =	swait.ge @!p0 [sflag:s8], $0x0  }
0x24: {  	s3 =	sadd.s32 $0x88, s3;
	s6 =	simm.s32 @!p1 $0x1082;
	[sflag:s4] =	ssyncset.s32 $0xFFFFF086  }
0x25: {  	[simem:s6], [sflag:s4] =	dma.local [hbm:s3], $0xF7A  }
0x26: {  	[smem:$0x3F99] =	sst s1;
	(tag) =	ssettag s2;
	_ =	strace s9  }
0x27: {  	s1 =	sld [smem:$0x3FA9]  }
0x28: {  	s2 =	sld [smem:$0x3FAA]  }
0x29: {  	s4 =	sld [smem:$0x3FAC]  }
0x2a: {  	p0 =	seq.s32 s5, $0x0;
	s5 =	sld [smem:$0x3FAD]  }
0x2b: {  	s6 =	sld [smem:$0x3FAE]  }
0x2c: {  	s7 =	sld [smem:$0x3FAF]  }
0x2d: {  	s3 =	simm.s32 $0x108;
	s8 =	sld [smem:$0x3FB0]  }
0x2e: {  	s3 =	simm.s32 @!p0 $0x1082;
	s9 =	sld [smem:$0x3FB1]  }
0x2f: {  	lr =	sadd.s32 s0, s3;
	s0 =	sld [smem:$0x3FA8]  }
0x30: {  	s3 =	sld [smem:$0x3FAB]  }
0x31: {  	[smem:$0x3FB4] =	sst s10  }
0x32: {  	s10 =	sld [smem:$0x3FB2];
	_ =	sdelay $0x3  }
0x33: {  	p0 =	seq.s32 s10, $0x1;
	s10 =	sld [smem:$0x3FB4];
	_ =	sdelay $0x3  }
0x34: {  	[smem:$0x3FB4] =	sst s10  }
0x35: {  	s10 =	sld [smem:$0x3FB3];
	_ =	sdelay $0x3  }
0x36: {  	p1 =	seq.s32 s10, $0x1;
	s10 =	sld [smem:$0x3FB4];
	_ =	sdelay $0x3  }
0x37: {  	[smem:$0x3FB4] =	sst s10  }
0x38: {  	s10 =	sld [smem:$0x3FB5]  }
0x39: {  	_ = 	snop;
	(pc) =	sbr.ind lr, $3  }
0x3a: {  	_ = 	snop  }
0x3b: {  	_ = 	snop  }
0x3c: {  	p2 =	seq.s32 s10, $0x1;
	s10 =	sld [smem:$0x3FB4]  }
0x3d: {  	_ =	shalt  }
0x3e: {  	_ =	shalt  }
0x3f: {  	_ =	shalt  }
0x40: {  	_ =	shalt  }
0x41: {  	_ =	shalt  }
0x42: {  	_ =	shalt  }
0x43: {  	_ =	shalt  }
0x44: {  	_ =	shalt  }
0x45: {  	_ =	shalt  }
0x46: {  	_ =	shalt  }
0x47: {  	_ =	shalt  }
0x48: {  	_ =	shalt  }
0x49: {  	_ =	shalt  }
0x4a: {  	_ =	shalt  }
0x4b: {  	_ =	shalt  }
0x4c: {  	_ =	shalt  }
0x4d: {  	_ =	shalt  }
0x4e: {  	_ =	shalt  }
0x4f: {  	_ =	shalt  }
0x50: {  	_ =	shalt  }
0x51: {  	_ =	shalt  }
0x52: {  	_ =	shalt  }
0x53: {  	_ =	shalt  }
0x54: {  	_ =	shalt  }
0x55: {  	_ =	shalt  }
0x56: {  	_ =	shalt  }
0x57: {  	_ =	shalt  }
0x58: {  	_ =	shalt  }
0x59: {  	_ =	shalt  }
0x5a: {  	_ =	shalt  }
0x5b: {  	_ =	shalt  }
0x5c: {  	_ =	shalt  }
0x5d: {  	_ =	shalt  }
0x5e: {  	_ =	shalt  }
0x5f: {  	_ =	shalt  }
0x60: {  	_ =	shalt  }
0x61: {  	_ =	shalt  }
0x62: {  	_ =	shalt  }
0x63: {  	_ =	shalt  }
0x64: {  	_ =	shalt  }
0x65: {  	_ =	shalt  }
0x66: {  	_ =	shalt  }
0x67: {  	_ =	shalt  }
0x68: {  	_ =	shalt  }
0x69: {  	_ =	shalt  }
0x6a: {  	_ =	shalt  }
0x6b: {  	_ =	shalt  }
0x6c: {  	_ =	shalt  }
0x6d: {  	_ =	shalt  }
0x6e: {  	_ =	shalt  }
0x6f: {  	_ =	shalt  }
0x70: {  	_ =	shalt  }
0x71: {  	_ =	shalt  }
0x72: {  	_ =	shalt  }
0x73: {  	_ =	shalt  }
0x74: {  	_ =	shalt  }
0x75: {  	_ =	shalt  }
0x76: {  	_ =	shalt  }
0x77: {  	_ =	shalt  }
0x78: {  	_ =	shalt  }
0x79: {  	_ =	shalt  }
0x7a: {  	_ =	shalt  }
0x7b: {  	_ =	shalt  }
0x7c: {  	_ =	shalt  }
0x7d: {  	_ =	shalt  }
0x7e: {  	_ =	shalt  }
0x7f: {  	_ =	shalt  }
0x80: {  	_ =	shalt  }
0x81: {  	_ =	shalt  }
0x82: {  	_ =	shalt  }
0x83: {  	_ =	shalt  }
0x84: {  	_ =	shalt  }
0x85: {  	_ =	shalt  }
0x86: {  	_ =	shalt  }
0x87: {  	_ =	shalt  }
.Lfunc_end0:
.L_simem_size_0:
called_computation.1_lowered:
.L_overlay_start_0:
0x88: {  	s2 =	sld [smem:$0x3FD9]  }
0x89: {  	s3 =	sld [smem:$0x3FFE];
	_ =	sdelay $0x1  }
0x8a: {  	s1 =	srdreg.scid  }
0x8b: {  	s0 =	sand.u32 $0x1, s1  }
0x8c: {  	s14 =	sshll.u32 s0, $0xA;
	s2 =	sadd.s32 s3, s2  }
0x8d: {  	s2 =	sadd.s32 s2, s14  }
0x8e: {  	[smem:$0x3FC0] =	sst s2  }
0x8f: {  	_ = 	snop  }
0x90: {  	s2 =	sld [smem:$0x3FD0];
	_ =	sdelay $0x2  }
0x91: {  	s4 =	simm.s32 $0xA;
	s5 =	simm.s32 $0x10;
	s15 =	sld [smem:$0x3FC6]  }
0x92: {  	[smem:s5], [sflag:s4] =	dma.local [hbm:s2], $0x1  }
0x93: {  	_ =	swait.eq [sflag:s4], $0x1  }
0x94: {  	[sflag:s4] =	ssyncset.done $0x0  }
0x95: {  	s16 =	sld [smem:$0x10];
	[sflag:s4] =	ssyncadd.s32 $0xFFFFFFFF  }
0x96: {  	s17 =	sld [smem:$0x11];
	(tm) =	ssettm $0x1  }
0x97: {  	s18 =	sld [smem:$0x3FFB];
	_ =	sdelay $0x3  }
0x98: {  	_ =	strace s18  }
0x99: {  	s5 =	sld [smem:$0x3FFC];
	_ =	sdelay $0x3  }
0x9a: {  	_ =	strace s5  }
0x9b: {  	s5 =	sld [smem:$0x3FFD];
	_ =	sdelay $0x3  }
0x9c: {  	_ =	strace s5  }
0x9d: {  	_ =	strace $0x8FFFFFFF  }
0x9e: {  	s19 =	sld [smem:$0x3FDB];
	_ =	sdelay $0x1  }
0x9f: {  	s6 =	simm.s32 $_scs_section_size  }
0xa0: {  	s7 =	simm.s32 $_size__tile_overlayer_lowered;
	s8 =	simm.s32 $_tile_overlayer_lowered  }
0xa1: {  	s22 =	simm.s32 $0x1BFF;
	s21 =	sshll.u32 s8, $0x1;
	s5 =	sadd.s32 s6, s19  }
0xa2: {  	s9 =	simm.s32 $0x0;
	s20 =	sshll.u32 s7, $0x1;
	s7 =	sadd.s32 s21, s5  }
0xa3: {  	[timem:s9], [sflag:s22] =	dma.local [hbm:s7], s20  }
0xa4: {  	_ =	swait.ge [sflag:s22], s20  }
0xa5: {  	s6 =	ssub.s32 $0x0, s20;
	[sflag:s22] =	ssyncset.done $0x0  }
0xa6: {  	[sflag:s22] =	ssyncadd.s32 s6;
	_ =	sdelay $0x1  }
0xa7: {  	s23 =	simm.s32 $0x1B8B  }
0xa8: {  	_ =	swait.ge [sflag:s23], $0x1  }
0xa9: {  	[sflag:s23] =	ssyncset.done $0x0  }
0xaa: {  	s25 =	simm.s32 $0x1B8E;
	s24 =	sld [smem:$0x3FFE];
	[sflag:s23] =	ssyncadd.s32 $0xFFFFFFFF  }
0xab: {  	s26 =	simm.s32 $execute0_lowered;
	[smem:$0x3FD2] =	sst s25  }
0xac: {  	s7 =	sshll.u32 s26, $0x1;
	_ =	strace $0x80000049;
	[dreg:$0x1] =	wrdreg $0xFFFFFFFF  }
0xad: {  	s28 =	simm.s32 $_size_execute0_lowered;
	s5 =	sadd.s32 s5, s7;
	[dreg:$0x0] =	wrdreg $0x0  }
0xae: {  	s7 =	sshll.u32 s28, $0x1;
	[dreg:$0x2] =	wrdreg s5  }
0xaf: {  	[dreg:$0x3] =	wrdreg s7  }
0xb0: {  	[dreg:$0x4] =	wrdreg $0xC0  }
0xb1: {  	_ =	task [dreg:s9], $0x5FFFF  }
0xb2: {  	[dreg:$0x1] =	wrdreg $0xFFFFFFFF  }
0xb3: {  	[dreg:$0x0] =	wrdreg $0x60  }
0xb4: {  	[dreg:$0x2] =	wrdreg s17  }
0xb5: {  	[dreg:$0x3] =	wrdreg s24  }
0xb6: {  	[dreg:$0x4] =	wrdreg s15  }
0xb7: {  	[dreg:$0x5] =	wrdreg s16  }
0xb8: {  	[dreg:$0x6] =	wrdreg $0x13AE00  }
0xb9: {  	[dreg:$0x7] =	wrdreg $0x189600  }
0xba: {  	[dreg:$0x8] =	wrdreg $0x9  }
0xbb: {  	_ =	task.clear_ibuf [dreg:s9], $0x9FFFF;
	_ =	strace $0x90000049  }
0xbc: {  	s29 =	simm.s32 $0x9;
	_ =	strace $0x8000004B  }
0xbd: {  	_ =	swait.ge [sflag:s29], $0x1  }
0xbe: {  	[sflag:s29] =	ssyncadd.s32 $0xFFFFFFFF  }
0xbf: {  	_ =	strace $0x9000004B  }
0xc0: {  	_ =	sfence  }
0xc1: {  	s30 =	sld [smem:$0x0];
	_ =	sdelay $0x2  }
0xc2: {  	s31 =	sshll.u32 s1, $0xD;
	s1 =	sshrl.u32 s1, $0x2  }
0xc3: {  	s3 =	sand.u32 $0x4000, s31;
	s1 =	sadd.s32 s1, s30  }
0xc4: {  	s0 =	sor.u32 s3, s0;
	s1 =	sshll.u32 s1, $0x11  }
0xc5: {  	s0 =	sor.u32 s1, s0  }
0xc6: {  	s0 =	sadd.s32 $0x8F2B, s0  }
0xc7: {  	[sflag:s0] =	ssyncadd.remote.s32 $0x1  }
0xc8: {  	_ =	sfence.sel $0xFFFF  }
0xc9: {  	[dreg:$0x0] =	wrdreg $0xFFFFFFFF;
	(pc) =	sbr.abs _section_cstart, $3  }
0xca: {  	[dreg:$0x1] =	wrdreg $0xFFFFFFFF  }
0xcb: {  	_ =	task.clear_ibuf [dreg:s9], $0x2FFFF;
	_ =	strace $0x9FFFFFFF  }
0xcc: {  	(tm) =	ssettm $0x7FFFFFFF  }
0xcd: {  	_ =	shalt  }
tec
execute0_lowered:
.L_overlay_start_1:
0x0: {  	(tag) =	ssettag $0x1  }
0x1: {  	s0 =	rddreg [dreg:$0x0]  }
0x2: {  	s1 =	rddreg [dreg:$0x1]  }
0x3: {  	s5 =	rddreg [dreg:$0x2]  }
0x4: {  	s6 =	rddreg [dreg:$0x3]  }
0x5: {  	s2 =	rddreg [dreg:$0x4]  }
0x6: {  	s3 =	rddreg [dreg:$0x5]  }
0x7: {  	s12 =	stileid.u32;
	s4 =	simm.s32 $0x0;
	s8 =	srdreg.scid  }
0x8: {  	s31 =	simm.s32 $0x12720;
	s29 =	simm.s32 $0x9C40;
	s7 =	smul.u32 $0x4E20, s12  }
0x9: {  	s30 =	simm.s32 $0xB040;
	s28 =	simm.s32 $0x6;
	s9 =	smul.u32 $0x4E8, s12  }
0xa: {  	[smem:$0x7FF] =	sst s4;
	s8 =	sand.u32 $0x1, s8;
	s12 =	smul.u32 $0x4E80, s12  }
0xb: {  	s10 =	ssub.s32 $0x2, s8;
	_ =	strace $0x8000004A;
	s24 =	sshll.u32 s8, $0x2  }
0xc: {  	s8 =	smul.u32 $0x4E800, s8;
	s7 =	sshrl.u32 s7, $0x3;
	s11 =	sshrl.u32 s10, $0x1  }
0xd: {  	s25 =	sadd.s32 s5, s24;
	s26 =	sadd.s32 $0x13A0, s12;
	s16 =	sadd.s32 $0x2740, s12  }
0xe: {  	s18 =	sadd.s32 $0x3AE0, s12;
	s7 =	sadd.s32 s7, s1;
	s1 =	sadd.s32 s9, s1  }
0xf: {  	s9 =	ssub.s32 s10, s11;
	[dreg:$0xa] =	wrdreg s25;
	s15 =	sadd.s32 s26, s2  }
0x10: {  	s10 =	sadd.s32 s12, s2;
	s17 =	sadd.s32 s16, s2;
	[dreg:$0xb] =	wrdreg s15  }
0x11: {  	s14 =	sadd.s32 s12, s8;
	s23 =	sadd.s32 $0x1E00, s7;
	[dreg:$0xc] =	wrdreg s17  }
0x12: {  	s8 =	simm.s32 $0x2;
	s7 =	sadd.s32 $0xBA40, s7;
	[dreg:$0x7] =	wrdreg s23  }
0x13: {  	s1 =	sadd.s32 $0x15800, s1;
	s5 =	sshrl.u32 s14, $0x3;
	[dreg:$0x8] =	wrdreg s7  }
0x14: {  	s17 =	simm.s32 $0x0;
	[dreg:$0x9] =	wrdreg s1;
	s19 =	sadd.s32 s0, s5  }
0x15: {  	s13 =	sadd.s32 $0x274, s5;
	s14 =	sadd.s32 $0x4E8, s5;
	s15 =	sadd.s32 $0x75C, s5  }
0x16: {  	s22 =	sadd.s32 s6, s5;
	s1 =	simm.s32 $0xA0;
	[dreg:$0xd] =	wrdreg s19  }
0x17: {  	s5 =	simm.s32 $0xC440;
	s20 =	sadd.s32 s0, s13;
	[dreg:$0x11] =	wrdreg s22  }
0x18: {  	s7 =	simm.s32 $0xD840;
	s21 =	sadd.s32 s0, s14;
	[dreg:$0xe] =	wrdreg s20  }
0x19: {  	s0 =	sadd.s32 s0, s15;
	s23 =	sadd.s32 s6, s13;
	[dreg:$0xf] =	wrdreg s21  }
0x1a: {  	s24 =	sadd.s32 s6, s14;
	s25 =	sadd.s32 s6, s15;
	[dreg:$0x10] =	wrdreg s0  }
0x1b: {  	s22 =	sadd.s32 s26, s3;
	s26 =	smax.u32 s9, $0x1;
	[dreg:$0x12] =	wrdreg s23  }
0x1c: {  	s6 =	simm.s32 $0x1;
	s13 =	simm.s32 $0x3;
	[dreg:$0x13] =	wrdreg s24  }
0x1d: {  	s14 =	simm.s32 $0x4;
	s15 =	simm.s32 $0x7;
	[dreg:$0x14] =	wrdreg s25  }
0x1e: {  	s20 =	sadd.s32 s18, s2;
	s21 =	sadd.s32 s12, s3;
	s23 =	sadd.s32 s16, s3  }
0x1f: {  	s24 =	sadd.s32 s18, s3;
	[dreg:$0x15] =	wrdreg s26;
	s26 =	simm.s32 $0x9  }
0x20: {  	v0 =	vimm.f32 $0.0e+00;
	s0 =	simm.s32 $0x11380;
	s12 =	simm.s32 $0x5;
	s16 =	simm.s32 $0x8  }
.LBB2_1:
0x21: {  	s9 =	rddreg [dreg:$0x7]  }
0x22: {  	[tilespmem:s4], [sflag:$0x9] =	stream.linear.gather [hbm4b:s9+s4], $0x4E20, $0x38;
	[tilespmem:$0x1D7E0] =	vst v63  }
0x23: {  	_ =	swait.ge [sflag:s26], $0x4E20  }
0x24: {  	[sflag:s26] =	ssyncset.done $0x0  }
0x25: {  	s11 =	simm.s32 $0x4E20;
	s25 =	rddreg [dreg:$0x8];
	[sflag:s26] =	ssyncadd.s32 $0xFFFFB1E0  }
0x26: {  	[tilespmem:s11], [sflag:$0x9] =	stream.linear.gather [hbm4b:s25+s4], $0x4E20, $0x38;
	[tilespmem:$0x1D7E0] =	vst v63  }
0x27: {  	_ =	swait.ge [sflag:s26], $0x4E20  }
0x28: {  	[sflag:s26] =	ssyncset.done $0x0  }
0x29: {  	s18 =	simm.s32 $0xEC40;
	s11 =	rddreg [dreg:$0x9];
	[sflag:s26] =	ssyncadd.s32 $0xFFFFB1E0  }
0x2a: {  	[tilespmem:s18], [sflag:$0x9] =	stream.linear.gather [hbm4b:s11+s4], $0x2740, $0x38;
	[tilespmem:$0x1D7E0] =	vst v63  }
0x2b: {  	_ =	swait.ge [sflag:s26], $0x2740  }
0x2c: {  	[sflag:s26] =	ssyncset.done $0x0  }
0x2d: {  	s25 =	simm.s32 $0x13AC0;
	s19 =	rddreg [dreg:$0xa];
	[sflag:s26] =	ssyncadd.s32 $0xFFFFD8C0  }
0x2e: {  	[tilespmem:s25], [sflag:$0x9] =	stream.linear.gather [hbm4b:s19+s4], $0x20, $0x38;
	[tilespmem:$0x1D7E0] =	vst v63  }
0x2f: {  	_ =	swait.ge [sflag:s26], $0x20  }
0x30: {  	[sflag:s26] =	ssyncset.done $0x0  }
0x31: {  	s9 =	simm.s32 $0x80;
	s18 =	simm.s32 $0x0;
	[sflag:s26] =	ssyncadd.s32 $0xFFFFFFE0  }
.LBB2_2:
0x32: {  	p0 =	sne.s32 s9, $0x4E00;
	[tilespmem:s18+$0x12720] =	vst v0;
	s19 =	smov.u32 s9;
	s9 =	sadd.s32 $0x80, s9  }
.Ltmp0:
0x33: {  	[tilespmem:s18+$0x12730] =	vst v0;
	(pc) =	sbr.rel @p0 .LBB2_2-.Ltmp0, $2  }
0x34: {  	_ =	sdelay $0x2  }
0x35: {  	s18 =	sshra.s32 s19, $0x2  }
0x36: {  	[tilespmem:s18+$0x12720] =	vst v0  }
0x37: {  	[tilespmem:s18+$0x12730] =	vst v0  }
0x38: {  	[spmem:s10] =	stream.linear.scatter [tilespmem:s31], [sflag:$0x9], $0x13A0, $0x38;
	[tilespmem:$0x1D7E0] =	vst v63  }
0x39: {  	_ =	swait.ge [sflag:s26], $0x13A0  }
0x3a: {  	[sflag:s26] =	ssyncset.done $0x0  }
0x3b: {  	s9 =	rddreg [dreg:$0xb];
	[sflag:s26] =	ssyncadd.s32 $0xFFFFEC60  }
0x3c: {  	[spmem:s9] =	stream.linear.scatter [tilespmem:s31], [sflag:$0x9], $0x13A0, $0x38;
	[tilespmem:$0x1D7E0] =	vst v63  }
0x3d: {  	_ =	swait.ge [sflag:s26], $0x13A0  }
0x3e: {  	[sflag:s26] =	ssyncset.done $0x0  }
0x3f: {  	s18 =	rddreg [dreg:$0xc];
	[sflag:s26] =	ssyncadd.s32 $0xFFFFEC60  }
0x40: {  	[spmem:s18] =	stream.linear.scatter [tilespmem:s31], [sflag:$0x9], $0x13A0, $0x38;
	[tilespmem:$0x1D7E0] =	vst v63  }
0x41: {  	_ =	swait.ge [sflag:s26], $0x13A0  }
0x42: {  	[sflag:s26] =	ssyncset.done $0x0  }
0x43: {  	[sflag:s26] =	ssyncadd.s32 $0xFFFFEC60  }
0x44: {  	[spmem:s20] =	stream.linear.scatter [tilespmem:s31], [sflag:$0x9], $0x13A0, $0x38;
	[tilespmem:$0x1D7E0] =	vst v63  }
0x45: {  	_ =	swait.ge [sflag:s26], $0x13A0  }
0x46: {  	[sflag:s26] =	ssyncset.done $0x0  }
0x47: {  	s19 =	simm.s32 $0x0;
	s11 =	rddreg [dreg:$0xd];
	[sflag:s26] =	ssyncadd.s32 $0xFFFFEC60  }
0x48: {  	[tilespmem:s0], [sflag:$0x9] =	stream.linear.gather [hbm4b:s11+s19], $0x13A0, $0x38;
	[tilespmem:$0x1D7E0] =	vst v63  }
0x49: {  	_ =	swait.ge [sflag:s26], $0x13A0  }
0x4a: {  	[sflag:s26] =	ssyncset.done $0x0  }
0x4b: {  	s9 =	simm.s32 $0x11390;
	[sflag:s26] =	ssyncadd.s32 $0xFFFFEC60  }
0x4c: {  	s25 =	simm.s32 $0x0;
	v1 =	vld [tilespmem:s9+$0xFFFFFFF0]  }
0x4d: {  	v3 =	vld [tilespmem:s25+$0xEC40]  }
0x4e: {  	v4 =	vld [tilespmem:s9+$0x0];
	_ =	sdelay $0x4  }
0x4f: {  	s18 =	simm.s32 $0x40;
	s19 =	simm.s32 $0x11390;
	v2 =	vmul.f32 v1, v3;
	v1 =	vmul.f32 v4, v3  }
.LBB2_4:
0x50: {  	p0 =	sne.s32 s18, $0x2700  }
0x51: {  	[tilespmem:s9+$0xFFFFFFF0] =	vst v2;
	s19 =	sadd.s32 $0x20, s19;
	s25 =	smov.u32 s18;
	s18 =	sadd.s32 $0x40, s18  }
0x52: {  	s25 =	sshra.s32 s25, $0x2;
	v2 =	vld [tilespmem:s19+$0xFFFFFFF0];
	[tilespmem:s9+$0x0] =	vst v1;
	s9 =	smov.u32 s19  }
0x53: {  	v1 =	vld [tilespmem:s25+$0xEC40]  }
0x54: {  	v3 =	vld [tilespmem:s19+$0x0]  }
.Ltmp1:
0x55: {  	(pc) =	sbr.rel @p0 .LBB2_4-.Ltmp1, $3  }
0x56: {  	_ =	sdelay $0x1  }
0x57: {  	v2 =	vmul.f32 v2, v1  }
0x58: {  	v1 =	vmul.f32 v3, v1  }
0x59: {  	[tilespmem:s9+$0xFFFFFFF0] =	vst v2  }
0x5a: {  	[tilespmem:s9+$0x0] =	vst v1  }
0x5b: {  	[spmem:s21] =	stream.linear.scatter [tilespmem:s0], [sflag:$0x9], $0x13A0, $0x38;
	[tilespmem:$0x1D7E0] =	vst v63  }
0x5c: {  	_ =	swait.ge [sflag:s26], $0x13A0  }
0x5d: {  	[sflag:s26] =	ssyncset.done $0x0  }
0x5e: {  	s25 =	simm.s32 $0x0;
	s11 =	rddreg [dreg:$0xe];
	[sflag:s26] =	ssyncadd.s32 $0xFFFFEC60  }
0x5f: {  	[tilespmem:s0], [sflag:$0x9] =	stream.linear.gather [hbm4b:s11+s25], $0x13A0, $0x38;
	[tilespmem:$0x1D7E0] =	vst v63  }
0x60: {  	_ =	swait.ge [sflag:s26], $0x13A0  }
0x61: {  	[sflag:s26] =	ssyncset.done $0x0  }
0x62: {  	s9 =	simm.s32 $0x11390;
	[sflag:s26] =	ssyncadd.s32 $0xFFFFEC60  }
0x63: {  	s18 =	simm.s32 $0x0;
	v1 =	vld [tilespmem:s9+$0xFFFFFFF0]  }
0x64: {  	v3 =	vld [tilespmem:s18+$0xF610]  }
0x65: {  	v4 =	vld [tilespmem:s9+$0x0];
	_ =	sdelay $0x4  }
0x66: {  	s19 =	simm.s32 $0x11390;
	s18 =	simm.s32 $0x40;
	v2 =	vmul.f32 v1, v3;
	v1 =	vmul.f32 v4, v3  }
.LBB2_6:
0x67: {  	p0 =	sne.s32 s18, $0x2700  }
0x68: {  	[tilespmem:s9+$0xFFFFFFF0] =	vst v2;
	s19 =	sadd.s32 $0x20, s19;
	s25 =	smov.u32 s18;
	s18 =	sadd.s32 $0x40, s18  }
0x69: {  	s25 =	sshra.s32 s25, $0x2;
	v2 =	vld [tilespmem:s19+$0xFFFFFFF0];
	[tilespmem:s9+$0x0] =	vst v1;
	s9 =	smov.u32 s19  }
0x6a: {  	v1 =	vld [tilespmem:s25+$0xF610]  }
0x6b: {  	v3 =	vld [tilespmem:s19+$0x0]  }
.Ltmp2:
0x6c: {  	(pc) =	sbr.rel @p0 .LBB2_6-.Ltmp2, $3  }
0x6d: {  	_ =	sdelay $0x1  }
0x6e: {  	v2 =	vmul.f32 v2, v1  }
0x6f: {  	v1 =	vmul.f32 v3, v1  }
0x70: {  	[tilespmem:s9+$0xFFFFFFF0] =	vst v2  }
0x71: {  	[tilespmem:s9+$0x0] =	vst v1  }
0x72: {  	[spmem:s22] =	stream.linear.scatter [tilespmem:s0], [sflag:$0x9], $0x13A0, $0x38;
	[tilespmem:$0x1D7E0] =	vst v63  }
0x73: {  	_ =	swait.ge [sflag:s26], $0x13A0  }
0x74: {  	[sflag:s26] =	ssyncset.done $0x0  }
0x75: {  	s25 =	simm.s32 $0x0;
	s11 =	rddreg [dreg:$0xf];
	[sflag:s26] =	ssyncadd.s32 $0xFFFFEC60  }
0x76: {  	[tilespmem:s0], [sflag:$0x9] =	stream.linear.gather [hbm4b:s11+s25], $0x13A0, $0x38;
	[tilespmem:$0x1D7E0] =	vst v63  }
0x77: {  	_ =	swait.ge [sflag:s26], $0x13A0  }
0x78: {  	[sflag:s26] =	ssyncset.done $0x0  }
0x79: {  	s9 =	simm.s32 $0x11390;
	[sflag:s26] =	ssyncadd.s32 $0xFFFFEC60  }
0x7a: {  	s18 =	simm.s32 $0x0;
	v1 =	vld [tilespmem:s9+$0xFFFFFFF0]  }
0x7b: {  	v3 =	vld [tilespmem:s18+$0xFFE0]  }
0x7c: {  	v4 =	vld [tilespmem:s9+$0x0];
	_ =	sdelay $0x4  }
0x7d: {  	s19 =	simm.s32 $0x11390;
	s18 =	simm.s32 $0x40;
	v2 =	vmul.f32 v1, v3;
	v1 =	vmul.f32 v4, v3  }
.LBB2_8:
0x7e: {  	p0 =	sne.s32 s18, $0x2700  }
0x7f: {  	[tilespmem:s9+$0xFFFFFFF0] =	vst v2;
	s19 =	sadd.s32 $0x20, s19;
	s25 =	smov.u32 s18;
	s18 =	sadd.s32 $0x40, s18  }
0x80: {  	s25 =	sshra.s32 s25, $0x2;
	v2 =	vld [tilespmem:s19+$0xFFFFFFF0];
	[tilespmem:s9+$0x0] =	vst v1;
	s9 =	smov.u32 s19  }
0x81: {  	v1 =	vld [tilespmem:s25+$0xFFE0]  }
0x82: {  	v3 =	vld [tilespmem:s19+$0x0]  }
.Ltmp3:
0x83: {  	(pc) =	sbr.rel @p0 .LBB2_8-.Ltmp3, $3  }
0x84: {  	_ =	sdelay $0x1  }
0x85: {  	v2 =	vmul.f32 v2, v1  }
0x86: {  	v1 =	vmul.f32 v3, v1  }
0x87: {  	[tilespmem:s9+$0xFFFFFFF0] =	vst v2  }
0x88: {  	[tilespmem:s9+$0x0] =	vst v1  }
0x89: {  	[spmem:s23] =	stream.linear.scatter [tilespmem:s0], [sflag:$0x9], $0x13A0, $0x38;
	[tilespmem:$0x1D7E0] =	vst v63  }
0x8a: {  	_ =	swait.ge [sflag:s26], $0x13A0  }
0x8b: {  	[sflag:s26] =	ssyncset.done $0x0  }
0x8c: {  	s25 =	simm.s32 $0x0;
	s11 =	rddreg [dreg:$0x10];
	[sflag:s26] =	ssyncadd.s32 $0xFFFFEC60  }
0x8d: {  	[tilespmem:s0], [sflag:$0x9] =	stream.linear.gather [hbm4b:s11+s25], $0x13A0, $0x38;
	[tilespmem:$0x1D7E0] =	vst v63  }
0x8e: {  	_ =	swait.ge [sflag:s26], $0x13A0  }
0x8f: {  	[sflag:s26] =	ssyncset.done $0x0  }
0x90: {  	s9 =	simm.s32 $0x11390;
	[sflag:s26] =	ssyncadd.s32 $0xFFFFEC60  }
0x91: {  	s18 =	simm.s32 $0x0;
	v1 =	vld [tilespmem:s9+$0xFFFFFFF0]  }
0x92: {  	v3 =	vld [tilespmem:s18+$0x109B0]  }
0x93: {  	v4 =	vld [tilespmem:s9+$0x0];
	_ =	sdelay $0x4  }
0x94: {  	s19 =	simm.s32 $0x11390;
	s18 =	simm.s32 $0x40;
	v2 =	vmul.f32 v1, v3;
	v1 =	vmul.f32 v4, v3  }
.LBB2_10:
0x95: {  	p0 =	sne.s32 s18, $0x2700  }
0x96: {  	[tilespmem:s9+$0xFFFFFFF0] =	vst v2;
	s19 =	sadd.s32 $0x20, s19;
	s25 =	smov.u32 s18;
	s18 =	sadd.s32 $0x40, s18  }
0x97: {  	s25 =	sshra.s32 s25, $0x2;
	v2 =	vld [tilespmem:s19+$0xFFFFFFF0];
	[tilespmem:s9+$0x0] =	vst v1;
	s9 =	smov.u32 s19  }
0x98: {  	v1 =	vld [tilespmem:s25+$0x109B0]  }
0x99: {  	v3 =	vld [tilespmem:s19+$0x0]  }
.Ltmp4:
0x9a: {  	(pc) =	sbr.rel @p0 .LBB2_10-.Ltmp4, $3  }
0x9b: {  	_ =	sdelay $0x1  }
0x9c: {  	v2 =	vmul.f32 v2, v1  }
0x9d: {  	v1 =	vmul.f32 v3, v1  }
0x9e: {  	[tilespmem:s9+$0xFFFFFFF0] =	vst v2  }
0x9f: {  	[tilespmem:s9+$0x0] =	vst v1  }
0xa0: {  	[spmem:s24] =	stream.linear.scatter [tilespmem:s0], [sflag:$0x9], $0x13A0, $0x38;
	[tilespmem:$0x1D7E0] =	vst v63  }
0xa1: {  	_ =	swait.ge [sflag:s26], $0x13A0  }
0xa2: {  	[sflag:s26] =	ssyncset.done $0x0  }
0xa3: {  	[sflag:s26] =	ssyncadd.s32 $0xFFFFEC60  }
0xa4: {  	s11 =	simm.s32 $0x0;
	[bflag:$0x0] =	sbarrier.arrive $0xFFFF  }
0xa5: {  	[tilespmem:s29], [sflag:$0x1] =	stream.indirect.gather [spmem:s3], $0x20, s11, s1, $0xb8;
	[tilespmem:$0x1D7E0] =	vst v63  }
0xa6: {  	_ = 	snop  }
0xa7: {  	[tilespmem:s30], [sflag:$0x2] =	stream.indirect.gather [spmem:s3], $0x20, s1, s1, $0xb8;
	[tilespmem:$0x1D7E0] =	vst v63  }
0xa8: {  	s18 =	simm.s32 $0x140  }
0xa9: {  	[tilespmem:s5], [sflag:$0x3] =	stream.indirect.gather [spmem:s3], $0x20, s18, s1, $0xb8;
	[tilespmem:$0x1D7E0] =	vst v63  }
0xaa: {  	_ =	swait.ge [sflag:s6], $0x1400  }
0xab: {  	[sflag:s6] =	ssyncset.done $0x0  }
0xac: {  	s19 =	simm.s32 $0x4E20;
	[sflag:s6] =	ssyncadd.s32 $0xFFFFEC00  }
0xad: {  	[spmem:s2] =	stream.indirect.scatter.add.f32 [tilespmem:s29], [sflag:$0x5], $0x20, s19, s1, $0xb8;
	[tilespmem:$0x1D7E0] =	vst v63  }
0xae: {  	s25 =	simm.s32 $0x1E0  }
0xaf: {  	[tilespmem:s7], [sflag:$0x4] =	stream.indirect.gather [spmem:s3], $0x20, s25, s1, $0xb8;
	[tilespmem:$0x1D7E0] =	vst v63  }
0xb0: {  	_ =	swait.ge [sflag:s8], $0x1400  }
0xb1: {  	[sflag:s8] =	ssyncset.done $0x0  }
0xb2: {  	s11 =	simm.s32 $0x4EC0;
	[sflag:s8] =	ssyncadd.s32 $0xFFFFEC00  }
0xb3: {  	[spmem:s2] =	stream.indirect.scatter.add.f32 [tilespmem:s30], [sflag:$0x6], $0x20, s11, s1, $0xb8;
	[tilespmem:$0x1D7E0] =	vst v63  }
0xb4: {  	_ =	swait.ge [sflag:s12], $0x1400  }
0xb5: {  	[sflag:s12] =	ssyncset.done $0x0  }
0xb6: {  	s18 =	simm.s32 $0x280;
	[sflag:s12] =	ssyncadd.s32 $0xFFFFEC00  }
0xb7: {  	[tilespmem:s29], [sflag:$0x1] =	stream.indirect.gather [spmem:s3], $0x20, s18, s1, $0xb8;
	[tilespmem:$0x1D7E0] =	vst v63  }
0xb8: {  	_ =	swait.ge [sflag:s13], $0x1400  }
0xb9: {  	[sflag:s13] =	ssyncset.done $0x0  }
0xba: {  	s19 =	simm.s32 $0x4F60;
	[sflag:s13] =	ssyncadd.s32 $0xFFFFEC00  }
0xbb: {  	[spmem:s2] =	stream.indirect.scatter.add.f32 [tilespmem:s5], [sflag:$0x7], $0x20, s19, s1, $0xb8;
	[tilespmem:$0x1D7E0] =	vst v63  }
0xbc: {  	_ =	swait.ge [sflag:s28], $0x1400  }
0xbd: {  	[sflag:s28] =	ssyncset.done $0x0  }
0xbe: {  	s25 =	simm.s32 $0x320;
	[sflag:s28] =	ssyncadd.s32 $0xFFFFEC00  }
0xbf: {  	[tilespmem:s30], [sflag:$0x2] =	stream.indirect.gather [spmem:s3], $0x20, s25, s1, $0xb8;
	[tilespmem:$0x1D7E0] =	vst v63  }
0xc0: {  	_ =	swait.ge [sflag:s14], $0x1400  }
0xc1: {  	[sflag:s14] =	ssyncset.done $0x0  }
0xc2: {  	s11 =	simm.s32 $0x5000;
	[sflag:s14] =	ssyncadd.s32 $0xFFFFEC00  }
0xc3: {  	[spmem:s2] =	stream.indirect.scatter.add.f32 [tilespmem:s7], [sflag:$0x8], $0x20, s11, s1, $0xb8;
	[tilespmem:$0x1D7E0] =	vst v63  }
0xc4: {  	_ =	swait.ge [sflag:s15], $0x1400  }
0xc5: {  	[sflag:s15] =	ssyncset.done $0x0  }
0xc6: {  	s18 =	simm.s32 $0x3C0;
	[sflag:s15] =	ssyncadd.s32 $0xFFFFEC00  }
0xc7: {  	[tilespmem:s5], [sflag:$0x3] =	stream.indirect.gather [spmem:s3], $0x20, s18, s1, $0xb8;
	[tilespmem:$0x1D7E0] =	vst v63  }
0xc8: {  	_ =	swait.ge [sflag:s6], $0x1400  }
0xc9: {  	[sflag:s6] =	ssyncset.done $0x0  }
0xca: {  	s19 =	simm.s32 $0x50A0;
	[sflag:s6] =	ssyncadd.s32 $0xFFFFEC00  }
0xcb: {  	[spmem:s2] =	stream.indirect.scatter.add.f32 [tilespmem:s29], [sflag:$0x5], $0x20, s19, s1, $0xb8;
	[tilespmem:$0x1D7E0] =	vst v63  }
0xcc: {  	_ =	swait.ge [sflag:s16], $0x1400  }
0xcd: {  	[sflag:s16] =	ssyncset.done $0x0  }
0xce: {  	s25 =	simm.s32 $0x460;
	[sflag:s16] =	ssyncadd.s32 $0xFFFFEC00  }
0xcf: {  	[tilespmem:s7], [sflag:$0x4] =	stream.indirect.gather [spmem:s3], $0x20, s25, s1, $0xb8;
	[tilespmem:$0x1D7E0] =	vst v63  }
0xd0: {  	_ =	swait.ge [sflag:s8], $0x1400  }
0xd1: {  	[sflag:s8] =	ssyncset.done $0x0  }
0xd2: {  	s11 =	simm.s32 $0x5140;
	[sflag:s8] =	ssyncadd.s32 $0xFFFFEC00  }
0xd3: {  	[spmem:s2] =	stream.indirect.scatter.add.f32 [tilespmem:s30], [sflag:$0x6], $0x20, s11, s1, $0xb8;
	[tilespmem:$0x1D7E0] =	vst v63  }
0xd4: {  	_ =	swait.ge [sflag:s12], $0x1400  }
0xd5: {  	[sflag:s12] =	ssyncset.done $0x0  }
0xd6: {  	s18 =	simm.s32 $0x500;
	[sflag:s12] =	ssyncadd.s32 $0xFFFFEC00  }
0xd7: {  	[tilespmem:s29], [sflag:$0x1] =	stream.indirect.gather [spmem:s3], $0x20, s18, s1, $0xb8;
	[tilespmem:$0x1D7E0] =	vst v63  }
0xd8: {  	_ =	swait.ge [sflag:s13], $0x1400  }
0xd9: {  	[sflag:s13] =	ssyncset.done $0x0  }
0xda: {  	s19 =	simm.s32 $0x51E0;
	[sflag:s13] =	ssyncadd.s32 $0xFFFFEC00  }
0xdb: {  	[spmem:s2] =	stream.indirect.scatter.add.f32 [tilespmem:s5], [sflag:$0x7], $0x20, s19, s1, $0xb8;
	[tilespmem:$0x1D7E0] =	vst v63  }
0xdc: {  	_ =	swait.ge [sflag:s28], $0x1400  }
0xdd: {  	[sflag:s28] =	ssyncset.done $0x0  }
0xde: {  	s25 =	simm.s32 $0x5A0;
	[sflag:s28] =	ssyncadd.s32 $0xFFFFEC00  }
0xdf: {  	[tilespmem:s30], [sflag:$0x2] =	stream.indirect.gather [spmem:s3], $0x20, s25, s1, $0xb8;
	[tilespmem:$0x1D7E0] =	vst v63  }
0xe0: {  	_ =	swait.ge [sflag:s14], $0x1400  }
0xe1: {  	[sflag:s14] =	ssyncset.done $0x0  }
0xe2: {  	s9 =	simm.s32 $0x5280;
	s18 =	simm.s32 $0xA00;
	[sflag:s14] =	ssyncadd.s32 $0xFFFFEC00  }
.LBB2_12:
0xe3: {  	[spmem:s2] =	stream.indirect.scatter.add.f32 [tilespmem:s7], [sflag:$0x8], $0x20, s9, s1, $0xb8;
	[tilespmem:$0x1D7E0] =	vst v63  }
0xe4: {  	s9 =	smov.u32 s18  }
0xe5: {  	p0 =	sne.s32 s18, $0x11800;
	s18 =	sadd.s32 $0xA00, s18;
	_ =	swait.ge [sflag:s15], $0x1400  }
0xe6: {  	s19 =	sshra.s32 s9, $0x2;
	[sflag:s15] =	ssyncset.done $0x0  }
0xe7: {  	s9 =	sadd.s32 $0x3C0, s19;
	[sflag:s15] =	ssyncadd.s32 $0xFFFFEC00  }
0xe8: {  	[tilespmem:s5], [sflag:$0x3] =	stream.indirect.gather [spmem:s3], $0x20, s9, s1, $0xb8;
	[tilespmem:$0x1D7E0] =	vst v63  }
0xe9: {  	_ =	swait.ge [sflag:s6], $0x1400  }
0xea: {  	[sflag:s6] =	ssyncset.done $0x0  }
0xeb: {  	s9 =	sadd.s32 $0x50A0, s19;
	[sflag:s6] =	ssyncadd.s32 $0xFFFFEC00  }
0xec: {  	[spmem:s2] =	stream.indirect.scatter.add.f32 [tilespmem:s29], [sflag:$0x5], $0x20, s9, s1, $0xb8;
	[tilespmem:$0x1D7E0] =	vst v63  }
0xed: {  	_ =	swait.ge [sflag:s16], $0x1400  }
0xee: {  	[sflag:s16] =	ssyncset.done $0x0  }
0xef: {  	s9 =	sadd.s32 $0x460, s19;
	[sflag:s16] =	ssyncadd.s32 $0xFFFFEC00  }
0xf0: {  	[tilespmem:s7], [sflag:$0x4] =	stream.indirect.gather [spmem:s3], $0x20, s9, s1, $0xb8;
	[tilespmem:$0x1D7E0] =	vst v63  }
0xf1: {  	_ =	swait.ge [sflag:s8], $0x1400  }
0xf2: {  	[sflag:s8] =	ssyncset.done $0x0  }
0xf3: {  	s9 =	sadd.s32 $0x5140, s19;
	[sflag:s8] =	ssyncadd.s32 $0xFFFFEC00  }
0xf4: {  	[spmem:s2] =	stream.indirect.scatter.add.f32 [tilespmem:s30], [sflag:$0x6], $0x20, s9, s1, $0xb8;
	[tilespmem:$0x1D7E0] =	vst v63  }
0xf5: {  	_ =	swait.ge [sflag:s12], $0x1400  }
0xf6: {  	[sflag:s12] =	ssyncset.done $0x0  }
0xf7: {  	s9 =	sadd.s32 $0x500, s19;
	[sflag:s12] =	ssyncadd.s32 $0xFFFFEC00  }
0xf8: {  	[tilespmem:s29], [sflag:$0x1] =	stream.indirect.gather [spmem:s3], $0x20, s9, s1, $0xb8;
	[tilespmem:$0x1D7E0] =	vst v63  }
0xf9: {  	_ =	swait.ge [sflag:s13], $0x1400  }
0xfa: {  	[sflag:s13] =	ssyncset.done $0x0  }
0xfb: {  	s9 =	sadd.s32 $0x51E0, s19;
	[sflag:s13] =	ssyncadd.s32 $0xFFFFEC00  }
0xfc: {  	[spmem:s2] =	stream.indirect.scatter.add.f32 [tilespmem:s5], [sflag:$0x7], $0x20, s9, s1, $0xb8;
	[tilespmem:$0x1D7E0] =	vst v63  }
0xfd: {  	_ =	swait.ge [sflag:s28], $0x1400  }
0xfe: {  	[sflag:s28] =	ssyncset.done $0x0  }
.Ltmp5:
0xff: {  	s9 =	sadd.s32 $0x5A0, s19;
	[sflag:s28] =	ssyncadd.s32 $0xFFFFEC00;
	(pc) =	sbr.rel @p0 .LBB2_12-.Ltmp5, $4  }
0x100: {  	[tilespmem:s30], [sflag:$0x2] =	stream.indirect.gather [spmem:s3], $0x20, s9, s1, $0xb8;
	[tilespmem:$0x1D7E0] =	vst v63  }
0x101: {  	_ =	swait.ge [sflag:s14], $0x1400  }
0x102: {  	[sflag:s14] =	ssyncset.done $0x0  }
0x103: {  	s9 =	sadd.s32 $0x5280, s19;
	[sflag:s14] =	ssyncadd.s32 $0xFFFFEC00  }
0x104: {  	[spmem:s2] =	stream.indirect.scatter.add.f32 [tilespmem:s7], [sflag:$0x8], $0x20, s9, s1, $0xb8;
	[tilespmem:$0x1D7E0] =	vst v63  }
0x105: {  	_ =	swait.ge [sflag:s15], $0x1400  }
0x106: {  	[sflag:s15] =	ssyncset.done $0x0  }
0x107: {  	s11 =	simm.s32 $0x4C40;
	[sflag:s15] =	ssyncadd.s32 $0xFFFFEC00  }
0x108: {  	[tilespmem:s5], [sflag:$0x3] =	stream.indirect.gather [spmem:s3], $0x20, s11, s1, $0xb8;
	[tilespmem:$0x1D7E0] =	vst v63  }
0x109: {  	_ =	swait.ge [sflag:s6], $0x1400  }
0x10a: {  	[sflag:s6] =	ssyncset.done $0x0  }
0x10b: {  	s18 =	simm.s32 $0x9920;
	[sflag:s6] =	ssyncadd.s32 $0xFFFFEC00  }
0x10c: {  	[spmem:s2] =	stream.indirect.scatter.add.f32 [tilespmem:s29], [sflag:$0x5], $0x20, s18, s1, $0xb8;
	[tilespmem:$0x1D7E0] =	vst v63  }
0x10d: {  	_ =	swait.ge [sflag:s16], $0x1400  }
0x10e: {  	[sflag:s16] =	ssyncset.done $0x0  }
0x10f: {  	s19 =	simm.s32 $0x4CE0;
	[sflag:s16] =	ssyncadd.s32 $0xFFFFEC00  }
0x110: {  	[tilespmem:s7], [sflag:$0x4] =	stream.indirect.gather [spmem:s3], $0x20, s19, s1, $0xb8;
	[tilespmem:$0x1D7E0] =	vst v63  }
0x111: {  	_ =	swait.ge [sflag:s8], $0x1400  }
0x112: {  	[sflag:s8] =	ssyncset.done $0x0  }
0x113: {  	s25 =	simm.s32 $0x99C0;
	[sflag:s8] =	ssyncadd.s32 $0xFFFFEC00  }
0x114: {  	[spmem:s2] =	stream.indirect.scatter.add.f32 [tilespmem:s30], [sflag:$0x6], $0x20, s25, s1, $0xb8;
	[tilespmem:$0x1D7E0] =	vst v63  }
0x115: {  	_ =	swait.ge [sflag:s12], $0x1400  }
0x116: {  	[sflag:s12] =	ssyncset.done $0x0  }
0x117: {  	s11 =	simm.s32 $0x4D80;
	[sflag:s12] =	ssyncadd.s32 $0xFFFFEC00  }
0x118: {  	[tilespmem:s29], [sflag:$0x1] =	stream.indirect.gather [spmem:s3], $0x20, s11, s1, $0xb8;
	[tilespmem:$0x1D7E0] =	vst v63  }
0x119: {  	_ =	swait.ge [sflag:s13], $0x1400  }
0x11a: {  	[sflag:s13] =	ssyncset.done $0x0  }
0x11b: {  	s18 =	simm.s32 $0x9A60;
	[sflag:s13] =	ssyncadd.s32 $0xFFFFEC00  }
0x11c: {  	[spmem:s2] =	stream.indirect.scatter.add.f32 [tilespmem:s5], [sflag:$0x7], $0x20, s18, s1, $0xb8;
	[tilespmem:$0x1D7E0] =	vst v63  }
0x11d: {  	_ =	swait.ge [sflag:s14], $0x1400  }
0x11e: {  	[sflag:s14] =	ssyncset.done $0x0  }
0x11f: {  	s19 =	simm.s32 $0x9B00;
	[sflag:s14] =	ssyncadd.s32 $0xFFFFEC00  }
0x120: {  	[spmem:s2] =	stream.indirect.scatter.add.f32 [tilespmem:s7], [sflag:$0x8], $0x20, s19, s1, $0xb8;
	[tilespmem:$0x1D7E0] =	vst v63  }
0x121: {  	_ =	swait.ge [sflag:s6], $0x1400  }
0x122: {  	[sflag:s6] =	ssyncset.done $0x0  }
0x123: {  	s25 =	simm.s32 $0x9BA0;
	[sflag:s6] =	ssyncadd.s32 $0xFFFFEC00  }
0x124: {  	[spmem:s2] =	stream.indirect.scatter.add.f32 [tilespmem:s29], [sflag:$0x5], $0x20, s25, s1, $0xb8;
	[tilespmem:$0x1D7E0] =	vst v63  }
0x125: {  	_ =	swait.ge [sflag:s28], $0x1400  }
0x126: {  	[sflag:s28] =	ssyncset.done $0x0  }
0x127: {  	[sflag:s28] =	ssyncadd.s32 $0xFFFFEC00  }
0x128: {  	_ =	swait.ge [sflag:s15], $0x1400  }
0x129: {  	[sflag:s15] =	ssyncset.done $0x0  }
0x12a: {  	[sflag:s15] =	ssyncadd.s32 $0xFFFFEC00  }
0x12b: {  	_ =	swait.ge [sflag:s16], $0x1400  }
0x12c: {  	[sflag:s16] =	ssyncset.done $0x0  }
0x12d: {  	[sflag:s16] =	ssyncadd.s32 $0xFFFFEC00  }
0x12e: {  	_ =	swait.ge [sflag:s12], $0x1400  }
0x12f: {  	[sflag:s12] =	ssyncset.done $0x0  }
0x130: {  	[sflag:s12] =	ssyncadd.s32 $0xFFFFEC00  }
0x131: {  	[bflag:$0x0] =	sbarrier.arrive $0xFFFF  }
0x132: {  	[tilespmem:s0], [sflag:$0x9] =	stream.linear.gather [spmem:s10], $0x13A0, $0x38;
	[tilespmem:$0x1D7E0] =	vst v63  }
0x133: {  	_ =	swait.ge [sflag:s26], $0x13A0  }
0x134: {  	[sflag:s26] =	ssyncset.done $0x0  }
0x135: {  	[sflag:s26] =	ssyncadd.s32 $0xFFFFEC60  }
0x136: {  	[tilespmem:s31], [sflag:$0x9] =	stream.linear.gather [spmem:s21], $0x13A0, $0x38;
	[tilespmem:$0x1D7E0] =	vst v63  }
0x137: {  	_ =	swait.ge [sflag:s26], $0x13A0  }
0x138: {  	[sflag:s26] =	ssyncset.done $0x0  }
0x139: {  	s18 =	simm.s32 $0x0;
	[sflag:s26] =	ssyncadd.s32 $0xFFFFEC60  }
0x13a: {  	v1 =	vld [tilespmem:s18+$0x11380]  }
0x13b: {  	v2 =	vld [tilespmem:s18+$0x12720]  }
0x13c: {  	s19 =	simm.s32 $0xEC40  }
0x13d: {  	v3 =	vld [tilespmem:s19+$0x0];
	_ =	sdelay $0x1  }
0x13e: {  	v4 =	vld [tilespmem:$0x13AC0]  }
0x13f: {  	v1 =	vadd.f32 v2, v1;
	_ =	sdelay $0x1  }
0x140: {  	v1 =	vmul.f32 v1, v3;
	_ =	sdelay $0x1  }
0x141: {  	v63 =	vld [tilespmem:s18+$0x11390];
	v1 =	vadd.f32 v1, v4  }
0x142: {  	v2 =	vld [tilespmem:s18+$0x12730]  }
0x143: {  	v1 =	vmul.f32 v1, v3;
	_ =	sdelay $0x1  }
0x144: {  	[tilespmem:s18+$0x11380] =	vst v1  }
0x145: {  	v1 =	vld [tilespmem:$0x13AD0]  }
0x146: {  	v2 =	vadd.f32 v2, v63;
	_ =	sdelay $0x1  }
0x147: {  	v2 =	vmul.f32 v2, v3;
	_ =	sdelay $0x1  }
0x148: {  	v2 =	vadd.f32 v2, v1  }
0x149: {  	s9 =	simm.s32 $0x20  }
0x14a: {  	s11 =	smov.u32 s10;
	s25 =	simm.s32 $0x100;
	v1 =	vld [tilespmem:s9+$0x11380];
	v2 =	vmul.f32 v2, v3  }
.LBB2_14:
0x14b: {  	p0 =	sne.s32 s25, $0x4E00  }
0x14c: {  	v3 =	vld [tilespmem:s9+$0x12720];
	s19 =	sadd.s32 $0x10, s19;
	s10 =	smov.u32 s25;
	s25 =	sadd.s32 $0x80, s25  }
0x14d: {  	[tilespmem:s18+$0x11390] =	vst v2;
	s18 =	smov.u32 s9  }
0x14e: {  	v2 =	vld [tilespmem:s19+$0x0]  }
0x14f: {  	v4 =	vld [tilespmem:$0x13AC0];
	_ =	sdelay $0x1  }
0x150: {  	v1 =	vadd.f32 v3, v1;
	_ =	sdelay $0x1  }
0x151: {  	v1 =	vmul.f32 v1, v2  }
0x152: {  	v3 =	vld [tilespmem:s18+$0x12730]  }
0x153: {  	v1 =	vadd.f32 v1, v4;
	v4 =	vld [tilespmem:s18+$0x11390];
	_ =	sdelay $0x1  }
0x154: {  	v1 =	vmul.f32 v1, v2;
	_ =	sdelay $0x1  }
0x155: {  	[tilespmem:s18+$0x11380] =	vst v1  }
0x156: {  	v1 =	vadd.f32 v3, v4;
	v3 =	vld [tilespmem:$0x13AD0];
	_ =	sdelay $0x1  }
0x157: {  	v1 =	vmul.f32 v1, v2  }
.Ltmp6:
0x158: {  	(pc) =	sbr.rel @p0 .LBB2_14-.Ltmp6, $4  }
0x159: {  	_ = 	snop  }
0x15a: {  	v3 =	vadd.f32 v1, v3  }
0x15b: {  	s9 =	sshra.s32 s10, $0x2  }
0x15c: {  	v1 =	vld [tilespmem:s9+$0x11380];
	v2 =	vmul.f32 v3, v2  }
0x15d: {  	v3 =	vld [tilespmem:s9+$0x12720]  }
0x15e: {  	s10 =	sadd.s32 $0x10, s19;
	[tilespmem:s18+$0x11390] =	vst v2  }
0x15f: {  	v2 =	vld [tilespmem:s10+$0x0];
	_ =	sdelay $0x1  }
0x160: {  	v4 =	vld [tilespmem:$0x13AC0]  }
0x161: {  	v1 =	vadd.f32 v3, v1;
	_ =	sdelay $0x1  }
0x162: {  	v1 =	vmul.f32 v1, v2;
	_ =	sdelay $0x1  }
0x163: {  	v61 =	vld [tilespmem:s9+$0x11390];
	v1 =	vadd.f32 v1, v4  }
0x164: {  	v3 =	vld [tilespmem:s9+$0x12730]  }
0x165: {  	v1 =	vmul.f32 v1, v2;
	_ =	sdelay $0x1  }
0x166: {  	[tilespmem:s9+$0x11380] =	vst v1  }
0x167: {  	v1 =	vld [tilespmem:$0x13AD0]  }
0x168: {  	v3 =	vadd.f32 v3, v61;
	_ =	sdelay $0x1  }
0x169: {  	v3 =	vmul.f32 v3, v2;
	_ =	sdelay $0x1  }
0x16a: {  	v1 =	vadd.f32 v3, v1;
	_ =	sdelay $0x1  }
0x16b: {  	v1 =	vmul.f32 v1, v2;
	_ =	sdelay $0x1  }
0x16c: {  	s19 =	rddreg [dreg:$0x11];
	s18 =	simm.s32 $0x0;
	[tilespmem:s9+$0x11390] =	vst v1  }
0x16d: {  	[hbm4b:s19+s18] =	stream.linear.scatter [tilespmem:s0], [sflag:$0x9], $0x13A0, $0x38;
	[tilespmem:$0x1D7E0] =	vst v63  }
0x16e: {  	_ =	swait.ge [sflag:s26], $0x13A0  }
0x16f: {  	[sflag:s26] =	ssyncset.done $0x0  }
0x170: {  	s25 =	rddreg [dreg:$0xb];
	[sflag:s26] =	ssyncadd.s32 $0xFFFFEC60  }
0x171: {  	[tilespmem:s0], [sflag:$0x9] =	stream.linear.gather [spmem:s25], $0x13A0, $0x38;
	[tilespmem:$0x1D7E0] =	vst v63  }
0x172: {  	_ =	swait.ge [sflag:s26], $0x13A0  }
0x173: {  	[sflag:s26] =	ssyncset.done $0x0  }
0x174: {  	[sflag:s26] =	ssyncadd.s32 $0xFFFFEC60  }
0x175: {  	[tilespmem:s31], [sflag:$0x9] =	stream.linear.gather [spmem:s22], $0x13A0, $0x38;
	[tilespmem:$0x1D7E0] =	vst v63  }
0x176: {  	_ =	swait.ge [sflag:s26], $0x13A0  }
0x177: {  	[sflag:s26] =	ssyncset.done $0x0  }
0x178: {  	s18 =	simm.s32 $0x0;
	[sflag:s26] =	ssyncadd.s32 $0xFFFFEC60  }
0x179: {  	v1 =	vld [tilespmem:s18+$0x11380]  }
0x17a: {  	v2 =	vld [tilespmem:s18+$0x12720]  }
0x17b: {  	s19 =	simm.s32 $0xF610  }
0x17c: {  	v3 =	vld [tilespmem:s19+$0x0];
	_ =	sdelay $0x1  }
0x17d: {  	v62 =	vld [tilespmem:$0x13AC0]  }
0x17e: {  	v1 =	vadd.f32 v2, v1;
	_ =	sdelay $0x1  }
0x17f: {  	v1 =	vmul.f32 v1, v3;
	_ =	sdelay $0x1  }
0x180: {  	v63 =	vld [tilespmem:s18+$0x11390];
	v1 =	vadd.f32 v1, v62  }
0x181: {  	v2 =	vld [tilespmem:s18+$0x12730]  }
0x182: {  	v1 =	vmul.f32 v1, v3;
	_ =	sdelay $0x1  }
0x183: {  	[tilespmem:s18+$0x11380] =	vst v1  }
0x184: {  	v1 =	vld [tilespmem:$0x13AD0]  }
0x185: {  	v2 =	vadd.f32 v2, v63;
	_ =	sdelay $0x1  }
0x186: {  	v2 =	vmul.f32 v2, v3;
	_ =	sdelay $0x1  }
0x187: {  	v2 =	vadd.f32 v2, v1  }
0x188: {  	s9 =	simm.s32 $0x20  }
0x189: {  	s25 =	simm.s32 $0x100;
	v1 =	vld [tilespmem:s9+$0x11380];
	v2 =	vmul.f32 v2, v3  }
.LBB2_16:
0x18a: {  	p0 =	sne.s32 s25, $0x4E00  }
0x18b: {  	v3 =	vld [tilespmem:s9+$0x12720];
	s19 =	sadd.s32 $0x10, s19;
	s10 =	smov.u32 s25;
	s25 =	sadd.s32 $0x80, s25  }
0x18c: {  	[tilespmem:s18+$0x11390] =	vst v2;
	s18 =	smov.u32 s9  }
0x18d: {  	v2 =	vld [tilespmem:s19+$0x0]  }
0x18e: {  	v4 =	vld [tilespmem:$0x13AC0];
	_ =	sdelay $0x1  }
0x18f: {  	v1 =	vadd.f32 v3, v1;
	_ =	sdelay $0x1  }
0x190: {  	v1 =	vmul.f32 v1, v2  }
0x191: {  	v3 =	vld [tilespmem:s18+$0x12730]  }
0x192: {  	v1 =	vadd.f32 v1, v4;
	v4 =	vld [tilespmem:s18+$0x11390];
	_ =	sdelay $0x1  }
0x193: {  	v1 =	vmul.f32 v1, v2;
	_ =	sdelay $0x1  }
0x194: {  	[tilespmem:s18+$0x11380] =	vst v1  }
0x195: {  	v1 =	vadd.f32 v3, v4;
	v3 =	vld [tilespmem:$0x13AD0];
	_ =	sdelay $0x1  }
0x196: {  	v1 =	vmul.f32 v1, v2  }
.Ltmp7:
0x197: {  	(pc) =	sbr.rel @p0 .LBB2_16-.Ltmp7, $4  }
0x198: {  	_ = 	snop  }
0x199: {  	v3 =	vadd.f32 v1, v3  }
0x19a: {  	s9 =	sshra.s32 s10, $0x2  }
0x19b: {  	v1 =	vld [tilespmem:s9+$0x11380];
	v2 =	vmul.f32 v3, v2  }
0x19c: {  	v3 =	vld [tilespmem:s9+$0x12720]  }
0x19d: {  	s10 =	sadd.s32 $0x10, s19;
	[tilespmem:s18+$0x11390] =	vst v2  }
0x19e: {  	v2 =	vld [tilespmem:s10+$0x0];
	_ =	sdelay $0x1  }
0x19f: {  	v4 =	vld [tilespmem:$0x13AC0]  }
0x1a0: {  	v1 =	vadd.f32 v3, v1;
	_ =	sdelay $0x1  }
0x1a1: {  	v1 =	vmul.f32 v1, v2;
	_ =	sdelay $0x1  }
0x1a2: {  	v61 =	vld [tilespmem:s9+$0x11390];
	v1 =	vadd.f32 v1, v4  }
0x1a3: {  	v3 =	vld [tilespmem:s9+$0x12730]  }
0x1a4: {  	v1 =	vmul.f32 v1, v2;
	_ =	sdelay $0x1  }
0x1a5: {  	[tilespmem:s9+$0x11380] =	vst v1  }
0x1a6: {  	v1 =	vld [tilespmem:$0x13AD0]  }
0x1a7: {  	v3 =	vadd.f32 v3, v61;
	_ =	sdelay $0x1  }
0x1a8: {  	v3 =	vmul.f32 v3, v2;
	_ =	sdelay $0x1  }
0x1a9: {  	v1 =	vadd.f32 v3, v1;
	_ =	sdelay $0x1  }
0x1aa: {  	v1 =	vmul.f32 v1, v2;
	_ =	sdelay $0x1  }
0x1ab: {  	s19 =	rddreg [dreg:$0x12];
	s18 =	simm.s32 $0x0;
	[tilespmem:s9+$0x11390] =	vst v1  }
0x1ac: {  	[hbm4b:s19+s18] =	stream.linear.scatter [tilespmem:s0], [sflag:$0x9], $0x13A0, $0x38;
	[tilespmem:$0x1D7E0] =	vst v63  }
0x1ad: {  	_ =	swait.ge [sflag:s26], $0x13A0  }
0x1ae: {  	[sflag:s26] =	ssyncset.done $0x0  }
0x1af: {  	s25 =	rddreg [dreg:$0xc];
	[sflag:s26] =	ssyncadd.s32 $0xFFFFEC60  }
0x1b0: {  	[tilespmem:s0], [sflag:$0x9] =	stream.linear.gather [spmem:s25], $0x13A0, $0x38;
	[tilespmem:$0x1D7E0] =	vst v63  }
0x1b1: {  	_ =	swait.ge [sflag:s26], $0x13A0  }
0x1b2: {  	[sflag:s26] =	ssyncset.done $0x0  }
0x1b3: {  	[sflag:s26] =	ssyncadd.s32 $0xFFFFEC60  }
0x1b4: {  	[tilespmem:s31], [sflag:$0x9] =	stream.linear.gather [spmem:s23], $0x13A0, $0x38;
	[tilespmem:$0x1D7E0] =	vst v63  }
0x1b5: {  	_ =	swait.ge [sflag:s26], $0x13A0  }
0x1b6: {  	[sflag:s26] =	ssyncset.done $0x0  }
0x1b7: {  	s18 =	simm.s32 $0x0;
	[sflag:s26] =	ssyncadd.s32 $0xFFFFEC60  }
0x1b8: {  	v1 =	vld [tilespmem:s18+$0x11380]  }
0x1b9: {  	v2 =	vld [tilespmem:s18+$0x12720]  }
0x1ba: {  	s19 =	simm.s32 $0xFFE0  }
0x1bb: {  	v3 =	vld [tilespmem:s19+$0x0];
	_ =	sdelay $0x1  }
0x1bc: {  	v62 =	vld [tilespmem:$0x13AC0]  }
0x1bd: {  	v1 =	vadd.f32 v2, v1;
	_ =	sdelay $0x1  }
0x1be: {  	v1 =	vmul.f32 v1, v3;
	_ =	sdelay $0x1  }
0x1bf: {  	v63 =	vld [tilespmem:s18+$0x11390];
	v1 =	vadd.f32 v1, v62  }
0x1c0: {  	v2 =	vld [tilespmem:s18+$0x12730]  }
0x1c1: {  	v1 =	vmul.f32 v1, v3;
	_ =	sdelay $0x1  }
0x1c2: {  	[tilespmem:s18+$0x11380] =	vst v1  }
0x1c3: {  	v1 =	vld [tilespmem:$0x13AD0]  }
0x1c4: {  	v2 =	vadd.f32 v2, v63;
	_ =	sdelay $0x1  }
0x1c5: {  	v2 =	vmul.f32 v2, v3;
	_ =	sdelay $0x1  }
0x1c6: {  	v2 =	vadd.f32 v2, v1  }
0x1c7: {  	s9 =	simm.s32 $0x20  }
0x1c8: {  	s25 =	simm.s32 $0x100;
	v1 =	vld [tilespmem:s9+$0x11380];
	v2 =	vmul.f32 v2, v3  }
.LBB2_18:
0x1c9: {  	p0 =	sne.s32 s25, $0x4E00  }
0x1ca: {  	v3 =	vld [tilespmem:s9+$0x12720];
	s19 =	sadd.s32 $0x10, s19;
	s10 =	smov.u32 s25;
	s25 =	sadd.s32 $0x80, s25  }
0x1cb: {  	[tilespmem:s18+$0x11390] =	vst v2;
	s18 =	smov.u32 s9  }
0x1cc: {  	v2 =	vld [tilespmem:s19+$0x0]  }
0x1cd: {  	v4 =	vld [tilespmem:$0x13AC0];
	_ =	sdelay $0x1  }
0x1ce: {  	v1 =	vadd.f32 v3, v1;
	_ =	sdelay $0x1  }
0x1cf: {  	v1 =	vmul.f32 v1, v2  }
0x1d0: {  	v3 =	vld [tilespmem:s18+$0x12730]  }
0x1d1: {  	v1 =	vadd.f32 v1, v4;
	v4 =	vld [tilespmem:s18+$0x11390];
	_ =	sdelay $0x1  }
0x1d2: {  	v1 =	vmul.f32 v1, v2;
	_ =	sdelay $0x1  }
0x1d3: {  	[tilespmem:s18+$0x11380] =	vst v1  }
0x1d4: {  	v1 =	vadd.f32 v3, v4;
	v3 =	vld [tilespmem:$0x13AD0];
	_ =	sdelay $0x1  }
0x1d5: {  	v1 =	vmul.f32 v1, v2  }
.Ltmp8:
0x1d6: {  	(pc) =	sbr.rel @p0 .LBB2_18-.Ltmp8, $4  }
0x1d7: {  	_ = 	snop  }
0x1d8: {  	v3 =	vadd.f32 v1, v3  }
0x1d9: {  	s9 =	sshra.s32 s10, $0x2  }
0x1da: {  	v1 =	vld [tilespmem:s9+$0x11380];
	v2 =	vmul.f32 v3, v2  }
0x1db: {  	v3 =	vld [tilespmem:s9+$0x12720]  }
0x1dc: {  	s10 =	sadd.s32 $0x10, s19;
	[tilespmem:s18+$0x11390] =	vst v2  }
0x1dd: {  	v2 =	vld [tilespmem:s10+$0x0];
	_ =	sdelay $0x1  }
0x1de: {  	v4 =	vld [tilespmem:$0x13AC0]  }
0x1df: {  	v1 =	vadd.f32 v3, v1;
	_ =	sdelay $0x1  }
0x1e0: {  	v1 =	vmul.f32 v1, v2;
	_ =	sdelay $0x1  }
0x1e1: {  	v61 =	vld [tilespmem:s9+$0x11390];
	v1 =	vadd.f32 v1, v4  }
0x1e2: {  	v3 =	vld [tilespmem:s9+$0x12730]  }
0x1e3: {  	v1 =	vmul.f32 v1, v2;
	_ =	sdelay $0x1  }
0x1e4: {  	[tilespmem:s9+$0x11380] =	vst v1  }
0x1e5: {  	v1 =	vld [tilespmem:$0x13AD0]  }
0x1e6: {  	v3 =	vadd.f32 v3, v61;
	_ =	sdelay $0x1  }
0x1e7: {  	v3 =	vmul.f32 v3, v2;
	_ =	sdelay $0x1  }
0x1e8: {  	v1 =	vadd.f32 v3, v1;
	_ =	sdelay $0x1  }
0x1e9: {  	v1 =	vmul.f32 v1, v2;
	_ =	sdelay $0x1  }
0x1ea: {  	s19 =	simm.s32 $0x0;
	s25 =	rddreg [dreg:$0x13];
	[tilespmem:s9+$0x11390] =	vst v1  }
0x1eb: {  	[hbm4b:s25+s19] =	stream.linear.scatter [tilespmem:s0], [sflag:$0x9], $0x13A0, $0x38;
	[tilespmem:$0x1D7E0] =	vst v63  }
0x1ec: {  	_ =	swait.ge [sflag:s26], $0x13A0  }
0x1ed: {  	[sflag:s26] =	ssyncset.done $0x0  }
0x1ee: {  	[sflag:s26] =	ssyncadd.s32 $0xFFFFEC60  }
0x1ef: {  	[tilespmem:s0], [sflag:$0x9] =	stream.linear.gather [spmem:s20], $0x13A0, $0x38;
	[tilespmem:$0x1D7E0] =	vst v63  }
0x1f0: {  	_ =	swait.ge [sflag:s26], $0x13A0  }
0x1f1: {  	[sflag:s26] =	ssyncset.done $0x0  }
0x1f2: {  	[sflag:s26] =	ssyncadd.s32 $0xFFFFEC60  }
0x1f3: {  	[tilespmem:s31], [sflag:$0x9] =	stream.linear.gather [spmem:s24], $0x13A0, $0x38;
	[tilespmem:$0x1D7E0] =	vst v63  }
0x1f4: {  	_ =	swait.ge [sflag:s26], $0x13A0  }
0x1f5: {  	[sflag:s26] =	ssyncset.done $0x0  }
0x1f6: {  	s18 =	simm.s32 $0x0;
	[sflag:s26] =	ssyncadd.s32 $0xFFFFEC60  }
0x1f7: {  	v1 =	vld [tilespmem:s18+$0x11380]  }
0x1f8: {  	v2 =	vld [tilespmem:s18+$0x12720]  }
0x1f9: {  	s19 =	simm.s32 $0x109B0  }
0x1fa: {  	v3 =	vld [tilespmem:s19+$0x0];
	_ =	sdelay $0x1  }
0x1fb: {  	v62 =	vld [tilespmem:$0x13AC0]  }
0x1fc: {  	v1 =	vadd.f32 v2, v1;
	_ =	sdelay $0x1  }
0x1fd: {  	v1 =	vmul.f32 v1, v3;
	_ =	sdelay $0x1  }
0x1fe: {  	v63 =	vld [tilespmem:s18+$0x11390];
	v1 =	vadd.f32 v1, v62  }
0x1ff: {  	v2 =	vld [tilespmem:s18+$0x12730]  }
0x200: {  	v1 =	vmul.f32 v1, v3;
	_ =	sdelay $0x1  }
0x201: {  	[tilespmem:s18+$0x11380] =	vst v1  }
0x202: {  	v1 =	vld [tilespmem:$0x13AD0]  }
0x203: {  	v2 =	vadd.f32 v2, v63;
	_ =	sdelay $0x1  }
0x204: {  	v2 =	vmul.f32 v2, v3;
	_ =	sdelay $0x1  }
0x205: {  	v2 =	vadd.f32 v2, v1  }
0x206: {  	s9 =	simm.s32 $0x20  }
0x207: {  	s25 =	simm.s32 $0x100;
	v1 =	vld [tilespmem:s9+$0x11380];
	v2 =	vmul.f32 v2, v3  }
.LBB2_20:
0x208: {  	p0 =	sne.s32 s25, $0x4E00  }
0x209: {  	v3 =	vld [tilespmem:s9+$0x12720];
	s19 =	sadd.s32 $0x10, s19;
	s10 =	smov.u32 s25;
	s25 =	sadd.s32 $0x80, s25  }
0x20a: {  	[tilespmem:s18+$0x11390] =	vst v2;
	s18 =	smov.u32 s9  }
0x20b: {  	v2 =	vld [tilespmem:s19+$0x0]  }
0x20c: {  	v4 =	vld [tilespmem:$0x13AC0];
	_ =	sdelay $0x1  }
0x20d: {  	v1 =	vadd.f32 v3, v1;
	_ =	sdelay $0x1  }
0x20e: {  	v1 =	vmul.f32 v1, v2  }
0x20f: {  	v3 =	vld [tilespmem:s18+$0x12730]  }
0x210: {  	v1 =	vadd.f32 v1, v4;
	v4 =	vld [tilespmem:s18+$0x11390];
	_ =	sdelay $0x1  }
0x211: {  	v1 =	vmul.f32 v1, v2;
	_ =	sdelay $0x1  }
0x212: {  	[tilespmem:s18+$0x11380] =	vst v1  }
0x213: {  	v1 =	vadd.f32 v3, v4;
	v3 =	vld [tilespmem:$0x13AD0];
	_ =	sdelay $0x1  }
0x214: {  	v1 =	vmul.f32 v1, v2  }
.Ltmp9:
0x215: {  	(pc) =	sbr.rel @p0 .LBB2_20-.Ltmp9, $4  }
0x216: {  	_ = 	snop  }
0x217: {  	v3 =	vadd.f32 v1, v3  }
0x218: {  	s9 =	sshra.s32 s10, $0x2  }
0x219: {  	v1 =	vld [tilespmem:s9+$0x11380];
	v2 =	vmul.f32 v3, v2  }
0x21a: {  	v3 =	vld [tilespmem:s9+$0x12720]  }
0x21b: {  	s10 =	sadd.s32 $0x10, s19;
	[tilespmem:s18+$0x11390] =	vst v2  }
0x21c: {  	v2 =	vld [tilespmem:s10+$0x0];
	_ =	sdelay $0x1  }
0x21d: {  	v4 =	vld [tilespmem:$0x13AC0]  }
0x21e: {  	v1 =	vadd.f32 v3, v1;
	_ =	sdelay $0x1  }
0x21f: {  	v1 =	vmul.f32 v1, v2;
	_ =	sdelay $0x1  }
0x220: {  	v63 =	vld [tilespmem:s9+$0x11390];
	v1 =	vadd.f32 v1, v4  }
0x221: {  	v3 =	vld [tilespmem:s9+$0x12730]  }
0x222: {  	v1 =	vmul.f32 v1, v2;
	_ =	sdelay $0x1  }
0x223: {  	[tilespmem:s9+$0x11380] =	vst v1  }
0x224: {  	v1 =	vld [tilespmem:$0x13AD0]  }
0x225: {  	v3 =	vadd.f32 v3, v63;
	_ =	sdelay $0x1  }
0x226: {  	v3 =	vmul.f32 v3, v2;
	_ =	sdelay $0x1  }
0x227: {  	v1 =	vadd.f32 v3, v1;
	_ =	sdelay $0x1  }
0x228: {  	v1 =	vmul.f32 v1, v2;
	_ =	sdelay $0x1  }
0x229: {  	s19 =	rddreg [dreg:$0x14];
	[tilespmem:s9+$0x11390] =	vst v1  }
0x22a: {  	[hbm4b:s19+s4] =	stream.linear.scatter [tilespmem:s0], [sflag:$0x9], $0x13A0, $0x38;
	[tilespmem:$0x1D7E0] =	vst v63  }
0x22b: {  	_ =	swait.ge [sflag:s26], $0x13A0  }
0x22c: {  	s17 =	sadd.s32 $0x1, s17;
	s25 =	rddreg [dreg:$0x15]  }
0x22d: {  	p0 =	sne.s32 s17, s25  }
.Ltmp10:
0x22e: {  	_ = 	snop;
	(pc) =	sbr.rel @p0 .LBB2_1-.Ltmp10, $3  }
0x22f: {  	_ =	sdelay $0x1  }
0x230: {  	[sflag:s26] =	ssyncset.done $0x0  }
0x231: {  	s10 =	smov.u32 s11;
	[sflag:s26] =	ssyncadd.s32 $0xFFFFEC60  }
0x232: {  	_ =	sfence.sel $0x180000  }
0x233: {  	[bflag:$0x0] =	sbarrier.arrive $0xFFFF  }
0x234: {  	_ =	strace $0x9000004A  }
0x235: {  	s0 =	stileid.u32;
	[bflag:$0x2] =	sbarrier.arrive $0xFFFF  }
0x236: {  	p0 =	sne.s32 s0, $0x0;
	s0 =	rddreg [dreg:$0x6]  }
0x237: {  	s0 =	sadd.s32 @!p0 $0x100000, s0  }
0x238: {  	[sflag:s0] =	ssyncadd.tile.s32 @!p0 $0x1;
	_ =	shalt  }
.Lfunc_end2:
_tile_overlayer_lowered:
.L_overlay_start_2:
0x239: {  	(tag) =	ssettag $0x2  }
0x23a: {  	s0 =	rddreg [dreg:$0x0];
	s2 =	stileid.u32  }
0x23b: {  	s1 =	rddreg [dreg:$0x1];
	p0 =	sne.s32 s2, $0x0  }
0x23c: {  	s3 =	rddreg [dreg:$0x2];
	[bflag:$0x3] =	sbarrier.arrive $0xFFFF;
	s2 =	simm.s32 @!p0 $0x1C09  }
0x23d: {  	[timem:s3], [sflag:s2] =	dma.local @!p0 [hbm:s0], s1  }
0x23e: {  	s0 =	simm.s32 @!p0 $0x9  }
0x23f: {  	_ =	swait.ge @!p0 [sflag:s0], s1  }
0x240: {  	s1 =	ssub.s32 @!p0 $0x0, s1;
	[sflag:s0] =	ssyncset.done @!p0 $0x0  }
0x241: {  	[sflag:s0] =	ssyncadd.s32 @!p0 s1  }
0x242: {  	[bflag:$0x3] =	sbarrier.arrive $0xFFFF  }
0x243: {  	_ =	shalt  }

// kernel: kernel.13.cloned.1.call-start
scs
__scs_entry_jumppad:
0x0: {  	(pc) =	sbr.rel $0x88, $3  }
0x1: {  	(tag) =	ssettag $0x0;
	lr =	simm.s32 $0x1  }
0x2: {  	[smem:$0x3F99] =	sst lr;
	_ =	strace $0xD0000000  }
0x3: {  	_ = 	snop  }
0x4: {  	_ = 	snop  }
0x5: {  	_ = 	snop  }
0x6: {  	_ = 	snop  }
0x7: {  	_ = 	snop  }
__scs_overlays_trampoline_lowered:
0x8: {  	[smem:$0x3FA8] =	sst s0  }
0x9: {  	[smem:$0x3FA9] =	sst s1  }
0xa: {  	[smem:$0x3FAA] =	sst s2  }
0xb: {  	[smem:$0x3FAB] =	sst s3  }
0xc: {  	[smem:$0x3FAC] =	sst s4  }
0xd: {  	[smem:$0x3FAD] =	sst s5  }
0xe: {  	[smem:$0x3FAE] =	sst s6  }
0xf: {  	[smem:$0x3FAF] =	sst s7  }
0x10: {  	[smem:$0x3FB0] =	sst s8  }
0x11: {  	[smem:$0x3FB1] =	sst s9;
	s0 =	simm.s32 @!p0 $0x0  }
0x12: {  	s1 =	sld [smem:$0x3F97];
	s0 =	simm.s32 @p0 $0x1  }
0x13: {  	[smem:$0x3FB2] =	sst s0;
	s0 =	simm.s32 @!p1 $0x0  }
0x14: {  	s2 =	sld [smem:$0x3F96];
	s0 =	simm.s32 @p1 $0x1  }
0x15: {  	[smem:$0x3FB3] =	sst s0;
	s0 =	simm.s32 @!p2 $0x0  }
0x16: {  	s3 =	sld [smem:$0x3FDB];
	s0 =	simm.s32 @p2 $0x1  }
0x17: {  	s4 =	simm.s32 $0x1BF5;
	[smem:$0x3FB5] =	sst s0  }
0x18: {  	s0 =	sld [smem:$0x3F98];
	_ =	swait.ge [sflag:s4], $0x0  }
0x19: {  	s7 =	sld [smem:$0x3F99]  }
0x1a: {  	s8 =	sadd.s32 $0xFFFFE003, lr  }
0x1b: {  	s9 =	sadd.s32 $0xFFFFFEF7, lr;
	s5 =	simm.s32 $0xFFFFFFFF;
	p2 =	slt.u32 s8, $0xFFFFF086  }
0x1c: {  	p1 =	slt.u32 s9, $0xF7A;
	s5 =	simm.s32 @!p2 $0x0  }
0x1d: {  	s5 =	simm.s32 @p1 $0x1;
	p0 =	seq.s32 s7, s2  }
0x1e: {  	s7 =	smul.u32 @!p0 $0xF7A, s2;
	p2 =	seq.s32 @!p0 s5, $0x0  }
0x1f: {  	s9 =	smul.u32 $0xF7A, s1;
	s8 =	simm.s32 @!p0 $0x1BF5;
	p2 =	por !p2, p0  }
0x20: {  	[sflag:s8] =	ssyncset.s32 @!p0 $0xFFFFF086;
	s6 =	sadd.s32 @!p0 s3, s7;
	s7 =	simm.s32 @!p0 $0x108  }
0x21: {  	s3 =	sadd.s32 s3, s9;
	s6 =	sadd.s32 @!p0 $0x88, s6;
	s7 =	simm.s32 @p2 $0x1082  }
0x22: {  	[simem:s7], [sflag:s8] =	dma.local @!p0 [hbm:s6], $0xF7A  }
0x23: {  	s9 =	sor.u32 $0xD0000000, s2;
	s6 =	simm.s32 $0x108;
	_ =	swait.ge @!p0 [sflag:s8], $0x0  }
0x24: {  	s3 =	sadd.s32 $0x88, s3;
	s6 =	simm.s32 @!p1 $0x1082;
	[sflag:s4] =	ssyncset.s32 $0xFFFFF086  }
0x25: {  	[simem:s6], [sflag:s4] =	dma.local [hbm:s3], $0xF7A  }
0x26: {  	[smem:$0x3F99] =	sst s1;
	(tag) =	ssettag s2;
	_ =	strace s9  }
0x27: {  	s1 =	sld [smem:$0x3FA9]  }
0x28: {  	s2 =	sld [smem:$0x3FAA]  }
0x29: {  	s4 =	sld [smem:$0x3FAC]  }
0x2a: {  	p0 =	seq.s32 s5, $0x0;
	s5 =	sld [smem:$0x3FAD]  }
0x2b: {  	s6 =	sld [smem:$0x3FAE]  }
0x2c: {  	s7 =	sld [smem:$0x3FAF]  }
0x2d: {  	s3 =	simm.s32 $0x108;
	s8 =	sld [smem:$0x3FB0]  }
0x2e: {  	s3 =	simm.s32 @!p0 $0x1082;
	s9 =	sld [smem:$0x3FB1]  }
0x2f: {  	lr =	sadd.s32 s0, s3;
	s0 =	sld [smem:$0x3FA8]  }
0x30: {  	s3 =	sld [smem:$0x3FAB]  }
0x31: {  	[smem:$0x3FB4] =	sst s10  }
0x32: {  	s10 =	sld [smem:$0x3FB2];
	_ =	sdelay $0x3  }
0x33: {  	p0 =	seq.s32 s10, $0x1;
	s10 =	sld [smem:$0x3FB4];
	_ =	sdelay $0x3  }
0x34: {  	[smem:$0x3FB4] =	sst s10  }
0x35: {  	s10 =	sld [smem:$0x3FB3];
	_ =	sdelay $0x3  }
0x36: {  	p1 =	seq.s32 s10, $0x1;
	s10 =	sld [smem:$0x3FB4];
	_ =	sdelay $0x3  }
0x37: {  	[smem:$0x3FB4] =	sst s10  }
0x38: {  	s10 =	sld [smem:$0x3FB5]  }
0x39: {  	_ = 	snop;
	(pc) =	sbr.ind lr, $3  }
0x3a: {  	_ = 	snop  }
0x3b: {  	_ = 	snop  }
0x3c: {  	p2 =	seq.s32 s10, $0x1;
	s10 =	sld [smem:$0x3FB4]  }
0x3d: {  	_ =	shalt  }
0x3e: {  	_ =	shalt  }
0x3f: {  	_ =	shalt  }
0x40: {  	_ =	shalt  }
0x41: {  	_ =	shalt  }
0x42: {  	_ =	shalt  }
0x43: {  	_ =	shalt  }
0x44: {  	_ =	shalt  }
0x45: {  	_ =	shalt  }
0x46: {  	_ =	shalt  }
0x47: {  	_ =	shalt  }
0x48: {  	_ =	shalt  }
0x49: {  	_ =	shalt  }
0x4a: {  	_ =	shalt  }
0x4b: {  	_ =	shalt  }
0x4c: {  	_ =	shalt  }
0x4d: {  	_ =	shalt  }
0x4e: {  	_ =	shalt  }
0x4f: {  	_ =	shalt  }
0x50: {  	_ =	shalt  }
0x51: {  	_ =	shalt  }
0x52: {  	_ =	shalt  }
0x53: {  	_ =	shalt  }
0x54: {  	_ =	shalt  }
0x55: {  	_ =	shalt  }
0x56: {  	_ =	shalt  }
0x57: {  	_ =	shalt  }
0x58: {  	_ =	shalt  }
0x59: {  	_ =	shalt  }
0x5a: {  	_ =	shalt  }
0x5b: {  	_ =	shalt  }
0x5c: {  	_ =	shalt  }
0x5d: {  	_ =	shalt  }
0x5e: {  	_ =	shalt  }
0x5f: {  	_ =	shalt  }
0x60: {  	_ =	shalt  }
0x61: {  	_ =	shalt  }
0x62: {  	_ =	shalt  }
0x63: {  	_ =	shalt  }
0x64: {  	_ =	shalt  }
0x65: {  	_ =	shalt  }
0x66: {  	_ =	shalt  }
0x67: {  	_ =	shalt  }
0x68: {  	_ =	shalt  }
0x69: {  	_ =	shalt  }
0x6a: {  	_ =	shalt  }
0x6b: {  	_ =	shalt  }
0x6c: {  	_ =	shalt  }
0x6d: {  	_ =	shalt  }
0x6e: {  	_ =	shalt  }
0x6f: {  	_ =	shalt  }
0x70: {  	_ =	shalt  }
0x71: {  	_ =	shalt  }
0x72: {  	_ =	shalt  }
0x73: {  	_ =	shalt  }
0x74: {  	_ =	shalt  }
0x75: {  	_ =	shalt  }
0x76: {  	_ =	shalt  }
0x77: {  	_ =	shalt  }
0x78: {  	_ =	shalt  }
0x79: {  	_ =	shalt  }
0x7a: {  	_ =	shalt  }
0x7b: {  	_ =	shalt  }
0x7c: {  	_ =	shalt  }
0x7d: {  	_ =	shalt  }
0x7e: {  	_ =	shalt  }
0x7f: {  	_ =	shalt  }
0x80: {  	_ =	shalt  }
0x81: {  	_ =	shalt  }
0x82: {  	_ =	shalt  }
0x83: {  	_ =	shalt  }
0x84: {  	_ =	shalt  }
0x85: {  	_ =	shalt  }
0x86: {  	_ =	shalt  }
0x87: {  	_ =	shalt  }
.Lfunc_end0:
.L_simem_size_0:
called_computation.2_lowered:
.L_overlay_start_0:
0x88: {  	s2 =	sld [smem:$0x3FD9]  }
0x89: {  	s3 =	sld [smem:$0x3FFE];
	_ =	sdelay $0x1  }
0x8a: {  	s1 =	srdreg.scid  }
0x8b: {  	s0 =	sand.u32 $0x1, s1  }
0x8c: {  	s14 =	sshll.u32 s0, $0xA;
	s2 =	sadd.s32 s3, s2  }
0x8d: {  	s2 =	sadd.s32 s2, s14  }
0x8e: {  	[smem:$0x3FC0] =	sst s2  }
0x8f: {  	_ = 	snop  }
0x90: {  	s2 =	sld [smem:$0x3FD0];
	_ =	sdelay $0x2  }
0x91: {  	s4 =	simm.s32 $0xA;
	s5 =	simm.s32 $0x10;
	s15 =	sld [smem:$0x3FC6]  }
0x92: {  	[smem:s5], [sflag:s4] =	dma.local [hbm:s2], $0x1  }
0x93: {  	_ =	swait.eq [sflag:s4], $0x1  }
0x94: {  	[sflag:s4] =	ssyncset.done $0x0  }
0x95: {  	s16 =	sld [smem:$0x10];
	[sflag:s4] =	ssyncadd.s32 $0xFFFFFFFF  }
0x96: {  	s17 =	sld [smem:$0x11];
	(tm) =	ssettm $0x1  }
0x97: {  	s18 =	sld [smem:$0x3FFB];
	_ =	sdelay $0x3  }
0x98: {  	_ =	strace s18  }
0x99: {  	s5 =	sld [smem:$0x3FFC];
	_ =	sdelay $0x3  }
0x9a: {  	_ =	strace s5  }
0x9b: {  	s5 =	sld [smem:$0x3FFD];
	_ =	sdelay $0x3  }
0x9c: {  	_ =	strace s5  }
0x9d: {  	_ =	strace $0x8FFFFFFF  }
0x9e: {  	s19 =	sld [smem:$0x3FDB];
	_ =	sdelay $0x1  }
0x9f: {  	s6 =	simm.s32 $_scs_section_size  }
0xa0: {  	s7 =	simm.s32 $_size__tile_overlayer_lowered;
	s8 =	simm.s32 $_tile_overlayer_lowered  }
0xa1: {  	s22 =	simm.s32 $0x1BFF;
	s21 =	sshll.u32 s8, $0x1;
	s5 =	sadd.s32 s6, s19  }
0xa2: {  	s9 =	simm.s32 $0x0;
	s20 =	sshll.u32 s7, $0x1;
	s7 =	sadd.s32 s21, s5  }
0xa3: {  	[timem:s9], [sflag:s22] =	dma.local [hbm:s7], s20  }
0xa4: {  	_ =	swait.ge [sflag:s22], s20  }
0xa5: {  	s6 =	ssub.s32 $0x0, s20;
	[sflag:s22] =	ssyncset.done $0x0  }
0xa6: {  	[sflag:s22] =	ssyncadd.s32 s6;
	_ =	sdelay $0x1  }
0xa7: {  	s23 =	simm.s32 $0x1B8B  }
0xa8: {  	_ =	swait.ge [sflag:s23], $0x1  }
0xa9: {  	[sflag:s23] =	ssyncset.done $0x0  }
0xaa: {  	s25 =	simm.s32 $0x1B8E;
	s24 =	sld [smem:$0x3FFE];
	[sflag:s23] =	ssyncadd.s32 $0xFFFFFFFF  }
0xab: {  	s26 =	simm.s32 $execute0_lowered;
	[smem:$0x3FD2] =	sst s25  }
0xac: {  	s7 =	sshll.u32 s26, $0x1;
	_ =	strace $0x8000004C;
	[dreg:$0x1] =	wrdreg $0xFFFFFFFF  }
0xad: {  	s28 =	simm.s32 $_size_execute0_lowered;
	s5 =	sadd.s32 s5, s7;
	[dreg:$0x0] =	wrdreg $0x0  }
0xae: {  	s7 =	sshll.u32 s28, $0x1;
	[dreg:$0x2] =	wrdreg s5  }
0xaf: {  	[dreg:$0x3] =	wrdreg s7  }
0xb0: {  	[dreg:$0x4] =	wrdreg $0xC0  }
0xb1: {  	_ =	task [dreg:s9], $0x5FFFF  }
0xb2: {  	[dreg:$0x1] =	wrdreg $0xFFFFFFFF  }
0xb3: {  	[dreg:$0x0] =	wrdreg $0x60  }
0xb4: {  	[dreg:$0x2] =	wrdreg s16  }
0xb5: {  	[dreg:$0x3] =	wrdreg s24  }
0xb6: {  	[dreg:$0x4] =	wrdreg s15  }
0xb7: {  	[dreg:$0x5] =	wrdreg s17  }
0xb8: {  	[dreg:$0x6] =	wrdreg $0x13AE00  }
0xb9: {  	[dreg:$0x7] =	wrdreg $0x189600  }
0xba: {  	[dreg:$0x8] =	wrdreg $0x9  }
0xbb: {  	_ =	task.clear_ibuf [dreg:s9], $0x9FFFF;
	_ =	strace $0x9000004C  }
0xbc: {  	s29 =	simm.s32 $0x9;
	_ =	strace $0x8000004E  }
0xbd: {  	_ =	swait.ge [sflag:s29], $0x1  }
0xbe: {  	[sflag:s29] =	ssyncadd.s32 $0xFFFFFFFF  }
0xbf: {  	_ =	strace $0x9000004E  }
0xc0: {  	_ =	sfence  }
0xc1: {  	s30 =	sld [smem:$0x0];
	_ =	sdelay $0x2  }
0xc2: {  	s31 =	sshll.u32 s1, $0xD;
	s1 =	sshrl.u32 s1, $0x2  }
0xc3: {  	s3 =	sand.u32 $0x4000, s31;
	s1 =	sadd.s32 s1, s30  }
0xc4: {  	s0 =	sor.u32 s3, s0;
	s1 =	sshll.u32 s1, $0x11  }
0xc5: {  	s0 =	sor.u32 s1, s0  }
0xc6: {  	s0 =	sadd.s32 $0x8F2B, s0  }
0xc7: {  	[sflag:s0] =	ssyncadd.remote.s32 $0x1  }
0xc8: {  	_ =	sfence.sel $0xFFFF  }
0xc9: {  	[dreg:$0x0] =	wrdreg $0xFFFFFFFF;
	(pc) =	sbr.abs _section_cstart, $3  }
0xca: {  	[dreg:$0x1] =	wrdreg $0xFFFFFFFF  }
0xcb: {  	_ =	task.clear_ibuf [dreg:s9], $0x2FFFF;
	_ =	strace $0x9FFFFFFF  }
0xcc: {  	(tm) =	ssettm $0x7FFFFFFF  }
0xcd: {  	_ =	shalt  }
tec
execute0_lowered:
.L_overlay_start_1:
0x0: {  	(tag) =	ssettag $0x1  }
0x1: {  	s0 =	rddreg [dreg:$0x0]  }
0x2: {  	s1 =	rddreg [dreg:$0x1]  }
0x3: {  	s5 =	rddreg [dreg:$0x2]  }
0x4: {  	s6 =	rddreg [dreg:$0x3]  }
0x5: {  	s2 =	rddreg [dreg:$0x4]  }
0x6: {  	s3 =	rddreg [dreg:$0x5];
	s13 =	stileid.u32;
	s4 =	simm.s32 $0x0  }
0x7: {  	s8 =	srdreg.scid;
	s31 =	simm.s32 $0x12720;
	s29 =	simm.s32 $0x9C40  }
0x8: {  	s30 =	simm.s32 $0xB040;
	s28 =	simm.s32 $0x0;
	s7 =	smul.u32 $0x4E20, s13  }
0x9: {  	[smem:$0x7FF] =	sst s4;
	s8 =	sand.u32 $0x1, s8;
	s9 =	smul.u32 $0x4E8, s13  }
0xa: {  	s13 =	smul.u32 $0x4E80, s13;
	s10 =	ssub.s32 $0x2, s8;
	_ =	strace $0x8000004D  }
0xb: {  	s25 =	sshll.u32 s8, $0x2;
	s8 =	smul.u32 $0x4E800, s8;
	s7 =	sshrl.u32 s7, $0x3  }
0xc: {  	s11 =	sshrl.u32 s10, $0x1;
	s26 =	sadd.s32 s5, s25;
	s5 =	sadd.s32 s13, s2  }
0xd: {  	s17 =	sadd.s32 $0x2740, s13;
	s18 =	sadd.s32 $0x3AE0, s13;
	s7 =	sadd.s32 s7, s1  }
0xe: {  	s1 =	sadd.s32 s9, s1;
	s12 =	ssub.s32 s10, s11;
	[dreg:$0xa] =	wrdreg s26  }
0xf: {  	[dreg:$0xb] =	wrdreg s5;
	s16 =	sadd.s32 s13, s8;
	s11 =	sadd.s32 s17, s2  }
0x10: {  	s8 =	simm.s32 $0x5;
	s24 =	sadd.s32 $0x1E00, s7;
	s7 =	sadd.s32 $0xBA40, s7  }
0x11: {  	s1 =	sadd.s32 $0x15800, s1;
	s5 =	sshrl.u32 s16, $0x3;
	[dreg:$0x7] =	wrdreg s24  }
0x12: {  	s26 =	smax.u32 s12, $0x1;
	s12 =	simm.s32 $0x3;
	[dreg:$0x8] =	wrdreg s7  }
0x13: {  	[dreg:$0x9] =	wrdreg s1;
	s7 =	sadd.s32 $0x13A0, s13;
	s19 =	sadd.s32 s0, s5  }
0x14: {  	s14 =	sadd.s32 $0x274, s5;
	s15 =	sadd.s32 $0x4E8, s5;
	s16 =	sadd.s32 $0x75C, s5  }
0x15: {  	s22 =	sadd.s32 s6, s5;
	[dreg:$0x14] =	wrdreg s26;
	s26 =	simm.s32 $0x9  }
0x16: {  	s1 =	simm.s32 $0xC440;
	s5 =	simm.s32 $0x1;
	[dreg:$0xc] =	wrdreg s19  }
0x17: {  	s10 =	sadd.s32 s7, s2;
	s20 =	sadd.s32 s0, s14;
	[dreg:$0x10] =	wrdreg s22  }
0x18: {  	s21 =	sadd.s32 s0, s15;
	s0 =	sadd.s32 s0, s16;
	[dreg:$0xd] =	wrdreg s20  }
0x19: {  	s23 =	sadd.s32 s6, s14;
	s24 =	sadd.s32 s6, s15;
	[dreg:$0xe] =	wrdreg s21  }
0x1a: {  	s25 =	sadd.s32 s6, s16;
	s22 =	sadd.s32 s7, s3;
	[dreg:$0xf] =	wrdreg s0  }
0x1b: {  	s6 =	simm.s32 $0xD840;
	s7 =	simm.s32 $0x2;
	[dreg:$0x11] =	wrdreg s23  }
0x1c: {  	s14 =	simm.s32 $0x4;
	s15 =	simm.s32 $0x7;
	[dreg:$0x12] =	wrdreg s24  }
0x1d: {  	s16 =	simm.s32 $0x8;
	[dreg:$0x13] =	wrdreg s25;
	s20 =	sadd.s32 s18, s2  }
0x1e: {  	s21 =	sadd.s32 s13, s3;
	s23 =	sadd.s32 s17, s3;
	s24 =	sadd.s32 s18, s3  }
0x1f: {  	v0 =	vimm.f32 $0.0e+00;
	s0 =	simm.s32 $0xA0;
	s13 =	simm.s32 $0x6;
	s17 =	simm.s32 $0x11380  }
.LBB2_1:
0x20: {  	s9 =	rddreg [dreg:$0x7]  }
0x21: {  	[tilespmem:s4], [sflag:$0x9] =	stream.linear.gather [hbm4b:s9+s4], $0x4E20, $0x38;
	[tilespmem:$0x1D7E0] =	vst v63  }
0x22: {  	_ =	swait.ge [sflag:s26], $0x4E20  }
0x23: {  	[sflag:s26] =	ssyncset.done $0x0  }
0x24: {  	s18 =	simm.s32 $0x4E20;
	s25 =	rddreg [dreg:$0x8];
	[sflag:s26] =	ssyncadd.s32 $0xFFFFB1E0  }
0x25: {  	[tilespmem:s18], [sflag:$0x9] =	stream.linear.gather [hbm4b:s25+s4], $0x4E20, $0x38;
	[tilespmem:$0x1D7E0] =	vst v63  }
0x26: {  	_ =	swait.ge [sflag:s26], $0x4E20  }
0x27: {  	[sflag:s26] =	ssyncset.done $0x0  }
0x28: {  	s25 =	simm.s32 $0xEC40;
	s19 =	rddreg [dreg:$0x9];
	[sflag:s26] =	ssyncadd.s32 $0xFFFFB1E0  }
0x29: {  	[tilespmem:s25], [sflag:$0x9] =	stream.linear.gather [hbm4b:s19+s4], $0x2740, $0x38;
	[tilespmem:$0x1D7E0] =	vst v63  }
0x2a: {  	_ =	swait.ge [sflag:s26], $0x2740  }
0x2b: {  	[sflag:s26] =	ssyncset.done $0x0  }
0x2c: {  	s25 =	simm.s32 $0x13AC0;
	s19 =	rddreg [dreg:$0xa];
	[sflag:s26] =	ssyncadd.s32 $0xFFFFD8C0  }
0x2d: {  	[tilespmem:s25], [sflag:$0x9] =	stream.linear.gather [hbm4b:s19+s4], $0x20, $0x38;
	[tilespmem:$0x1D7E0] =	vst v63  }
0x2e: {  	_ =	swait.ge [sflag:s26], $0x20  }
0x2f: {  	[sflag:s26] =	ssyncset.done $0x0  }
0x30: {  	s18 =	simm.s32 $0x80;
	s19 =	simm.s32 $0x0;
	[sflag:s26] =	ssyncadd.s32 $0xFFFFFFE0  }
.LBB2_2:
0x31: {  	p0 =	sne.s32 s18, $0x4E00;
	[tilespmem:s19+$0x12720] =	vst v0;
	s25 =	smov.u32 s18;
	s18 =	sadd.s32 $0x80, s18  }
.Ltmp0:
0x32: {  	[tilespmem:s19+$0x12730] =	vst v0;
	(pc) =	sbr.rel @p0 .LBB2_2-.Ltmp0, $2  }
0x33: {  	_ =	sdelay $0x2  }
0x34: {  	s19 =	sshra.s32 s25, $0x2  }
0x35: {  	[tilespmem:s19+$0x12720] =	vst v0  }
0x36: {  	[tilespmem:s19+$0x12730] =	vst v0;
	s9 =	rddreg [dreg:$0xb]  }
0x37: {  	[spmem:s9] =	stream.linear.scatter [tilespmem:s31], [sflag:$0x9], $0x13A0, $0x38;
	[tilespmem:$0x1D7E0] =	vst v63  }
0x38: {  	_ =	swait.ge [sflag:s26], $0x13A0  }
0x39: {  	[sflag:s26] =	ssyncset.done $0x0  }
0x3a: {  	[sflag:s26] =	ssyncadd.s32 $0xFFFFEC60  }
0x3b: {  	[spmem:s10] =	stream.linear.scatter [tilespmem:s31], [sflag:$0x9], $0x13A0, $0x38;
	[tilespmem:$0x1D7E0] =	vst v63  }
0x3c: {  	_ =	swait.ge [sflag:s26], $0x13A0  }
0x3d: {  	[sflag:s26] =	ssyncset.done $0x0  }
0x3e: {  	[sflag:s26] =	ssyncadd.s32 $0xFFFFEC60  }
0x3f: {  	[spmem:s11] =	stream.linear.scatter [tilespmem:s31], [sflag:$0x9], $0x13A0, $0x38;
	[tilespmem:$0x1D7E0] =	vst v63  }
0x40: {  	_ =	swait.ge [sflag:s26], $0x13A0  }
0x41: {  	[sflag:s26] =	ssyncset.done $0x0  }
0x42: {  	[sflag:s26] =	ssyncadd.s32 $0xFFFFEC60  }
0x43: {  	[spmem:s20] =	stream.linear.scatter [tilespmem:s31], [sflag:$0x9], $0x13A0, $0x38;
	[tilespmem:$0x1D7E0] =	vst v63  }
0x44: {  	s25 =	stileid.u32;
	_ =	swait.ge [sflag:s26], $0x13A0  }
0x45: {  	s18 =	sshll.u32 s25, $0x6;
	s9 =	sshrl.u32 s21, $0x3;
	[sflag:s26] =	ssyncset.done $0x0  }
0x46: {  	s18 =	sor.u32 $0x1C09, s18;
	s25 =	rddreg [dreg:$0xc];
	[sflag:s26] =	ssyncadd.s32 $0xFFFFEC60  }
0x47: {  	[spmem:s9], [sflag:s18] =	dma.local [hbm:s25], $0x274  }
0x48: {  	_ =	swait.ge [sflag:s26], $0x274  }
0x49: {  	[sflag:s26] =	ssyncset.done $0x0  }
0x4a: {  	s9 =	sshrl.u32 s22, $0x3;
	s25 =	rddreg [dreg:$0xd];
	[sflag:s26] =	ssyncadd.s32 $0xFFFFFD8C  }
0x4b: {  	[spmem:s9], [sflag:s18] =	dma.local [hbm:s25], $0x274  }
0x4c: {  	_ =	swait.ge [sflag:s26], $0x274  }
0x4d: {  	[sflag:s26] =	ssyncset.done $0x0  }
0x4e: {  	s9 =	sshrl.u32 s23, $0x3;
	s25 =	rddreg [dreg:$0xe];
	[sflag:s26] =	ssyncadd.s32 $0xFFFFFD8C  }
0x4f: {  	[spmem:s9], [sflag:s18] =	dma.local [hbm:s25], $0x274  }
0x50: {  	_ =	swait.ge [sflag:s26], $0x274  }
0x51: {  	[sflag:s26] =	ssyncset.done $0x0  }
0x52: {  	s9 =	sshrl.u32 s24, $0x3;
	s25 =	rddreg [dreg:$0xf];
	[sflag:s26] =	ssyncadd.s32 $0xFFFFFD8C  }
0x53: {  	[spmem:s9], [sflag:s18] =	dma.local [hbm:s25], $0x274  }
0x54: {  	_ =	swait.ge [sflag:s26], $0x274  }
0x55: {  	[sflag:s26] =	ssyncset.done $0x0  }
0x56: {  	[sflag:s26] =	ssyncadd.s32 $0xFFFFFD8C  }
0x57: {  	s9 =	simm.s32 $0x0;
	[bflag:$0x0] =	sbarrier.arrive $0xFFFF  }
0x58: {  	[tilespmem:s29], [sflag:$0x1] =	stream.indirect.gather [spmem:s3], $0x20, s9, s0, $0xb8;
	[tilespmem:$0x1D7E0] =	vst v63  }
0x59: {  	_ = 	snop  }
0x5a: {  	[tilespmem:s30], [sflag:$0x2] =	stream.indirect.gather [spmem:s3], $0x20, s0, s0, $0xb8;
	[tilespmem:$0x1D7E0] =	vst v63  }
0x5b: {  	s18 =	simm.s32 $0x140  }
0x5c: {  	[tilespmem:s1], [sflag:$0x3] =	stream.indirect.gather [spmem:s3], $0x20, s18, s0, $0xb8;
	[tilespmem:$0x1D7E0] =	vst v63  }
0x5d: {  	_ =	swait.ge [sflag:s5], $0x1400  }
0x5e: {  	[sflag:s5] =	ssyncset.done $0x0  }
0x5f: {  	s19 =	simm.s32 $0x4E20;
	[sflag:s5] =	ssyncadd.s32 $0xFFFFEC00  }
0x60: {  	[spmem:s2] =	stream.indirect.scatter.add.f32 [tilespmem:s29], [sflag:$0x5], $0x20, s19, s0, $0xb8;
	[tilespmem:$0x1D7E0] =	vst v63  }
0x61: {  	s25 =	simm.s32 $0x1E0  }
0x62: {  	[tilespmem:s6], [sflag:$0x4] =	stream.indirect.gather [spmem:s3], $0x20, s25, s0, $0xb8;
	[tilespmem:$0x1D7E0] =	vst v63  }
0x63: {  	_ =	swait.ge [sflag:s7], $0x1400  }
0x64: {  	[sflag:s7] =	ssyncset.done $0x0  }
0x65: {  	s18 =	simm.s32 $0x4EC0;
	[sflag:s7] =	ssyncadd.s32 $0xFFFFEC00  }
0x66: {  	[spmem:s2] =	stream.indirect.scatter.add.f32 [tilespmem:s30], [sflag:$0x6], $0x20, s18, s0, $0xb8;
	[tilespmem:$0x1D7E0] =	vst v63  }
0x67: {  	_ =	swait.ge [sflag:s8], $0x1400  }
0x68: {  	[sflag:s8] =	ssyncset.done $0x0  }
0x69: {  	s19 =	simm.s32 $0x280;
	[sflag:s8] =	ssyncadd.s32 $0xFFFFEC00  }
0x6a: {  	[tilespmem:s29], [sflag:$0x1] =	stream.indirect.gather [spmem:s3], $0x20, s19, s0, $0xb8;
	[tilespmem:$0x1D7E0] =	vst v63  }
0x6b: {  	_ =	swait.ge [sflag:s12], $0x1400  }
0x6c: {  	[sflag:s12] =	ssyncset.done $0x0  }
0x6d: {  	s25 =	simm.s32 $0x4F60;
	[sflag:s12] =	ssyncadd.s32 $0xFFFFEC00  }
0x6e: {  	[spmem:s2] =	stream.indirect.scatter.add.f32 [tilespmem:s1], [sflag:$0x7], $0x20, s25, s0, $0xb8;
	[tilespmem:$0x1D7E0] =	vst v63  }
0x6f: {  	_ =	swait.ge [sflag:s13], $0x1400  }
0x70: {  	[sflag:s13] =	ssyncset.done $0x0  }
0x71: {  	s18 =	simm.s32 $0x320;
	[sflag:s13] =	ssyncadd.s32 $0xFFFFEC00  }
0x72: {  	[tilespmem:s30], [sflag:$0x2] =	stream.indirect.gather [spmem:s3], $0x20, s18, s0, $0xb8;
	[tilespmem:$0x1D7E0] =	vst v63  }
0x73: {  	_ =	swait.ge [sflag:s14], $0x1400  }
0x74: {  	[sflag:s14] =	ssyncset.done $0x0  }
0x75: {  	s19 =	simm.s32 $0x5000;
	[sflag:s14] =	ssyncadd.s32 $0xFFFFEC00  }
0x76: {  	[spmem:s2] =	stream.indirect.scatter.add.f32 [tilespmem:s6], [sflag:$0x8], $0x20, s19, s0, $0xb8;
	[tilespmem:$0x1D7E0] =	vst v63  }
0x77: {  	_ =	swait.ge [sflag:s15], $0x1400  }
0x78: {  	[sflag:s15] =	ssyncset.done $0x0  }
0x79: {  	s25 =	simm.s32 $0x3C0;
	[sflag:s15] =	ssyncadd.s32 $0xFFFFEC00  }
0x7a: {  	[tilespmem:s1], [sflag:$0x3] =	stream.indirect.gather [spmem:s3], $0x20, s25, s0, $0xb8;
	[tilespmem:$0x1D7E0] =	vst v63  }
0x7b: {  	_ =	swait.ge [sflag:s5], $0x1400  }
0x7c: {  	[sflag:s5] =	ssyncset.done $0x0  }
0x7d: {  	s9 =	simm.s32 $0x50A0;
	[sflag:s5] =	ssyncadd.s32 $0xFFFFEC00  }
0x7e: {  	[spmem:s2] =	stream.indirect.scatter.add.f32 [tilespmem:s29], [sflag:$0x5], $0x20, s9, s0, $0xb8;
	[tilespmem:$0x1D7E0] =	vst v63  }
0x7f: {  	_ =	swait.ge [sflag:s16], $0x1400  }
0x80: {  	[sflag:s16] =	ssyncset.done $0x0  }
0x81: {  	s19 =	simm.s32 $0x460;
	[sflag:s16] =	ssyncadd.s32 $0xFFFFEC00  }
0x82: {  	[tilespmem:s6], [sflag:$0x4] =	stream.indirect.gather [spmem:s3], $0x20, s19, s0, $0xb8;
	[tilespmem:$0x1D7E0] =	vst v63  }
0x83: {  	_ =	swait.ge [sflag:s7], $0x1400  }
0x84: {  	[sflag:s7] =	ssyncset.done $0x0  }
0x85: {  	s25 =	simm.s32 $0x5140;
	[sflag:s7] =	ssyncadd.s32 $0xFFFFEC00  }
0x86: {  	[spmem:s2] =	stream.indirect.scatter.add.f32 [tilespmem:s30], [sflag:$0x6], $0x20, s25, s0, $0xb8;
	[tilespmem:$0x1D7E0] =	vst v63  }
0x87: {  	_ =	swait.ge [sflag:s8], $0x1400  }
0x88: {  	[sflag:s8] =	ssyncset.done $0x0  }
0x89: {  	s9 =	simm.s32 $0x500;
	[sflag:s8] =	ssyncadd.s32 $0xFFFFEC00  }
0x8a: {  	[tilespmem:s29], [sflag:$0x1] =	stream.indirect.gather [spmem:s3], $0x20, s9, s0, $0xb8;
	[tilespmem:$0x1D7E0] =	vst v63  }
0x8b: {  	_ =	swait.ge [sflag:s12], $0x1400  }
0x8c: {  	[sflag:s12] =	ssyncset.done $0x0  }
0x8d: {  	s19 =	simm.s32 $0x51E0;
	[sflag:s12] =	ssyncadd.s32 $0xFFFFEC00  }
0x8e: {  	[spmem:s2] =	stream.indirect.scatter.add.f32 [tilespmem:s1], [sflag:$0x7], $0x20, s19, s0, $0xb8;
	[tilespmem:$0x1D7E0] =	vst v63  }
0x8f: {  	_ =	swait.ge [sflag:s13], $0x1400  }
0x90: {  	[sflag:s13] =	ssyncset.done $0x0  }
0x91: {  	s25 =	simm.s32 $0x5A0;
	[sflag:s13] =	ssyncadd.s32 $0xFFFFEC00  }
0x92: {  	[tilespmem:s30], [sflag:$0x2] =	stream.indirect.gather [spmem:s3], $0x20, s25, s0, $0xb8;
	[tilespmem:$0x1D7E0] =	vst v63  }
0x93: {  	_ =	swait.ge [sflag:s14], $0x1400  }
0x94: {  	[sflag:s14] =	ssyncset.done $0x0  }
0x95: {  	s18 =	simm.s32 $0xA00;
	s19 =	simm.s32 $0x5280;
	[sflag:s14] =	ssyncadd.s32 $0xFFFFEC00  }
.LBB2_4:
0x96: {  	[spmem:s2] =	stream.indirect.scatter.add.f32 [tilespmem:s6], [sflag:$0x8], $0x20, s19, s0, $0xb8;
	[tilespmem:$0x1D7E0] =	vst v63  }
0x97: {  	s19 =	smov.u32 s18  }
0x98: {  	p0 =	sne.s32 s18, $0x11800;
	s18 =	sadd.s32 $0xA00, s18;
	_ =	swait.ge [sflag:s15], $0x1400  }
0x99: {  	s19 =	sshra.s32 s19, $0x2;
	[sflag:s15] =	ssyncset.done $0x0  }
0x9a: {  	s25 =	sadd.s32 $0x3C0, s19;
	[sflag:s15] =	ssyncadd.s32 $0xFFFFEC00  }
0x9b: {  	[tilespmem:s1], [sflag:$0x3] =	stream.indirect.gather [spmem:s3], $0x20, s25, s0, $0xb8;
	[tilespmem:$0x1D7E0] =	vst v63  }
0x9c: {  	_ =	swait.ge [sflag:s5], $0x1400  }
0x9d: {  	[sflag:s5] =	ssyncset.done $0x0  }
0x9e: {  	s25 =	sadd.s32 $0x50A0, s19;
	[sflag:s5] =	ssyncadd.s32 $0xFFFFEC00  }
0x9f: {  	[spmem:s2] =	stream.indirect.scatter.add.f32 [tilespmem:s29], [sflag:$0x5], $0x20, s25, s0, $0xb8;
	[tilespmem:$0x1D7E0] =	vst v63  }
0xa0: {  	_ =	swait.ge [sflag:s16], $0x1400  }
0xa1: {  	[sflag:s16] =	ssyncset.done $0x0  }
0xa2: {  	s25 =	sadd.s32 $0x460, s19;
	[sflag:s16] =	ssyncadd.s32 $0xFFFFEC00  }
0xa3: {  	[tilespmem:s6], [sflag:$0x4] =	stream.indirect.gather [spmem:s3], $0x20, s25, s0, $0xb8;
	[tilespmem:$0x1D7E0] =	vst v63  }
0xa4: {  	_ =	swait.ge [sflag:s7], $0x1400  }
0xa5: {  	[sflag:s7] =	ssyncset.done $0x0  }
0xa6: {  	s25 =	sadd.s32 $0x5140, s19;
	[sflag:s7] =	ssyncadd.s32 $0xFFFFEC00  }
0xa7: {  	[spmem:s2] =	stream.indirect.scatter.add.f32 [tilespmem:s30], [sflag:$0x6], $0x20, s25, s0, $0xb8;
	[tilespmem:$0x1D7E0] =	vst v63  }
0xa8: {  	_ =	swait.ge [sflag:s8], $0x1400  }
0xa9: {  	[sflag:s8] =	ssyncset.done $0x0  }
0xaa: {  	s25 =	sadd.s32 $0x500, s19;
	[sflag:s8] =	ssyncadd.s32 $0xFFFFEC00  }
0xab: {  	[tilespmem:s29], [sflag:$0x1] =	stream.indirect.gather [spmem:s3], $0x20, s25, s0, $0xb8;
	[tilespmem:$0x1D7E0] =	vst v63  }
0xac: {  	_ =	swait.ge [sflag:s12], $0x1400  }
0xad: {  	[sflag:s12] =	ssyncset.done $0x0  }
0xae: {  	s25 =	sadd.s32 $0x51E0, s19;
	[sflag:s12] =	ssyncadd.s32 $0xFFFFEC00  }
0xaf: {  	[spmem:s2] =	stream.indirect.scatter.add.f32 [tilespmem:s1], [sflag:$0x7], $0x20, s25, s0, $0xb8;
	[tilespmem:$0x1D7E0] =	vst v63  }
0xb0: {  	_ =	swait.ge [sflag:s13], $0x1400  }
0xb1: {  	[sflag:s13] =	ssyncset.done $0x0  }
.Ltmp1:
0xb2: {  	s25 =	sadd.s32 $0x5A0, s19;
	[sflag:s13] =	ssyncadd.s32 $0xFFFFEC00;
	(pc) =	sbr.rel @p0 .LBB2_4-.Ltmp1, $4  }
0xb3: {  	[tilespmem:s30], [sflag:$0x2] =	stream.indirect.gather [spmem:s3], $0x20, s25, s0, $0xb8;
	[tilespmem:$0x1D7E0] =	vst v63  }
0xb4: {  	_ =	swait.ge [sflag:s14], $0x1400  }
0xb5: {  	[sflag:s14] =	ssyncset.done $0x0  }
0xb6: {  	s19 =	sadd.s32 $0x5280, s19;
	[sflag:s14] =	ssyncadd.s32 $0xFFFFEC00  }
0xb7: {  	[spmem:s2] =	stream.indirect.scatter.add.f32 [tilespmem:s6], [sflag:$0x8], $0x20, s19, s0, $0xb8;
	[tilespmem:$0x1D7E0] =	vst v63  }
0xb8: {  	_ =	swait.ge [sflag:s15], $0x1400  }
0xb9: {  	[sflag:s15] =	ssyncset.done $0x0  }
0xba: {  	s9 =	simm.s32 $0x4C40;
	[sflag:s15] =	ssyncadd.s32 $0xFFFFEC00  }
0xbb: {  	[tilespmem:s1], [sflag:$0x3] =	stream.indirect.gather [spmem:s3], $0x20, s9, s0, $0xb8;
	[tilespmem:$0x1D7E0] =	vst v63  }
0xbc: {  	_ =	swait.ge [sflag:s5], $0x1400  }
0xbd: {  	[sflag:s5] =	ssyncset.done $0x0  }
0xbe: {  	s19 =	simm.s32 $0x9920;
	[sflag:s5] =	ssyncadd.s32 $0xFFFFEC00  }
0xbf: {  	[spmem:s2] =	stream.indirect.scatter.add.f32 [tilespmem:s29], [sflag:$0x5], $0x20, s19, s0, $0xb8;
	[tilespmem:$0x1D7E0] =	vst v63  }
0xc0: {  	_ =	swait.ge [sflag:s16], $0x1400  }
0xc1: {  	[sflag:s16] =	ssyncset.done $0x0  }
0xc2: {  	s25 =	simm.s32 $0x4CE0;
	[sflag:s16] =	ssyncadd.s32 $0xFFFFEC00  }
0xc3: {  	[tilespmem:s6], [sflag:$0x4] =	stream.indirect.gather [spmem:s3], $0x20, s25, s0, $0xb8;
	[tilespmem:$0x1D7E0] =	vst v63  }
0xc4: {  	_ =	swait.ge [sflag:s7], $0x1400  }
0xc5: {  	[sflag:s7] =	ssyncset.done $0x0  }
0xc6: {  	s18 =	simm.s32 $0x99C0;
	[sflag:s7] =	ssyncadd.s32 $0xFFFFEC00  }
0xc7: {  	[spmem:s2] =	stream.indirect.scatter.add.f32 [tilespmem:s30], [sflag:$0x6], $0x20, s18, s0, $0xb8;
	[tilespmem:$0x1D7E0] =	vst v63  }
0xc8: {  	_ =	swait.ge [sflag:s8], $0x1400  }
0xc9: {  	[sflag:s8] =	ssyncset.done $0x0  }
0xca: {  	s19 =	simm.s32 $0x4D80;
	[sflag:s8] =	ssyncadd.s32 $0xFFFFEC00  }
0xcb: {  	[tilespmem:s29], [sflag:$0x1] =	stream.indirect.gather [spmem:s3], $0x20, s19, s0, $0xb8;
	[tilespmem:$0x1D7E0] =	vst v63  }
0xcc: {  	_ =	swait.ge [sflag:s12], $0x1400  }
0xcd: {  	[sflag:s12] =	ssyncset.done $0x0  }
0xce: {  	s25 =	simm.s32 $0x9A60;
	[sflag:s12] =	ssyncadd.s32 $0xFFFFEC00  }
0xcf: {  	[spmem:s2] =	stream.indirect.scatter.add.f32 [tilespmem:s1], [sflag:$0x7], $0x20, s25, s0, $0xb8;
	[tilespmem:$0x1D7E0] =	vst v63  }
0xd0: {  	_ =	swait.ge [sflag:s14], $0x1400  }
0xd1: {  	[sflag:s14] =	ssyncset.done $0x0  }
0xd2: {  	s18 =	simm.s32 $0x9B00;
	[sflag:s14] =	ssyncadd.s32 $0xFFFFEC00  }
0xd3: {  	[spmem:s2] =	stream.indirect.scatter.add.f32 [tilespmem:s6], [sflag:$0x8], $0x20, s18, s0, $0xb8;
	[tilespmem:$0x1D7E0] =	vst v63  }
0xd4: {  	_ =	swait.ge [sflag:s5], $0x1400  }
0xd5: {  	[sflag:s5] =	ssyncset.done $0x0  }
0xd6: {  	s19 =	simm.s32 $0x9BA0;
	[sflag:s5] =	ssyncadd.s32 $0xFFFFEC00  }
0xd7: {  	[spmem:s2] =	stream.indirect.scatter.add.f32 [tilespmem:s29], [sflag:$0x5], $0x20, s19, s0, $0xb8;
	[tilespmem:$0x1D7E0] =	vst v63  }
0xd8: {  	_ =	swait.ge [sflag:s13], $0x1400  }
0xd9: {  	[sflag:s13] =	ssyncset.done $0x0  }
0xda: {  	[sflag:s13] =	ssyncadd.s32 $0xFFFFEC00  }
0xdb: {  	_ =	swait.ge [sflag:s15], $0x1400  }
0xdc: {  	[sflag:s15] =	ssyncset.done $0x0  }
0xdd: {  	[sflag:s15] =	ssyncadd.s32 $0xFFFFEC00  }
0xde: {  	_ =	swait.ge [sflag:s16], $0x1400  }
0xdf: {  	[sflag:s16] =	ssyncset.done $0x0  }
0xe0: {  	[sflag:s16] =	ssyncadd.s32 $0xFFFFEC00  }
0xe1: {  	_ =	swait.ge [sflag:s8], $0x1400  }
0xe2: {  	[sflag:s8] =	ssyncset.done $0x0  }
0xe3: {  	[sflag:s8] =	ssyncadd.s32 $0xFFFFEC00  }
0xe4: {  	[bflag:$0x0] =	sbarrier.arrive $0xFFFF  }
0xe5: {  	s25 =	rddreg [dreg:$0xb]  }
0xe6: {  	[tilespmem:s17], [sflag:$0x9] =	stream.linear.gather [spmem:s25], $0x13A0, $0x38;
	[tilespmem:$0x1D7E0] =	vst v63  }
0xe7: {  	_ =	swait.ge [sflag:s26], $0x13A0  }
0xe8: {  	[sflag:s26] =	ssyncset.done $0x0  }
0xe9: {  	[sflag:s26] =	ssyncadd.s32 $0xFFFFEC60  }
0xea: {  	[tilespmem:s31], [sflag:$0x9] =	stream.linear.gather [spmem:s21], $0x13A0, $0x38;
	[tilespmem:$0x1D7E0] =	vst v63  }
0xeb: {  	_ =	swait.ge [sflag:s26], $0x13A0  }
0xec: {  	[sflag:s26] =	ssyncset.done $0x0  }
0xed: {  	s25 =	simm.s32 $0x0;
	[sflag:s26] =	ssyncadd.s32 $0xFFFFEC60  }
0xee: {  	v1 =	vld [tilespmem:s25+$0x12720]  }
0xef: {  	v2 =	vld [tilespmem:s25+$0x12730]  }
0xf0: {  	v3 =	vld [tilespmem:s25+$0x11390]  }
0xf1: {  	s19 =	simm.s32 $0xEC40;
	v4 =	vld [tilespmem:s25+$0x11380]  }
0xf2: {  	v5 =	vld [tilespmem:s19+$0x0];
	_ =	sdelay $0x2  }
0xf3: {  	v2 =	vadd.f32 v2, v3  }
0xf4: {  	v3 =	vadd.f32 v1, v4  }
0xf5: {  	s18 =	simm.s32 $0x20;
	v4 =	vmul.f32 v2, v5  }
0xf6: {  	v1 =	vld [tilespmem:s18+$0x12720];
	v5 =	vmul.f32 v3, v5  }
0xf7: {  	v2 =	vld [tilespmem:s18+$0x12730];
	[tilespmem:s25+$0x11390] =	vst v4  }
0xf8: {  	v3 =	vld [tilespmem:s18+$0x11390];
	[tilespmem:s25+$0x11380] =	vst v5;
	s25 =	simm.s32 $0x100  }
.LBB2_6:
0xf9: {  	p0 =	sne.s32 s25, $0x4E00;
	v4 =	vld [tilespmem:s18+$0x11380];
	s19 =	sadd.s32 $0x10, s19  }
0xfa: {  	v5 =	vld [tilespmem:s19+$0x0];
	_ =	sdelay $0x2  }
0xfb: {  	v2 =	vadd.f32 v2, v3  }
.Ltmp2:
0xfc: {  	v3 =	vadd.f32 v1, v4;
	(pc) =	sbr.rel @p0 .LBB2_6-.Ltmp2, $4  }
0xfd: {  	s9 =	sshra.s32 s25, $0x2;
	v4 =	vmul.f32 v2, v5  }
0xfe: {  	v1 =	vld [tilespmem:s9+$0x12720];
	v5 =	vmul.f32 v3, v5  }
0xff: {  	v2 =	vld [tilespmem:s9+$0x12730];
	[tilespmem:s18+$0x11390] =	vst v4  }
0x100: {  	s25 =	sadd.s32 $0x80, s25;
	v3 =	vld [tilespmem:s9+$0x11390];
	[tilespmem:s18+$0x11380] =	vst v5;
	s18 =	smov.u32 s9  }
0x101: {  	v4 =	vld [tilespmem:s18+$0x11380];
	s9 =	sadd.s32 $0x10, s19  }
0x102: {  	v5 =	vld [tilespmem:s9+$0x0];
	_ =	sdelay $0x2  }
0x103: {  	v2 =	vadd.f32 v2, v3  }
0x104: {  	v1 =	vadd.f32 v1, v4  }
0x105: {  	v2 =	vmul.f32 v2, v5  }
0x106: {  	v1 =	vmul.f32 v1, v5  }
0x107: {  	[tilespmem:s18+$0x11390] =	vst v2  }
0x108: {  	s19 =	simm.s32 $0x0;
	s25 =	rddreg [dreg:$0x10];
	[tilespmem:s18+$0x11380] =	vst v1  }
0x109: {  	[hbm4b:s25+s19] =	stream.linear.scatter [tilespmem:s17], [sflag:$0x9], $0x13A0, $0x38;
	[tilespmem:$0x1D7E0] =	vst v63  }
0x10a: {  	_ =	swait.ge [sflag:s26], $0x13A0  }
0x10b: {  	[sflag:s26] =	ssyncset.done $0x0  }
0x10c: {  	[sflag:s26] =	ssyncadd.s32 $0xFFFFEC60  }
0x10d: {  	[tilespmem:s17], [sflag:$0x9] =	stream.linear.gather [spmem:s10], $0x13A0, $0x38;
	[tilespmem:$0x1D7E0] =	vst v63  }
0x10e: {  	_ =	swait.ge [sflag:s26], $0x13A0  }
0x10f: {  	[sflag:s26] =	ssyncset.done $0x0  }
0x110: {  	[sflag:s26] =	ssyncadd.s32 $0xFFFFEC60  }
0x111: {  	[tilespmem:s31], [sflag:$0x9] =	stream.linear.gather [spmem:s22], $0x13A0, $0x38;
	[tilespmem:$0x1D7E0] =	vst v63  }
0x112: {  	_ =	swait.ge [sflag:s26], $0x13A0  }
0x113: {  	[sflag:s26] =	ssyncset.done $0x0  }
0x114: {  	s9 =	simm.s32 $0x0;
	[sflag:s26] =	ssyncadd.s32 $0xFFFFEC60  }
0x115: {  	v1 =	vld [tilespmem:s9+$0x12720]  }
0x116: {  	v2 =	vld [tilespmem:s9+$0x12730]  }
0x117: {  	v3 =	vld [tilespmem:s9+$0x11390]  }
0x118: {  	s19 =	simm.s32 $0xF610;
	v4 =	vld [tilespmem:s9+$0x11380]  }
0x119: {  	v5 =	vld [tilespmem:s19+$0x0];
	_ =	sdelay $0x2  }
0x11a: {  	v2 =	vadd.f32 v2, v3  }
0x11b: {  	v3 =	vadd.f32 v1, v4  }
0x11c: {  	s18 =	simm.s32 $0x20;
	v4 =	vmul.f32 v2, v5  }
0x11d: {  	v1 =	vld [tilespmem:s18+$0x12720];
	v5 =	vmul.f32 v3, v5  }
0x11e: {  	v2 =	vld [tilespmem:s18+$0x12730];
	[tilespmem:s9+$0x11390] =	vst v4  }
0x11f: {  	s25 =	simm.s32 $0x100;
	v3 =	vld [tilespmem:s18+$0x11390];
	[tilespmem:s9+$0x11380] =	vst v5  }
.LBB2_8:
0x120: {  	p0 =	sne.s32 s25, $0x4E00;
	v4 =	vld [tilespmem:s18+$0x11380];
	s19 =	sadd.s32 $0x10, s19  }
0x121: {  	v5 =	vld [tilespmem:s19+$0x0];
	_ =	sdelay $0x2  }
0x122: {  	v2 =	vadd.f32 v2, v3  }
.Ltmp3:
0x123: {  	v3 =	vadd.f32 v1, v4;
	(pc) =	sbr.rel @p0 .LBB2_8-.Ltmp3, $4  }
0x124: {  	s9 =	sshra.s32 s25, $0x2;
	v4 =	vmul.f32 v2, v5  }
0x125: {  	v1 =	vld [tilespmem:s9+$0x12720];
	v5 =	vmul.f32 v3, v5  }
0x126: {  	v2 =	vld [tilespmem:s9+$0x12730];
	[tilespmem:s18+$0x11390] =	vst v4  }
0x127: {  	s25 =	sadd.s32 $0x80, s25;
	v3 =	vld [tilespmem:s9+$0x11390];
	[tilespmem:s18+$0x11380] =	vst v5;
	s18 =	smov.u32 s9  }
0x128: {  	v4 =	vld [tilespmem:s18+$0x11380];
	s9 =	sadd.s32 $0x10, s19  }
0x129: {  	v5 =	vld [tilespmem:s9+$0x0];
	_ =	sdelay $0x2  }
0x12a: {  	v2 =	vadd.f32 v2, v3  }
0x12b: {  	v1 =	vadd.f32 v1, v4  }
0x12c: {  	v2 =	vmul.f32 v2, v5  }
0x12d: {  	v1 =	vmul.f32 v1, v5  }
0x12e: {  	[tilespmem:s18+$0x11390] =	vst v2  }
0x12f: {  	s19 =	simm.s32 $0x0;
	s25 =	rddreg [dreg:$0x11];
	[tilespmem:s18+$0x11380] =	vst v1  }
0x130: {  	[hbm4b:s25+s19] =	stream.linear.scatter [tilespmem:s17], [sflag:$0x9], $0x13A0, $0x38;
	[tilespmem:$0x1D7E0] =	vst v63  }
0x131: {  	_ =	swait.ge [sflag:s26], $0x13A0  }
0x132: {  	[sflag:s26] =	ssyncset.done $0x0  }
0x133: {  	[sflag:s26] =	ssyncadd.s32 $0xFFFFEC60  }
0x134: {  	[tilespmem:s17], [sflag:$0x9] =	stream.linear.gather [spmem:s11], $0x13A0, $0x38;
	[tilespmem:$0x1D7E0] =	vst v63  }
0x135: {  	_ =	swait.ge [sflag:s26], $0x13A0  }
0x136: {  	[sflag:s26] =	ssyncset.done $0x0  }
0x137: {  	[sflag:s26] =	ssyncadd.s32 $0xFFFFEC60  }
0x138: {  	[tilespmem:s31], [sflag:$0x9] =	stream.linear.gather [spmem:s23], $0x13A0, $0x38;
	[tilespmem:$0x1D7E0] =	vst v63  }
0x139: {  	_ =	swait.ge [sflag:s26], $0x13A0  }
0x13a: {  	[sflag:s26] =	ssyncset.done $0x0  }
0x13b: {  	s9 =	simm.s32 $0x0;
	[sflag:s26] =	ssyncadd.s32 $0xFFFFEC60  }
0x13c: {  	v1 =	vld [tilespmem:s9+$0x12720]  }
0x13d: {  	v2 =	vld [tilespmem:s9+$0x12730]  }
0x13e: {  	v3 =	vld [tilespmem:s9+$0x11390]  }
0x13f: {  	s19 =	simm.s32 $0xFFE0;
	v4 =	vld [tilespmem:s9+$0x11380]  }
0x140: {  	v5 =	vld [tilespmem:s19+$0x0];
	_ =	sdelay $0x2  }
0x141: {  	v2 =	vadd.f32 v2, v3  }
0x142: {  	v3 =	vadd.f32 v1, v4  }
0x143: {  	s18 =	simm.s32 $0x20;
	v4 =	vmul.f32 v2, v5  }
0x144: {  	v1 =	vld [tilespmem:s18+$0x12720];
	v5 =	vmul.f32 v3, v5  }
0x145: {  	v2 =	vld [tilespmem:s18+$0x12730];
	[tilespmem:s9+$0x11390] =	vst v4  }
0x146: {  	s25 =	simm.s32 $0x100;
	v3 =	vld [tilespmem:s18+$0x11390];
	[tilespmem:s9+$0x11380] =	vst v5  }
.LBB2_10:
0x147: {  	p0 =	sne.s32 s25, $0x4E00;
	v4 =	vld [tilespmem:s18+$0x11380];
	s19 =	sadd.s32 $0x10, s19  }
0x148: {  	v5 =	vld [tilespmem:s19+$0x0];
	_ =	sdelay $0x2  }
0x149: {  	v2 =	vadd.f32 v2, v3  }
.Ltmp4:
0x14a: {  	v3 =	vadd.f32 v1, v4;
	(pc) =	sbr.rel @p0 .LBB2_10-.Ltmp4, $4  }
0x14b: {  	s9 =	sshra.s32 s25, $0x2;
	v4 =	vmul.f32 v2, v5  }
0x14c: {  	v1 =	vld [tilespmem:s9+$0x12720];
	v5 =	vmul.f32 v3, v5  }
0x14d: {  	v2 =	vld [tilespmem:s9+$0x12730];
	[tilespmem:s18+$0x11390] =	vst v4  }
0x14e: {  	s25 =	sadd.s32 $0x80, s25;
	v3 =	vld [tilespmem:s9+$0x11390];
	[tilespmem:s18+$0x11380] =	vst v5;
	s18 =	smov.u32 s9  }
0x14f: {  	v4 =	vld [tilespmem:s18+$0x11380];
	s9 =	sadd.s32 $0x10, s19  }
0x150: {  	v5 =	vld [tilespmem:s9+$0x0];
	_ =	sdelay $0x2  }
0x151: {  	v2 =	vadd.f32 v2, v3  }
0x152: {  	v1 =	vadd.f32 v1, v4  }
0x153: {  	v2 =	vmul.f32 v2, v5  }
0x154: {  	v1 =	vmul.f32 v1, v5  }
0x155: {  	[tilespmem:s18+$0x11390] =	vst v2  }
0x156: {  	s19 =	simm.s32 $0x0;
	s25 =	rddreg [dreg:$0x12];
	[tilespmem:s18+$0x11380] =	vst v1  }
0x157: {  	[hbm4b:s25+s19] =	stream.linear.scatter [tilespmem:s17], [sflag:$0x9], $0x13A0, $0x38;
	[tilespmem:$0x1D7E0] =	vst v63  }
0x158: {  	_ =	swait.ge [sflag:s26], $0x13A0  }
0x159: {  	[sflag:s26] =	ssyncset.done $0x0  }
0x15a: {  	[sflag:s26] =	ssyncadd.s32 $0xFFFFEC60  }
0x15b: {  	[tilespmem:s17], [sflag:$0x9] =	stream.linear.gather [spmem:s20], $0x13A0, $0x38;
	[tilespmem:$0x1D7E0] =	vst v63  }
0x15c: {  	_ =	swait.ge [sflag:s26], $0x13A0  }
0x15d: {  	[sflag:s26] =	ssyncset.done $0x0  }
0x15e: {  	[sflag:s26] =	ssyncadd.s32 $0xFFFFEC60  }
0x15f: {  	[tilespmem:s31], [sflag:$0x9] =	stream.linear.gather [spmem:s24], $0x13A0, $0x38;
	[tilespmem:$0x1D7E0] =	vst v63  }
0x160: {  	_ =	swait.ge [sflag:s26], $0x13A0  }
0x161: {  	[sflag:s26] =	ssyncset.done $0x0  }
0x162: {  	s9 =	simm.s32 $0x0;
	[sflag:s26] =	ssyncadd.s32 $0xFFFFEC60  }
0x163: {  	v1 =	vld [tilespmem:s9+$0x12720]  }
0x164: {  	v2 =	vld [tilespmem:s9+$0x12730]  }
0x165: {  	v3 =	vld [tilespmem:s9+$0x11390]  }
0x166: {  	s19 =	simm.s32 $0x109B0;
	v4 =	vld [tilespmem:s9+$0x11380]  }
0x167: {  	v5 =	vld [tilespmem:s19+$0x0];
	_ =	sdelay $0x2  }
0x168: {  	v2 =	vadd.f32 v2, v3  }
0x169: {  	v3 =	vadd.f32 v1, v4  }
0x16a: {  	s18 =	simm.s32 $0x20;
	v4 =	vmul.f32 v2, v5  }
0x16b: {  	v1 =	vld [tilespmem:s18+$0x12720];
	v5 =	vmul.f32 v3, v5  }
0x16c: {  	v2 =	vld [tilespmem:s18+$0x12730];
	[tilespmem:s9+$0x11390] =	vst v4  }
0x16d: {  	s25 =	simm.s32 $0x100;
	v3 =	vld [tilespmem:s18+$0x11390];
	[tilespmem:s9+$0x11380] =	vst v5  }
.LBB2_12:
0x16e: {  	p0 =	sne.s32 s25, $0x4E00;
	v4 =	vld [tilespmem:s18+$0x11380];
	s19 =	sadd.s32 $0x10, s19  }
0x16f: {  	v5 =	vld [tilespmem:s19+$0x0];
	_ =	sdelay $0x2  }
0x170: {  	v2 =	vadd.f32 v2, v3  }
.Ltmp5:
0x171: {  	v3 =	vadd.f32 v1, v4;
	(pc) =	sbr.rel @p0 .LBB2_12-.Ltmp5, $4  }
0x172: {  	s9 =	sshra.s32 s25, $0x2;
	v4 =	vmul.f32 v2, v5  }
0x173: {  	v1 =	vld [tilespmem:s9+$0x12720];
	v5 =	vmul.f32 v3, v5  }
0x174: {  	v2 =	vld [tilespmem:s9+$0x12730];
	[tilespmem:s18+$0x11390] =	vst v4  }
0x175: {  	s25 =	sadd.s32 $0x80, s25;
	v3 =	vld [tilespmem:s9+$0x11390];
	[tilespmem:s18+$0x11380] =	vst v5;
	s18 =	smov.u32 s9  }
0x176: {  	v4 =	vld [tilespmem:s18+$0x11380];
	s9 =	sadd.s32 $0x10, s19  }
0x177: {  	v5 =	vld [tilespmem:s9+$0x0];
	_ =	sdelay $0x2  }
0x178: {  	v2 =	vadd.f32 v2, v3  }
0x179: {  	v1 =	vadd.f32 v1, v4  }
0x17a: {  	v2 =	vmul.f32 v2, v5  }
0x17b: {  	v1 =	vmul.f32 v1, v5  }
0x17c: {  	[tilespmem:s18+$0x11390] =	vst v2  }
0x17d: {  	s19 =	rddreg [dreg:$0x13];
	[tilespmem:s18+$0x11380] =	vst v1  }
0x17e: {  	[hbm4b:s19+s4] =	stream.linear.scatter [tilespmem:s17], [sflag:$0x9], $0x13A0, $0x38;
	[tilespmem:$0x1D7E0] =	vst v63  }
0x17f: {  	_ =	swait.ge [sflag:s26], $0x13A0  }
0x180: {  	s28 =	sadd.s32 $0x1, s28;
	s25 =	rddreg [dreg:$0x14]  }
0x181: {  	p0 =	sne.s32 s28, s25  }
.Ltmp6:
0x182: {  	_ = 	snop;
	(pc) =	sbr.rel @p0 .LBB2_1-.Ltmp6, $3  }
0x183: {  	_ =	sdelay $0x1  }
0x184: {  	[sflag:s26] =	ssyncset.done $0x0  }
0x185: {  	[sflag:s26] =	ssyncadd.s32 $0xFFFFEC60  }
0x186: {  	_ =	sfence.sel $0x180000  }
0x187: {  	[bflag:$0x0] =	sbarrier.arrive $0xFFFF  }
0x188: {  	_ =	strace $0x9000004D  }
0x189: {  	s0 =	stileid.u32;
	[bflag:$0x2] =	sbarrier.arrive $0xFFFF  }
0x18a: {  	p0 =	sne.s32 s0, $0x0;
	s0 =	rddreg [dreg:$0x6]  }
0x18b: {  	s0 =	sadd.s32 @!p0 $0x100000, s0  }
0x18c: {  	[sflag:s0] =	ssyncadd.tile.s32 @!p0 $0x1;
	_ =	shalt  }
.Lfunc_end2:
_tile_overlayer_lowered:
.L_overlay_start_2:
0x18d: {  	(tag) =	ssettag $0x2  }
0x18e: {  	s0 =	rddreg [dreg:$0x0];
	s2 =	stileid.u32  }
0x18f: {  	s1 =	rddreg [dreg:$0x1];
	p0 =	sne.s32 s2, $0x0  }
0x190: {  	s3 =	rddreg [dreg:$0x2];
	[bflag:$0x3] =	sbarrier.arrive $0xFFFF;
	s2 =	simm.s32 @!p0 $0x1C09  }
0x191: {  	[timem:s3], [sflag:s2] =	dma.local @!p0 [hbm:s0], s1  }
0x192: {  	s0 =	simm.s32 @!p0 $0x9  }
0x193: {  	_ =	swait.ge @!p0 [sflag:s0], s1  }
0x194: {  	s1 =	ssub.s32 @!p0 $0x0, s1;
	[sflag:s0] =	ssyncset.done @!p0 $0x0  }
0x195: {  	[sflag:s0] =	ssyncadd.s32 @!p0 s1  }
0x196: {  	[bflag:$0x3] =	sbarrier.arrive $0xFFFF  }
0x197: {  	_ =	shalt  }

// kernel: kernel.7.cloned.1.call-start
scs
__scs_entry_jumppad:
0x0: {  	(pc) =	sbr.rel $0x88, $3  }
0x1: {  	(tag) =	ssettag $0x0;
	lr =	simm.s32 $0x1  }
0x2: {  	[smem:$0x3F99] =	sst lr;
	_ =	strace $0xD0000000  }
0x3: {  	_ = 	snop  }
0x4: {  	_ = 	snop  }
0x5: {  	_ = 	snop  }
0x6: {  	_ = 	snop  }
0x7: {  	_ = 	snop  }
__scs_overlays_trampoline_lowered:
0x8: {  	[smem:$0x3FA8] =	sst s0  }
0x9: {  	[smem:$0x3FA9] =	sst s1  }
0xa: {  	[smem:$0x3FAA] =	sst s2  }
0xb: {  	[smem:$0x3FAB] =	sst s3  }
0xc: {  	[smem:$0x3FAC] =	sst s4  }
0xd: {  	[smem:$0x3FAD] =	sst s5  }
0xe: {  	[smem:$0x3FAE] =	sst s6  }
0xf: {  	[smem:$0x3FAF] =	sst s7  }
0x10: {  	[smem:$0x3FB0] =	sst s8  }
0x11: {  	[smem:$0x3FB1] =	sst s9;
	s0 =	simm.s32 @!p0 $0x0  }
0x12: {  	s1 =	sld [smem:$0x3F97];
	s0 =	simm.s32 @p0 $0x1  }
0x13: {  	[smem:$0x3FB2] =	sst s0;
	s0 =	simm.s32 @!p1 $0x0  }
0x14: {  	s2 =	sld [smem:$0x3F96];
	s0 =	simm.s32 @p1 $0x1  }
0x15: {  	[smem:$0x3FB3] =	sst s0;
	s0 =	simm.s32 @!p2 $0x0  }
0x16: {  	s3 =	sld [smem:$0x3FDB];
	s0 =	simm.s32 @p2 $0x1  }
0x17: {  	s4 =	simm.s32 $0x1BF5;
	[smem:$0x3FB5] =	sst s0  }
0x18: {  	s0 =	sld [smem:$0x3F98];
	_ =	swait.ge [sflag:s4], $0x0  }
0x19: {  	s7 =	sld [smem:$0x3F99]  }
0x1a: {  	s8 =	sadd.s32 $0xFFFFE003, lr  }
0x1b: {  	s9 =	sadd.s32 $0xFFFFFEF7, lr;
	s5 =	simm.s32 $0xFFFFFFFF;
	p2 =	slt.u32 s8, $0xFFFFF086  }
0x1c: {  	p1 =	slt.u32 s9, $0xF7A;
	s5 =	simm.s32 @!p2 $0x0  }
0x1d: {  	s5 =	simm.s32 @p1 $0x1;
	p0 =	seq.s32 s7, s2  }
0x1e: {  	s7 =	smul.u32 @!p0 $0xF7A, s2;
	p2 =	seq.s32 @!p0 s5, $0x0  }
0x1f: {  	s9 =	smul.u32 $0xF7A, s1;
	s8 =	simm.s32 @!p0 $0x1BF5;
	p2 =	por !p2, p0  }
0x20: {  	[sflag:s8] =	ssyncset.s32 @!p0 $0xFFFFF086;
	s6 =	sadd.s32 @!p0 s3, s7;
	s7 =	simm.s32 @!p0 $0x108  }
0x21: {  	s3 =	sadd.s32 s3, s9;
	s6 =	sadd.s32 @!p0 $0x88, s6;
	s7 =	simm.s32 @p2 $0x1082  }
0x22: {  	[simem:s7], [sflag:s8] =	dma.local @!p0 [hbm:s6], $0xF7A  }
0x23: {  	s9 =	sor.u32 $0xD0000000, s2;
	s6 =	simm.s32 $0x108;
	_ =	swait.ge @!p0 [sflag:s8], $0x0  }
0x24: {  	s3 =	sadd.s32 $0x88, s3;
	s6 =	simm.s32 @!p1 $0x1082;
	[sflag:s4] =	ssyncset.s32 $0xFFFFF086  }
0x25: {  	[simem:s6], [sflag:s4] =	dma.local [hbm:s3], $0xF7A  }
0x26: {  	[smem:$0x3F99] =	sst s1;
	(tag) =	ssettag s2;
	_ =	strace s9  }
0x27: {  	s1 =	sld [smem:$0x3FA9]  }
0x28: {  	s2 =	sld [smem:$0x3FAA]  }
0x29: {  	s4 =	sld [smem:$0x3FAC]  }
0x2a: {  	p0 =	seq.s32 s5, $0x0;
	s5 =	sld [smem:$0x3FAD]  }
0x2b: {  	s6 =	sld [smem:$0x3FAE]  }
0x2c: {  	s7 =	sld [smem:$0x3FAF]  }
0x2d: {  	s3 =	simm.s32 $0x108;
	s8 =	sld [smem:$0x3FB0]  }
0x2e: {  	s3 =	simm.s32 @!p0 $0x1082;
	s9 =	sld [smem:$0x3FB1]  }
0x2f: {  	lr =	sadd.s32 s0, s3;
	s0 =	sld [smem:$0x3FA8]  }
0x30: {  	s3 =	sld [smem:$0x3FAB]  }
0x31: {  	[smem:$0x3FB4] =	sst s10  }
0x32: {  	s10 =	sld [smem:$0x3FB2];
	_ =	sdelay $0x3  }
0x33: {  	p0 =	seq.s32 s10, $0x1;
	s10 =	sld [smem:$0x3FB4];
	_ =	sdelay $0x3  }
0x34: {  	[smem:$0x3FB4] =	sst s10  }
0x35: {  	s10 =	sld [smem:$0x3FB3];
	_ =	sdelay $0x3  }
0x36: {  	p1 =	seq.s32 s10, $0x1;
	s10 =	sld [smem:$0x3FB4];
	_ =	sdelay $0x3  }
0x37: {  	[smem:$0x3FB4] =	sst s10  }
0x38: {  	s10 =	sld [smem:$0x3FB5]  }
0x39: {  	_ = 	snop;
	(pc) =	sbr.ind lr, $3  }
0x3a: {  	_ = 	snop  }
0x3b: {  	_ = 	snop  }
0x3c: {  	p2 =	seq.s32 s10, $0x1;
	s10 =	sld [smem:$0x3FB4]  }
0x3d: {  	_ =	shalt  }
0x3e: {  	_ =	shalt  }
0x3f: {  	_ =	shalt  }
0x40: {  	_ =	shalt  }
0x41: {  	_ =	shalt  }
0x42: {  	_ =	shalt  }
0x43: {  	_ =	shalt  }
0x44: {  	_ =	shalt  }
0x45: {  	_ =	shalt  }
0x46: {  	_ =	shalt  }
0x47: {  	_ =	shalt  }
0x48: {  	_ =	shalt  }
0x49: {  	_ =	shalt  }
0x4a: {  	_ =	shalt  }
0x4b: {  	_ =	shalt  }
0x4c: {  	_ =	shalt  }
0x4d: {  	_ =	shalt  }
0x4e: {  	_ =	shalt  }
0x4f: {  	_ =	shalt  }
0x50: {  	_ =	shalt  }
0x51: {  	_ =	shalt  }
0x52: {  	_ =	shalt  }
0x53: {  	_ =	shalt  }
0x54: {  	_ =	shalt  }
0x55: {  	_ =	shalt  }
0x56: {  	_ =	shalt  }
0x57: {  	_ =	shalt  }
0x58: {  	_ =	shalt  }
0x59: {  	_ =	shalt  }
0x5a: {  	_ =	shalt  }
0x5b: {  	_ =	shalt  }
0x5c: {  	_ =	shalt  }
0x5d: {  	_ =	shalt  }
0x5e: {  	_ =	shalt  }
0x5f: {  	_ =	shalt  }
0x60: {  	_ =	shalt  }
0x61: {  	_ =	shalt  }
0x62: {  	_ =	shalt  }
0x63: {  	_ =	shalt  }
0x64: {  	_ =	shalt  }
0x65: {  	_ =	shalt  }
0x66: {  	_ =	shalt  }
0x67: {  	_ =	shalt  }
0x68: {  	_ =	shalt  }
0x69: {  	_ =	shalt  }
0x6a: {  	_ =	shalt  }
0x6b: {  	_ =	shalt  }
0x6c: {  	_ =	shalt  }
0x6d: {  	_ =	shalt  }
0x6e: {  	_ =	shalt  }
0x6f: {  	_ =	shalt  }
0x70: {  	_ =	shalt  }
0x71: {  	_ =	shalt  }
0x72: {  	_ =	shalt  }
0x73: {  	_ =	shalt  }
0x74: {  	_ =	shalt  }
0x75: {  	_ =	shalt  }
0x76: {  	_ =	shalt  }
0x77: {  	_ =	shalt  }
0x78: {  	_ =	shalt  }
0x79: {  	_ =	shalt  }
0x7a: {  	_ =	shalt  }
0x7b: {  	_ =	shalt  }
0x7c: {  	_ =	shalt  }
0x7d: {  	_ =	shalt  }
0x7e: {  	_ =	shalt  }
0x7f: {  	_ =	shalt  }
0x80: {  	_ =	shalt  }
0x81: {  	_ =	shalt  }
0x82: {  	_ =	shalt  }
0x83: {  	_ =	shalt  }
0x84: {  	_ =	shalt  }
0x85: {  	_ =	shalt  }
0x86: {  	_ =	shalt  }
0x87: {  	_ =	shalt  }
.Lfunc_end0:
.L_simem_size_0:
called_computation_lowered:
.L_overlay_start_0:
0x88: {  	s2 =	sld [smem:$0x3FD9]  }
0x89: {  	s3 =	sld [smem:$0x3FFE];
	_ =	sdelay $0x1  }
0x8a: {  	s1 =	srdreg.scid  }
0x8b: {  	s0 =	sand.u32 $0x1, s1  }
0x8c: {  	s14 =	sshll.u32 s0, $0xA;
	s2 =	sadd.s32 s3, s2  }
0x8d: {  	s2 =	sadd.s32 s2, s14  }
0x8e: {  	[smem:$0x3FC0] =	sst s2  }
0x8f: {  	_ = 	snop  }
0x90: {  	s2 =	sld [smem:$0x3FD0];
	_ =	sdelay $0x2  }
0x91: {  	s15 =	simm.s32 $0xA;
	s4 =	simm.s32 $0x10  }
0x92: {  	[smem:s4], [sflag:s15] =	dma.local [hbm:s2], $0x1  }
0x93: {  	_ =	swait.eq [sflag:s15], $0x1  }
0x94: {  	[sflag:s15] =	ssyncset.done $0x0  }
0x95: {  	[sflag:s15] =	ssyncadd.s32 $0xFFFFFFFF  }
0x96: {  	s16 =	sld [smem:$0x10];
	(tm) =	ssettm $0x1  }
0x97: {  	s17 =	sld [smem:$0x3FFB];
	_ =	sdelay $0x3  }
0x98: {  	_ =	strace s17  }
0x99: {  	s3 =	sld [smem:$0x3FFC];
	_ =	sdelay $0x3  }
0x9a: {  	_ =	strace s3  }
0x9b: {  	s3 =	sld [smem:$0x3FFD];
	_ =	sdelay $0x3  }
0x9c: {  	_ =	strace s3  }
0x9d: {  	_ =	strace $0x8FFFFFFF  }
0x9e: {  	s18 =	sld [smem:$0x3FDB];
	_ =	sdelay $0x1  }
0x9f: {  	s19 =	simm.s32 $_scs_section_size  }
0xa0: {  	s5 =	simm.s32 $_size__tile_overlayer_lowered;
	s6 =	simm.s32 $_tile_overlayer_lowered  }
0xa1: {  	s22 =	simm.s32 $0x1BFF;
	s21 =	sshll.u32 s6, $0x1;
	s3 =	sadd.s32 s19, s18  }
0xa2: {  	s7 =	simm.s32 $0x0;
	s20 =	sshll.u32 s5, $0x1;
	s5 =	sadd.s32 s21, s3  }
0xa3: {  	[timem:s7], [sflag:s22] =	dma.local [hbm:s5], s20  }
0xa4: {  	_ =	swait.ge [sflag:s22], s20  }
0xa5: {  	s4 =	ssub.s32 $0x0, s20;
	[sflag:s22] =	ssyncset.done $0x0  }
0xa6: {  	[sflag:s22] =	ssyncadd.s32 s4;
	_ =	sdelay $0x1  }
0xa7: {  	s23 =	simm.s32 $0x1B8B  }
0xa8: {  	_ =	swait.ge [sflag:s23], $0x1  }
0xa9: {  	[sflag:s23] =	ssyncset.done $0x0  }
0xaa: {  	s25 =	simm.s32 $0x1B8E;
	s24 =	sld [smem:$0x3FFE];
	[sflag:s23] =	ssyncadd.s32 $0xFFFFFFFF  }
0xab: {  	s26 =	simm.s32 $execute0_lowered;
	[smem:$0x3FD2] =	sst s25  }
0xac: {  	s5 =	sshll.u32 s26, $0x1;
	_ =	strace $0x80000046;
	[dreg:$0x1] =	wrdreg $0xFFFFFFFF  }
0xad: {  	s28 =	simm.s32 $_size_execute0_lowered;
	s3 =	sadd.s32 s3, s5;
	[dreg:$0x0] =	wrdreg $0x0  }
0xae: {  	s5 =	sshll.u32 s28, $0x1;
	[dreg:$0x2] =	wrdreg s3  }
0xaf: {  	[dreg:$0x3] =	wrdreg s5  }
0xb0: {  	[dreg:$0x4] =	wrdreg $0xC0  }
0xb1: {  	_ =	task [dreg:s7], $0x5FFFF  }
0xb2: {  	[dreg:$0x1] =	wrdreg $0xFFFFFFFF  }
0xb3: {  	[dreg:$0x0] =	wrdreg $0x60  }
0xb4: {  	[dreg:$0x2] =	wrdreg s24  }
0xb5: {  	[dreg:$0x3] =	wrdreg s16  }
0xb6: {  	[dreg:$0x4] =	wrdreg $0x7F600  }
0xb7: {  	[dreg:$0x5] =	wrdreg $0x9  }
0xb8: {  	_ =	task.clear_ibuf [dreg:s7], $0x6FFFF;
	_ =	strace $0x90000046  }
0xb9: {  	s29 =	simm.s32 $0x9;
	_ =	strace $0x80000048  }
0xba: {  	_ =	swait.ge [sflag:s29], $0x1  }
0xbb: {  	[sflag:s29] =	ssyncadd.s32 $0xFFFFFFFF  }
0xbc: {  	_ =	strace $0x90000048  }
0xbd: {  	_ =	sfence  }
0xbe: {  	s30 =	sld [smem:$0x0];
	_ =	sdelay $0x2  }
0xbf: {  	s31 =	sshll.u32 s1, $0xD;
	s1 =	sshrl.u32 s1, $0x2  }
0xc0: {  	s3 =	sand.u32 $0x4000, s31;
	s1 =	sadd.s32 s1, s30  }
0xc1: {  	s0 =	sor.u32 s3, s0;
	s1 =	sshll.u32 s1, $0x11  }
0xc2: {  	s0 =	sor.u32 s1, s0  }
0xc3: {  	s0 =	sadd.s32 $0x8F2B, s0  }
0xc4: {  	[sflag:s0] =	ssyncadd.remote.s32 $0x1  }
0xc5: {  	_ =	sfence.sel $0xFFFF  }
0xc6: {  	[dreg:$0x0] =	wrdreg $0xFFFFFFFF;
	(pc) =	sbr.abs _section_cstart, $3  }
0xc7: {  	[dreg:$0x1] =	wrdreg $0xFFFFFFFF  }
0xc8: {  	_ =	task.clear_ibuf [dreg:s7], $0x2FFFF;
	_ =	strace $0x9FFFFFFF  }
0xc9: {  	(tm) =	ssettm $0x7FFFFFFF  }
tec
execute0_lowered:
.L_overlay_start_1:
0x0: {  	(tag) =	ssettag $0x1  }
0x1: {  	s5 =	rddreg [dreg:$0x0]  }
0x2: {  	s1 =	rddreg [dreg:$0x1]  }
0x3: {  	s3 =	rddreg [dreg:$0x2]  }
0x4: {  	s0 =	rddreg [dreg:$0x3];
	s4 =	simm.s32 $0x0;
	s2 =	stileid.u32  }
0x5: {  	s6 =	srdreg.scid;
	s11 =	simm.s32 $0x5820;
	s7 =	smul.u32 $0x4E20, s2  }
0x6: {  	s12 =	simm.s32 $0xA0;
	[smem:$0x7FF] =	sst s4;
	s8 =	smul.u32 $0x4E8, s2  }
0x7: {  	s13 =	sand.u32 $0x1, s6;
	s9 =	smul.u32 $0x9D00, s2;
	_ =	strace $0x80000047  }
0x8: {  	s6 =	ssub.s32 $0x2, s13;
	p0 =	sne.s32 s13, $0x0;
	s13 =	simm.s32 $0x0  }
0x9: {  	s7 =	sshrl.u32 s7, $0x3;
	s8 =	sadd.s32 s8, s5;
	s10 =	sshrl.u32 s6, $0x1  }
0xa: {  	s31 =	sshrl.u32 s9, $0x2;
	s9 =	simm.s32 $0x1;
	s5 =	sadd.s32 s5, s7  }
0xb: {  	s10 =	ssub.s32 s6, s10;
	s6 =	sadd.s32 s31, s3;
	s7 =	sadd.s32 $0x15800, s8  }
0xc: {  	v0 =	vimm.f32 $0.0e+00;
	s5 =	sadd.s32 $0xBA40, s5;
	s8 =	smax.u32 s10, $0x1;
	s10 =	simm.s32 $0x4E20  }
.LBB2_1:
0xd: {  	[tilespmem:s4], [sflag:$0x1] =	stream.linear.gather [hbm4b:s5+s4], $0x4E20, $0x38;
	[tilespmem:$0xA6A0] =	vst v63  }
0xe: {  	_ =	swait.ge [sflag:s9], $0x4E20  }
0xf: {  	[sflag:s9] =	ssyncset.done $0x0  }
0x10: {  	[sflag:s9] =	ssyncadd.s32 $0xFFFFB1E0  }
0x11: {  	[tilespmem:s10], [sflag:$0x1] =	stream.linear.gather [hbm4b:s1+s4], $0xA00, $0x38;
	[tilespmem:$0xA6A0] =	vst v63  }
0x12: {  	_ =	swait.ge [sflag:s9], $0xA00  }
0x13: {  	[sflag:s9] =	ssyncset.done $0x0  }
0x14: {  	s14 =	simm.s32 $0x40;
	s15 =	simm.s32 $0x0;
	[sflag:s9] =	ssyncadd.s32 $0xFFFFF600  }
.LBB2_2:
0x15: {  	p1 =	sne.s32 s14, $0x9CC0;
	[tilespmem:s15+$0x5820] =	vst v0;
	s15 =	smov.u32 s14;
	s14 =	sadd.s32 $0x40, s14  }
.Ltmp0:
0x16: {  	(pc) =	sbr.rel @p1 .LBB2_2-.Ltmp0, $2  }
0x17: {  	_ =	sdelay $0x2  }
0x18: {  	s15 =	sshra.s32 s15, $0x2  }
0x19: {  	[tilespmem:s15+$0x5820] =	vst v0  }
0x1a: {  	[spmem:s6] =	stream.linear.scatter [tilespmem:s11], [sflag:$0x1], $0x2740, $0x38;
	[tilespmem:$0xA6A0] =	vst v63  }
0x1b: {  	_ =	swait.ge [sflag:s9], $0x2740  }
0x1c: {  	[sflag:s9] =	ssyncset.done $0x0  }
0x1d: {  	[sflag:s9] =	ssyncadd.s32 $0xFFFFD8C0  }
0x1e: {  	s14 =	simm.s32 $0x0;
	[bflag:$0x0] =	sbarrier.arrive $0xFFFF  }
0x1f: {  	[spmem:s3] =	stream.indirect.scatter.add.f32 [tilespmem:s10], [sflag:$0x1], $0x10, s14, s12, $0xb8;
	[tilespmem:$0xA6A0] =	vst v63  }
0x20: {  	_ =	swait.ge [sflag:s9], $0xA00  }
0x21: {  	s14 =	simm.s32 $0x280;
	[sflag:s9] =	ssyncset.done $0x0  }
.LBB2_4:
0x22: {  	s15 =	sshra.s32 s14, $0x2;
	[sflag:s9] =	ssyncadd.s32 $0xFFFFF600;
	p1 =	sne.s32 s14, $0x13600  }
0x23: {  	[spmem:s3] =	stream.indirect.scatter.add.f32 [tilespmem:s10], [sflag:$0x1], $0x10, s15, s12, $0xb8;
	[tilespmem:$0xA6A0] =	vst v63  }
.Ltmp1:
0x24: {  	_ = 	snop;
	(pc) =	sbr.rel @p1 .LBB2_4-.Ltmp1, $4  }
0x25: {  	_ = 	snop  }
0x26: {  	s14 =	sadd.s32 $0x280, s14  }
0x27: {  	_ =	swait.ge [sflag:s9], $0xA00  }
0x28: {  	[sflag:s9] =	ssyncset.done $0x0  }
0x29: {  	[sflag:s9] =	ssyncadd.s32 $0xFFFFF600  }
0x2a: {  	[bflag:$0x0] =	sbarrier.arrive $0xFFFF  }
0x2b: {  	[tilespmem:s11], [sflag:$0x1] =	stream.linear.gather [spmem:s6], $0x2740, $0x38;
	[tilespmem:$0xA6A0] =	vst v63  }
0x2c: {  	_ =	swait.ge [sflag:s9], $0x2740  }
0x2d: {  	[sflag:s9] =	ssyncset.done $0x0  }
0x2e: {  	s14 =	simm.s32 $0x0;
	s15 =	simm.s32 $0x40;
	[sflag:s9] =	ssyncadd.s32 $0xFFFFD8C0  }
.LBB2_6:
0x2f: {  	p1 =	sne.s32 s15, $0x9CC0;
	v1 =	vld [tilespmem:s14+$0x5820];
	_ =	sdelay $0x4  }
0x30: {  	v1 =	vadd.f32 $1.000000000e+00, v1;
	_ =	sdelay $0x1  }
0x31: {  	v2 =	vshra.s32 v1, $0x1;
	v1 =	vmul.f32 $5.000000000e-01, v1  }
0x32: {  	v2 =	vsub.s32 $0x5F3759DF, v2  }
0x33: {  	v3 =	vmul.f32 v2, v1;
	_ =	sdelay $0x1  }
0x34: {  	v3 =	vmul.f32 v2, v3;
	_ =	sdelay $0x1  }
0x35: {  	v3 =	vsub.f32 $1.500000000e+00, v3;
	_ =	sdelay $0x1  }
0x36: {  	v2 =	vmul.f32 v2, v3;
	_ =	sdelay $0x1  }
0x37: {  	v1 =	vmul.f32 v2, v1;
	_ =	sdelay $0x1  }
0x38: {  	v1 =	vmul.f32 v1, v2;
	_ =	sdelay $0x1  }
.Ltmp2:
0x39: {  	v1 =	vsub.f32 $1.500000000e+00, v1;
	(pc) =	sbr.rel @p1 .LBB2_6-.Ltmp2, $3  }
0x3a: {  	_ = 	snop  }
0x3b: {  	v1 =	vmul.f32 v1, v2;
	_ =	sdelay $0x1  }
0x3c: {  	[tilespmem:s14+$0x5820] =	vst v1;
	s14 =	sshra.s32 s15, $0x2;
	s15 =	sadd.s32 $0x40, s15  }
0x3d: {  	v1 =	vld [tilespmem:s14+$0x5820];
	_ =	sdelay $0x4  }
0x3e: {  	v1 =	vadd.f32 $1.000000000e+00, v1;
	_ =	sdelay $0x1  }
0x3f: {  	v2 =	vshra.s32 v1, $0x1;
	v1 =	vmul.f32 $5.000000000e-01, v1  }
0x40: {  	v2 =	vsub.s32 $0x5F3759DF, v2  }
0x41: {  	v3 =	vmul.f32 v2, v1;
	_ =	sdelay $0x1  }
0x42: {  	v3 =	vmul.f32 v2, v3;
	_ =	sdelay $0x1  }
0x43: {  	v3 =	vsub.f32 $1.500000000e+00, v3;
	_ =	sdelay $0x1  }
0x44: {  	v2 =	vmul.f32 v2, v3;
	_ =	sdelay $0x1  }
0x45: {  	v1 =	vmul.f32 v2, v1;
	_ =	sdelay $0x1  }
0x46: {  	v1 =	vmul.f32 v1, v2;
	_ =	sdelay $0x1  }
0x47: {  	v1 =	vsub.f32 $1.500000000e+00, v1;
	_ =	sdelay $0x1  }
0x48: {  	v1 =	vmul.f32 v1, v2  }
0x49: {  	s13 =	sadd.s32 $0x1, s13  }
0x4a: {  	s15 =	simm.s32 @!p0 $0x5820;
	p1 =	sne.s32 s13, s8;
	[tilespmem:s14+$0x5820] =	vst v1;
	s14 =	simm.s32 @!p0 $0x0  }
0x4b: {  	[hbm4b:s7+s14] =	stream.linear.scatter @!p0 [tilespmem:s15], [sflag:$0x1], $0x2740, $0x38;
	[tilespmem:$0xA6A0] =	vst v63  }
.Ltmp3:
0x4c: {  	_ = 	snop;
	(pc) =	sbr.rel @p1 .LBB2_1-.Ltmp3, $4  }
0x4d: {  	s14 =	simm.s32 @!p0 $0x1  }
0x4e: {  	_ =	swait.ge @!p0 [sflag:s14], $0x2740  }
0x4f: {  	[sflag:s14] =	ssyncset.done @!p0 $0x0  }
0x50: {  	[sflag:s14] =	ssyncadd.s32 @!p0 $0xFFFFD8C0  }
0x51: {  	_ =	sfence.sel $0x180000  }
0x52: {  	[bflag:$0x0] =	sbarrier.arrive $0xFFFF  }
0x53: {  	p0 =	sne.s32 s2, $0x0;
	_ =	strace $0x90000047  }
0x54: {  	s0 =	sadd.s32 @!p0 $0x100000, s0;
	[bflag:$0x2] =	sbarrier.arrive $0xFFFF  }
0x55: {  	[sflag:s0] =	ssyncadd.tile.s32 @!p0 $0x1;
	_ =	shalt  }
.Lfunc_end2:
_tile_overlayer_lowered:
.L_overlay_start_2:
0x56: {  	(tag) =	ssettag $0x2  }
0x57: {  	s0 =	rddreg [dreg:$0x0];
	s2 =	stileid.u32  }
0x58: {  	s1 =	rddreg [dreg:$0x1];
	p0 =	sne.s32 s2, $0x0  }
0x59: {  	s3 =	rddreg [dreg:$0x2];
	[bflag:$0x3] =	sbarrier.arrive $0xFFFF;
	s2 =	simm.s32 @!p0 $0x1C01  }
0x5a: {  	[timem:s3], [sflag:s2] =	dma.local @!p0 [hbm:s0], s1  }
0x5b: {  	s0 =	simm.s32 @!p0 $0x1  }
0x5c: {  	_ =	swait.ge @!p0 [sflag:s0], s1  }
0x5d: {  	s1 =	ssub.s32 @!p0 $0x0, s1;
	[sflag:s0] =	ssyncset.done @!p0 $0x0  }
0x5e: {  	[sflag:s0] =	ssyncadd.s32 @!p0 s1  }
0x5f: {  	[bflag:$0x3] =	sbarrier.arrive $0xFFFF  }
0x60: {  	_ =	shalt  }

</sc_bundles>
